<compile_context>
chip_gen: v7x
topology: tpu7x:2x2x1
jax: 0.10.2.dev20260603
libtpu: 0.0.44.dev20260713+nightly
codegen_flags: <defaults>
</compile_context>

<pallas_src>
import functools

import jax
import jax.numpy as jnp
from jax import lax
from jax.experimental import pallas as pl
from jax.experimental.pallas import tpu as pltpu
from jax.experimental.pallas import tpu_sc as plsc

N = 10000
E = 160000
D_IN = 128
D_E = 16
D = 32
D_EH = 128
STEPS = 6

NC = 2
NS = 16
NW = NC * NS
CHUNK = 128
CPW = 40
EPW = CHUNK * CPW
E_PAD = NW * EPW
STRIPE = 632
N_ACC = NS * STRIPE


GW = 128


@functools.lru_cache(maxsize=None)
def _build_sc_gather():
    mesh = plsc.VectorSubcoreMesh(core_axis_name="c", subcore_axis_name="s")

    @functools.partial(
        pl.kernel, mesh=mesh,
        out_type=jax.ShapeDtypeStruct((E_PAD, GW), jnp.float32),
        scratch_types=[
            pltpu.VMEM((CHUNK,), jnp.int32),
            pltpu.VMEM((CHUNK, GW), jnp.float32),
            pltpu.SemaphoreType.DMA,
        ],
    )
    def k(h_hbm, idx_hbm, out_hbm, idx_v, rows_v, sem):
        wid = lax.axis_index("s") * NC + lax.axis_index("c")
        base = wid * CPW

        def body(j, carry):
            r = base + j
            pltpu.sync_copy(idx_hbm.at[r], idx_v)
            pltpu.async_copy(h_hbm.at[idx_v], rows_v, sem).wait()
            pltpu.sync_copy(rows_v, out_hbm.at[pl.ds(r * CHUNK, CHUNK)])
            return carry

        lax.fori_loop(0, CPW, body, 0)

    return k


def _sc_gather(h, idx2d):
    return _build_sc_gather()(h, idx2d)



@functools.lru_cache(maxsize=None)
def _build_sc_scatter():
    mesh = plsc.VectorSubcoreMesh(core_axis_name="c", subcore_axis_name="s")

    @functools.partial(
        pl.kernel, mesh=mesh,
        out_type=jax.ShapeDtypeStruct((NC, N_ACC, GW), jnp.float32),
        scratch_types=[
            pltpu.VMEM((CHUNK,), jnp.int32),
            pltpu.VMEM((CHUNK, GW), jnp.float32),
            pltpu.VMEM_SHARED((N_ACC, GW), jnp.float32),
            pltpu.SemaphoreType.DMA,
        ],
    )
    def k(msg_hbm, dst_hbm, z_hbm, out_hbm, dst_v, rows_v, acc_sh, sem):
        c = lax.axis_index("c")
        s = lax.axis_index("s")
        wid = s * NC + c
        pltpu.sync_copy(z_hbm, acc_sh.at[pl.ds(s * STRIPE, STRIPE)])
        plsc.subcore_barrier()
        base = wid * CPW

        def body(j, carry):
            r = base + j
            pltpu.sync_copy(dst_hbm.at[r], dst_v)
            pltpu.sync_copy(msg_hbm.at[pl.ds(r * CHUNK, CHUNK)], rows_v)
            pltpu.sync_copy(rows_v, acc_sh.at[dst_v], add=True)
            return carry

        lax.fori_loop(0, CPW, body, 0)
        plsc.subcore_barrier()
        pltpu.sync_copy(acc_sh.at[pl.ds(s * STRIPE, STRIPE)],
                        out_hbm.at[c, pl.ds(s * STRIPE, STRIPE)])

    return k


def _sc_scatter(msg, dst2d, zstripe):
    return _build_sc_scatter()(msg, dst2d, zstripe)



def _lin0_body(x_ref, w_ref, b_ref, o_ref):
    o_ref[:, :D] = jnp.maximum(
        jnp.dot(x_ref[...], w_ref[...], preferred_element_type=jnp.float32)
        + b_ref[...], 0.0)
    o_ref[:, D:] = jnp.zeros((o_ref.shape[0], GW - D), jnp.float32)


def _lin0(n_feat, w, b):
    BN = 2000
    return pl.pallas_call(
        _lin0_body,
        grid=(N // BN,),
        in_specs=[
            pl.BlockSpec((BN, D_IN), lambda i: (i, 0)),
            pl.BlockSpec((D_IN, D), lambda i: (0, 0)),
            pl.BlockSpec((1, D), lambda i: (0, 0)),
        ],
        out_specs=pl.BlockSpec((BN, GW), lambda i: (i, 0)),
        out_shape=jax.ShapeDtypeStruct((N, GW), jnp.float32),
    )(n_feat, w, b)



def _edgenet_body(e_ref, w1_ref, b1_ref, w2_ref, b2_ref, o_ref):
    g = jnp.maximum(
        jnp.dot(e_ref[...], w1_ref[...], preferred_element_type=jnp.float32)
        + b1_ref[...], 0.0)
    o_ref[...] = (
        jnp.dot(g, w2_ref[...], preferred_element_type=jnp.float32)
        + b2_ref[...])


def _edgenet(e_feat_p, w1, b1, w2, b2):
    BE = 1024
    return pl.pallas_call(
        _edgenet_body,
        grid=(E_PAD // BE,),
        in_specs=[
            pl.BlockSpec((BE, D_E), lambda i: (i, 0)),
            pl.BlockSpec((D_E, D_EH), lambda i: (0, 0)),
            pl.BlockSpec((1, D_EH), lambda i: (0, 0)),
            pl.BlockSpec((D_EH, D * D), lambda i: (0, 0)),
            pl.BlockSpec((1, D * D), lambda i: (0, 0)),
        ],
        out_specs=pl.BlockSpec((BE, D * D), lambda i: (i, 0)),
        out_shape=jax.ShapeDtypeStruct((E_PAD, D * D), jnp.float32),
    )(e_feat_p, w1, b1, w2, b2)



_MSG_BE = 512


def _msg_body(hs_ref, we_ref, o_ref):
    hs = hs_ref[:, :D]
    acc = hs[:, 0:1] * we_ref[:, 0:D]
    for dd in range(1, D):
        acc = acc + hs[:, dd:dd + 1] * we_ref[:, dd * D:(dd + 1) * D]
    o_ref[:, :D] = acc
    o_ref[:, D:] = jnp.zeros((_MSG_BE, GW - D), jnp.float32)


def _msg(h_src, we):
    BE = _MSG_BE
    return pl.pallas_call(
        _msg_body,
        grid=(E_PAD // BE,),
        in_specs=[
            pl.BlockSpec((BE, GW), lambda i: (i, 0)),
            pl.BlockSpec((BE, D * D), lambda i: (i, 0)),
        ],
        out_specs=pl.BlockSpec((BE, GW), lambda i: (i, 0)),
        out_shape=jax.ShapeDtypeStruct((E_PAD, GW), jnp.float32),
    )(h_src, we)



def _gru_body(p_ref, h_ref, wih_ref, whh_ref, bih_ref, bhh_ref, cb_ref, o_ref):
    h = h_ref[:, :D]
    agg = p_ref[0][:, :D] + p_ref[1][:, :D] + cb_ref[...]
    m = jnp.maximum(agg, 0.0)
    gi = jnp.dot(m, wih_ref[...], preferred_element_type=jnp.float32) + bih_ref[...]
    gh = jnp.dot(h, whh_ref[...], preferred_element_type=jnp.float32) + bhh_ref[...]
    r = jax.nn.sigmoid(gi[:, 0:D] + gh[:, 0:D])
    z = jax.nn.sigmoid(gi[:, D:2 * D] + gh[:, D:2 * D])
    n = jnp.tanh(gi[:, 2 * D:3 * D] + r * gh[:, 2 * D:3 * D])
    o_ref[:, :D] = (1.0 - z) * n + z * h
    o_ref[:, D:] = jnp.zeros((o_ref.shape[0], GW - D), jnp.float32)


def _gru(partials, h, wih_t, whh_t, bih, bhh, cb):
    BN = 2000
    return pl.pallas_call(
        _gru_body,
        grid=(N // BN,),
        in_specs=[
            pl.BlockSpec((NC, BN, GW), lambda i: (0, i, 0)),
            pl.BlockSpec((BN, GW), lambda i: (i, 0)),
            pl.BlockSpec((D, 3 * D), lambda i: (0, 0)),
            pl.BlockSpec((D, 3 * D), lambda i: (0, 0)),
            pl.BlockSpec((1, 3 * D), lambda i: (0, 0)),
            pl.BlockSpec((1, 3 * D), lambda i: (0, 0)),
            pl.BlockSpec((1, D), lambda i: (0, 0)),
        ],
        out_specs=pl.BlockSpec((BN, GW), lambda i: (i, 0)),
        out_shape=jax.ShapeDtypeStruct((N, GW), jnp.float32),
    )(partials, h, wih_t, whh_t, bih, bhh, cb)



def kernel(n_feat, edge_index, e_feat, lin0_W, lin0_b, en_W1, en_b1, en_W2,
           en_b2, conv_bias, gru_Wih, gru_Whh, gru_bih, gru_bhh):
    pad = E_PAD - E
    src2d = jnp.concatenate(
        [edge_index[0], jnp.zeros((pad,), jnp.int32)]).reshape(NW * CPW, CHUNK)
    dst2d = jnp.concatenate(
        [edge_index[1], jnp.full((pad,), N, jnp.int32)]).reshape(NW * CPW, CHUNK)
    e_feat_p = jnp.concatenate(
        [e_feat, jnp.zeros((pad, D_E), jnp.float32)], axis=0)
    zstripe = jnp.zeros((STRIPE, GW), jnp.float32)

    h = _lin0(n_feat, lin0_W, lin0_b.reshape(1, D))
    we = _edgenet(e_feat_p, en_W1, en_b1.reshape(1, D_EH), en_W2,
                  en_b2.reshape(1, D * D))

    wih_t = gru_Wih.T
    whh_t = gru_Whh.T
    bih = gru_bih.reshape(1, 3 * D)
    bhh = gru_bhh.reshape(1, 3 * D)
    cb = conv_bias.reshape(1, D)

    for _ in range(STEPS):
        h_src = _sc_gather(h, src2d)
        msg = _msg(h_src, we)
        partials = _sc_scatter(msg, dst2d, zstripe)
        h = _gru(partials, h, wih_t, whh_t, bih, bhh, cb)
    return h[:, :D]

# --- scband reference (transcript-rebuilt; emitter-appended) ---
"""Pipeline reference for scband-unsupervised-mpnn-309237645658 (READ-ONLY COPY).

The authoritative reference and input builder live on the scoring server;
editing this copy changes nothing except your own understanding.
"""

import jax, jax.numpy as jnp
import numpy as np

N = 10000
E = 160000
D_IN = 128
D_E = 16
D = 32
D_EH = 128
STEPS = 6


def setup_inputs(seed: int = 0) -> dict:
    key = jax.random.key(seed)
    ks = jax.random.split(key, 14)
    inp = {}
    inp["n_feat"] = jax.random.normal(ks[0], (N, D_IN), dtype=jnp.float32)
    inp["edge_index"] = jax.random.randint(ks[1], (2, E), 0, N, dtype=jnp.int32)
    inp["e_feat"] = jax.random.normal(ks[2], (E, D_E), dtype=jnp.float32)
    # Learned parameters
    inp["lin0_W"] = jax.random.normal(ks[3], (D_IN, D), dtype=jnp.float32) / np.sqrt(D_IN)
    inp["lin0_b"] = jnp.zeros((D,), dtype=jnp.float32)
    inp["en_W1"] = jax.random.normal(ks[4], (D_E, D_EH), dtype=jnp.float32) / np.sqrt(D_E)
    inp["en_b1"] = jnp.zeros((D_EH,), dtype=jnp.float32)
    inp["en_W2"] = jax.random.normal(ks[5], (D_EH, D * D), dtype=jnp.float32) / np.sqrt(D_EH)
    inp["en_b2"] = jnp.zeros((D * D,), dtype=jnp.float32)
    inp["conv_bias"] = jnp.zeros((D,), dtype=jnp.float32)
    inp["gru_Wih"] = jax.random.normal(ks[6], (3 * D, D), dtype=jnp.float32) / np.sqrt(D)
    inp["gru_Whh"] = jax.random.normal(ks[7], (3 * D, D), dtype=jnp.float32) / np.sqrt(D)
    inp["gru_bih"] = jnp.zeros((3 * D,), dtype=jnp.float32)
    inp["gru_bhh"] = jnp.zeros((3 * D,), dtype=jnp.float32)
    return inp


def _gru_cell(x, h, Wih, Whh, bih, bhh):
    gi = x @ Wih.T + bih
    gh = h @ Whh.T + bhh
    i_r, i_z, i_n = jnp.split(gi, 3, axis=-1)
    h_r, h_z, h_n = jnp.split(gh, 3, axis=-1)
    r = jax.nn.sigmoid(i_r + h_r)
    z = jax.nn.sigmoid(i_z + h_z)
    n = jnp.tanh(i_n + r * h_n)
    return (1.0 - z) * n + z * h


def reference(n_feat, edge_index, e_feat, lin0_W, lin0_b, en_W1, en_b1, en_W2, en_b2,
              conv_bias, gru_Wih, gru_Whh, gru_bih, gru_bhh):
    # lin0 + relu
    h = jax.nn.relu(n_feat @ lin0_W + lin0_b)  # [N, D]
    hidden = h  # GRU hidden state initialized with embedded node features
    # edge network: Linear -> ReLU -> Linear, producing per-edge weight matrices
    we = jax.nn.relu(e_feat @ en_W1 + en_b1) @ en_W2 + en_b2  # [E, D*D]
    we = we.reshape(E, D, D)
    src = edge_index[0]
    dst = edge_index[1]
    for _ in range(STEPS):
        h_src = jnp.take(h, src, axis=0)  # gather, [E, D]
        msg = jnp.einsum("ed,edo->eo", h_src, we)  # per-edge matvec, [E, D]
        agg = jax.ops.segment_sum(msg, dst, num_segments=N) + conv_bias  # scatter-add
        m = jax.nn.relu(agg)
        out = _gru_cell(m, hidden, gru_Wih, gru_Whh, gru_bih, gru_bhh)
        hidden = out
        h = out
    return h

if __name__ == "__main__":
    import jax
    _d = setup_inputs()
    print(jax.jit(kernel)(*tuple(_d.values())))

</pallas_src>

<mosaic_0001>
#map = affine_map<(d0, d1) -> (0, 0)>
#map1 = affine_map<(d0, d1) -> (0, 0, 0)>
module attributes {stable_mosaic.version = 14 : i64} {
  func.func @k(%arg0: i32, %arg1: i32, %arg2: memref<163840x128xf32, #tpu.memory_space<hbm>>, %arg3: memref<1280x128xi32, #tpu.memory_space<hbm>>, %arg4: memref<632x128xf32, #tpu.memory_space<hbm>>, %arg5: memref<2x10112x128xf32, #tpu.memory_space<hbm>>, %arg6: memref<128xi32, #tpu.memory_space<vmem>>, %arg7: memref<128x128xf32, #tpu.memory_space<vmem>>, %arg8: memref<10112x128xf32, #tpu.memory_space<vmem_shared>>, %arg9: memref<!tpu.dma_semaphore, #tpu.memory_space<semaphore_mem>>) attributes {dimension_semantics = [#tpu.dimension_semantics<core_parallel>, #tpu.dimension_semantics<subcore_parallel>], iteration_bounds = array<i64: 2, 16>, scalar_prefetch = 0 : i64, scratch_operands = 4 : i64, tpu.core_type = #tpu.core_type<sc_vector_subcore>, window_params = [{transform_indices = #map}, {transform_indices = #map}, {transform_indices = #map}, {transform_indices = #map1}]} {
    %mul3A = arith.constant 2 : i32
    %mul3A_0 = arith.muli %arg1, %mul3A : i32
    %add3A = arith.addi %mul3A_0, %arg0 : i32
    %mul3A_1 = arith.constant 632 : i32
    %mul3A_2 = arith.muli %arg1, %mul3A_1 : i32
    "tpu.region"() ({
      %run_scoped3A = tpu.sem_alloc : memref<!tpu.dma_semaphore, #tpu.memory_space<semaphore_mem>>
      %dma_start3A = arith.constant 0 : i32
      %dma_start3A_15 = tpu.memref_slice %arg8[%mul3A_2, %dma_start3A] : memref<10112x128xf32, #tpu.memory_space<vmem_shared>> -> memref<632x128xf32, #tpu.memory_space<vmem_shared>>
      tpu.enqueue_dma source(%arg4 : memref<632x128xf32, #tpu.memory_space<hbm>>) target(%dma_start3A_15 : memref<632x128xf32, #tpu.memory_space<vmem_shared>>) target_semaphore(%run_scoped3A : memref<!tpu.dma_semaphore, #tpu.memory_space<semaphore_mem>>)
      %dma_wait3A = arith.constant 0 : i32
      %dma_wait3A_16 = tpu.memref_slice %arg8[%mul3A_2, %dma_wait3A] : memref<10112x128xf32, #tpu.memory_space<vmem_shared>> -> memref<632x128xf32, #tpu.memory_space<vmem_shared>>
      tpu.wait_dma2 semaphore(%run_scoped3A : memref<!tpu.dma_semaphore, #tpu.memory_space<semaphore_mem>>) src(%arg4 : memref<632x128xf32, #tpu.memory_space<hbm>>) dst(%dma_wait3A_16 : memref<632x128xf32, #tpu.memory_space<vmem_shared>>)
      tpu.yield
    }) : () -> ()
    %barrier3A = arith.constant 0 : index
    tpu.barrier barrier_id(%barrier3A)
    %mul3A_3 = arith.constant 40 : i32
    %mul3A_4 = arith.muli %add3A, %mul3A_3 : i32
    %scan3A = arith.constant 0 : i32
    %scan3A_5 = arith.constant 0 : i32
    %scan3A_6 = arith.constant 40 : i32
    %scan3A_7 = arith.addi %scan3A_5, %scan3A_6 : i32
    %scan3A_8 = arith.constant 1 : i32
    scf.for %scan3A_15 = %scan3A_5 to %scan3A_7 step %scan3A_8  : i32 {
      %add3A_16 = arith.addi %mul3A_4, %scan3A_15 : i32
      "tpu.region"() ({
        %run_scoped3A = tpu.sem_alloc : memref<!tpu.dma_semaphore, #tpu.memory_space<semaphore_mem>>
        %dma_start3A = arith.constant 0 : i32
        %dma_start3A_19 = tpu.memref_slice %arg3[%add3A_16, %dma_start3A] : memref<1280x128xi32, #tpu.memory_space<hbm>> -> memref<1x128xi32, #tpu.memory_space<hbm>>
        %dma_start3A_20 = tpu.memref_squeeze %dma_start3A_19 : memref<1x128xi32, #tpu.memory_space<hbm>> -> memref<128xi32, #tpu.memory_space<hbm>>
        %dma_start3A_21 = arith.constant 0 : i32
        %dma_start3A_22 = tpu.memref_slice %arg3[%add3A_16, %dma_start3A_21] : memref<1280x128xi32, #tpu.memory_space<hbm>> -> memref<1x128xi32, #tpu.memory_space<hbm>>
        %dma_start3A_23 = tpu.memref_squeeze %dma_start3A_22 : memref<1x128xi32, #tpu.memory_space<hbm>> -> memref<128xi32, #tpu.memory_space<hbm>>
        tpu.enqueue_dma source(%dma_start3A_23 : memref<128xi32, #tpu.memory_space<hbm>>) target(%arg6 : memref<128xi32, #tpu.memory_space<vmem>>) target_semaphore(%run_scoped3A : memref<!tpu.dma_semaphore, #tpu.memory_space<semaphore_mem>>)
        %dma_wait3A = arith.constant 0 : i32
        %dma_wait3A_24 = tpu.memref_slice %arg3[%add3A_16, %dma_wait3A] : memref<1280x128xi32, #tpu.memory_space<hbm>> -> memref<1x128xi32, #tpu.memory_space<hbm>>
        %dma_wait3A_25 = tpu.memref_squeeze %dma_wait3A_24 : memref<1x128xi32, #tpu.memory_space<hbm>> -> memref<128xi32, #tpu.memory_space<hbm>>
        %dma_wait3A_26 = arith.constant 0 : i32
        %dma_wait3A_27 = tpu.memref_slice %arg3[%add3A_16, %dma_wait3A_26] : memref<1280x128xi32, #tpu.memory_space<hbm>> -> memref<1x128xi32, #tpu.memory_space<hbm>>
        %dma_wait3A_28 = tpu.memref_squeeze %dma_wait3A_27 : memref<1x128xi32, #tpu.memory_space<hbm>> -> memref<128xi32, #tpu.memory_space<hbm>>
        tpu.wait_dma2 semaphore(%run_scoped3A : memref<!tpu.dma_semaphore, #tpu.memory_space<semaphore_mem>>) src(%dma_wait3A_28 : memref<128xi32, #tpu.memory_space<hbm>>) dst(%arg6 : memref<128xi32, #tpu.memory_space<vmem>>)
        tpu.yield
      }) : () -> ()
      %mul3A_17 = arith.constant 128 : i32
      %mul3A_18 = arith.muli %add3A_16, %mul3A_17 : i32
      "tpu.region"() ({
        %run_scoped3A = tpu.sem_alloc : memref<!tpu.dma_semaphore, #tpu.memory_space<semaphore_mem>>
        %dma_start3A = arith.constant 0 : i32
        %dma_start3A_19 = tpu.memref_slice %arg2[%mul3A_18, %dma_start3A] : memref<163840x128xf32, #tpu.memory_space<hbm>> -> memref<128x128xf32, #tpu.memory_space<hbm>>
        %dma_start3A_20 = arith.constant 0 : i32
        %dma_start3A_21 = tpu.memref_slice %arg2[%mul3A_18, %dma_start3A_20] : memref<163840x128xf32, #tpu.memory_space<hbm>> -> memref<128x128xf32, #tpu.memory_space<hbm>>
        tpu.enqueue_dma source(%dma_start3A_21 : memref<128x128xf32, #tpu.memory_space<hbm>>) target(%arg7 : memref<128x128xf32, #tpu.memory_space<vmem>>) target_semaphore(%run_scoped3A : memref<!tpu.dma_semaphore, #tpu.memory_space<semaphore_mem>>)
        %dma_wait3A = arith.constant 0 : i32
        %dma_wait3A_22 = tpu.memref_slice %arg2[%mul3A_18, %dma_wait3A] : memref<163840x128xf32, #tpu.memory_space<hbm>> -> memref<128x128xf32, #tpu.memory_space<hbm>>
        %dma_wait3A_23 = arith.constant 0 : i32
        %dma_wait3A_24 = tpu.memref_slice %arg2[%mul3A_18, %dma_wait3A_23] : memref<163840x128xf32, #tpu.memory_space<hbm>> -> memref<128x128xf32, #tpu.memory_space<hbm>>
        tpu.wait_dma2 semaphore(%run_scoped3A : memref<!tpu.dma_semaphore, #tpu.memory_space<semaphore_mem>>) src(%dma_wait3A_24 : memref<128x128xf32, #tpu.memory_space<hbm>>) dst(%arg7 : memref<128x128xf32, #tpu.memory_space<vmem>>)
        tpu.yield
      }) : () -> ()
      "tpu.region"() ({
        %run_scoped3A = tpu.sem_alloc : memref<!tpu.dma_semaphore, #tpu.memory_space<semaphore_mem>>
        %dma_start3A = arith.constant 0 : i32
        %dma_start3A_19 = arith.constant 0 : i32
        %dma_start3A_20 = tpu.memref_slice %arg8[%dma_start3A, %dma_start3A_19] : memref<10112x128xf32, #tpu.memory_space<vmem_shared>> -> memref<10112x128xf32, #tpu.memory_space<vmem_shared>>
        tpu.enqueue_indirect_dma source(%arg7 : memref<128x128xf32, #tpu.memory_space<vmem>>) target(%dma_start3A_20 : memref<10112x128xf32, #tpu.memory_space<vmem_shared>>) offsets(%arg6 : memref<128xi32, #tpu.memory_space<vmem>>) semaphore(%run_scoped3A : memref<!tpu.dma_semaphore, #tpu.memory_space<semaphore_mem>>) {add = true}
        %dma_wait3A = arith.constant 0 : i32
        %dma_wait3A_21 = arith.constant 0 : i32
        %dma_wait3A_22 = tpu.memref_slice %arg8[%dma_wait3A, %dma_wait3A_21] : memref<10112x128xf32, #tpu.memory_space<vmem_shared>> -> memref<10112x128xf32, #tpu.memory_space<vmem_shared>>
        tpu.wait_indirect_dma semaphore(%run_scoped3A : memref<!tpu.dma_semaphore, #tpu.memory_space<semaphore_mem>>) src(%arg7 : memref<128x128xf32, #tpu.memory_space<vmem>>) dst(%dma_wait3A_22 : memref<10112x128xf32, #tpu.memory_space<vmem_shared>>)
        tpu.yield
      }) : () -> ()
    }
    %scan3A_9 = arith.constant 40 : i32
    %barrier3A_10 = arith.constant 0 : index
    tpu.barrier barrier_id(%barrier3A_10)
    %mul3A_11 = arith.constant 632 : i32
    %mul3A_12 = arith.muli %arg1, %mul3A_11 : i32
    %mul3A_13 = arith.constant 632 : i32
    %mul3A_14 = arith.muli %arg1, %mul3A_13 : i32
    "tpu.region"() ({
      %run_scoped3A = tpu.sem_alloc : memref<!tpu.dma_semaphore, #tpu.memory_space<semaphore_mem>>
      %dma_start3A = arith.constant 0 : i32
      %dma_start3A_15 = tpu.memref_slice %arg5[%arg0, %mul3A_14, %dma_start3A] : memref<2x10112x128xf32, #tpu.memory_space<hbm>> -> memref<1x632x128xf32, #tpu.memory_space<hbm>>
      %dma_start3A_16 = tpu.memref_squeeze %dma_start3A_15 : memref<1x632x128xf32, #tpu.memory_space<hbm>> -> memref<632x128xf32, #tpu.memory_space<hbm>>
      %dma_start3A_17 = arith.constant 0 : i32
      %dma_start3A_18 = tpu.memref_slice %arg8[%mul3A_12, %dma_start3A_17] : memref<10112x128xf32, #tpu.memory_space<vmem_shared>> -> memref<632x128xf32, #tpu.memory_space<vmem_shared>>
      tpu.enqueue_dma source(%dma_start3A_18 : memref<632x128xf32, #tpu.memory_space<vmem_shared>>) target(%dma_start3A_16 : memref<632x128xf32, #tpu.memory_space<hbm>>) target_semaphore(%run_scoped3A : memref<!tpu.dma_semaphore, #tpu.memory_space<semaphore_mem>>)
      %dma_wait3A = arith.constant 0 : i32
      %dma_wait3A_19 = tpu.memref_slice %arg5[%arg0, %mul3A_14, %dma_wait3A] : memref<2x10112x128xf32, #tpu.memory_space<hbm>> -> memref<1x632x128xf32, #tpu.memory_space<hbm>>
      %dma_wait3A_20 = tpu.memref_squeeze %dma_wait3A_19 : memref<1x632x128xf32, #tpu.memory_space<hbm>> -> memref<632x128xf32, #tpu.memory_space<hbm>>
      %dma_wait3A_21 = arith.constant 0 : i32
      %dma_wait3A_22 = tpu.memref_slice %arg8[%mul3A_12, %dma_wait3A_21] : memref<10112x128xf32, #tpu.memory_space<vmem_shared>> -> memref<632x128xf32, #tpu.memory_space<vmem_shared>>
      tpu.wait_dma2 semaphore(%run_scoped3A : memref<!tpu.dma_semaphore, #tpu.memory_space<semaphore_mem>>) src(%dma_wait3A_22 : memref<632x128xf32, #tpu.memory_space<vmem_shared>>) dst(%dma_wait3A_20 : memref<632x128xf32, #tpu.memory_space<hbm>>)
      tpu.yield
    }) : () -> ()
    return
  }
}

#map = affine_map<(d0, d1) -> (0, 0)>
module attributes {stable_mosaic.version = 14 : i64} {
  func.func @k(%arg0: i32, %arg1: i32, %arg2: memref<10000x128xf32, #tpu.memory_space<hbm>>, %arg3: memref<1280x128xi32, #tpu.memory_space<hbm>>, %arg4: memref<163840x128xf32, #tpu.memory_space<hbm>>, %arg5: memref<128xi32, #tpu.memory_space<vmem>>, %arg6: memref<128x128xf32, #tpu.memory_space<vmem>>, %arg7: memref<!tpu.dma_semaphore, #tpu.memory_space<semaphore_mem>>) attributes {dimension_semantics = [#tpu.dimension_semantics<core_parallel>, #tpu.dimension_semantics<subcore_parallel>], iteration_bounds = array<i64: 2, 16>, scalar_prefetch = 0 : i64, scratch_operands = 3 : i64, tpu.core_type = #tpu.core_type<sc_vector_subcore>, window_params = [{transform_indices = #map}, {transform_indices = #map}, {transform_indices = #map}]} {
    %mul3A = arith.constant 2 : i32
    %mul3A_0 = arith.muli %arg1, %mul3A : i32
    %add3A = arith.addi %mul3A_0, %arg0 : i32
    %mul3A_1 = arith.constant 40 : i32
    %mul3A_2 = arith.muli %add3A, %mul3A_1 : i32
    %scan3A = arith.constant 0 : i32
    %scan3A_3 = arith.constant 0 : i32
    %scan3A_4 = arith.constant 40 : i32
    %scan3A_5 = arith.addi %scan3A_3, %scan3A_4 : i32
    %scan3A_6 = arith.constant 1 : i32
    scf.for %scan3A_8 = %scan3A_3 to %scan3A_5 step %scan3A_6  : i32 {
      %add3A_9 = arith.addi %mul3A_2, %scan3A_8 : i32
      "tpu.region"() ({
        %run_scoped3A = tpu.sem_alloc : memref<!tpu.dma_semaphore, #tpu.memory_space<semaphore_mem>>
        %dma_start3A_16 = arith.constant 0 : i32
        %dma_start3A_17 = tpu.memref_slice %arg3[%add3A_9, %dma_start3A_16] : memref<1280x128xi32, #tpu.memory_space<hbm>> -> memref<1x128xi32, #tpu.memory_space<hbm>>
        %dma_start3A_18 = tpu.memref_squeeze %dma_start3A_17 : memref<1x128xi32, #tpu.memory_space<hbm>> -> memref<128xi32, #tpu.memory_space<hbm>>
        %dma_start3A_19 = arith.constant 0 : i32
        %dma_start3A_20 = tpu.memref_slice %arg3[%add3A_9, %dma_start3A_19] : memref<1280x128xi32, #tpu.memory_space<hbm>> -> memref<1x128xi32, #tpu.memory_space<hbm>>
        %dma_start3A_21 = tpu.memref_squeeze %dma_start3A_20 : memref<1x128xi32, #tpu.memory_space<hbm>> -> memref<128xi32, #tpu.memory_space<hbm>>
        tpu.enqueue_dma source(%dma_start3A_21 : memref<128xi32, #tpu.memory_space<hbm>>) target(%arg5 : memref<128xi32, #tpu.memory_space<vmem>>) target_semaphore(%run_scoped3A : memref<!tpu.dma_semaphore, #tpu.memory_space<semaphore_mem>>)
        %dma_wait3A_22 = arith.constant 0 : i32
        %dma_wait3A_23 = tpu.memref_slice %arg3[%add3A_9, %dma_wait3A_22] : memref<1280x128xi32, #tpu.memory_space<hbm>> -> memref<1x128xi32, #tpu.memory_space<hbm>>
        %dma_wait3A_24 = tpu.memref_squeeze %dma_wait3A_23 : memref<1x128xi32, #tpu.memory_space<hbm>> -> memref<128xi32, #tpu.memory_space<hbm>>
        %dma_wait3A_25 = arith.constant 0 : i32
        %dma_wait3A_26 = tpu.memref_slice %arg3[%add3A_9, %dma_wait3A_25] : memref<1280x128xi32, #tpu.memory_space<hbm>> -> memref<1x128xi32, #tpu.memory_space<hbm>>
        %dma_wait3A_27 = tpu.memref_squeeze %dma_wait3A_26 : memref<1x128xi32, #tpu.memory_space<hbm>> -> memref<128xi32, #tpu.memory_space<hbm>>
        tpu.wait_dma2 semaphore(%run_scoped3A : memref<!tpu.dma_semaphore, #tpu.memory_space<semaphore_mem>>) src(%dma_wait3A_27 : memref<128xi32, #tpu.memory_space<hbm>>) dst(%arg5 : memref<128xi32, #tpu.memory_space<vmem>>)
        tpu.yield
      }) : () -> ()
      %dma_start3A = arith.constant 0 : i32
      %dma_start3A_10 = arith.constant 0 : i32
      %dma_start3A_11 = tpu.memref_slice %arg2[%dma_start3A, %dma_start3A_10] : memref<10000x128xf32, #tpu.memory_space<hbm>> -> memref<10000x128xf32, #tpu.memory_space<hbm>>
      tpu.enqueue_indirect_dma source(%dma_start3A_11 : memref<10000x128xf32, #tpu.memory_space<hbm>>) target(%arg6 : memref<128x128xf32, #tpu.memory_space<vmem>>) offsets(%arg5 : memref<128xi32, #tpu.memory_space<vmem>>) semaphore(%arg7 : memref<!tpu.dma_semaphore, #tpu.memory_space<semaphore_mem>>)
      %dma_wait3A = arith.constant 0 : i32
      %dma_wait3A_12 = arith.constant 0 : i32
      %dma_wait3A_13 = tpu.memref_slice %arg2[%dma_wait3A, %dma_wait3A_12] : memref<10000x128xf32, #tpu.memory_space<hbm>> -> memref<10000x128xf32, #tpu.memory_space<hbm>>
      tpu.wait_indirect_dma semaphore(%arg7 : memref<!tpu.dma_semaphore, #tpu.memory_space<semaphore_mem>>) src(%dma_wait3A_13 : memref<10000x128xf32, #tpu.memory_space<hbm>>) dst(%arg6 : memref<128x128xf32, #tpu.memory_space<vmem>>)
      %mul3A_14 = arith.constant 128 : i32
      %mul3A_15 = arith.muli %add3A_9, %mul3A_14 : i32
      "tpu.region"() ({
        %run_scoped3A = tpu.sem_alloc : memref<!tpu.dma_semaphore, #tpu.memory_space<semaphore_mem>>
        %dma_start3A_16 = arith.constant 0 : i32
        %dma_start3A_17 = tpu.memref_slice %arg4[%mul3A_15, %dma_start3A_16] : memref<163840x128xf32, #tpu.memory_space<hbm>> -> memref<128x128xf32, #tpu.memory_space<hbm>>
        %dma_start3A_18 = arith.constant 0 : i32
        %dma_start3A_19 = tpu.memref_slice %arg4[%mul3A_15, %dma_start3A_18] : memref<163840x128xf32, #tpu.memory_space<hbm>> -> memref<128x128xf32, #tpu.memory_space<hbm>>
        tpu.enqueue_dma source(%arg6 : memref<128x128xf32, #tpu.memory_space<vmem>>) target(%dma_start3A_19 : memref<128x128xf32, #tpu.memory_space<hbm>>) target_semaphore(%run_scoped3A : memref<!tpu.dma_semaphore, #tpu.memory_space<semaphore_mem>>)
        %dma_wait3A_20 = arith.constant 0 : i32
        %dma_wait3A_21 = tpu.memref_slice %arg4[%mul3A_15, %dma_wait3A_20] : memref<163840x128xf32, #tpu.memory_space<hbm>> -> memref<128x128xf32, #tpu.memory_space<hbm>>
        %dma_wait3A_22 = arith.constant 0 : i32
        %dma_wait3A_23 = tpu.memref_slice %arg4[%mul3A_15, %dma_wait3A_22] : memref<163840x128xf32, #tpu.memory_space<hbm>> -> memref<128x128xf32, #tpu.memory_space<hbm>>
        tpu.wait_dma2 semaphore(%run_scoped3A : memref<!tpu.dma_semaphore, #tpu.memory_space<semaphore_mem>>) src(%arg6 : memref<128x128xf32, #tpu.memory_space<vmem>>) dst(%dma_wait3A_23 : memref<128x128xf32, #tpu.memory_space<hbm>>)
        tpu.yield
      }) : () -> ()
    }
    %scan3A_7 = arith.constant 40 : i32
    return
  }
}

#map = affine_map<(d0, d1) -> (0, 0)>
module attributes {stable_mosaic.version = 14 : i64} {
  func.func @k(%arg0: i32, %arg1: i32, %arg2: memref<10000x128xf32, #tpu.memory_space<hbm>>, %arg3: memref<1280x128xi32, #tpu.memory_space<hbm>>, %arg4: memref<163840x128xf32, #tpu.memory_space<hbm>>, %arg5: memref<128xi32, #tpu.memory_space<vmem>>, %arg6: memref<128x128xf32, #tpu.memory_space<vmem>>, %arg7: memref<!tpu.dma_semaphore, #tpu.memory_space<semaphore_mem>>) attributes {dimension_semantics = [#tpu.dimension_semantics<core_parallel>, #tpu.dimension_semantics<subcore_parallel>], iteration_bounds = array<i64: 2, 16>, scalar_prefetch = 0 : i64, scratch_operands = 3 : i64, tpu.core_type = #tpu.core_type<sc_vector_subcore>, window_params = [{transform_indices = #map}, {transform_indices = #map}, {transform_indices = #map}]} {
    %mul3A = arith.constant 2 : i32
    %mul3A_0 = arith.muli %arg1, %mul3A : i32
    %add3A = arith.addi %mul3A_0, %arg0 : i32
    %mul3A_1 = arith.constant 40 : i32
    %mul3A_2 = arith.muli %add3A, %mul3A_1 : i32
    %scan3A = arith.constant 0 : i32
    %scan3A_3 = arith.constant 0 : i32
    %scan3A_4 = arith.constant 40 : i32
    %scan3A_5 = arith.addi %scan3A_3, %scan3A_4 : i32
    %scan3A_6 = arith.constant 1 : i32
    scf.for %scan3A_8 = %scan3A_3 to %scan3A_5 step %scan3A_6  : i32 {
      %add3A_9 = arith.addi %mul3A_2, %scan3A_8 : i32
      "tpu.region"() ({
        %run_scoped3A = tpu.sem_alloc : memref<!tpu.dma_semaphore, #tpu.memory_space<semaphore_mem>>
        %dma_start3A_16 = arith.constant 0 : i32
        %dma_start3A_17 = tpu.memref_slice %arg3[%add3A_9, %dma_start3A_16] : memref<1280x128xi32, #tpu.memory_space<hbm>> -> memref<1x128xi32, #tpu.memory_space<hbm>>
        %dma_start3A_18 = tpu.memref_squeeze %dma_start3A_17 : memref<1x128xi32, #tpu.memory_space<hbm>> -> memref<128xi32, #tpu.memory_space<hbm>>
        %dma_start3A_19 = arith.constant 0 : i32
        %dma_start3A_20 = tpu.memref_slice %arg3[%add3A_9, %dma_start3A_19] : memref<1280x128xi32, #tpu.memory_space<hbm>> -> memref<1x128xi32, #tpu.memory_space<hbm>>
        %dma_start3A_21 = tpu.memref_squeeze %dma_start3A_20 : memref<1x128xi32, #tpu.memory_space<hbm>> -> memref<128xi32, #tpu.memory_space<hbm>>
        tpu.enqueue_dma source(%dma_start3A_21 : memref<128xi32, #tpu.memory_space<hbm>>) target(%arg5 : memref<128xi32, #tpu.memory_space<vmem>>) target_semaphore(%run_scoped3A : memref<!tpu.dma_semaphore, #tpu.memory_space<semaphore_mem>>)
        %dma_wait3A_22 = arith.constant 0 : i32
        %dma_wait3A_23 = tpu.memref_slice %arg3[%add3A_9, %dma_wait3A_22] : memref<1280x128xi32, #tpu.memory_space<hbm>> -> memref<1x128xi32, #tpu.memory_space<hbm>>
        %dma_wait3A_24 = tpu.memref_squeeze %dma_wait3A_23 : memref<1x128xi32, #tpu.memory_space<hbm>> -> memref<128xi32, #tpu.memory_space<hbm>>
        %dma_wait3A_25 = arith.constant 0 : i32
        %dma_wait3A_26 = tpu.memref_slice %arg3[%add3A_9, %dma_wait3A_25] : memref<1280x128xi32, #tpu.memory_space<hbm>> -> memref<1x128xi32, #tpu.memory_space<hbm>>
        %dma_wait3A_27 = tpu.memref_squeeze %dma_wait3A_26 : memref<1x128xi32, #tpu.memory_space<hbm>> -> memref<128xi32, #tpu.memory_space<hbm>>
        tpu.wait_dma2 semaphore(%run_scoped3A : memref<!tpu.dma_semaphore, #tpu.memory_space<semaphore_mem>>) src(%dma_wait3A_27 : memref<128xi32, #tpu.memory_space<hbm>>) dst(%arg5 : memref<128xi32, #tpu.memory_space<vmem>>)
        tpu.yield
      }) : () -> ()
      %dma_start3A = arith.constant 0 : i32
      %dma_start3A_10 = arith.constant 0 : i32
      %dma_start3A_11 = tpu.memref_slice %arg2[%dma_start3A, %dma_start3A_10] : memref<10000x128xf32, #tpu.memory_space<hbm>> -> memref<10000x128xf32, #tpu.memory_space<hbm>>
      tpu.enqueue_indirect_dma source(%dma_start3A_11 : memref<10000x128xf32, #tpu.memory_space<hbm>>) target(%arg6 : memref<128x128xf32, #tpu.memory_space<vmem>>) offsets(%arg5 : memref<128xi32, #tpu.memory_space<vmem>>) semaphore(%arg7 : memref<!tpu.dma_semaphore, #tpu.memory_space<semaphore_mem>>)
      %dma_wait3A = arith.constant 0 : i32
      %dma_wait3A_12 = arith.constant 0 : i32
      %dma_wait3A_13 = tpu.memref_slice %arg2[%dma_wait3A, %dma_wait3A_12] : memref<10000x128xf32, #tpu.memory_space<hbm>> -> memref<10000x128xf32, #tpu.memory_space<hbm>>
      tpu.wait_indirect_dma semaphore(%arg7 : memref<!tpu.dma_semaphore, #tpu.memory_space<semaphore_mem>>) src(%dma_wait3A_13 : memref<10000x128xf32, #tpu.memory_space<hbm>>) dst(%arg6 : memref<128x128xf32, #tpu.memory_space<vmem>>)
      %mul3A_14 = arith.constant 128 : i32
      %mul3A_15 = arith.muli %add3A_9, %mul3A_14 : i32
      "tpu.region"() ({
        %run_scoped3A = tpu.sem_alloc : memref<!tpu.dma_semaphore, #tpu.memory_space<semaphore_mem>>
        %dma_start3A_16 = arith.constant 0 : i32
        %dma_start3A_17 = tpu.memref_slice %arg4[%mul3A_15, %dma_start3A_16] : memref<163840x128xf32, #tpu.memory_space<hbm>> -> memref<128x128xf32, #tpu.memory_space<hbm>>
        %dma_start3A_18 = arith.constant 0 : i32
        %dma_start3A_19 = tpu.memref_slice %arg4[%mul3A_15, %dma_start3A_18] : memref<163840x128xf32, #tpu.memory_space<hbm>> -> memref<128x128xf32, #tpu.memory_space<hbm>>
        tpu.enqueue_dma source(%arg6 : memref<128x128xf32, #tpu.memory_space<vmem>>) target(%dma_start3A_19 : memref<128x128xf32, #tpu.memory_space<hbm>>) target_semaphore(%run_scoped3A : memref<!tpu.dma_semaphore, #tpu.memory_space<semaphore_mem>>)
        %dma_wait3A_20 = arith.constant 0 : i32
        %dma_wait3A_21 = tpu.memref_slice %arg4[%mul3A_15, %dma_wait3A_20] : memref<163840x128xf32, #tpu.memory_space<hbm>> -> memref<128x128xf32, #tpu.memory_space<hbm>>
        %dma_wait3A_22 = arith.constant 0 : i32
        %dma_wait3A_23 = tpu.memref_slice %arg4[%mul3A_15, %dma_wait3A_22] : memref<163840x128xf32, #tpu.memory_space<hbm>> -> memref<128x128xf32, #tpu.memory_space<hbm>>
        tpu.wait_dma2 semaphore(%run_scoped3A : memref<!tpu.dma_semaphore, #tpu.memory_space<semaphore_mem>>) src(%arg6 : memref<128x128xf32, #tpu.memory_space<vmem>>) dst(%dma_wait3A_23 : memref<128x128xf32, #tpu.memory_space<hbm>>)
        tpu.yield
      }) : () -> ()
    }
    %scan3A_7 = arith.constant 40 : i32
    return
  }
}

#map = affine_map<(d0, d1) -> (0, 0)>
#map1 = affine_map<(d0, d1) -> (0, 0, 0)>
module attributes {stable_mosaic.version = 14 : i64} {
  func.func @k(%arg0: i32, %arg1: i32, %arg2: memref<163840x128xf32, #tpu.memory_space<hbm>>, %arg3: memref<1280x128xi32, #tpu.memory_space<hbm>>, %arg4: memref<632x128xf32, #tpu.memory_space<hbm>>, %arg5: memref<2x10112x128xf32, #tpu.memory_space<hbm>>, %arg6: memref<128xi32, #tpu.memory_space<vmem>>, %arg7: memref<128x128xf32, #tpu.memory_space<vmem>>, %arg8: memref<10112x128xf32, #tpu.memory_space<vmem_shared>>, %arg9: memref<!tpu.dma_semaphore, #tpu.memory_space<semaphore_mem>>) attributes {dimension_semantics = [#tpu.dimension_semantics<core_parallel>, #tpu.dimension_semantics<subcore_parallel>], iteration_bounds = array<i64: 2, 16>, scalar_prefetch = 0 : i64, scratch_operands = 4 : i64, tpu.core_type = #tpu.core_type<sc_vector_subcore>, window_params = [{transform_indices = #map}, {transform_indices = #map}, {transform_indices = #map}, {transform_indices = #map1}]} {
    %mul3A = arith.constant 2 : i32
    %mul3A_0 = arith.muli %arg1, %mul3A : i32
    %add3A = arith.addi %mul3A_0, %arg0 : i32
    %mul3A_1 = arith.constant 632 : i32
    %mul3A_2 = arith.muli %arg1, %mul3A_1 : i32
    "tpu.region"() ({
      %run_scoped3A = tpu.sem_alloc : memref<!tpu.dma_semaphore, #tpu.memory_space<semaphore_mem>>
      %dma_start3A = arith.constant 0 : i32
      %dma_start3A_15 = tpu.memref_slice %arg8[%mul3A_2, %dma_start3A] : memref<10112x128xf32, #tpu.memory_space<vmem_shared>> -> memref<632x128xf32, #tpu.memory_space<vmem_shared>>
      tpu.enqueue_dma source(%arg4 : memref<632x128xf32, #tpu.memory_space<hbm>>) target(%dma_start3A_15 : memref<632x128xf32, #tpu.memory_space<vmem_shared>>) target_semaphore(%run_scoped3A : memref<!tpu.dma_semaphore, #tpu.memory_space<semaphore_mem>>)
      %dma_wait3A = arith.constant 0 : i32
      %dma_wait3A_16 = tpu.memref_slice %arg8[%mul3A_2, %dma_wait3A] : memref<10112x128xf32, #tpu.memory_space<vmem_shared>> -> memref<632x128xf32, #tpu.memory_space<vmem_shared>>
      tpu.wait_dma2 semaphore(%run_scoped3A : memref<!tpu.dma_semaphore, #tpu.memory_space<semaphore_mem>>) src(%arg4 : memref<632x128xf32, #tpu.memory_space<hbm>>) dst(%dma_wait3A_16 : memref<632x128xf32, #tpu.memory_space<vmem_shared>>)
      tpu.yield
    }) : () -> ()
    %barrier3A = arith.constant 0 : index
    tpu.barrier barrier_id(%barrier3A)
    %mul3A_3 = arith.constant 40 : i32
    %mul3A_4 = arith.muli %add3A, %mul3A_3 : i32
    %scan3A = arith.constant 0 : i32
    %scan3A_5 = arith.constant 0 : i32
    %scan3A_6 = arith.constant 40 : i32
    %scan3A_7 = arith.addi %scan3A_5, %scan3A_6 : i32
    %scan3A_8 = arith.constant 1 : i32
    scf.for %scan3A_15 = %scan3A_5 to %scan3A_7 step %scan3A_8  : i32 {
      %add3A_16 = arith.addi %mul3A_4, %scan3A_15 : i32
      "tpu.region"() ({
        %run_scoped3A = tpu.sem_alloc : memref<!tpu.dma_semaphore, #tpu.memory_space<semaphore_mem>>
        %dma_start3A = arith.constant 0 : i32
        %dma_start3A_19 = tpu.memref_slice %arg3[%add3A_16, %dma_start3A] : memref<1280x128xi32, #tpu.memory_space<hbm>> -> memref<1x128xi32, #tpu.memory_space<hbm>>
        %dma_start3A_20 = tpu.memref_squeeze %dma_start3A_19 : memref<1x128xi32, #tpu.memory_space<hbm>> -> memref<128xi32, #tpu.memory_space<hbm>>
        %dma_start3A_21 = arith.constant 0 : i32
        %dma_start3A_22 = tpu.memref_slice %arg3[%add3A_16, %dma_start3A_21] : memref<1280x128xi32, #tpu.memory_space<hbm>> -> memref<1x128xi32, #tpu.memory_space<hbm>>
        %dma_start3A_23 = tpu.memref_squeeze %dma_start3A_22 : memref<1x128xi32, #tpu.memory_space<hbm>> -> memref<128xi32, #tpu.memory_space<hbm>>
        tpu.enqueue_dma source(%dma_start3A_23 : memref<128xi32, #tpu.memory_space<hbm>>) target(%arg6 : memref<128xi32, #tpu.memory_space<vmem>>) target_semaphore(%run_scoped3A : memref<!tpu.dma_semaphore, #tpu.memory_space<semaphore_mem>>)
        %dma_wait3A = arith.constant 0 : i32
        %dma_wait3A_24 = tpu.memref_slice %arg3[%add3A_16, %dma_wait3A] : memref<1280x128xi32, #tpu.memory_space<hbm>> -> memref<1x128xi32, #tpu.memory_space<hbm>>
        %dma_wait3A_25 = tpu.memref_squeeze %dma_wait3A_24 : memref<1x128xi32, #tpu.memory_space<hbm>> -> memref<128xi32, #tpu.memory_space<hbm>>
        %dma_wait3A_26 = arith.constant 0 : i32
        %dma_wait3A_27 = tpu.memref_slice %arg3[%add3A_16, %dma_wait3A_26] : memref<1280x128xi32, #tpu.memory_space<hbm>> -> memref<1x128xi32, #tpu.memory_space<hbm>>
        %dma_wait3A_28 = tpu.memref_squeeze %dma_wait3A_27 : memref<1x128xi32, #tpu.memory_space<hbm>> -> memref<128xi32, #tpu.memory_space<hbm>>
        tpu.wait_dma2 semaphore(%run_scoped3A : memref<!tpu.dma_semaphore, #tpu.memory_space<semaphore_mem>>) src(%dma_wait3A_28 : memref<128xi32, #tpu.memory_space<hbm>>) dst(%arg6 : memref<128xi32, #tpu.memory_space<vmem>>)
        tpu.yield
      }) : () -> ()
      %mul3A_17 = arith.constant 128 : i32
      %mul3A_18 = arith.muli %add3A_16, %mul3A_17 : i32
      "tpu.region"() ({
        %run_scoped3A = tpu.sem_alloc : memref<!tpu.dma_semaphore, #tpu.memory_space<semaphore_mem>>
        %dma_start3A = arith.constant 0 : i32
        %dma_start3A_19 = tpu.memref_slice %arg2[%mul3A_18, %dma_start3A] : memref<163840x128xf32, #tpu.memory_space<hbm>> -> memref<128x128xf32, #tpu.memory_space<hbm>>
        %dma_start3A_20 = arith.constant 0 : i32
        %dma_start3A_21 = tpu.memref_slice %arg2[%mul3A_18, %dma_start3A_20] : memref<163840x128xf32, #tpu.memory_space<hbm>> -> memref<128x128xf32, #tpu.memory_space<hbm>>
        tpu.enqueue_dma source(%dma_start3A_21 : memref<128x128xf32, #tpu.memory_space<hbm>>) target(%arg7 : memref<128x128xf32, #tpu.memory_space<vmem>>) target_semaphore(%run_scoped3A : memref<!tpu.dma_semaphore, #tpu.memory_space<semaphore_mem>>)
        %dma_wait3A = arith.constant 0 : i32
        %dma_wait3A_22 = tpu.memref_slice %arg2[%mul3A_18, %dma_wait3A] : memref<163840x128xf32, #tpu.memory_space<hbm>> -> memref<128x128xf32, #tpu.memory_space<hbm>>
        %dma_wait3A_23 = arith.constant 0 : i32
        %dma_wait3A_24 = tpu.memref_slice %arg2[%mul3A_18, %dma_wait3A_23] : memref<163840x128xf32, #tpu.memory_space<hbm>> -> memref<128x128xf32, #tpu.memory_space<hbm>>
        tpu.wait_dma2 semaphore(%run_scoped3A : memref<!tpu.dma_semaphore, #tpu.memory_space<semaphore_mem>>) src(%dma_wait3A_24 : memref<128x128xf32, #tpu.memory_space<hbm>>) dst(%arg7 : memref<128x128xf32, #tpu.memory_space<vmem>>)
        tpu.yield
      }) : () -> ()
      "tpu.region"() ({
        %run_scoped3A = tpu.sem_alloc : memref<!tpu.dma_semaphore, #tpu.memory_space<semaphore_mem>>
        %dma_start3A = arith.constant 0 : i32
        %dma_start3A_19 = arith.constant 0 : i32
        %dma_start3A_20 = tpu.memref_slice %arg8[%dma_start3A, %dma_start3A_19] : memref<10112x128xf32, #tpu.memory_space<vmem_shared>> -> memref<10112x128xf32, #tpu.memory_space<vmem_shared>>
        tpu.enqueue_indirect_dma source(%arg7 : memref<128x128xf32, #tpu.memory_space<vmem>>) target(%dma_start3A_20 : memref<10112x128xf32, #tpu.memory_space<vmem_shared>>) offsets(%arg6 : memref<128xi32, #tpu.memory_space<vmem>>) semaphore(%run_scoped3A : memref<!tpu.dma_semaphore, #tpu.memory_space<semaphore_mem>>) {add = true}
        %dma_wait3A = arith.constant 0 : i32
        %dma_wait3A_21 = arith.constant 0 : i32
        %dma_wait3A_22 = tpu.memref_slice %arg8[%dma_wait3A, %dma_wait3A_21] : memref<10112x128xf32, #tpu.memory_space<vmem_shared>> -> memref<10112x128xf32, #tpu.memory_space<vmem_shared>>
        tpu.wait_indirect_dma semaphore(%run_scoped3A : memref<!tpu.dma_semaphore, #tpu.memory_space<semaphore_mem>>) src(%arg7 : memref<128x128xf32, #tpu.memory_space<vmem>>) dst(%dma_wait3A_22 : memref<10112x128xf32, #tpu.memory_space<vmem_shared>>)
        tpu.yield
      }) : () -> ()
    }
    %scan3A_9 = arith.constant 40 : i32
    %barrier3A_10 = arith.constant 0 : index
    tpu.barrier barrier_id(%barrier3A_10)
    %mul3A_11 = arith.constant 632 : i32
    %mul3A_12 = arith.muli %arg1, %mul3A_11 : i32
    %mul3A_13 = arith.constant 632 : i32
    %mul3A_14 = arith.muli %arg1, %mul3A_13 : i32
    "tpu.region"() ({
      %run_scoped3A = tpu.sem_alloc : memref<!tpu.dma_semaphore, #tpu.memory_space<semaphore_mem>>
      %dma_start3A = arith.constant 0 : i32
      %dma_start3A_15 = tpu.memref_slice %arg5[%arg0, %mul3A_14, %dma_start3A] : memref<2x10112x128xf32, #tpu.memory_space<hbm>> -> memref<1x632x128xf32, #tpu.memory_space<hbm>>
      %dma_start3A_16 = tpu.memref_squeeze %dma_start3A_15 : memref<1x632x128xf32, #tpu.memory_space<hbm>> -> memref<632x128xf32, #tpu.memory_space<hbm>>
      %dma_start3A_17 = arith.constant 0 : i32
      %dma_start3A_18 = tpu.memref_slice %arg8[%mul3A_12, %dma_start3A_17] : memref<10112x128xf32, #tpu.memory_space<vmem_shared>> -> memref<632x128xf32, #tpu.memory_space<vmem_shared>>
      tpu.enqueue_dma source(%dma_start3A_18 : memref<632x128xf32, #tpu.memory_space<vmem_shared>>) target(%dma_start3A_16 : memref<632x128xf32, #tpu.memory_space<hbm>>) target_semaphore(%run_scoped3A : memref<!tpu.dma_semaphore, #tpu.memory_space<semaphore_mem>>)
      %dma_wait3A = arith.constant 0 : i32
      %dma_wait3A_19 = tpu.memref_slice %arg5[%arg0, %mul3A_14, %dma_wait3A] : memref<2x10112x128xf32, #tpu.memory_space<hbm>> -> memref<1x632x128xf32, #tpu.memory_space<hbm>>
      %dma_wait3A_20 = tpu.memref_squeeze %dma_wait3A_19 : memref<1x632x128xf32, #tpu.memory_space<hbm>> -> memref<632x128xf32, #tpu.memory_space<hbm>>
      %dma_wait3A_21 = arith.constant 0 : i32
      %dma_wait3A_22 = tpu.memref_slice %arg8[%mul3A_12, %dma_wait3A_21] : memref<10112x128xf32, #tpu.memory_space<vmem_shared>> -> memref<632x128xf32, #tpu.memory_space<vmem_shared>>
      tpu.wait_dma2 semaphore(%run_scoped3A : memref<!tpu.dma_semaphore, #tpu.memory_space<semaphore_mem>>) src(%dma_wait3A_22 : memref<632x128xf32, #tpu.memory_space<vmem_shared>>) dst(%dma_wait3A_20 : memref<632x128xf32, #tpu.memory_space<hbm>>)
      tpu.yield
    }) : () -> ()
    return
  }
}

#map = affine_map<(d0, d1) -> (0, 0)>
#map1 = affine_map<(d0, d1) -> (0, 0, 0)>
module attributes {stable_mosaic.version = 14 : i64} {
  func.func @k(%arg0: i32, %arg1: i32, %arg2: memref<163840x128xf32, #tpu.memory_space<hbm>>, %arg3: memref<1280x128xi32, #tpu.memory_space<hbm>>, %arg4: memref<632x128xf32, #tpu.memory_space<hbm>>, %arg5: memref<2x10112x128xf32, #tpu.memory_space<hbm>>, %arg6: memref<128xi32, #tpu.memory_space<vmem>>, %arg7: memref<128x128xf32, #tpu.memory_space<vmem>>, %arg8: memref<10112x128xf32, #tpu.memory_space<vmem_shared>>, %arg9: memref<!tpu.dma_semaphore, #tpu.memory_space<semaphore_mem>>) attributes {dimension_semantics = [#tpu.dimension_semantics<core_parallel>, #tpu.dimension_semantics<subcore_parallel>], iteration_bounds = array<i64: 2, 16>, scalar_prefetch = 0 : i64, scratch_operands = 4 : i64, tpu.core_type = #tpu.core_type<sc_vector_subcore>, window_params = [{transform_indices = #map}, {transform_indices = #map}, {transform_indices = #map}, {transform_indices = #map1}]} {
    %mul3A = arith.constant 2 : i32
    %mul3A_0 = arith.muli %arg1, %mul3A : i32
    %add3A = arith.addi %mul3A_0, %arg0 : i32
    %mul3A_1 = arith.constant 632 : i32
    %mul3A_2 = arith.muli %arg1, %mul3A_1 : i32
    "tpu.region"() ({
      %run_scoped3A = tpu.sem_alloc : memref<!tpu.dma_semaphore, #tpu.memory_space<semaphore_mem>>
      %dma_start3A = arith.constant 0 : i32
      %dma_start3A_15 = tpu.memref_slice %arg8[%mul3A_2, %dma_start3A] : memref<10112x128xf32, #tpu.memory_space<vmem_shared>> -> memref<632x128xf32, #tpu.memory_space<vmem_shared>>
      tpu.enqueue_dma source(%arg4 : memref<632x128xf32, #tpu.memory_space<hbm>>) target(%dma_start3A_15 : memref<632x128xf32, #tpu.memory_space<vmem_shared>>) target_semaphore(%run_scoped3A : memref<!tpu.dma_semaphore, #tpu.memory_space<semaphore_mem>>)
      %dma_wait3A = arith.constant 0 : i32
      %dma_wait3A_16 = tpu.memref_slice %arg8[%mul3A_2, %dma_wait3A] : memref<10112x128xf32, #tpu.memory_space<vmem_shared>> -> memref<632x128xf32, #tpu.memory_space<vmem_shared>>
      tpu.wait_dma2 semaphore(%run_scoped3A : memref<!tpu.dma_semaphore, #tpu.memory_space<semaphore_mem>>) src(%arg4 : memref<632x128xf32, #tpu.memory_space<hbm>>) dst(%dma_wait3A_16 : memref<632x128xf32, #tpu.memory_space<vmem_shared>>)
      tpu.yield
    }) : () -> ()
    %barrier3A = arith.constant 0 : index
    tpu.barrier barrier_id(%barrier3A)
    %mul3A_3 = arith.constant 40 : i32
    %mul3A_4 = arith.muli %add3A, %mul3A_3 : i32
    %scan3A = arith.constant 0 : i32
    %scan3A_5 = arith.constant 0 : i32
    %scan3A_6 = arith.constant 40 : i32
    %scan3A_7 = arith.addi %scan3A_5, %scan3A_6 : i32
    %scan3A_8 = arith.constant 1 : i32
    scf.for %scan3A_15 = %scan3A_5 to %scan3A_7 step %scan3A_8  : i32 {
      %add3A_16 = arith.addi %mul3A_4, %scan3A_15 : i32
      "tpu.region"() ({
        %run_scoped3A = tpu.sem_alloc : memref<!tpu.dma_semaphore, #tpu.memory_space<semaphore_mem>>
        %dma_start3A = arith.constant 0 : i32
        %dma_start3A_19 = tpu.memref_slice %arg3[%add3A_16, %dma_start3A] : memref<1280x128xi32, #tpu.memory_space<hbm>> -> memref<1x128xi32, #tpu.memory_space<hbm>>
        %dma_start3A_20 = tpu.memref_squeeze %dma_start3A_19 : memref<1x128xi32, #tpu.memory_space<hbm>> -> memref<128xi32, #tpu.memory_space<hbm>>
        %dma_start3A_21 = arith.constant 0 : i32
        %dma_start3A_22 = tpu.memref_slice %arg3[%add3A_16, %dma_start3A_21] : memref<1280x128xi32, #tpu.memory_space<hbm>> -> memref<1x128xi32, #tpu.memory_space<hbm>>
        %dma_start3A_23 = tpu.memref_squeeze %dma_start3A_22 : memref<1x128xi32, #tpu.memory_space<hbm>> -> memref<128xi32, #tpu.memory_space<hbm>>
        tpu.enqueue_dma source(%dma_start3A_23 : memref<128xi32, #tpu.memory_space<hbm>>) target(%arg6 : memref<128xi32, #tpu.memory_space<vmem>>) target_semaphore(%run_scoped3A : memref<!tpu.dma_semaphore, #tpu.memory_space<semaphore_mem>>)
        %dma_wait3A = arith.constant 0 : i32
        %dma_wait3A_24 = tpu.memref_slice %arg3[%add3A_16, %dma_wait3A] : memref<1280x128xi32, #tpu.memory_space<hbm>> -> memref<1x128xi32, #tpu.memory_space<hbm>>
        %dma_wait3A_25 = tpu.memref_squeeze %dma_wait3A_24 : memref<1x128xi32, #tpu.memory_space<hbm>> -> memref<128xi32, #tpu.memory_space<hbm>>
        %dma_wait3A_26 = arith.constant 0 : i32
        %dma_wait3A_27 = tpu.memref_slice %arg3[%add3A_16, %dma_wait3A_26] : memref<1280x128xi32, #tpu.memory_space<hbm>> -> memref<1x128xi32, #tpu.memory_space<hbm>>
        %dma_wait3A_28 = tpu.memref_squeeze %dma_wait3A_27 : memref<1x128xi32, #tpu.memory_space<hbm>> -> memref<128xi32, #tpu.memory_space<hbm>>
        tpu.wait_dma2 semaphore(%run_scoped3A : memref<!tpu.dma_semaphore, #tpu.memory_space<semaphore_mem>>) src(%dma_wait3A_28 : memref<128xi32, #tpu.memory_space<hbm>>) dst(%arg6 : memref<128xi32, #tpu.memory_space<vmem>>)
        tpu.yield
      }) : () -> ()
      %mul3A_17 = arith.constant 128 : i32
      %mul3A_18 = arith.muli %add3A_16, %mul3A_17 : i32
      "tpu.region"() ({
        %run_scoped3A = tpu.sem_alloc : memref<!tpu.dma_semaphore, #tpu.memory_space<semaphore_mem>>
        %dma_start3A = arith.constant 0 : i32
        %dma_start3A_19 = tpu.memref_slice %arg2[%mul3A_18, %dma_start3A] : memref<163840x128xf32, #tpu.memory_space<hbm>> -> memref<128x128xf32, #tpu.memory_space<hbm>>
        %dma_start3A_20 = arith.constant 0 : i32
        %dma_start3A_21 = tpu.memref_slice %arg2[%mul3A_18, %dma_start3A_20] : memref<163840x128xf32, #tpu.memory_space<hbm>> -> memref<128x128xf32, #tpu.memory_space<hbm>>
        tpu.enqueue_dma source(%dma_start3A_21 : memref<128x128xf32, #tpu.memory_space<hbm>>) target(%arg7 : memref<128x128xf32, #tpu.memory_space<vmem>>) target_semaphore(%run_scoped3A : memref<!tpu.dma_semaphore, #tpu.memory_space<semaphore_mem>>)
        %dma_wait3A = arith.constant 0 : i32
        %dma_wait3A_22 = tpu.memref_slice %arg2[%mul3A_18, %dma_wait3A] : memref<163840x128xf32, #tpu.memory_space<hbm>> -> memref<128x128xf32, #tpu.memory_space<hbm>>
        %dma_wait3A_23 = arith.constant 0 : i32
        %dma_wait3A_24 = tpu.memref_slice %arg2[%mul3A_18, %dma_wait3A_23] : memref<163840x128xf32, #tpu.memory_space<hbm>> -> memref<128x128xf32, #tpu.memory_space<hbm>>
        tpu.wait_dma2 semaphore(%run_scoped3A : memref<!tpu.dma_semaphore, #tpu.memory_space<semaphore_mem>>) src(%dma_wait3A_24 : memref<128x128xf32, #tpu.memory_space<hbm>>) dst(%arg7 : memref<128x128xf32, #tpu.memory_space<vmem>>)
        tpu.yield
      }) : () -> ()
      "tpu.region"() ({
        %run_scoped3A = tpu.sem_alloc : memref<!tpu.dma_semaphore, #tpu.memory_space<semaphore_mem>>
        %dma_start3A = arith.constant 0 : i32
        %dma_start3A_19 = arith.constant 0 : i32
        %dma_start3A_20 = tpu.memref_slice %arg8[%dma_start3A, %dma_start3A_19] : memref<10112x128xf32, #tpu.memory_space<vmem_shared>> -> memref<10112x128xf32, #tpu.memory_space<vmem_shared>>
        tpu.enqueue_indirect_dma source(%arg7 : memref<128x128xf32, #tpu.memory_space<vmem>>) target(%dma_start3A_20 : memref<10112x128xf32, #tpu.memory_space<vmem_shared>>) offsets(%arg6 : memref<128xi32, #tpu.memory_space<vmem>>) semaphore(%run_scoped3A : memref<!tpu.dma_semaphore, #tpu.memory_space<semaphore_mem>>) {add = true}
        %dma_wait3A = arith.constant 0 : i32
        %dma_wait3A_21 = arith.constant 0 : i32
        %dma_wait3A_22 = tpu.memref_slice %arg8[%dma_wait3A, %dma_wait3A_21] : memref<10112x128xf32, #tpu.memory_space<vmem_shared>> -> memref<10112x128xf32, #tpu.memory_space<vmem_shared>>
        tpu.wait_indirect_dma semaphore(%run_scoped3A : memref<!tpu.dma_semaphore, #tpu.memory_space<semaphore_mem>>) src(%arg7 : memref<128x128xf32, #tpu.memory_space<vmem>>) dst(%dma_wait3A_22 : memref<10112x128xf32, #tpu.memory_space<vmem_shared>>)
        tpu.yield
      }) : () -> ()
    }
    %scan3A_9 = arith.constant 40 : i32
    %barrier3A_10 = arith.constant 0 : index
    tpu.barrier barrier_id(%barrier3A_10)
    %mul3A_11 = arith.constant 632 : i32
    %mul3A_12 = arith.muli %arg1, %mul3A_11 : i32
    %mul3A_13 = arith.constant 632 : i32
    %mul3A_14 = arith.muli %arg1, %mul3A_13 : i32
    "tpu.region"() ({
      %run_scoped3A = tpu.sem_alloc : memref<!tpu.dma_semaphore, #tpu.memory_space<semaphore_mem>>
      %dma_start3A = arith.constant 0 : i32
      %dma_start3A_15 = tpu.memref_slice %arg5[%arg0, %mul3A_14, %dma_start3A] : memref<2x10112x128xf32, #tpu.memory_space<hbm>> -> memref<1x632x128xf32, #tpu.memory_space<hbm>>
      %dma_start3A_16 = tpu.memref_squeeze %dma_start3A_15 : memref<1x632x128xf32, #tpu.memory_space<hbm>> -> memref<632x128xf32, #tpu.memory_space<hbm>>
      %dma_start3A_17 = arith.constant 0 : i32
      %dma_start3A_18 = tpu.memref_slice %arg8[%mul3A_12, %dma_start3A_17] : memref<10112x128xf32, #tpu.memory_space<vmem_shared>> -> memref<632x128xf32, #tpu.memory_space<vmem_shared>>
      tpu.enqueue_dma source(%dma_start3A_18 : memref<632x128xf32, #tpu.memory_space<vmem_shared>>) target(%dma_start3A_16 : memref<632x128xf32, #tpu.memory_space<hbm>>) target_semaphore(%run_scoped3A : memref<!tpu.dma_semaphore, #tpu.memory_space<semaphore_mem>>)
      %dma_wait3A = arith.constant 0 : i32
      %dma_wait3A_19 = tpu.memref_slice %arg5[%arg0, %mul3A_14, %dma_wait3A] : memref<2x10112x128xf32, #tpu.memory_space<hbm>> -> memref<1x632x128xf32, #tpu.memory_space<hbm>>
      %dma_wait3A_20 = tpu.memref_squeeze %dma_wait3A_19 : memref<1x632x128xf32, #tpu.memory_space<hbm>> -> memref<632x128xf32, #tpu.memory_space<hbm>>
      %dma_wait3A_21 = arith.constant 0 : i32
      %dma_wait3A_22 = tpu.memref_slice %arg8[%mul3A_12, %dma_wait3A_21] : memref<10112x128xf32, #tpu.memory_space<vmem_shared>> -> memref<632x128xf32, #tpu.memory_space<vmem_shared>>
      tpu.wait_dma2 semaphore(%run_scoped3A : memref<!tpu.dma_semaphore, #tpu.memory_space<semaphore_mem>>) src(%dma_wait3A_22 : memref<632x128xf32, #tpu.memory_space<vmem_shared>>) dst(%dma_wait3A_20 : memref<632x128xf32, #tpu.memory_space<hbm>>)
      tpu.yield
    }) : () -> ()
    return
  }
}

#map = affine_map<(d0, d1) -> (0, 0)>
module attributes {stable_mosaic.version = 14 : i64} {
  func.func @k(%arg0: i32, %arg1: i32, %arg2: memref<10000x128xf32, #tpu.memory_space<hbm>>, %arg3: memref<1280x128xi32, #tpu.memory_space<hbm>>, %arg4: memref<163840x128xf32, #tpu.memory_space<hbm>>, %arg5: memref<128xi32, #tpu.memory_space<vmem>>, %arg6: memref<128x128xf32, #tpu.memory_space<vmem>>, %arg7: memref<!tpu.dma_semaphore, #tpu.memory_space<semaphore_mem>>) attributes {dimension_semantics = [#tpu.dimension_semantics<core_parallel>, #tpu.dimension_semantics<subcore_parallel>], iteration_bounds = array<i64: 2, 16>, scalar_prefetch = 0 : i64, scratch_operands = 3 : i64, tpu.core_type = #tpu.core_type<sc_vector_subcore>, window_params = [{transform_indices = #map}, {transform_indices = #map}, {transform_indices = #map}]} {
    %mul3A = arith.constant 2 : i32
    %mul3A_0 = arith.muli %arg1, %mul3A : i32
    %add3A = arith.addi %mul3A_0, %arg0 : i32
    %mul3A_1 = arith.constant 40 : i32
    %mul3A_2 = arith.muli %add3A, %mul3A_1 : i32
    %scan3A = arith.constant 0 : i32
    %scan3A_3 = arith.constant 0 : i32
    %scan3A_4 = arith.constant 40 : i32
    %scan3A_5 = arith.addi %scan3A_3, %scan3A_4 : i32
    %scan3A_6 = arith.constant 1 : i32
    scf.for %scan3A_8 = %scan3A_3 to %scan3A_5 step %scan3A_6  : i32 {
      %add3A_9 = arith.addi %mul3A_2, %scan3A_8 : i32
      "tpu.region"() ({
        %run_scoped3A = tpu.sem_alloc : memref<!tpu.dma_semaphore, #tpu.memory_space<semaphore_mem>>
        %dma_start3A_16 = arith.constant 0 : i32
        %dma_start3A_17 = tpu.memref_slice %arg3[%add3A_9, %dma_start3A_16] : memref<1280x128xi32, #tpu.memory_space<hbm>> -> memref<1x128xi32, #tpu.memory_space<hbm>>
        %dma_start3A_18 = tpu.memref_squeeze %dma_start3A_17 : memref<1x128xi32, #tpu.memory_space<hbm>> -> memref<128xi32, #tpu.memory_space<hbm>>
        %dma_start3A_19 = arith.constant 0 : i32
        %dma_start3A_20 = tpu.memref_slice %arg3[%add3A_9, %dma_start3A_19] : memref<1280x128xi32, #tpu.memory_space<hbm>> -> memref<1x128xi32, #tpu.memory_space<hbm>>
        %dma_start3A_21 = tpu.memref_squeeze %dma_start3A_20 : memref<1x128xi32, #tpu.memory_space<hbm>> -> memref<128xi32, #tpu.memory_space<hbm>>
        tpu.enqueue_dma source(%dma_start3A_21 : memref<128xi32, #tpu.memory_space<hbm>>) target(%arg5 : memref<128xi32, #tpu.memory_space<vmem>>) target_semaphore(%run_scoped3A : memref<!tpu.dma_semaphore, #tpu.memory_space<semaphore_mem>>)
        %dma_wait3A_22 = arith.constant 0 : i32
        %dma_wait3A_23 = tpu.memref_slice %arg3[%add3A_9, %dma_wait3A_22] : memref<1280x128xi32, #tpu.memory_space<hbm>> -> memref<1x128xi32, #tpu.memory_space<hbm>>
        %dma_wait3A_24 = tpu.memref_squeeze %dma_wait3A_23 : memref<1x128xi32, #tpu.memory_space<hbm>> -> memref<128xi32, #tpu.memory_space<hbm>>
        %dma_wait3A_25 = arith.constant 0 : i32
        %dma_wait3A_26 = tpu.memref_slice %arg3[%add3A_9, %dma_wait3A_25] : memref<1280x128xi32, #tpu.memory_space<hbm>> -> memref<1x128xi32, #tpu.memory_space<hbm>>
        %dma_wait3A_27 = tpu.memref_squeeze %dma_wait3A_26 : memref<1x128xi32, #tpu.memory_space<hbm>> -> memref<128xi32, #tpu.memory_space<hbm>>
        tpu.wait_dma2 semaphore(%run_scoped3A : memref<!tpu.dma_semaphore, #tpu.memory_space<semaphore_mem>>) src(%dma_wait3A_27 : memref<128xi32, #tpu.memory_space<hbm>>) dst(%arg5 : memref<128xi32, #tpu.memory_space<vmem>>)
        tpu.yield
      }) : () -> ()
      %dma_start3A = arith.constant 0 : i32
      %dma_start3A_10 = arith.constant 0 : i32
      %dma_start3A_11 = tpu.memref_slice %arg2[%dma_start3A, %dma_start3A_10] : memref<10000x128xf32, #tpu.memory_space<hbm>> -> memref<10000x128xf32, #tpu.memory_space<hbm>>
      tpu.enqueue_indirect_dma source(%dma_start3A_11 : memref<10000x128xf32, #tpu.memory_space<hbm>>) target(%arg6 : memref<128x128xf32, #tpu.memory_space<vmem>>) offsets(%arg5 : memref<128xi32, #tpu.memory_space<vmem>>) semaphore(%arg7 : memref<!tpu.dma_semaphore, #tpu.memory_space<semaphore_mem>>)
      %dma_wait3A = arith.constant 0 : i32
      %dma_wait3A_12 = arith.constant 0 : i32
      %dma_wait3A_13 = tpu.memref_slice %arg2[%dma_wait3A, %dma_wait3A_12] : memref<10000x128xf32, #tpu.memory_space<hbm>> -> memref<10000x128xf32, #tpu.memory_space<hbm>>
      tpu.wait_indirect_dma semaphore(%arg7 : memref<!tpu.dma_semaphore, #tpu.memory_space<semaphore_mem>>) src(%dma_wait3A_13 : memref<10000x128xf32, #tpu.memory_space<hbm>>) dst(%arg6 : memref<128x128xf32, #tpu.memory_space<vmem>>)
      %mul3A_14 = arith.constant 128 : i32
      %mul3A_15 = arith.muli %add3A_9, %mul3A_14 : i32
      "tpu.region"() ({
        %run_scoped3A = tpu.sem_alloc : memref<!tpu.dma_semaphore, #tpu.memory_space<semaphore_mem>>
        %dma_start3A_16 = arith.constant 0 : i32
        %dma_start3A_17 = tpu.memref_slice %arg4[%mul3A_15, %dma_start3A_16] : memref<163840x128xf32, #tpu.memory_space<hbm>> -> memref<128x128xf32, #tpu.memory_space<hbm>>
        %dma_start3A_18 = arith.constant 0 : i32
        %dma_start3A_19 = tpu.memref_slice %arg4[%mul3A_15, %dma_start3A_18] : memref<163840x128xf32, #tpu.memory_space<hbm>> -> memref<128x128xf32, #tpu.memory_space<hbm>>
        tpu.enqueue_dma source(%arg6 : memref<128x128xf32, #tpu.memory_space<vmem>>) target(%dma_start3A_19 : memref<128x128xf32, #tpu.memory_space<hbm>>) target_semaphore(%run_scoped3A : memref<!tpu.dma_semaphore, #tpu.memory_space<semaphore_mem>>)
        %dma_wait3A_20 = arith.constant 0 : i32
        %dma_wait3A_21 = tpu.memref_slice %arg4[%mul3A_15, %dma_wait3A_20] : memref<163840x128xf32, #tpu.memory_space<hbm>> -> memref<128x128xf32, #tpu.memory_space<hbm>>
        %dma_wait3A_22 = arith.constant 0 : i32
        %dma_wait3A_23 = tpu.memref_slice %arg4[%mul3A_15, %dma_wait3A_22] : memref<163840x128xf32, #tpu.memory_space<hbm>> -> memref<128x128xf32, #tpu.memory_space<hbm>>
        tpu.wait_dma2 semaphore(%run_scoped3A : memref<!tpu.dma_semaphore, #tpu.memory_space<semaphore_mem>>) src(%arg6 : memref<128x128xf32, #tpu.memory_space<vmem>>) dst(%dma_wait3A_23 : memref<128x128xf32, #tpu.memory_space<hbm>>)
        tpu.yield
      }) : () -> ()
    }
    %scan3A_7 = arith.constant 40 : i32
    return
  }
}

#map = affine_map<(d0, d1) -> (0, 0)>
module attributes {stable_mosaic.version = 14 : i64} {
  func.func @k(%arg0: i32, %arg1: i32, %arg2: memref<10000x128xf32, #tpu.memory_space<hbm>>, %arg3: memref<1280x128xi32, #tpu.memory_space<hbm>>, %arg4: memref<163840x128xf32, #tpu.memory_space<hbm>>, %arg5: memref<128xi32, #tpu.memory_space<vmem>>, %arg6: memref<128x128xf32, #tpu.memory_space<vmem>>, %arg7: memref<!tpu.dma_semaphore, #tpu.memory_space<semaphore_mem>>) attributes {dimension_semantics = [#tpu.dimension_semantics<core_parallel>, #tpu.dimension_semantics<subcore_parallel>], iteration_bounds = array<i64: 2, 16>, scalar_prefetch = 0 : i64, scratch_operands = 3 : i64, tpu.core_type = #tpu.core_type<sc_vector_subcore>, window_params = [{transform_indices = #map}, {transform_indices = #map}, {transform_indices = #map}]} {
    %mul3A = arith.constant 2 : i32
    %mul3A_0 = arith.muli %arg1, %mul3A : i32
    %add3A = arith.addi %mul3A_0, %arg0 : i32
    %mul3A_1 = arith.constant 40 : i32
    %mul3A_2 = arith.muli %add3A, %mul3A_1 : i32
    %scan3A = arith.constant 0 : i32
    %scan3A_3 = arith.constant 0 : i32
    %scan3A_4 = arith.constant 40 : i32
    %scan3A_5 = arith.addi %scan3A_3, %scan3A_4 : i32
    %scan3A_6 = arith.constant 1 : i32
    scf.for %scan3A_8 = %scan3A_3 to %scan3A_5 step %scan3A_6  : i32 {
      %add3A_9 = arith.addi %mul3A_2, %scan3A_8 : i32
      "tpu.region"() ({
        %run_scoped3A = tpu.sem_alloc : memref<!tpu.dma_semaphore, #tpu.memory_space<semaphore_mem>>
        %dma_start3A_16 = arith.constant 0 : i32
        %dma_start3A_17 = tpu.memref_slice %arg3[%add3A_9, %dma_start3A_16] : memref<1280x128xi32, #tpu.memory_space<hbm>> -> memref<1x128xi32, #tpu.memory_space<hbm>>
        %dma_start3A_18 = tpu.memref_squeeze %dma_start3A_17 : memref<1x128xi32, #tpu.memory_space<hbm>> -> memref<128xi32, #tpu.memory_space<hbm>>
        %dma_start3A_19 = arith.constant 0 : i32
        %dma_start3A_20 = tpu.memref_slice %arg3[%add3A_9, %dma_start3A_19] : memref<1280x128xi32, #tpu.memory_space<hbm>> -> memref<1x128xi32, #tpu.memory_space<hbm>>
        %dma_start3A_21 = tpu.memref_squeeze %dma_start3A_20 : memref<1x128xi32, #tpu.memory_space<hbm>> -> memref<128xi32, #tpu.memory_space<hbm>>
        tpu.enqueue_dma source(%dma_start3A_21 : memref<128xi32, #tpu.memory_space<hbm>>) target(%arg5 : memref<128xi32, #tpu.memory_space<vmem>>) target_semaphore(%run_scoped3A : memref<!tpu.dma_semaphore, #tpu.memory_space<semaphore_mem>>)
        %dma_wait3A_22 = arith.constant 0 : i32
        %dma_wait3A_23 = tpu.memref_slice %arg3[%add3A_9, %dma_wait3A_22] : memref<1280x128xi32, #tpu.memory_space<hbm>> -> memref<1x128xi32, #tpu.memory_space<hbm>>
        %dma_wait3A_24 = tpu.memref_squeeze %dma_wait3A_23 : memref<1x128xi32, #tpu.memory_space<hbm>> -> memref<128xi32, #tpu.memory_space<hbm>>
        %dma_wait3A_25 = arith.constant 0 : i32
        %dma_wait3A_26 = tpu.memref_slice %arg3[%add3A_9, %dma_wait3A_25] : memref<1280x128xi32, #tpu.memory_space<hbm>> -> memref<1x128xi32, #tpu.memory_space<hbm>>
        %dma_wait3A_27 = tpu.memref_squeeze %dma_wait3A_26 : memref<1x128xi32, #tpu.memory_space<hbm>> -> memref<128xi32, #tpu.memory_space<hbm>>
        tpu.wait_dma2 semaphore(%run_scoped3A : memref<!tpu.dma_semaphore, #tpu.memory_space<semaphore_mem>>) src(%dma_wait3A_27 : memref<128xi32, #tpu.memory_space<hbm>>) dst(%arg5 : memref<128xi32, #tpu.memory_space<vmem>>)
        tpu.yield
      }) : () -> ()
      %dma_start3A = arith.constant 0 : i32
      %dma_start3A_10 = arith.constant 0 : i32
      %dma_start3A_11 = tpu.memref_slice %arg2[%dma_start3A, %dma_start3A_10] : memref<10000x128xf32, #tpu.memory_space<hbm>> -> memref<10000x128xf32, #tpu.memory_space<hbm>>
      tpu.enqueue_indirect_dma source(%dma_start3A_11 : memref<10000x128xf32, #tpu.memory_space<hbm>>) target(%arg6 : memref<128x128xf32, #tpu.memory_space<vmem>>) offsets(%arg5 : memref<128xi32, #tpu.memory_space<vmem>>) semaphore(%arg7 : memref<!tpu.dma_semaphore, #tpu.memory_space<semaphore_mem>>)
      %dma_wait3A = arith.constant 0 : i32
      %dma_wait3A_12 = arith.constant 0 : i32
      %dma_wait3A_13 = tpu.memref_slice %arg2[%dma_wait3A, %dma_wait3A_12] : memref<10000x128xf32, #tpu.memory_space<hbm>> -> memref<10000x128xf32, #tpu.memory_space<hbm>>
      tpu.wait_indirect_dma semaphore(%arg7 : memref<!tpu.dma_semaphore, #tpu.memory_space<semaphore_mem>>) src(%dma_wait3A_13 : memref<10000x128xf32, #tpu.memory_space<hbm>>) dst(%arg6 : memref<128x128xf32, #tpu.memory_space<vmem>>)
      %mul3A_14 = arith.constant 128 : i32
      %mul3A_15 = arith.muli %add3A_9, %mul3A_14 : i32
      "tpu.region"() ({
        %run_scoped3A = tpu.sem_alloc : memref<!tpu.dma_semaphore, #tpu.memory_space<semaphore_mem>>
        %dma_start3A_16 = arith.constant 0 : i32
        %dma_start3A_17 = tpu.memref_slice %arg4[%mul3A_15, %dma_start3A_16] : memref<163840x128xf32, #tpu.memory_space<hbm>> -> memref<128x128xf32, #tpu.memory_space<hbm>>
        %dma_start3A_18 = arith.constant 0 : i32
        %dma_start3A_19 = tpu.memref_slice %arg4[%mul3A_15, %dma_start3A_18] : memref<163840x128xf32, #tpu.memory_space<hbm>> -> memref<128x128xf32, #tpu.memory_space<hbm>>
        tpu.enqueue_dma source(%arg6 : memref<128x128xf32, #tpu.memory_space<vmem>>) target(%dma_start3A_19 : memref<128x128xf32, #tpu.memory_space<hbm>>) target_semaphore(%run_scoped3A : memref<!tpu.dma_semaphore, #tpu.memory_space<semaphore_mem>>)
        %dma_wait3A_20 = arith.constant 0 : i32
        %dma_wait3A_21 = tpu.memref_slice %arg4[%mul3A_15, %dma_wait3A_20] : memref<163840x128xf32, #tpu.memory_space<hbm>> -> memref<128x128xf32, #tpu.memory_space<hbm>>
        %dma_wait3A_22 = arith.constant 0 : i32
        %dma_wait3A_23 = tpu.memref_slice %arg4[%mul3A_15, %dma_wait3A_22] : memref<163840x128xf32, #tpu.memory_space<hbm>> -> memref<128x128xf32, #tpu.memory_space<hbm>>
        tpu.wait_dma2 semaphore(%run_scoped3A : memref<!tpu.dma_semaphore, #tpu.memory_space<semaphore_mem>>) src(%arg6 : memref<128x128xf32, #tpu.memory_space<vmem>>) dst(%dma_wait3A_23 : memref<128x128xf32, #tpu.memory_space<hbm>>)
        tpu.yield
      }) : () -> ()
    }
    %scan3A_7 = arith.constant 40 : i32
    return
  }
}

#map = affine_map<(d0, d1) -> (0, 0)>
#map1 = affine_map<(d0, d1) -> (0, 0, 0)>
module attributes {stable_mosaic.version = 14 : i64} {
  func.func @k(%arg0: i32, %arg1: i32, %arg2: memref<163840x128xf32, #tpu.memory_space<hbm>>, %arg3: memref<1280x128xi32, #tpu.memory_space<hbm>>, %arg4: memref<632x128xf32, #tpu.memory_space<hbm>>, %arg5: memref<2x10112x128xf32, #tpu.memory_space<hbm>>, %arg6: memref<128xi32, #tpu.memory_space<vmem>>, %arg7: memref<128x128xf32, #tpu.memory_space<vmem>>, %arg8: memref<10112x128xf32, #tpu.memory_space<vmem_shared>>, %arg9: memref<!tpu.dma_semaphore, #tpu.memory_space<semaphore_mem>>) attributes {dimension_semantics = [#tpu.dimension_semantics<core_parallel>, #tpu.dimension_semantics<subcore_parallel>], iteration_bounds = array<i64: 2, 16>, scalar_prefetch = 0 : i64, scratch_operands = 4 : i64, tpu.core_type = #tpu.core_type<sc_vector_subcore>, window_params = [{transform_indices = #map}, {transform_indices = #map}, {transform_indices = #map}, {transform_indices = #map1}]} {
    %mul3A = arith.constant 2 : i32
    %mul3A_0 = arith.muli %arg1, %mul3A : i32
    %add3A = arith.addi %mul3A_0, %arg0 : i32
    %mul3A_1 = arith.constant 632 : i32
    %mul3A_2 = arith.muli %arg1, %mul3A_1 : i32
    "tpu.region"() ({
      %run_scoped3A = tpu.sem_alloc : memref<!tpu.dma_semaphore, #tpu.memory_space<semaphore_mem>>
      %dma_start3A = arith.constant 0 : i32
      %dma_start3A_15 = tpu.memref_slice %arg8[%mul3A_2, %dma_start3A] : memref<10112x128xf32, #tpu.memory_space<vmem_shared>> -> memref<632x128xf32, #tpu.memory_space<vmem_shared>>
      tpu.enqueue_dma source(%arg4 : memref<632x128xf32, #tpu.memory_space<hbm>>) target(%dma_start3A_15 : memref<632x128xf32, #tpu.memory_space<vmem_shared>>) target_semaphore(%run_scoped3A : memref<!tpu.dma_semaphore, #tpu.memory_space<semaphore_mem>>)
      %dma_wait3A = arith.constant 0 : i32
      %dma_wait3A_16 = tpu.memref_slice %arg8[%mul3A_2, %dma_wait3A] : memref<10112x128xf32, #tpu.memory_space<vmem_shared>> -> memref<632x128xf32, #tpu.memory_space<vmem_shared>>
      tpu.wait_dma2 semaphore(%run_scoped3A : memref<!tpu.dma_semaphore, #tpu.memory_space<semaphore_mem>>) src(%arg4 : memref<632x128xf32, #tpu.memory_space<hbm>>) dst(%dma_wait3A_16 : memref<632x128xf32, #tpu.memory_space<vmem_shared>>)
      tpu.yield
    }) : () -> ()
    %barrier3A = arith.constant 0 : index
    tpu.barrier barrier_id(%barrier3A)
    %mul3A_3 = arith.constant 40 : i32
    %mul3A_4 = arith.muli %add3A, %mul3A_3 : i32
    %scan3A = arith.constant 0 : i32
    %scan3A_5 = arith.constant 0 : i32
    %scan3A_6 = arith.constant 40 : i32
    %scan3A_7 = arith.addi %scan3A_5, %scan3A_6 : i32
    %scan3A_8 = arith.constant 1 : i32
    scf.for %scan3A_15 = %scan3A_5 to %scan3A_7 step %scan3A_8  : i32 {
      %add3A_16 = arith.addi %mul3A_4, %scan3A_15 : i32
      "tpu.region"() ({
        %run_scoped3A = tpu.sem_alloc : memref<!tpu.dma_semaphore, #tpu.memory_space<semaphore_mem>>
        %dma_start3A = arith.constant 0 : i32
        %dma_start3A_19 = tpu.memref_slice %arg3[%add3A_16, %dma_start3A] : memref<1280x128xi32, #tpu.memory_space<hbm>> -> memref<1x128xi32, #tpu.memory_space<hbm>>
        %dma_start3A_20 = tpu.memref_squeeze %dma_start3A_19 : memref<1x128xi32, #tpu.memory_space<hbm>> -> memref<128xi32, #tpu.memory_space<hbm>>
        %dma_start3A_21 = arith.constant 0 : i32
        %dma_start3A_22 = tpu.memref_slice %arg3[%add3A_16, %dma_start3A_21] : memref<1280x128xi32, #tpu.memory_space<hbm>> -> memref<1x128xi32, #tpu.memory_space<hbm>>
        %dma_start3A_23 = tpu.memref_squeeze %dma_start3A_22 : memref<1x128xi32, #tpu.memory_space<hbm>> -> memref<128xi32, #tpu.memory_space<hbm>>
        tpu.enqueue_dma source(%dma_start3A_23 : memref<128xi32, #tpu.memory_space<hbm>>) target(%arg6 : memref<128xi32, #tpu.memory_space<vmem>>) target_semaphore(%run_scoped3A : memref<!tpu.dma_semaphore, #tpu.memory_space<semaphore_mem>>)
        %dma_wait3A = arith.constant 0 : i32
        %dma_wait3A_24 = tpu.memref_slice %arg3[%add3A_16, %dma_wait3A] : memref<1280x128xi32, #tpu.memory_space<hbm>> -> memref<1x128xi32, #tpu.memory_space<hbm>>
        %dma_wait3A_25 = tpu.memref_squeeze %dma_wait3A_24 : memref<1x128xi32, #tpu.memory_space<hbm>> -> memref<128xi32, #tpu.memory_space<hbm>>
        %dma_wait3A_26 = arith.constant 0 : i32
        %dma_wait3A_27 = tpu.memref_slice %arg3[%add3A_16, %dma_wait3A_26] : memref<1280x128xi32, #tpu.memory_space<hbm>> -> memref<1x128xi32, #tpu.memory_space<hbm>>
        %dma_wait3A_28 = tpu.memref_squeeze %dma_wait3A_27 : memref<1x128xi32, #tpu.memory_space<hbm>> -> memref<128xi32, #tpu.memory_space<hbm>>
        tpu.wait_dma2 semaphore(%run_scoped3A : memref<!tpu.dma_semaphore, #tpu.memory_space<semaphore_mem>>) src(%dma_wait3A_28 : memref<128xi32, #tpu.memory_space<hbm>>) dst(%arg6 : memref<128xi32, #tpu.memory_space<vmem>>)
        tpu.yield
      }) : () -> ()
      %mul3A_17 = arith.constant 128 : i32
      %mul3A_18 = arith.muli %add3A_16, %mul3A_17 : i32
      "tpu.region"() ({
        %run_scoped3A = tpu.sem_alloc : memref<!tpu.dma_semaphore, #tpu.memory_space<semaphore_mem>>
        %dma_start3A = arith.constant 0 : i32
        %dma_start3A_19 = tpu.memref_slice %arg2[%mul3A_18, %dma_start3A] : memref<163840x128xf32, #tpu.memory_space<hbm>> -> memref<128x128xf32, #tpu.memory_space<hbm>>
        %dma_start3A_20 = arith.constant 0 : i32
        %dma_start3A_21 = tpu.memref_slice %arg2[%mul3A_18, %dma_start3A_20] : memref<163840x128xf32, #tpu.memory_space<hbm>> -> memref<128x128xf32, #tpu.memory_space<hbm>>
        tpu.enqueue_dma source(%dma_start3A_21 : memref<128x128xf32, #tpu.memory_space<hbm>>) target(%arg7 : memref<128x128xf32, #tpu.memory_space<vmem>>) target_semaphore(%run_scoped3A : memref<!tpu.dma_semaphore, #tpu.memory_space<semaphore_mem>>)
        %dma_wait3A = arith.constant 0 : i32
        %dma_wait3A_22 = tpu.memref_slice %arg2[%mul3A_18, %dma_wait3A] : memref<163840x128xf32, #tpu.memory_space<hbm>> -> memref<128x128xf32, #tpu.memory_space<hbm>>
        %dma_wait3A_23 = arith.constant 0 : i32
        %dma_wait3A_24 = tpu.memref_slice %arg2[%mul3A_18, %dma_wait3A_23] : memref<163840x128xf32, #tpu.memory_space<hbm>> -> memref<128x128xf32, #tpu.memory_space<hbm>>
        tpu.wait_dma2 semaphore(%run_scoped3A : memref<!tpu.dma_semaphore, #tpu.memory_space<semaphore_mem>>) src(%dma_wait3A_24 : memref<128x128xf32, #tpu.memory_space<hbm>>) dst(%arg7 : memref<128x128xf32, #tpu.memory_space<vmem>>)
        tpu.yield
      }) : () -> ()
      "tpu.region"() ({
        %run_scoped3A = tpu.sem_alloc : memref<!tpu.dma_semaphore, #tpu.memory_space<semaphore_mem>>
        %dma_start3A = arith.constant 0 : i32
        %dma_start3A_19 = arith.constant 0 : i32
        %dma_start3A_20 = tpu.memref_slice %arg8[%dma_start3A, %dma_start3A_19] : memref<10112x128xf32, #tpu.memory_space<vmem_shared>> -> memref<10112x128xf32, #tpu.memory_space<vmem_shared>>
        tpu.enqueue_indirect_dma source(%arg7 : memref<128x128xf32, #tpu.memory_space<vmem>>) target(%dma_start3A_20 : memref<10112x128xf32, #tpu.memory_space<vmem_shared>>) offsets(%arg6 : memref<128xi32, #tpu.memory_space<vmem>>) semaphore(%run_scoped3A : memref<!tpu.dma_semaphore, #tpu.memory_space<semaphore_mem>>) {add = true}
        %dma_wait3A = arith.constant 0 : i32
        %dma_wait3A_21 = arith.constant 0 : i32
        %dma_wait3A_22 = tpu.memref_slice %arg8[%dma_wait3A, %dma_wait3A_21] : memref<10112x128xf32, #tpu.memory_space<vmem_shared>> -> memref<10112x128xf32, #tpu.memory_space<vmem_shared>>
        tpu.wait_indirect_dma semaphore(%run_scoped3A : memref<!tpu.dma_semaphore, #tpu.memory_space<semaphore_mem>>) src(%arg7 : memref<128x128xf32, #tpu.memory_space<vmem>>) dst(%dma_wait3A_22 : memref<10112x128xf32, #tpu.memory_space<vmem_shared>>)
        tpu.yield
      }) : () -> ()
    }
    %scan3A_9 = arith.constant 40 : i32
    %barrier3A_10 = arith.constant 0 : index
    tpu.barrier barrier_id(%barrier3A_10)
    %mul3A_11 = arith.constant 632 : i32
    %mul3A_12 = arith.muli %arg1, %mul3A_11 : i32
    %mul3A_13 = arith.constant 632 : i32
    %mul3A_14 = arith.muli %arg1, %mul3A_13 : i32
    "tpu.region"() ({
      %run_scoped3A = tpu.sem_alloc : memref<!tpu.dma_semaphore, #tpu.memory_space<semaphore_mem>>
      %dma_start3A = arith.constant 0 : i32
      %dma_start3A_15 = tpu.memref_slice %arg5[%arg0, %mul3A_14, %dma_start3A] : memref<2x10112x128xf32, #tpu.memory_space<hbm>> -> memref<1x632x128xf32, #tpu.memory_space<hbm>>
      %dma_start3A_16 = tpu.memref_squeeze %dma_start3A_15 : memref<1x632x128xf32, #tpu.memory_space<hbm>> -> memref<632x128xf32, #tpu.memory_space<hbm>>
      %dma_start3A_17 = arith.constant 0 : i32
      %dma_start3A_18 = tpu.memref_slice %arg8[%mul3A_12, %dma_start3A_17] : memref<10112x128xf32, #tpu.memory_space<vmem_shared>> -> memref<632x128xf32, #tpu.memory_space<vmem_shared>>
      tpu.enqueue_dma source(%dma_start3A_18 : memref<632x128xf32, #tpu.memory_space<vmem_shared>>) target(%dma_start3A_16 : memref<632x128xf32, #tpu.memory_space<hbm>>) target_semaphore(%run_scoped3A : memref<!tpu.dma_semaphore, #tpu.memory_space<semaphore_mem>>)
      %dma_wait3A = arith.constant 0 : i32
      %dma_wait3A_19 = tpu.memref_slice %arg5[%arg0, %mul3A_14, %dma_wait3A] : memref<2x10112x128xf32, #tpu.memory_space<hbm>> -> memref<1x632x128xf32, #tpu.memory_space<hbm>>
      %dma_wait3A_20 = tpu.memref_squeeze %dma_wait3A_19 : memref<1x632x128xf32, #tpu.memory_space<hbm>> -> memref<632x128xf32, #tpu.memory_space<hbm>>
      %dma_wait3A_21 = arith.constant 0 : i32
      %dma_wait3A_22 = tpu.memref_slice %arg8[%mul3A_12, %dma_wait3A_21] : memref<10112x128xf32, #tpu.memory_space<vmem_shared>> -> memref<632x128xf32, #tpu.memory_space<vmem_shared>>
      tpu.wait_dma2 semaphore(%run_scoped3A : memref<!tpu.dma_semaphore, #tpu.memory_space<semaphore_mem>>) src(%dma_wait3A_22 : memref<632x128xf32, #tpu.memory_space<vmem_shared>>) dst(%dma_wait3A_20 : memref<632x128xf32, #tpu.memory_space<hbm>>)
      tpu.yield
    }) : () -> ()
    return
  }
}

#map = affine_map<(d0, d1) -> (0, 0)>
module attributes {stable_mosaic.version = 14 : i64} {
  func.func @k(%arg0: i32, %arg1: i32, %arg2: memref<10000x128xf32, #tpu.memory_space<hbm>>, %arg3: memref<1280x128xi32, #tpu.memory_space<hbm>>, %arg4: memref<163840x128xf32, #tpu.memory_space<hbm>>, %arg5: memref<128xi32, #tpu.memory_space<vmem>>, %arg6: memref<128x128xf32, #tpu.memory_space<vmem>>, %arg7: memref<!tpu.dma_semaphore, #tpu.memory_space<semaphore_mem>>) attributes {dimension_semantics = [#tpu.dimension_semantics<core_parallel>, #tpu.dimension_semantics<subcore_parallel>], iteration_bounds = array<i64: 2, 16>, scalar_prefetch = 0 : i64, scratch_operands = 3 : i64, tpu.core_type = #tpu.core_type<sc_vector_subcore>, window_params = [{transform_indices = #map}, {transform_indices = #map}, {transform_indices = #map}]} {
    %mul3A = arith.constant 2 : i32
    %mul3A_0 = arith.muli %arg1, %mul3A : i32
    %add3A = arith.addi %mul3A_0, %arg0 : i32
    %mul3A_1 = arith.constant 40 : i32
    %mul3A_2 = arith.muli %add3A, %mul3A_1 : i32
    %scan3A = arith.constant 0 : i32
    %scan3A_3 = arith.constant 0 : i32
    %scan3A_4 = arith.constant 40 : i32
    %scan3A_5 = arith.addi %scan3A_3, %scan3A_4 : i32
    %scan3A_6 = arith.constant 1 : i32
    scf.for %scan3A_8 = %scan3A_3 to %scan3A_5 step %scan3A_6  : i32 {
      %add3A_9 = arith.addi %mul3A_2, %scan3A_8 : i32
      "tpu.region"() ({
        %run_scoped3A = tpu.sem_alloc : memref<!tpu.dma_semaphore, #tpu.memory_space<semaphore_mem>>
        %dma_start3A_16 = arith.constant 0 : i32
        %dma_start3A_17 = tpu.memref_slice %arg3[%add3A_9, %dma_start3A_16] : memref<1280x128xi32, #tpu.memory_space<hbm>> -> memref<1x128xi32, #tpu.memory_space<hbm>>
        %dma_start3A_18 = tpu.memref_squeeze %dma_start3A_17 : memref<1x128xi32, #tpu.memory_space<hbm>> -> memref<128xi32, #tpu.memory_space<hbm>>
        %dma_start3A_19 = arith.constant 0 : i32
        %dma_start3A_20 = tpu.memref_slice %arg3[%add3A_9, %dma_start3A_19] : memref<1280x128xi32, #tpu.memory_space<hbm>> -> memref<1x128xi32, #tpu.memory_space<hbm>>
        %dma_start3A_21 = tpu.memref_squeeze %dma_start3A_20 : memref<1x128xi32, #tpu.memory_space<hbm>> -> memref<128xi32, #tpu.memory_space<hbm>>
        tpu.enqueue_dma source(%dma_start3A_21 : memref<128xi32, #tpu.memory_space<hbm>>) target(%arg5 : memref<128xi32, #tpu.memory_space<vmem>>) target_semaphore(%run_scoped3A : memref<!tpu.dma_semaphore, #tpu.memory_space<semaphore_mem>>)
        %dma_wait3A_22 = arith.constant 0 : i32
        %dma_wait3A_23 = tpu.memref_slice %arg3[%add3A_9, %dma_wait3A_22] : memref<1280x128xi32, #tpu.memory_space<hbm>> -> memref<1x128xi32, #tpu.memory_space<hbm>>
        %dma_wait3A_24 = tpu.memref_squeeze %dma_wait3A_23 : memref<1x128xi32, #tpu.memory_space<hbm>> -> memref<128xi32, #tpu.memory_space<hbm>>
        %dma_wait3A_25 = arith.constant 0 : i32
        %dma_wait3A_26 = tpu.memref_slice %arg3[%add3A_9, %dma_wait3A_25] : memref<1280x128xi32, #tpu.memory_space<hbm>> -> memref<1x128xi32, #tpu.memory_space<hbm>>
        %dma_wait3A_27 = tpu.memref_squeeze %dma_wait3A_26 : memref<1x128xi32, #tpu.memory_space<hbm>> -> memref<128xi32, #tpu.memory_space<hbm>>
        tpu.wait_dma2 semaphore(%run_scoped3A : memref<!tpu.dma_semaphore, #tpu.memory_space<semaphore_mem>>) src(%dma_wait3A_27 : memref<128xi32, #tpu.memory_space<hbm>>) dst(%arg5 : memref<128xi32, #tpu.memory_space<vmem>>)
        tpu.yield
      }) : () -> ()
      %dma_start3A = arith.constant 0 : i32
      %dma_start3A_10 = arith.constant 0 : i32
      %dma_start3A_11 = tpu.memref_slice %arg2[%dma_start3A, %dma_start3A_10] : memref<10000x128xf32, #tpu.memory_space<hbm>> -> memref<10000x128xf32, #tpu.memory_space<hbm>>
      tpu.enqueue_indirect_dma source(%dma_start3A_11 : memref<10000x128xf32, #tpu.memory_space<hbm>>) target(%arg6 : memref<128x128xf32, #tpu.memory_space<vmem>>) offsets(%arg5 : memref<128xi32, #tpu.memory_space<vmem>>) semaphore(%arg7 : memref<!tpu.dma_semaphore, #tpu.memory_space<semaphore_mem>>)
      %dma_wait3A = arith.constant 0 : i32
      %dma_wait3A_12 = arith.constant 0 : i32
      %dma_wait3A_13 = tpu.memref_slice %arg2[%dma_wait3A, %dma_wait3A_12] : memref<10000x128xf32, #tpu.memory_space<hbm>> -> memref<10000x128xf32, #tpu.memory_space<hbm>>
      tpu.wait_indirect_dma semaphore(%arg7 : memref<!tpu.dma_semaphore, #tpu.memory_space<semaphore_mem>>) src(%dma_wait3A_13 : memref<10000x128xf32, #tpu.memory_space<hbm>>) dst(%arg6 : memref<128x128xf32, #tpu.memory_space<vmem>>)
      %mul3A_14 = arith.constant 128 : i32
      %mul3A_15 = arith.muli %add3A_9, %mul3A_14 : i32
      "tpu.region"() ({
        %run_scoped3A = tpu.sem_alloc : memref<!tpu.dma_semaphore, #tpu.memory_space<semaphore_mem>>
        %dma_start3A_16 = arith.constant 0 : i32
        %dma_start3A_17 = tpu.memref_slice %arg4[%mul3A_15, %dma_start3A_16] : memref<163840x128xf32, #tpu.memory_space<hbm>> -> memref<128x128xf32, #tpu.memory_space<hbm>>
        %dma_start3A_18 = arith.constant 0 : i32
        %dma_start3A_19 = tpu.memref_slice %arg4[%mul3A_15, %dma_start3A_18] : memref<163840x128xf32, #tpu.memory_space<hbm>> -> memref<128x128xf32, #tpu.memory_space<hbm>>
        tpu.enqueue_dma source(%arg6 : memref<128x128xf32, #tpu.memory_space<vmem>>) target(%dma_start3A_19 : memref<128x128xf32, #tpu.memory_space<hbm>>) target_semaphore(%run_scoped3A : memref<!tpu.dma_semaphore, #tpu.memory_space<semaphore_mem>>)
        %dma_wait3A_20 = arith.constant 0 : i32
        %dma_wait3A_21 = tpu.memref_slice %arg4[%mul3A_15, %dma_wait3A_20] : memref<163840x128xf32, #tpu.memory_space<hbm>> -> memref<128x128xf32, #tpu.memory_space<hbm>>
        %dma_wait3A_22 = arith.constant 0 : i32
        %dma_wait3A_23 = tpu.memref_slice %arg4[%mul3A_15, %dma_wait3A_22] : memref<163840x128xf32, #tpu.memory_space<hbm>> -> memref<128x128xf32, #tpu.memory_space<hbm>>
        tpu.wait_dma2 semaphore(%run_scoped3A : memref<!tpu.dma_semaphore, #tpu.memory_space<semaphore_mem>>) src(%arg6 : memref<128x128xf32, #tpu.memory_space<vmem>>) dst(%dma_wait3A_23 : memref<128x128xf32, #tpu.memory_space<hbm>>)
        tpu.yield
      }) : () -> ()
    }
    %scan3A_7 = arith.constant 40 : i32
    return
  }
}

#map = affine_map<(d0, d1) -> (0, 0)>
#map1 = affine_map<(d0, d1) -> (0, 0, 0)>
module attributes {stable_mosaic.version = 14 : i64} {
  func.func @k(%arg0: i32, %arg1: i32, %arg2: memref<163840x128xf32, #tpu.memory_space<hbm>>, %arg3: memref<1280x128xi32, #tpu.memory_space<hbm>>, %arg4: memref<632x128xf32, #tpu.memory_space<hbm>>, %arg5: memref<2x10112x128xf32, #tpu.memory_space<hbm>>, %arg6: memref<128xi32, #tpu.memory_space<vmem>>, %arg7: memref<128x128xf32, #tpu.memory_space<vmem>>, %arg8: memref<10112x128xf32, #tpu.memory_space<vmem_shared>>, %arg9: memref<!tpu.dma_semaphore, #tpu.memory_space<semaphore_mem>>) attributes {dimension_semantics = [#tpu.dimension_semantics<core_parallel>, #tpu.dimension_semantics<subcore_parallel>], iteration_bounds = array<i64: 2, 16>, scalar_prefetch = 0 : i64, scratch_operands = 4 : i64, tpu.core_type = #tpu.core_type<sc_vector_subcore>, window_params = [{transform_indices = #map}, {transform_indices = #map}, {transform_indices = #map}, {transform_indices = #map1}]} {
    %mul3A = arith.constant 2 : i32
    %mul3A_0 = arith.muli %arg1, %mul3A : i32
    %add3A = arith.addi %mul3A_0, %arg0 : i32
    %mul3A_1 = arith.constant 632 : i32
    %mul3A_2 = arith.muli %arg1, %mul3A_1 : i32
    "tpu.region"() ({
      %run_scoped3A = tpu.sem_alloc : memref<!tpu.dma_semaphore, #tpu.memory_space<semaphore_mem>>
      %dma_start3A = arith.constant 0 : i32
      %dma_start3A_15 = tpu.memref_slice %arg8[%mul3A_2, %dma_start3A] : memref<10112x128xf32, #tpu.memory_space<vmem_shared>> -> memref<632x128xf32, #tpu.memory_space<vmem_shared>>
      tpu.enqueue_dma source(%arg4 : memref<632x128xf32, #tpu.memory_space<hbm>>) target(%dma_start3A_15 : memref<632x128xf32, #tpu.memory_space<vmem_shared>>) target_semaphore(%run_scoped3A : memref<!tpu.dma_semaphore, #tpu.memory_space<semaphore_mem>>)
      %dma_wait3A = arith.constant 0 : i32
      %dma_wait3A_16 = tpu.memref_slice %arg8[%mul3A_2, %dma_wait3A] : memref<10112x128xf32, #tpu.memory_space<vmem_shared>> -> memref<632x128xf32, #tpu.memory_space<vmem_shared>>
      tpu.wait_dma2 semaphore(%run_scoped3A : memref<!tpu.dma_semaphore, #tpu.memory_space<semaphore_mem>>) src(%arg4 : memref<632x128xf32, #tpu.memory_space<hbm>>) dst(%dma_wait3A_16 : memref<632x128xf32, #tpu.memory_space<vmem_shared>>)
      tpu.yield
    }) : () -> ()
    %barrier3A = arith.constant 0 : index
    tpu.barrier barrier_id(%barrier3A)
    %mul3A_3 = arith.constant 40 : i32
    %mul3A_4 = arith.muli %add3A, %mul3A_3 : i32
    %scan3A = arith.constant 0 : i32
    %scan3A_5 = arith.constant 0 : i32
    %scan3A_6 = arith.constant 40 : i32
    %scan3A_7 = arith.addi %scan3A_5, %scan3A_6 : i32
    %scan3A_8 = arith.constant 1 : i32
    scf.for %scan3A_15 = %scan3A_5 to %scan3A_7 step %scan3A_8  : i32 {
      %add3A_16 = arith.addi %mul3A_4, %scan3A_15 : i32
      "tpu.region"() ({
        %run_scoped3A = tpu.sem_alloc : memref<!tpu.dma_semaphore, #tpu.memory_space<semaphore_mem>>
        %dma_start3A = arith.constant 0 : i32
        %dma_start3A_19 = tpu.memref_slice %arg3[%add3A_16, %dma_start3A] : memref<1280x128xi32, #tpu.memory_space<hbm>> -> memref<1x128xi32, #tpu.memory_space<hbm>>
        %dma_start3A_20 = tpu.memref_squeeze %dma_start3A_19 : memref<1x128xi32, #tpu.memory_space<hbm>> -> memref<128xi32, #tpu.memory_space<hbm>>
        %dma_start3A_21 = arith.constant 0 : i32
        %dma_start3A_22 = tpu.memref_slice %arg3[%add3A_16, %dma_start3A_21] : memref<1280x128xi32, #tpu.memory_space<hbm>> -> memref<1x128xi32, #tpu.memory_space<hbm>>
        %dma_start3A_23 = tpu.memref_squeeze %dma_start3A_22 : memref<1x128xi32, #tpu.memory_space<hbm>> -> memref<128xi32, #tpu.memory_space<hbm>>
        tpu.enqueue_dma source(%dma_start3A_23 : memref<128xi32, #tpu.memory_space<hbm>>) target(%arg6 : memref<128xi32, #tpu.memory_space<vmem>>) target_semaphore(%run_scoped3A : memref<!tpu.dma_semaphore, #tpu.memory_space<semaphore_mem>>)
        %dma_wait3A = arith.constant 0 : i32
        %dma_wait3A_24 = tpu.memref_slice %arg3[%add3A_16, %dma_wait3A] : memref<1280x128xi32, #tpu.memory_space<hbm>> -> memref<1x128xi32, #tpu.memory_space<hbm>>
        %dma_wait3A_25 = tpu.memref_squeeze %dma_wait3A_24 : memref<1x128xi32, #tpu.memory_space<hbm>> -> memref<128xi32, #tpu.memory_space<hbm>>
        %dma_wait3A_26 = arith.constant 0 : i32
        %dma_wait3A_27 = tpu.memref_slice %arg3[%add3A_16, %dma_wait3A_26] : memref<1280x128xi32, #tpu.memory_space<hbm>> -> memref<1x128xi32, #tpu.memory_space<hbm>>
        %dma_wait3A_28 = tpu.memref_squeeze %dma_wait3A_27 : memref<1x128xi32, #tpu.memory_space<hbm>> -> memref<128xi32, #tpu.memory_space<hbm>>
        tpu.wait_dma2 semaphore(%run_scoped3A : memref<!tpu.dma_semaphore, #tpu.memory_space<semaphore_mem>>) src(%dma_wait3A_28 : memref<128xi32, #tpu.memory_space<hbm>>) dst(%arg6 : memref<128xi32, #tpu.memory_space<vmem>>)
        tpu.yield
      }) : () -> ()
      %mul3A_17 = arith.constant 128 : i32
      %mul3A_18 = arith.muli %add3A_16, %mul3A_17 : i32
      "tpu.region"() ({
        %run_scoped3A = tpu.sem_alloc : memref<!tpu.dma_semaphore, #tpu.memory_space<semaphore_mem>>
        %dma_start3A = arith.constant 0 : i32
        %dma_start3A_19 = tpu.memref_slice %arg2[%mul3A_18, %dma_start3A] : memref<163840x128xf32, #tpu.memory_space<hbm>> -> memref<128x128xf32, #tpu.memory_space<hbm>>
        %dma_start3A_20 = arith.constant 0 : i32
        %dma_start3A_21 = tpu.memref_slice %arg2[%mul3A_18, %dma_start3A_20] : memref<163840x128xf32, #tpu.memory_space<hbm>> -> memref<128x128xf32, #tpu.memory_space<hbm>>
        tpu.enqueue_dma source(%dma_start3A_21 : memref<128x128xf32, #tpu.memory_space<hbm>>) target(%arg7 : memref<128x128xf32, #tpu.memory_space<vmem>>) target_semaphore(%run_scoped3A : memref<!tpu.dma_semaphore, #tpu.memory_space<semaphore_mem>>)
        %dma_wait3A = arith.constant 0 : i32
        %dma_wait3A_22 = tpu.memref_slice %arg2[%mul3A_18, %dma_wait3A] : memref<163840x128xf32, #tpu.memory_space<hbm>> -> memref<128x128xf32, #tpu.memory_space<hbm>>
        %dma_wait3A_23 = arith.constant 0 : i32
        %dma_wait3A_24 = tpu.memref_slice %arg2[%mul3A_18, %dma_wait3A_23] : memref<163840x128xf32, #tpu.memory_space<hbm>> -> memref<128x128xf32, #tpu.memory_space<hbm>>
        tpu.wait_dma2 semaphore(%run_scoped3A : memref<!tpu.dma_semaphore, #tpu.memory_space<semaphore_mem>>) src(%dma_wait3A_24 : memref<128x128xf32, #tpu.memory_space<hbm>>) dst(%arg7 : memref<128x128xf32, #tpu.memory_space<vmem>>)
        tpu.yield
      }) : () -> ()
      "tpu.region"() ({
        %run_scoped3A = tpu.sem_alloc : memref<!tpu.dma_semaphore, #tpu.memory_space<semaphore_mem>>
        %dma_start3A = arith.constant 0 : i32
        %dma_start3A_19 = arith.constant 0 : i32
        %dma_start3A_20 = tpu.memref_slice %arg8[%dma_start3A, %dma_start3A_19] : memref<10112x128xf32, #tpu.memory_space<vmem_shared>> -> memref<10112x128xf32, #tpu.memory_space<vmem_shared>>
        tpu.enqueue_indirect_dma source(%arg7 : memref<128x128xf32, #tpu.memory_space<vmem>>) target(%dma_start3A_20 : memref<10112x128xf32, #tpu.memory_space<vmem_shared>>) offsets(%arg6 : memref<128xi32, #tpu.memory_space<vmem>>) semaphore(%run_scoped3A : memref<!tpu.dma_semaphore, #tpu.memory_space<semaphore_mem>>) {add = true}
        %dma_wait3A = arith.constant 0 : i32
        %dma_wait3A_21 = arith.constant 0 : i32
        %dma_wait3A_22 = tpu.memref_slice %arg8[%dma_wait3A, %dma_wait3A_21] : memref<10112x128xf32, #tpu.memory_space<vmem_shared>> -> memref<10112x128xf32, #tpu.memory_space<vmem_shared>>
        tpu.wait_indirect_dma semaphore(%run_scoped3A : memref<!tpu.dma_semaphore, #tpu.memory_space<semaphore_mem>>) src(%arg7 : memref<128x128xf32, #tpu.memory_space<vmem>>) dst(%dma_wait3A_22 : memref<10112x128xf32, #tpu.memory_space<vmem_shared>>)
        tpu.yield
      }) : () -> ()
    }
    %scan3A_9 = arith.constant 40 : i32
    %barrier3A_10 = arith.constant 0 : index
    tpu.barrier barrier_id(%barrier3A_10)
    %mul3A_11 = arith.constant 632 : i32
    %mul3A_12 = arith.muli %arg1, %mul3A_11 : i32
    %mul3A_13 = arith.constant 632 : i32
    %mul3A_14 = arith.muli %arg1, %mul3A_13 : i32
    "tpu.region"() ({
      %run_scoped3A = tpu.sem_alloc : memref<!tpu.dma_semaphore, #tpu.memory_space<semaphore_mem>>
      %dma_start3A = arith.constant 0 : i32
      %dma_start3A_15 = tpu.memref_slice %arg5[%arg0, %mul3A_14, %dma_start3A] : memref<2x10112x128xf32, #tpu.memory_space<hbm>> -> memref<1x632x128xf32, #tpu.memory_space<hbm>>
      %dma_start3A_16 = tpu.memref_squeeze %dma_start3A_15 : memref<1x632x128xf32, #tpu.memory_space<hbm>> -> memref<632x128xf32, #tpu.memory_space<hbm>>
      %dma_start3A_17 = arith.constant 0 : i32
      %dma_start3A_18 = tpu.memref_slice %arg8[%mul3A_12, %dma_start3A_17] : memref<10112x128xf32, #tpu.memory_space<vmem_shared>> -> memref<632x128xf32, #tpu.memory_space<vmem_shared>>
      tpu.enqueue_dma source(%dma_start3A_18 : memref<632x128xf32, #tpu.memory_space<vmem_shared>>) target(%dma_start3A_16 : memref<632x128xf32, #tpu.memory_space<hbm>>) target_semaphore(%run_scoped3A : memref<!tpu.dma_semaphore, #tpu.memory_space<semaphore_mem>>)
      %dma_wait3A = arith.constant 0 : i32
      %dma_wait3A_19 = tpu.memref_slice %arg5[%arg0, %mul3A_14, %dma_wait3A] : memref<2x10112x128xf32, #tpu.memory_space<hbm>> -> memref<1x632x128xf32, #tpu.memory_space<hbm>>
      %dma_wait3A_20 = tpu.memref_squeeze %dma_wait3A_19 : memref<1x632x128xf32, #tpu.memory_space<hbm>> -> memref<632x128xf32, #tpu.memory_space<hbm>>
      %dma_wait3A_21 = arith.constant 0 : i32
      %dma_wait3A_22 = tpu.memref_slice %arg8[%mul3A_12, %dma_wait3A_21] : memref<10112x128xf32, #tpu.memory_space<vmem_shared>> -> memref<632x128xf32, #tpu.memory_space<vmem_shared>>
      tpu.wait_dma2 semaphore(%run_scoped3A : memref<!tpu.dma_semaphore, #tpu.memory_space<semaphore_mem>>) src(%dma_wait3A_22 : memref<632x128xf32, #tpu.memory_space<vmem_shared>>) dst(%dma_wait3A_20 : memref<632x128xf32, #tpu.memory_space<hbm>>)
      tpu.yield
    }) : () -> ()
    return
  }
}

#map = affine_map<(d0, d1) -> (0, 0)>
module attributes {stable_mosaic.version = 14 : i64} {
  func.func @k(%arg0: i32, %arg1: i32, %arg2: memref<10000x128xf32, #tpu.memory_space<hbm>>, %arg3: memref<1280x128xi32, #tpu.memory_space<hbm>>, %arg4: memref<163840x128xf32, #tpu.memory_space<hbm>>, %arg5: memref<128xi32, #tpu.memory_space<vmem>>, %arg6: memref<128x128xf32, #tpu.memory_space<vmem>>, %arg7: memref<!tpu.dma_semaphore, #tpu.memory_space<semaphore_mem>>) attributes {dimension_semantics = [#tpu.dimension_semantics<core_parallel>, #tpu.dimension_semantics<subcore_parallel>], iteration_bounds = array<i64: 2, 16>, scalar_prefetch = 0 : i64, scratch_operands = 3 : i64, tpu.core_type = #tpu.core_type<sc_vector_subcore>, window_params = [{transform_indices = #map}, {transform_indices = #map}, {transform_indices = #map}]} {
    %mul3A = arith.constant 2 : i32
    %mul3A_0 = arith.muli %arg1, %mul3A : i32
    %add3A = arith.addi %mul3A_0, %arg0 : i32
    %mul3A_1 = arith.constant 40 : i32
    %mul3A_2 = arith.muli %add3A, %mul3A_1 : i32
    %scan3A = arith.constant 0 : i32
    %scan3A_3 = arith.constant 0 : i32
    %scan3A_4 = arith.constant 40 : i32
    %scan3A_5 = arith.addi %scan3A_3, %scan3A_4 : i32
    %scan3A_6 = arith.constant 1 : i32
    scf.for %scan3A_8 = %scan3A_3 to %scan3A_5 step %scan3A_6  : i32 {
      %add3A_9 = arith.addi %mul3A_2, %scan3A_8 : i32
      "tpu.region"() ({
        %run_scoped3A = tpu.sem_alloc : memref<!tpu.dma_semaphore, #tpu.memory_space<semaphore_mem>>
        %dma_start3A_16 = arith.constant 0 : i32
        %dma_start3A_17 = tpu.memref_slice %arg3[%add3A_9, %dma_start3A_16] : memref<1280x128xi32, #tpu.memory_space<hbm>> -> memref<1x128xi32, #tpu.memory_space<hbm>>
        %dma_start3A_18 = tpu.memref_squeeze %dma_start3A_17 : memref<1x128xi32, #tpu.memory_space<hbm>> -> memref<128xi32, #tpu.memory_space<hbm>>
        %dma_start3A_19 = arith.constant 0 : i32
        %dma_start3A_20 = tpu.memref_slice %arg3[%add3A_9, %dma_start3A_19] : memref<1280x128xi32, #tpu.memory_space<hbm>> -> memref<1x128xi32, #tpu.memory_space<hbm>>
        %dma_start3A_21 = tpu.memref_squeeze %dma_start3A_20 : memref<1x128xi32, #tpu.memory_space<hbm>> -> memref<128xi32, #tpu.memory_space<hbm>>
        tpu.enqueue_dma source(%dma_start3A_21 : memref<128xi32, #tpu.memory_space<hbm>>) target(%arg5 : memref<128xi32, #tpu.memory_space<vmem>>) target_semaphore(%run_scoped3A : memref<!tpu.dma_semaphore, #tpu.memory_space<semaphore_mem>>)
        %dma_wait3A_22 = arith.constant 0 : i32
        %dma_wait3A_23 = tpu.memref_slice %arg3[%add3A_9, %dma_wait3A_22] : memref<1280x128xi32, #tpu.memory_space<hbm>> -> memref<1x128xi32, #tpu.memory_space<hbm>>
        %dma_wait3A_24 = tpu.memref_squeeze %dma_wait3A_23 : memref<1x128xi32, #tpu.memory_space<hbm>> -> memref<128xi32, #tpu.memory_space<hbm>>
        %dma_wait3A_25 = arith.constant 0 : i32
        %dma_wait3A_26 = tpu.memref_slice %arg3[%add3A_9, %dma_wait3A_25] : memref<1280x128xi32, #tpu.memory_space<hbm>> -> memref<1x128xi32, #tpu.memory_space<hbm>>
        %dma_wait3A_27 = tpu.memref_squeeze %dma_wait3A_26 : memref<1x128xi32, #tpu.memory_space<hbm>> -> memref<128xi32, #tpu.memory_space<hbm>>
        tpu.wait_dma2 semaphore(%run_scoped3A : memref<!tpu.dma_semaphore, #tpu.memory_space<semaphore_mem>>) src(%dma_wait3A_27 : memref<128xi32, #tpu.memory_space<hbm>>) dst(%arg5 : memref<128xi32, #tpu.memory_space<vmem>>)
        tpu.yield
      }) : () -> ()
      %dma_start3A = arith.constant 0 : i32
      %dma_start3A_10 = arith.constant 0 : i32
      %dma_start3A_11 = tpu.memref_slice %arg2[%dma_start3A, %dma_start3A_10] : memref<10000x128xf32, #tpu.memory_space<hbm>> -> memref<10000x128xf32, #tpu.memory_space<hbm>>
      tpu.enqueue_indirect_dma source(%dma_start3A_11 : memref<10000x128xf32, #tpu.memory_space<hbm>>) target(%arg6 : memref<128x128xf32, #tpu.memory_space<vmem>>) offsets(%arg5 : memref<128xi32, #tpu.memory_space<vmem>>) semaphore(%arg7 : memref<!tpu.dma_semaphore, #tpu.memory_space<semaphore_mem>>)
      %dma_wait3A = arith.constant 0 : i32
      %dma_wait3A_12 = arith.constant 0 : i32
      %dma_wait3A_13 = tpu.memref_slice %arg2[%dma_wait3A, %dma_wait3A_12] : memref<10000x128xf32, #tpu.memory_space<hbm>> -> memref<10000x128xf32, #tpu.memory_space<hbm>>
      tpu.wait_indirect_dma semaphore(%arg7 : memref<!tpu.dma_semaphore, #tpu.memory_space<semaphore_mem>>) src(%dma_wait3A_13 : memref<10000x128xf32, #tpu.memory_space<hbm>>) dst(%arg6 : memref<128x128xf32, #tpu.memory_space<vmem>>)
      %mul3A_14 = arith.constant 128 : i32
      %mul3A_15 = arith.muli %add3A_9, %mul3A_14 : i32
      "tpu.region"() ({
        %run_scoped3A = tpu.sem_alloc : memref<!tpu.dma_semaphore, #tpu.memory_space<semaphore_mem>>
        %dma_start3A_16 = arith.constant 0 : i32
        %dma_start3A_17 = tpu.memref_slice %arg4[%mul3A_15, %dma_start3A_16] : memref<163840x128xf32, #tpu.memory_space<hbm>> -> memref<128x128xf32, #tpu.memory_space<hbm>>
        %dma_start3A_18 = arith.constant 0 : i32
        %dma_start3A_19 = tpu.memref_slice %arg4[%mul3A_15, %dma_start3A_18] : memref<163840x128xf32, #tpu.memory_space<hbm>> -> memref<128x128xf32, #tpu.memory_space<hbm>>
        tpu.enqueue_dma source(%arg6 : memref<128x128xf32, #tpu.memory_space<vmem>>) target(%dma_start3A_19 : memref<128x128xf32, #tpu.memory_space<hbm>>) target_semaphore(%run_scoped3A : memref<!tpu.dma_semaphore, #tpu.memory_space<semaphore_mem>>)
        %dma_wait3A_20 = arith.constant 0 : i32
        %dma_wait3A_21 = tpu.memref_slice %arg4[%mul3A_15, %dma_wait3A_20] : memref<163840x128xf32, #tpu.memory_space<hbm>> -> memref<128x128xf32, #tpu.memory_space<hbm>>
        %dma_wait3A_22 = arith.constant 0 : i32
        %dma_wait3A_23 = tpu.memref_slice %arg4[%mul3A_15, %dma_wait3A_22] : memref<163840x128xf32, #tpu.memory_space<hbm>> -> memref<128x128xf32, #tpu.memory_space<hbm>>
        tpu.wait_dma2 semaphore(%run_scoped3A : memref<!tpu.dma_semaphore, #tpu.memory_space<semaphore_mem>>) src(%arg6 : memref<128x128xf32, #tpu.memory_space<vmem>>) dst(%dma_wait3A_23 : memref<128x128xf32, #tpu.memory_space<hbm>>)
        tpu.yield
      }) : () -> ()
    }
    %scan3A_7 = arith.constant 40 : i32
    return
  }
}

#map = affine_map<(d0, d1) -> (0, 0)>
#map1 = affine_map<(d0, d1) -> (0, 0, 0)>
module attributes {stable_mosaic.version = 14 : i64} {
  func.func @k(%arg0: i32, %arg1: i32, %arg2: memref<163840x128xf32, #tpu.memory_space<hbm>>, %arg3: memref<1280x128xi32, #tpu.memory_space<hbm>>, %arg4: memref<632x128xf32, #tpu.memory_space<hbm>>, %arg5: memref<2x10112x128xf32, #tpu.memory_space<hbm>>, %arg6: memref<128xi32, #tpu.memory_space<vmem>>, %arg7: memref<128x128xf32, #tpu.memory_space<vmem>>, %arg8: memref<10112x128xf32, #tpu.memory_space<vmem_shared>>, %arg9: memref<!tpu.dma_semaphore, #tpu.memory_space<semaphore_mem>>) attributes {dimension_semantics = [#tpu.dimension_semantics<core_parallel>, #tpu.dimension_semantics<subcore_parallel>], iteration_bounds = array<i64: 2, 16>, scalar_prefetch = 0 : i64, scratch_operands = 4 : i64, tpu.core_type = #tpu.core_type<sc_vector_subcore>, window_params = [{transform_indices = #map}, {transform_indices = #map}, {transform_indices = #map}, {transform_indices = #map1}]} {
    %mul3A = arith.constant 2 : i32
    %mul3A_0 = arith.muli %arg1, %mul3A : i32
    %add3A = arith.addi %mul3A_0, %arg0 : i32
    %mul3A_1 = arith.constant 632 : i32
    %mul3A_2 = arith.muli %arg1, %mul3A_1 : i32
    "tpu.region"() ({
      %run_scoped3A = tpu.sem_alloc : memref<!tpu.dma_semaphore, #tpu.memory_space<semaphore_mem>>
      %dma_start3A = arith.constant 0 : i32
      %dma_start3A_15 = tpu.memref_slice %arg8[%mul3A_2, %dma_start3A] : memref<10112x128xf32, #tpu.memory_space<vmem_shared>> -> memref<632x128xf32, #tpu.memory_space<vmem_shared>>
      tpu.enqueue_dma source(%arg4 : memref<632x128xf32, #tpu.memory_space<hbm>>) target(%dma_start3A_15 : memref<632x128xf32, #tpu.memory_space<vmem_shared>>) target_semaphore(%run_scoped3A : memref<!tpu.dma_semaphore, #tpu.memory_space<semaphore_mem>>)
      %dma_wait3A = arith.constant 0 : i32
      %dma_wait3A_16 = tpu.memref_slice %arg8[%mul3A_2, %dma_wait3A] : memref<10112x128xf32, #tpu.memory_space<vmem_shared>> -> memref<632x128xf32, #tpu.memory_space<vmem_shared>>
      tpu.wait_dma2 semaphore(%run_scoped3A : memref<!tpu.dma_semaphore, #tpu.memory_space<semaphore_mem>>) src(%arg4 : memref<632x128xf32, #tpu.memory_space<hbm>>) dst(%dma_wait3A_16 : memref<632x128xf32, #tpu.memory_space<vmem_shared>>)
      tpu.yield
    }) : () -> ()
    %barrier3A = arith.constant 0 : index
    tpu.barrier barrier_id(%barrier3A)
    %mul3A_3 = arith.constant 40 : i32
    %mul3A_4 = arith.muli %add3A, %mul3A_3 : i32
    %scan3A = arith.constant 0 : i32
    %scan3A_5 = arith.constant 0 : i32
    %scan3A_6 = arith.constant 40 : i32
    %scan3A_7 = arith.addi %scan3A_5, %scan3A_6 : i32
    %scan3A_8 = arith.constant 1 : i32
    scf.for %scan3A_15 = %scan3A_5 to %scan3A_7 step %scan3A_8  : i32 {
      %add3A_16 = arith.addi %mul3A_4, %scan3A_15 : i32
      "tpu.region"() ({
        %run_scoped3A = tpu.sem_alloc : memref<!tpu.dma_semaphore, #tpu.memory_space<semaphore_mem>>
        %dma_start3A = arith.constant 0 : i32
        %dma_start3A_19 = tpu.memref_slice %arg3[%add3A_16, %dma_start3A] : memref<1280x128xi32, #tpu.memory_space<hbm>> -> memref<1x128xi32, #tpu.memory_space<hbm>>
        %dma_start3A_20 = tpu.memref_squeeze %dma_start3A_19 : memref<1x128xi32, #tpu.memory_space<hbm>> -> memref<128xi32, #tpu.memory_space<hbm>>
        %dma_start3A_21 = arith.constant 0 : i32
        %dma_start3A_22 = tpu.memref_slice %arg3[%add3A_16, %dma_start3A_21] : memref<1280x128xi32, #tpu.memory_space<hbm>> -> memref<1x128xi32, #tpu.memory_space<hbm>>
        %dma_start3A_23 = tpu.memref_squeeze %dma_start3A_22 : memref<1x128xi32, #tpu.memory_space<hbm>> -> memref<128xi32, #tpu.memory_space<hbm>>
        tpu.enqueue_dma source(%dma_start3A_23 : memref<128xi32, #tpu.memory_space<hbm>>) target(%arg6 : memref<128xi32, #tpu.memory_space<vmem>>) target_semaphore(%run_scoped3A : memref<!tpu.dma_semaphore, #tpu.memory_space<semaphore_mem>>)
        %dma_wait3A = arith.constant 0 : i32
        %dma_wait3A_24 = tpu.memref_slice %arg3[%add3A_16, %dma_wait3A] : memref<1280x128xi32, #tpu.memory_space<hbm>> -> memref<1x128xi32, #tpu.memory_space<hbm>>
        %dma_wait3A_25 = tpu.memref_squeeze %dma_wait3A_24 : memref<1x128xi32, #tpu.memory_space<hbm>> -> memref<128xi32, #tpu.memory_space<hbm>>
        %dma_wait3A_26 = arith.constant 0 : i32
        %dma_wait3A_27 = tpu.memref_slice %arg3[%add3A_16, %dma_wait3A_26] : memref<1280x128xi32, #tpu.memory_space<hbm>> -> memref<1x128xi32, #tpu.memory_space<hbm>>
        %dma_wait3A_28 = tpu.memref_squeeze %dma_wait3A_27 : memref<1x128xi32, #tpu.memory_space<hbm>> -> memref<128xi32, #tpu.memory_space<hbm>>
        tpu.wait_dma2 semaphore(%run_scoped3A : memref<!tpu.dma_semaphore, #tpu.memory_space<semaphore_mem>>) src(%dma_wait3A_28 : memref<128xi32, #tpu.memory_space<hbm>>) dst(%arg6 : memref<128xi32, #tpu.memory_space<vmem>>)
        tpu.yield
      }) : () -> ()
      %mul3A_17 = arith.constant 128 : i32
      %mul3A_18 = arith.muli %add3A_16, %mul3A_17 : i32
      "tpu.region"() ({
        %run_scoped3A = tpu.sem_alloc : memref<!tpu.dma_semaphore, #tpu.memory_space<semaphore_mem>>
        %dma_start3A = arith.constant 0 : i32
        %dma_start3A_19 = tpu.memref_slice %arg2[%mul3A_18, %dma_start3A] : memref<163840x128xf32, #tpu.memory_space<hbm>> -> memref<128x128xf32, #tpu.memory_space<hbm>>
        %dma_start3A_20 = arith.constant 0 : i32
        %dma_start3A_21 = tpu.memref_slice %arg2[%mul3A_18, %dma_start3A_20] : memref<163840x128xf32, #tpu.memory_space<hbm>> -> memref<128x128xf32, #tpu.memory_space<hbm>>
        tpu.enqueue_dma source(%dma_start3A_21 : memref<128x128xf32, #tpu.memory_space<hbm>>) target(%arg7 : memref<128x128xf32, #tpu.memory_space<vmem>>) target_semaphore(%run_scoped3A : memref<!tpu.dma_semaphore, #tpu.memory_space<semaphore_mem>>)
        %dma_wait3A = arith.constant 0 : i32
        %dma_wait3A_22 = tpu.memref_slice %arg2[%mul3A_18, %dma_wait3A] : memref<163840x128xf32, #tpu.memory_space<hbm>> -> memref<128x128xf32, #tpu.memory_space<hbm>>
        %dma_wait3A_23 = arith.constant 0 : i32
        %dma_wait3A_24 = tpu.memref_slice %arg2[%mul3A_18, %dma_wait3A_23] : memref<163840x128xf32, #tpu.memory_space<hbm>> -> memref<128x128xf32, #tpu.memory_space<hbm>>
        tpu.wait_dma2 semaphore(%run_scoped3A : memref<!tpu.dma_semaphore, #tpu.memory_space<semaphore_mem>>) src(%dma_wait3A_24 : memref<128x128xf32, #tpu.memory_space<hbm>>) dst(%arg7 : memref<128x128xf32, #tpu.memory_space<vmem>>)
        tpu.yield
      }) : () -> ()
      "tpu.region"() ({
        %run_scoped3A = tpu.sem_alloc : memref<!tpu.dma_semaphore, #tpu.memory_space<semaphore_mem>>
        %dma_start3A = arith.constant 0 : i32
        %dma_start3A_19 = arith.constant 0 : i32
        %dma_start3A_20 = tpu.memref_slice %arg8[%dma_start3A, %dma_start3A_19] : memref<10112x128xf32, #tpu.memory_space<vmem_shared>> -> memref<10112x128xf32, #tpu.memory_space<vmem_shared>>
        tpu.enqueue_indirect_dma source(%arg7 : memref<128x128xf32, #tpu.memory_space<vmem>>) target(%dma_start3A_20 : memref<10112x128xf32, #tpu.memory_space<vmem_shared>>) offsets(%arg6 : memref<128xi32, #tpu.memory_space<vmem>>) semaphore(%run_scoped3A : memref<!tpu.dma_semaphore, #tpu.memory_space<semaphore_mem>>) {add = true}
        %dma_wait3A = arith.constant 0 : i32
        %dma_wait3A_21 = arith.constant 0 : i32
        %dma_wait3A_22 = tpu.memref_slice %arg8[%dma_wait3A, %dma_wait3A_21] : memref<10112x128xf32, #tpu.memory_space<vmem_shared>> -> memref<10112x128xf32, #tpu.memory_space<vmem_shared>>
        tpu.wait_indirect_dma semaphore(%run_scoped3A : memref<!tpu.dma_semaphore, #tpu.memory_space<semaphore_mem>>) src(%arg7 : memref<128x128xf32, #tpu.memory_space<vmem>>) dst(%dma_wait3A_22 : memref<10112x128xf32, #tpu.memory_space<vmem_shared>>)
        tpu.yield
      }) : () -> ()
    }
    %scan3A_9 = arith.constant 40 : i32
    %barrier3A_10 = arith.constant 0 : index
    tpu.barrier barrier_id(%barrier3A_10)
    %mul3A_11 = arith.constant 632 : i32
    %mul3A_12 = arith.muli %arg1, %mul3A_11 : i32
    %mul3A_13 = arith.constant 632 : i32
    %mul3A_14 = arith.muli %arg1, %mul3A_13 : i32
    "tpu.region"() ({
      %run_scoped3A = tpu.sem_alloc : memref<!tpu.dma_semaphore, #tpu.memory_space<semaphore_mem>>
      %dma_start3A = arith.constant 0 : i32
      %dma_start3A_15 = tpu.memref_slice %arg5[%arg0, %mul3A_14, %dma_start3A] : memref<2x10112x128xf32, #tpu.memory_space<hbm>> -> memref<1x632x128xf32, #tpu.memory_space<hbm>>
      %dma_start3A_16 = tpu.memref_squeeze %dma_start3A_15 : memref<1x632x128xf32, #tpu.memory_space<hbm>> -> memref<632x128xf32, #tpu.memory_space<hbm>>
      %dma_start3A_17 = arith.constant 0 : i32
      %dma_start3A_18 = tpu.memref_slice %arg8[%mul3A_12, %dma_start3A_17] : memref<10112x128xf32, #tpu.memory_space<vmem_shared>> -> memref<632x128xf32, #tpu.memory_space<vmem_shared>>
      tpu.enqueue_dma source(%dma_start3A_18 : memref<632x128xf32, #tpu.memory_space<vmem_shared>>) target(%dma_start3A_16 : memref<632x128xf32, #tpu.memory_space<hbm>>) target_semaphore(%run_scoped3A : memref<!tpu.dma_semaphore, #tpu.memory_space<semaphore_mem>>)
      %dma_wait3A = arith.constant 0 : i32
      %dma_wait3A_19 = tpu.memref_slice %arg5[%arg0, %mul3A_14, %dma_wait3A] : memref<2x10112x128xf32, #tpu.memory_space<hbm>> -> memref<1x632x128xf32, #tpu.memory_space<hbm>>
      %dma_wait3A_20 = tpu.memref_squeeze %dma_wait3A_19 : memref<1x632x128xf32, #tpu.memory_space<hbm>> -> memref<632x128xf32, #tpu.memory_space<hbm>>
      %dma_wait3A_21 = arith.constant 0 : i32
      %dma_wait3A_22 = tpu.memref_slice %arg8[%mul3A_12, %dma_wait3A_21] : memref<10112x128xf32, #tpu.memory_space<vmem_shared>> -> memref<632x128xf32, #tpu.memory_space<vmem_shared>>
      tpu.wait_dma2 semaphore(%run_scoped3A : memref<!tpu.dma_semaphore, #tpu.memory_space<semaphore_mem>>) src(%dma_wait3A_22 : memref<632x128xf32, #tpu.memory_space<vmem_shared>>) dst(%dma_wait3A_20 : memref<632x128xf32, #tpu.memory_space<hbm>>)
      tpu.yield
    }) : () -> ()
    return
  }
}

module attributes {stable_mosaic.version = 14 : i64} {
  func.func @_lin0_body(%arg0: i32, %arg1: memref<2000x128xf32, #tpu.memory_space<vmem>>, %arg2: memref<128x32xf32, #tpu.memory_space<vmem>>, %arg3: memref<1x32xf32, #tpu.memory_space<vmem>>, %arg4: memref<2000x128xf32, #tpu.memory_space<vmem>>) attributes {dimension_semantics = [#tpu.dimension_semantics<arbitrary>], iteration_bounds = array<i64: 5>, scalar_prefetch = 0 : i64, scratch_operands = 0 : i64, tpu.core_type = #tpu.core_type<tc>, window_params = [{transform_indices = @transform_0, window_bounds = array<i64: 2000, 128>}, {pipeline_mode = #tpu.pipeline_mode<synchronous>, transform_indices = @transform_1, window_bounds = array<i64: 128, 32>}, {pipeline_mode = #tpu.pipeline_mode<synchronous>, transform_indices = @transform_2, window_bounds = array<i64: 1, 32>}, {transform_indices = @transform_3, window_bounds = array<i64: 2000, 128>}]} {
    %get3A = arith.constant 0 : index
    %get3A_0 = arith.constant 0 : index
    %get3A_1 = vector.load %arg1[%get3A, %get3A_0] : memref<2000x128xf32, #tpu.memory_space<vmem>>, vector<2000x128xf32>
    %get3A_2 = arith.constant 0 : index
    %get3A_3 = arith.constant 0 : index
    %get3A_4 = vector.load %arg2[%get3A_2, %get3A_3] : memref<128x32xf32, #tpu.memory_space<vmem>>, vector<128x32xf32>
    %dot_general3A = arith.constant dense<0.000000e+00> : vector<2000x32xf32>
    %dot_general3A_5 = tpu.matmul %get3A_1, %get3A_4, %dot_general3A {dimension_numbers = #tpu.dot_dimension_numbers<[1], [0], [0], [1], [0, 0, 1, 1], [], []>, transpose_lhs_hint = false} : vector<2000x128xf32>, vector<128x32xf32>, vector<2000x32xf32> -> vector<2000x32xf32>
    %get3A_6 = arith.constant 0 : index
    %get3A_7 = arith.constant 0 : index
    %get3A_8 = vector.load %arg3[%get3A_6, %get3A_7] : memref<1x32xf32, #tpu.memory_space<vmem>>, vector<1x32xf32>
    %add3A = vector.broadcast %get3A_8 : vector<1x32xf32> to vector<2000x32xf32>
    %add3A_9 = arith.addf %dot_general3A_5, %add3A : vector<2000x32xf32>
    %max3A = arith.constant 0.000000e+00 : f32
    %max3A_10 = vector.broadcast %max3A : f32 to vector<2000x32xf32>
    %max3A_11 = arith.maximumf %add3A_9, %max3A_10 : vector<2000x32xf32>
    %swap3A = arith.constant 0 : index
    %swap3A_12 = arith.constant 0 : index
    %swap3A_13 = vector.load %arg4[%swap3A, %swap3A_12] : memref<2000x128xf32, #tpu.memory_space<vmem>>, vector<2000x32xf32>
    tpu.vector_store %arg4[%swap3A, %swap3A_12], %max3A_11 {strides = array<i32>} : memref<2000x128xf32, #tpu.memory_space<vmem>>, vector<2000x32xf32>,
    %broadcast_in_dim3A = arith.constant 0.000000e+00 : f32
    %broadcast_in_dim3A_14 = vector.broadcast %broadcast_in_dim3A : f32 to vector<2000x96xf32>
    %swap3A_15 = arith.constant 0 : index
    %swap3A_16 = arith.constant 32 : index
    %swap3A_17 = vector.load %arg4[%swap3A_15, %swap3A_16] : memref<2000x128xf32, #tpu.memory_space<vmem>>, vector<2000x96xf32>
    tpu.vector_store %arg4[%swap3A_15, %swap3A_16], %broadcast_in_dim3A_14 {strides = array<i32>} : memref<2000x128xf32, #tpu.memory_space<vmem>>, vector<2000x96xf32>,
    return
  }
  func.func @transform_0(%arg0: i32) -> (i32, i32) {
    %c0_i32 = arith.constant 0 : i32
    %c0_i32_0 = arith.constant 0 : i32
    return %arg0, %c0_i32 : i32, i32
  }
  func.func @transform_1(%arg0: i32) -> (i32, i32) {
    %c0_i32 = arith.constant 0 : i32
    %c0_i32_0 = arith.constant 0 : i32
    %c0_i32_1 = arith.constant 0 : i32
    return %c0_i32, %c0_i32_0 : i32, i32
  }
  func.func @transform_2(%arg0: i32) -> (i32, i32) {
    %c0_i32 = arith.constant 0 : i32
    %c0_i32_0 = arith.constant 0 : i32
    %c0_i32_1 = arith.constant 0 : i32
    return %c0_i32, %c0_i32_0 : i32, i32
  }
  func.func @transform_3(%arg0: i32) -> (i32, i32) {
    %c0_i32 = arith.constant 0 : i32
    %c0_i32_0 = arith.constant 0 : i32
    return %arg0, %c0_i32 : i32, i32
  }
}

module attributes {stable_mosaic.version = 14 : i64} {
  func.func @_edgenet_body(%arg0: i32, %arg1: memref<1024x16xf32, #tpu.memory_space<vmem>>, %arg2: memref<16x128xf32, #tpu.memory_space<vmem>>, %arg3: memref<1x128xf32, #tpu.memory_space<vmem>>, %arg4: memref<128x1024xf32, #tpu.memory_space<vmem>>, %arg5: memref<1x1024xf32, #tpu.memory_space<vmem>>, %arg6: memref<1024x1024xf32, #tpu.memory_space<vmem>>) attributes {dimension_semantics = [#tpu.dimension_semantics<arbitrary>], iteration_bounds = array<i64: 160>, scalar_prefetch = 0 : i64, scratch_operands = 0 : i64, tpu.core_type = #tpu.core_type<tc>, window_params = [{transform_indices = @transform_0, window_bounds = array<i64: 1024, 16>}, {pipeline_mode = #tpu.pipeline_mode<synchronous>, transform_indices = @transform_1, window_bounds = array<i64: 16, 128>}, {pipeline_mode = #tpu.pipeline_mode<synchronous>, transform_indices = @transform_2, window_bounds = array<i64: 1, 128>}, {pipeline_mode = #tpu.pipeline_mode<synchronous>, transform_indices = @transform_3, window_bounds = array<i64: 128, 1024>}, {pipeline_mode = #tpu.pipeline_mode<synchronous>, transform_indices = @transform_4, window_bounds = array<i64: 1, 1024>}, {transform_indices = @transform_5, window_bounds = array<i64: 1024, 1024>}]} {
    %get3A = arith.constant 0 : index
    %get3A_0 = arith.constant 0 : index
    %get3A_1 = vector.load %arg1[%get3A, %get3A_0] : memref<1024x16xf32, #tpu.memory_space<vmem>>, vector<1024x16xf32>
    %get3A_2 = arith.constant 0 : index
    %get3A_3 = arith.constant 0 : index
    %get3A_4 = vector.load %arg2[%get3A_2, %get3A_3] : memref<16x128xf32, #tpu.memory_space<vmem>>, vector<16x128xf32>
    %dot_general3A = arith.constant dense<0.000000e+00> : vector<1024x128xf32>
    %dot_general3A_5 = tpu.matmul %get3A_1, %get3A_4, %dot_general3A {dimension_numbers = #tpu.dot_dimension_numbers<[1], [0], [0], [1], [0, 0, 1, 1], [], []>, transpose_lhs_hint = false} : vector<1024x16xf32>, vector<16x128xf32>, vector<1024x128xf32> -> vector<1024x128xf32>
    %get3A_6 = arith.constant 0 : index
    %get3A_7 = arith.constant 0 : index
    %get3A_8 = vector.load %arg3[%get3A_6, %get3A_7] : memref<1x128xf32, #tpu.memory_space<vmem>>, vector<1x128xf32>
    %add3A = vector.broadcast %get3A_8 : vector<1x128xf32> to vector<1024x128xf32>
    %add3A_9 = arith.addf %dot_general3A_5, %add3A : vector<1024x128xf32>
    %max3A = arith.constant 0.000000e+00 : f32
    %max3A_10 = vector.broadcast %max3A : f32 to vector<1024x128xf32>
    %max3A_11 = arith.maximumf %add3A_9, %max3A_10 : vector<1024x128xf32>
    %get3A_12 = arith.constant 0 : index
    %get3A_13 = arith.constant 0 : index
    %get3A_14 = vector.load %arg4[%get3A_12, %get3A_13] : memref<128x1024xf32, #tpu.memory_space<vmem>>, vector<128x1024xf32>
    %dot_general3A_15 = arith.constant dense<0.000000e+00> : vector<1024x1024xf32>
    %dot_general3A_16 = tpu.matmul %max3A_11, %get3A_14, %dot_general3A_15 {dimension_numbers = #tpu.dot_dimension_numbers<[1], [0], [0], [1], [0, 0, 1, 1], [], []>, transpose_lhs_hint = false} : vector<1024x128xf32>, vector<128x1024xf32>, vector<1024x1024xf32> -> vector<1024x1024xf32>
    %get3A_17 = arith.constant 0 : index
    %get3A_18 = arith.constant 0 : index
    %get3A_19 = vector.load %arg5[%get3A_17, %get3A_18] : memref<1x1024xf32, #tpu.memory_space<vmem>>, vector<1x1024xf32>
    %add3A_20 = vector.broadcast %get3A_19 : vector<1x1024xf32> to vector<1024x1024xf32>
    %add3A_21 = arith.addf %dot_general3A_16, %add3A_20 : vector<1024x1024xf32>
    %swap3A = arith.constant 0 : index
    %swap3A_22 = arith.constant 0 : index
    %swap3A_23 = vector.load %arg6[%swap3A, %swap3A_22] : memref<1024x1024xf32, #tpu.memory_space<vmem>>, vector<1024x1024xf32>
    tpu.vector_store %arg6[%swap3A, %swap3A_22], %add3A_21 {strides = array<i32>} : memref<1024x1024xf32, #tpu.memory_space<vmem>>, vector<1024x1024xf32>,
    return
  }
  func.func @transform_0(%arg0: i32) -> (i32, i32) {
    %c0_i32 = arith.constant 0 : i32
    %c0_i32_0 = arith.constant 0 : i32
    return %arg0, %c0_i32 : i32, i32
  }
  func.func @transform_1(%arg0: i32) -> (i32, i32) {
    %c0_i32 = arith.constant 0 : i32
    %c0_i32_0 = arith.constant 0 : i32
    %c0_i32_1 = arith.constant 0 : i32
    return %c0_i32, %c0_i32_0 : i32, i32
  }
  func.func @transform_2(%arg0: i32) -> (i32, i32) {
    %c0_i32 = arith.constant 0 : i32
    %c0_i32_0 = arith.constant 0 : i32
    %c0_i32_1 = arith.constant 0 : i32
    return %c0_i32, %c0_i32_0 : i32, i32
  }
  func.func @transform_3(%arg0: i32) -> (i32, i32) {
    %c0_i32 = arith.constant 0 : i32
    %c0_i32_0 = arith.constant 0 : i32
    %c0_i32_1 = arith.constant 0 : i32
    return %c0_i32, %c0_i32_0 : i32, i32
  }
  func.func @transform_4(%arg0: i32) -> (i32, i32) {
    %c0_i32 = arith.constant 0 : i32
    %c0_i32_0 = arith.constant 0 : i32
    %c0_i32_1 = arith.constant 0 : i32
    return %c0_i32, %c0_i32_0 : i32, i32
  }
  func.func @transform_5(%arg0: i32) -> (i32, i32) {
    %c0_i32 = arith.constant 0 : i32
    %c0_i32_0 = arith.constant 0 : i32
    return %arg0, %c0_i32 : i32, i32
  }
}

module attributes {stable_mosaic.version = 14 : i64} {
  func.func @_msg_body(%arg0: i32, %arg1: memref<512x128xf32, #tpu.memory_space<vmem>>, %arg2: memref<512x1024xf32, #tpu.memory_space<vmem>>, %arg3: memref<512x128xf32, #tpu.memory_space<vmem>>) attributes {dimension_semantics = [#tpu.dimension_semantics<arbitrary>], iteration_bounds = array<i64: 320>, scalar_prefetch = 0 : i64, scratch_operands = 0 : i64, tpu.core_type = #tpu.core_type<tc>, window_params = [{transform_indices = @transform_0, window_bounds = array<i64: 512, 128>}, {transform_indices = @transform_1, window_bounds = array<i64: 512, 1024>}, {transform_indices = @transform_2, window_bounds = array<i64: 512, 128>}]} {
    %get3A = arith.constant 0 : index
    %get3A_0 = arith.constant 0 : index
    %get3A_1 = vector.load %arg1[%get3A, %get3A_0] : memref<512x128xf32, #tpu.memory_space<vmem>>, vector<512x32xf32>
    %slice3A = vector.extract_strided_slice %get3A_1 {offsets = [0, 0], sizes = [512, 1], strides = [1, 1]} : vector<512x32xf32> to vector<512x1xf32>
    %get3A_2 = arith.constant 0 : index
    %get3A_3 = arith.constant 0 : index
    %get3A_4 = vector.load %arg2[%get3A_2, %get3A_3] : memref<512x1024xf32, #tpu.memory_space<vmem>>, vector<512x32xf32>
    %mul3A = vector.broadcast %slice3A : vector<512x1xf32> to vector<512x32xf32>
    %mul3A_5 = arith.mulf %mul3A, %get3A_4 : vector<512x32xf32>
    %slice3A_6 = vector.extract_strided_slice %get3A_1 {offsets = [0, 1], sizes = [512, 1], strides = [1, 1]} : vector<512x32xf32> to vector<512x1xf32>
    %get3A_7 = arith.constant 0 : index
    %get3A_8 = arith.constant 32 : index
    %get3A_9 = vector.load %arg2[%get3A_7, %get3A_8] : memref<512x1024xf32, #tpu.memory_space<vmem>>, vector<512x32xf32>
    %mul3A_10 = vector.broadcast %slice3A_6 : vector<512x1xf32> to vector<512x32xf32>
    %mul3A_11 = arith.mulf %mul3A_10, %get3A_9 : vector<512x32xf32>
    %add3A = arith.addf %mul3A_5, %mul3A_11 : vector<512x32xf32>
    %slice3A_12 = vector.extract_strided_slice %get3A_1 {offsets = [0, 2], sizes = [512, 1], strides = [1, 1]} : vector<512x32xf32> to vector<512x1xf32>
    %get3A_13 = arith.constant 0 : index
    %get3A_14 = arith.constant 64 : index
    %get3A_15 = vector.load %arg2[%get3A_13, %get3A_14] : memref<512x1024xf32, #tpu.memory_space<vmem>>, vector<512x32xf32>
    %mul3A_16 = vector.broadcast %slice3A_12 : vector<512x1xf32> to vector<512x32xf32>
    %mul3A_17 = arith.mulf %mul3A_16, %get3A_15 : vector<512x32xf32>
    %add3A_18 = arith.addf %add3A, %mul3A_17 : vector<512x32xf32>
    %slice3A_19 = vector.extract_strided_slice %get3A_1 {offsets = [0, 3], sizes = [512, 1], strides = [1, 1]} : vector<512x32xf32> to vector<512x1xf32>
    %get3A_20 = arith.constant 0 : index
    %get3A_21 = arith.constant 96 : index
    %get3A_22 = vector.load %arg2[%get3A_20, %get3A_21] : memref<512x1024xf32, #tpu.memory_space<vmem>>, vector<512x32xf32>
    %mul3A_23 = vector.broadcast %slice3A_19 : vector<512x1xf32> to vector<512x32xf32>
    %mul3A_24 = arith.mulf %mul3A_23, %get3A_22 : vector<512x32xf32>
    %add3A_25 = arith.addf %add3A_18, %mul3A_24 : vector<512x32xf32>
    %slice3A_26 = vector.extract_strided_slice %get3A_1 {offsets = [0, 4], sizes = [512, 1], strides = [1, 1]} : vector<512x32xf32> to vector<512x1xf32>
    %get3A_27 = arith.constant 0 : index
    %get3A_28 = arith.constant 128 : index
    %get3A_29 = vector.load %arg2[%get3A_27, %get3A_28] : memref<512x1024xf32, #tpu.memory_space<vmem>>, vector<512x32xf32>
    %mul3A_30 = vector.broadcast %slice3A_26 : vector<512x1xf32> to vector<512x32xf32>
    %mul3A_31 = arith.mulf %mul3A_30, %get3A_29 : vector<512x32xf32>
    %add3A_32 = arith.addf %add3A_25, %mul3A_31 : vector<512x32xf32>
    %slice3A_33 = vector.extract_strided_slice %get3A_1 {offsets = [0, 5], sizes = [512, 1], strides = [1, 1]} : vector<512x32xf32> to vector<512x1xf32>
    %get3A_34 = arith.constant 0 : index
    %get3A_35 = arith.constant 160 : index
    %get3A_36 = vector.load %arg2[%get3A_34, %get3A_35] : memref<512x1024xf32, #tpu.memory_space<vmem>>, vector<512x32xf32>
    %mul3A_37 = vector.broadcast %slice3A_33 : vector<512x1xf32> to vector<512x32xf32>
    %mul3A_38 = arith.mulf %mul3A_37, %get3A_36 : vector<512x32xf32>
    %add3A_39 = arith.addf %add3A_32, %mul3A_38 : vector<512x32xf32>
    %slice3A_40 = vector.extract_strided_slice %get3A_1 {offsets = [0, 6], sizes = [512, 1], strides = [1, 1]} : vector<512x32xf32> to vector<512x1xf32>
    %get3A_41 = arith.constant 0 : index
    %get3A_42 = arith.constant 192 : index
    %get3A_43 = vector.load %arg2[%get3A_41, %get3A_42] : memref<512x1024xf32, #tpu.memory_space<vmem>>, vector<512x32xf32>
    %mul3A_44 = vector.broadcast %slice3A_40 : vector<512x1xf32> to vector<512x32xf32>
    %mul3A_45 = arith.mulf %mul3A_44, %get3A_43 : vector<512x32xf32>
    %add3A_46 = arith.addf %add3A_39, %mul3A_45 : vector<512x32xf32>
    %slice3A_47 = vector.extract_strided_slice %get3A_1 {offsets = [0, 7], sizes = [512, 1], strides = [1, 1]} : vector<512x32xf32> to vector<512x1xf32>
    %get3A_48 = arith.constant 0 : index
    %get3A_49 = arith.constant 224 : index
    %get3A_50 = vector.load %arg2[%get3A_48, %get3A_49] : memref<512x1024xf32, #tpu.memory_space<vmem>>, vector<512x32xf32>
    %mul3A_51 = vector.broadcast %slice3A_47 : vector<512x1xf32> to vector<512x32xf32>
    %mul3A_52 = arith.mulf %mul3A_51, %get3A_50 : vector<512x32xf32>
    %add3A_53 = arith.addf %add3A_46, %mul3A_52 : vector<512x32xf32>
    %slice3A_54 = vector.extract_strided_slice %get3A_1 {offsets = [0, 8], sizes = [512, 1], strides = [1, 1]} : vector<512x32xf32> to vector<512x1xf32>
    %get3A_55 = arith.constant 0 : index
    %get3A_56 = arith.constant 256 : index
    %get3A_57 = vector.load %arg2[%get3A_55, %get3A_56] : memref<512x1024xf32, #tpu.memory_space<vmem>>, vector<512x32xf32>
    %mul3A_58 = vector.broadcast %slice3A_54 : vector<512x1xf32> to vector<512x32xf32>
    %mul3A_59 = arith.mulf %mul3A_58, %get3A_57 : vector<512x32xf32>
    %add3A_60 = arith.addf %add3A_53, %mul3A_59 : vector<512x32xf32>
    %slice3A_61 = vector.extract_strided_slice %get3A_1 {offsets = [0, 9], sizes = [512, 1], strides = [1, 1]} : vector<512x32xf32> to vector<512x1xf32>
    %get3A_62 = arith.constant 0 : index
    %get3A_63 = arith.constant 288 : index
    %get3A_64 = vector.load %arg2[%get3A_62, %get3A_63] : memref<512x1024xf32, #tpu.memory_space<vmem>>, vector<512x32xf32>
    %mul3A_65 = vector.broadcast %slice3A_61 : vector<512x1xf32> to vector<512x32xf32>
    %mul3A_66 = arith.mulf %mul3A_65, %get3A_64 : vector<512x32xf32>
    %add3A_67 = arith.addf %add3A_60, %mul3A_66 : vector<512x32xf32>
    %slice3A_68 = vector.extract_strided_slice %get3A_1 {offsets = [0, 10], sizes = [512, 1], strides = [1, 1]} : vector<512x32xf32> to vector<512x1xf32>
    %get3A_69 = arith.constant 0 : index
    %get3A_70 = arith.constant 320 : index
    %get3A_71 = vector.load %arg2[%get3A_69, %get3A_70] : memref<512x1024xf32, #tpu.memory_space<vmem>>, vector<512x32xf32>
    %mul3A_72 = vector.broadcast %slice3A_68 : vector<512x1xf32> to vector<512x32xf32>
    %mul3A_73 = arith.mulf %mul3A_72, %get3A_71 : vector<512x32xf32>
    %add3A_74 = arith.addf %add3A_67, %mul3A_73 : vector<512x32xf32>
    %slice3A_75 = vector.extract_strided_slice %get3A_1 {offsets = [0, 11], sizes = [512, 1], strides = [1, 1]} : vector<512x32xf32> to vector<512x1xf32>
    %get3A_76 = arith.constant 0 : index
    %get3A_77 = arith.constant 352 : index
    %get3A_78 = vector.load %arg2[%get3A_76, %get3A_77] : memref<512x1024xf32, #tpu.memory_space<vmem>>, vector<512x32xf32>
    %mul3A_79 = vector.broadcast %slice3A_75 : vector<512x1xf32> to vector<512x32xf32>
    %mul3A_80 = arith.mulf %mul3A_79, %get3A_78 : vector<512x32xf32>
    %add3A_81 = arith.addf %add3A_74, %mul3A_80 : vector<512x32xf32>
    %slice3A_82 = vector.extract_strided_slice %get3A_1 {offsets = [0, 12], sizes = [512, 1], strides = [1, 1]} : vector<512x32xf32> to vector<512x1xf32>
    %get3A_83 = arith.constant 0 : index
    %get3A_84 = arith.constant 384 : index
    %get3A_85 = vector.load %arg2[%get3A_83, %get3A_84] : memref<512x1024xf32, #tpu.memory_space<vmem>>, vector<512x32xf32>
    %mul3A_86 = vector.broadcast %slice3A_82 : vector<512x1xf32> to vector<512x32xf32>
    %mul3A_87 = arith.mulf %mul3A_86, %get3A_85 : vector<512x32xf32>
    %add3A_88 = arith.addf %add3A_81, %mul3A_87 : vector<512x32xf32>
    %slice3A_89 = vector.extract_strided_slice %get3A_1 {offsets = [0, 13], sizes = [512, 1], strides = [1, 1]} : vector<512x32xf32> to vector<512x1xf32>
    %get3A_90 = arith.constant 0 : index
    %get3A_91 = arith.constant 416 : index
    %get3A_92 = vector.load %arg2[%get3A_90, %get3A_91] : memref<512x1024xf32, #tpu.memory_space<vmem>>, vector<512x32xf32>
    %mul3A_93 = vector.broadcast %slice3A_89 : vector<512x1xf32> to vector<512x32xf32>
    %mul3A_94 = arith.mulf %mul3A_93, %get3A_92 : vector<512x32xf32>
    %add3A_95 = arith.addf %add3A_88, %mul3A_94 : vector<512x32xf32>
    %slice3A_96 = vector.extract_strided_slice %get3A_1 {offsets = [0, 14], sizes = [512, 1], strides = [1, 1]} : vector<512x32xf32> to vector<512x1xf32>
    %get3A_97 = arith.constant 0 : index
    %get3A_98 = arith.constant 448 : index
    %get3A_99 = vector.load %arg2[%get3A_97, %get3A_98] : memref<512x1024xf32, #tpu.memory_space<vmem>>, vector<512x32xf32>
    %mul3A_100 = vector.broadcast %slice3A_96 : vector<512x1xf32> to vector<512x32xf32>
    %mul3A_101 = arith.mulf %mul3A_100, %get3A_99 : vector<512x32xf32>
    %add3A_102 = arith.addf %add3A_95, %mul3A_101 : vector<512x32xf32>
    %slice3A_103 = vector.extract_strided_slice %get3A_1 {offsets = [0, 15], sizes = [512, 1], strides = [1, 1]} : vector<512x32xf32> to vector<512x1xf32>
    %get3A_104 = arith.constant 0 : index
    %get3A_105 = arith.constant 480 : index
    %get3A_106 = vector.load %arg2[%get3A_104, %get3A_105] : memref<512x1024xf32, #tpu.memory_space<vmem>>, vector<512x32xf32>
    %mul3A_107 = vector.broadcast %slice3A_103 : vector<512x1xf32> to vector<512x32xf32>
    %mul3A_108 = arith.mulf %mul3A_107, %get3A_106 : vector<512x32xf32>
    %add3A_109 = arith.addf %add3A_102, %mul3A_108 : vector<512x32xf32>
    %slice3A_110 = vector.extract_strided_slice %get3A_1 {offsets = [0, 16], sizes = [512, 1], strides = [1, 1]} : vector<512x32xf32> to vector<512x1xf32>
    %get3A_111 = arith.constant 0 : index
    %get3A_112 = arith.constant 512 : index
    %get3A_113 = vector.load %arg2[%get3A_111, %get3A_112] : memref<512x1024xf32, #tpu.memory_space<vmem>>, vector<512x32xf32>
    %mul3A_114 = vector.broadcast %slice3A_110 : vector<512x1xf32> to vector<512x32xf32>
    %mul3A_115 = arith.mulf %mul3A_114, %get3A_113 : vector<512x32xf32>
    %add3A_116 = arith.addf %add3A_109, %mul3A_115 : vector<512x32xf32>
    %slice3A_117 = vector.extract_strided_slice %get3A_1 {offsets = [0, 17], sizes = [512, 1], strides = [1, 1]} : vector<512x32xf32> to vector<512x1xf32>
    %get3A_118 = arith.constant 0 : index
    %get3A_119 = arith.constant 544 : index
    %get3A_120 = vector.load %arg2[%get3A_118, %get3A_119] : memref<512x1024xf32, #tpu.memory_space<vmem>>, vector<512x32xf32>
    %mul3A_121 = vector.broadcast %slice3A_117 : vector<512x1xf32> to vector<512x32xf32>
    %mul3A_122 = arith.mulf %mul3A_121, %get3A_120 : vector<512x32xf32>
    %add3A_123 = arith.addf %add3A_116, %mul3A_122 : vector<512x32xf32>
    %slice3A_124 = vector.extract_strided_slice %get3A_1 {offsets = [0, 18], sizes = [512, 1], strides = [1, 1]} : vector<512x32xf32> to vector<512x1xf32>
    %get3A_125 = arith.constant 0 : index
    %get3A_126 = arith.constant 576 : index
    %get3A_127 = vector.load %arg2[%get3A_125, %get3A_126] : memref<512x1024xf32, #tpu.memory_space<vmem>>, vector<512x32xf32>
    %mul3A_128 = vector.broadcast %slice3A_124 : vector<512x1xf32> to vector<512x32xf32>
    %mul3A_129 = arith.mulf %mul3A_128, %get3A_127 : vector<512x32xf32>
    %add3A_130 = arith.addf %add3A_123, %mul3A_129 : vector<512x32xf32>
    %slice3A_131 = vector.extract_strided_slice %get3A_1 {offsets = [0, 19], sizes = [512, 1], strides = [1, 1]} : vector<512x32xf32> to vector<512x1xf32>
    %get3A_132 = arith.constant 0 : index
    %get3A_133 = arith.constant 608 : index
    %get3A_134 = vector.load %arg2[%get3A_132, %get3A_133] : memref<512x1024xf32, #tpu.memory_space<vmem>>, vector<512x32xf32>
    %mul3A_135 = vector.broadcast %slice3A_131 : vector<512x1xf32> to vector<512x32xf32>
    %mul3A_136 = arith.mulf %mul3A_135, %get3A_134 : vector<512x32xf32>
    %add3A_137 = arith.addf %add3A_130, %mul3A_136 : vector<512x32xf32>
    %slice3A_138 = vector.extract_strided_slice %get3A_1 {offsets = [0, 20], sizes = [512, 1], strides = [1, 1]} : vector<512x32xf32> to vector<512x1xf32>
    %get3A_139 = arith.constant 0 : index
    %get3A_140 = arith.constant 640 : index
    %get3A_141 = vector.load %arg2[%get3A_139, %get3A_140] : memref<512x1024xf32, #tpu.memory_space<vmem>>, vector<512x32xf32>
    %mul3A_142 = vector.broadcast %slice3A_138 : vector<512x1xf32> to vector<512x32xf32>
    %mul3A_143 = arith.mulf %mul3A_142, %get3A_141 : vector<512x32xf32>
    %add3A_144 = arith.addf %add3A_137, %mul3A_143 : vector<512x32xf32>
    %slice3A_145 = vector.extract_strided_slice %get3A_1 {offsets = [0, 21], sizes = [512, 1], strides = [1, 1]} : vector<512x32xf32> to vector<512x1xf32>
    %get3A_146 = arith.constant 0 : index
    %get3A_147 = arith.constant 672 : index
    %get3A_148 = vector.load %arg2[%get3A_146, %get3A_147] : memref<512x1024xf32, #tpu.memory_space<vmem>>, vector<512x32xf32>
    %mul3A_149 = vector.broadcast %slice3A_145 : vector<512x1xf32> to vector<512x32xf32>
    %mul3A_150 = arith.mulf %mul3A_149, %get3A_148 : vector<512x32xf32>
    %add3A_151 = arith.addf %add3A_144, %mul3A_150 : vector<512x32xf32>
    %slice3A_152 = vector.extract_strided_slice %get3A_1 {offsets = [0, 22], sizes = [512, 1], strides = [1, 1]} : vector<512x32xf32> to vector<512x1xf32>
    %get3A_153 = arith.constant 0 : index
    %get3A_154 = arith.constant 704 : index
    %get3A_155 = vector.load %arg2[%get3A_153, %get3A_154] : memref<512x1024xf32, #tpu.memory_space<vmem>>, vector<512x32xf32>
    %mul3A_156 = vector.broadcast %slice3A_152 : vector<512x1xf32> to vector<512x32xf32>
    %mul3A_157 = arith.mulf %mul3A_156, %get3A_155 : vector<512x32xf32>
    %add3A_158 = arith.addf %add3A_151, %mul3A_157 : vector<512x32xf32>
    %slice3A_159 = vector.extract_strided_slice %get3A_1 {offsets = [0, 23], sizes = [512, 1], strides = [1, 1]} : vector<512x32xf32> to vector<512x1xf32>
    %get3A_160 = arith.constant 0 : index
    %get3A_161 = arith.constant 736 : index
    %get3A_162 = vector.load %arg2[%get3A_160, %get3A_161] : memref<512x1024xf32, #tpu.memory_space<vmem>>, vector<512x32xf32>
    %mul3A_163 = vector.broadcast %slice3A_159 : vector<512x1xf32> to vector<512x32xf32>
    %mul3A_164 = arith.mulf %mul3A_163, %get3A_162 : vector<512x32xf32>
    %add3A_165 = arith.addf %add3A_158, %mul3A_164 : vector<512x32xf32>
    %slice3A_166 = vector.extract_strided_slice %get3A_1 {offsets = [0, 24], sizes = [512, 1], strides = [1, 1]} : vector<512x32xf32> to vector<512x1xf32>
    %get3A_167 = arith.constant 0 : index
    %get3A_168 = arith.constant 768 : index
    %get3A_169 = vector.load %arg2[%get3A_167, %get3A_168] : memref<512x1024xf32, #tpu.memory_space<vmem>>, vector<512x32xf32>
    %mul3A_170 = vector.broadcast %slice3A_166 : vector<512x1xf32> to vector<512x32xf32>
    %mul3A_171 = arith.mulf %mul3A_170, %get3A_169 : vector<512x32xf32>
    %add3A_172 = arith.addf %add3A_165, %mul3A_171 : vector<512x32xf32>
    %slice3A_173 = vector.extract_strided_slice %get3A_1 {offsets = [0, 25], sizes = [512, 1], strides = [1, 1]} : vector<512x32xf32> to vector<512x1xf32>
    %get3A_174 = arith.constant 0 : index
    %get3A_175 = arith.constant 800 : index
    %get3A_176 = vector.load %arg2[%get3A_174, %get3A_175] : memref<512x1024xf32, #tpu.memory_space<vmem>>, vector<512x32xf32>
    %mul3A_177 = vector.broadcast %slice3A_173 : vector<512x1xf32> to vector<512x32xf32>
    %mul3A_178 = arith.mulf %mul3A_177, %get3A_176 : vector<512x32xf32>
    %add3A_179 = arith.addf %add3A_172, %mul3A_178 : vector<512x32xf32>
    %slice3A_180 = vector.extract_strided_slice %get3A_1 {offsets = [0, 26], sizes = [512, 1], strides = [1, 1]} : vector<512x32xf32> to vector<512x1xf32>
    %get3A_181 = arith.constant 0 : index
    %get3A_182 = arith.constant 832 : index
    %get3A_183 = vector.load %arg2[%get3A_181, %get3A_182] : memref<512x1024xf32, #tpu.memory_space<vmem>>, vector<512x32xf32>
    %mul3A_184 = vector.broadcast %slice3A_180 : vector<512x1xf32> to vector<512x32xf32>
    %mul3A_185 = arith.mulf %mul3A_184, %get3A_183 : vector<512x32xf32>
    %add3A_186 = arith.addf %add3A_179, %mul3A_185 : vector<512x32xf32>
    %slice3A_187 = vector.extract_strided_slice %get3A_1 {offsets = [0, 27], sizes = [512, 1], strides = [1, 1]} : vector<512x32xf32> to vector<512x1xf32>
    %get3A_188 = arith.constant 0 : index
    %get3A_189 = arith.constant 864 : index
    %get3A_190 = vector.load %arg2[%get3A_188, %get3A_189] : memref<512x1024xf32, #tpu.memory_space<vmem>>, vector<512x32xf32>
    %mul3A_191 = vector.broadcast %slice3A_187 : vector<512x1xf32> to vector<512x32xf32>
    %mul3A_192 = arith.mulf %mul3A_191, %get3A_190 : vector<512x32xf32>
    %add3A_193 = arith.addf %add3A_186, %mul3A_192 : vector<512x32xf32>
    %slice3A_194 = vector.extract_strided_slice %get3A_1 {offsets = [0, 28], sizes = [512, 1], strides = [1, 1]} : vector<512x32xf32> to vector<512x1xf32>
    %get3A_195 = arith.constant 0 : index
    %get3A_196 = arith.constant 896 : index
    %get3A_197 = vector.load %arg2[%get3A_195, %get3A_196] : memref<512x1024xf32, #tpu.memory_space<vmem>>, vector<512x32xf32>
    %mul3A_198 = vector.broadcast %slice3A_194 : vector<512x1xf32> to vector<512x32xf32>
    %mul3A_199 = arith.mulf %mul3A_198, %get3A_197 : vector<512x32xf32>
    %add3A_200 = arith.addf %add3A_193, %mul3A_199 : vector<512x32xf32>
    %slice3A_201 = vector.extract_strided_slice %get3A_1 {offsets = [0, 29], sizes = [512, 1], strides = [1, 1]} : vector<512x32xf32> to vector<512x1xf32>
    %get3A_202 = arith.constant 0 : index
    %get3A_203 = arith.constant 928 : index
    %get3A_204 = vector.load %arg2[%get3A_202, %get3A_203] : memref<512x1024xf32, #tpu.memory_space<vmem>>, vector<512x32xf32>
    %mul3A_205 = vector.broadcast %slice3A_201 : vector<512x1xf32> to vector<512x32xf32>
    %mul3A_206 = arith.mulf %mul3A_205, %get3A_204 : vector<512x32xf32>
    %add3A_207 = arith.addf %add3A_200, %mul3A_206 : vector<512x32xf32>
    %slice3A_208 = vector.extract_strided_slice %get3A_1 {offsets = [0, 30], sizes = [512, 1], strides = [1, 1]} : vector<512x32xf32> to vector<512x1xf32>
    %get3A_209 = arith.constant 0 : index
    %get3A_210 = arith.constant 960 : index
    %get3A_211 = vector.load %arg2[%get3A_209, %get3A_210] : memref<512x1024xf32, #tpu.memory_space<vmem>>, vector<512x32xf32>
    %mul3A_212 = vector.broadcast %slice3A_208 : vector<512x1xf32> to vector<512x32xf32>
    %mul3A_213 = arith.mulf %mul3A_212, %get3A_211 : vector<512x32xf32>
    %add3A_214 = arith.addf %add3A_207, %mul3A_213 : vector<512x32xf32>
    %slice3A_215 = vector.extract_strided_slice %get3A_1 {offsets = [0, 31], sizes = [512, 1], strides = [1, 1]} : vector<512x32xf32> to vector<512x1xf32>
    %get3A_216 = arith.constant 0 : index
    %get3A_217 = arith.constant 992 : index
    %get3A_218 = vector.load %arg2[%get3A_216, %get3A_217] : memref<512x1024xf32, #tpu.memory_space<vmem>>, vector<512x32xf32>
    %mul3A_219 = vector.broadcast %slice3A_215 : vector<512x1xf32> to vector<512x32xf32>
    %mul3A_220 = arith.mulf %mul3A_219, %get3A_218 : vector<512x32xf32>
    %add3A_221 = arith.addf %add3A_214, %mul3A_220 : vector<512x32xf32>
    %swap3A = arith.constant 0 : index
    %swap3A_222 = arith.constant 0 : index
    %swap3A_223 = vector.load %arg3[%swap3A, %swap3A_222] : memref<512x128xf32, #tpu.memory_space<vmem>>, vector<512x32xf32>
    tpu.vector_store %arg3[%swap3A, %swap3A_222], %add3A_221 {strides = array<i32>} : memref<512x128xf32, #tpu.memory_space<vmem>>, vector<512x32xf32>,
    %broadcast_in_dim3A = arith.constant 0.000000e+00 : f32
    %broadcast_in_dim3A_224 = vector.broadcast %broadcast_in_dim3A : f32 to vector<512x96xf32>
    %swap3A_225 = arith.constant 0 : index
    %swap3A_226 = arith.constant 32 : index
    %swap3A_227 = vector.load %arg3[%swap3A_225, %swap3A_226] : memref<512x128xf32, #tpu.memory_space<vmem>>, vector<512x96xf32>
    tpu.vector_store %arg3[%swap3A_225, %swap3A_226], %broadcast_in_dim3A_224 {strides = array<i32>} : memref<512x128xf32, #tpu.memory_space<vmem>>, vector<512x96xf32>,
    return
  }
  func.func @transform_0(%arg0: i32) -> (i32, i32) {
    %c0_i32 = arith.constant 0 : i32
    %c0_i32_0 = arith.constant 0 : i32
    return %arg0, %c0_i32 : i32, i32
  }
  func.func @transform_1(%arg0: i32) -> (i32, i32) {
    %c0_i32 = arith.constant 0 : i32
    %c0_i32_0 = arith.constant 0 : i32
    return %arg0, %c0_i32 : i32, i32
  }
  func.func @transform_2(%arg0: i32) -> (i32, i32) {
    %c0_i32 = arith.constant 0 : i32
    %c0_i32_0 = arith.constant 0 : i32
    return %arg0, %c0_i32 : i32, i32
  }
}

module attributes {stable_mosaic.version = 14 : i64} {
  func.func @_gru_body(%arg0: i32, %arg1: memref<2x2000x128xf32, #tpu.memory_space<vmem>>, %arg2: memref<2000x128xf32, #tpu.memory_space<vmem>>, %arg3: memref<32x96xf32, #tpu.memory_space<vmem>>, %arg4: memref<32x96xf32, #tpu.memory_space<vmem>>, %arg5: memref<1x96xf32, #tpu.memory_space<vmem>>, %arg6: memref<1x96xf32, #tpu.memory_space<vmem>>, %arg7: memref<1x32xf32, #tpu.memory_space<vmem>>, %arg8: memref<2000x128xf32, #tpu.memory_space<vmem>>) attributes {dimension_semantics = [#tpu.dimension_semantics<arbitrary>], iteration_bounds = array<i64: 5>, scalar_prefetch = 0 : i64, scratch_operands = 0 : i64, tpu.core_type = #tpu.core_type<tc>, window_params = [{transform_indices = @transform_0, window_bounds = array<i64: 2, 2000, 128>}, {transform_indices = @transform_1, window_bounds = array<i64: 2000, 128>}, {pipeline_mode = #tpu.pipeline_mode<synchronous>, transform_indices = @transform_2, window_bounds = array<i64: 32, 96>}, {pipeline_mode = #tpu.pipeline_mode<synchronous>, transform_indices = @transform_3, window_bounds = array<i64: 32, 96>}, {pipeline_mode = #tpu.pipeline_mode<synchronous>, transform_indices = @transform_4, window_bounds = array<i64: 1, 96>}, {pipeline_mode = #tpu.pipeline_mode<synchronous>, transform_indices = @transform_5, window_bounds = array<i64: 1, 96>}, {pipeline_mode = #tpu.pipeline_mode<synchronous>, transform_indices = @transform_6, window_bounds = array<i64: 1, 32>}, {transform_indices = @transform_7, window_bounds = array<i64: 2000, 128>}]} {
    %get3A = arith.constant 0 : index
    %get3A_0 = arith.constant 0 : index
    %get3A_1 = vector.load %arg2[%get3A, %get3A_0] : memref<2000x128xf32, #tpu.memory_space<vmem>>, vector<2000x32xf32>
    %get3A_2 = arith.constant 0 : index
    %get3A_3 = arith.constant 0 : index
    %get3A_4 = arith.constant 0 : index
    %get3A_5 = vector.load %arg1[%get3A_2, %get3A_3, %get3A_4] : memref<2x2000x128xf32, #tpu.memory_space<vmem>>, vector<1x2000x128xf32>
    %get3A_6 = vector.shape_cast %get3A_5 : vector<1x2000x128xf32> to vector<2000x128xf32>
    %slice3A = vector.extract_strided_slice %get3A_6 {offsets = [0, 0], sizes = [2000, 32], strides = [1, 1]} : vector<2000x128xf32> to vector<2000x32xf32>
    %get3A_7 = arith.constant 1 : index
    %get3A_8 = arith.constant 0 : index
    %get3A_9 = arith.constant 0 : index
    %get3A_10 = vector.load %arg1[%get3A_7, %get3A_8, %get3A_9] : memref<2x2000x128xf32, #tpu.memory_space<vmem>>, vector<1x2000x128xf32>
    %get3A_11 = vector.shape_cast %get3A_10 : vector<1x2000x128xf32> to vector<2000x128xf32>
    %slice3A_12 = vector.extract_strided_slice %get3A_11 {offsets = [0, 0], sizes = [2000, 32], strides = [1, 1]} : vector<2000x128xf32> to vector<2000x32xf32>
    %add3A = arith.addf %slice3A, %slice3A_12 : vector<2000x32xf32>
    %get3A_13 = arith.constant 0 : index
    %get3A_14 = arith.constant 0 : index
    %get3A_15 = vector.load %arg7[%get3A_13, %get3A_14] : memref<1x32xf32, #tpu.memory_space<vmem>>, vector<1x32xf32>
    %add3A_16 = vector.broadcast %get3A_15 : vector<1x32xf32> to vector<2000x32xf32>
    %add3A_17 = arith.addf %add3A, %add3A_16 : vector<2000x32xf32>
    %max3A = arith.constant 0.000000e+00 : f32
    %max3A_18 = vector.broadcast %max3A : f32 to vector<2000x32xf32>
    %max3A_19 = arith.maximumf %add3A_17, %max3A_18 : vector<2000x32xf32>
    %get3A_20 = arith.constant 0 : index
    %get3A_21 = arith.constant 0 : index
    %get3A_22 = vector.load %arg3[%get3A_20, %get3A_21] : memref<32x96xf32, #tpu.memory_space<vmem>>, vector<32x96xf32>
    %dot_general3A = arith.constant dense<0.000000e+00> : vector<2000x96xf32>
    %dot_general3A_23 = tpu.matmul %max3A_19, %get3A_22, %dot_general3A {dimension_numbers = #tpu.dot_dimension_numbers<[1], [0], [0], [1], [0, 0, 1, 1], [], []>, transpose_lhs_hint = false} : vector<2000x32xf32>, vector<32x96xf32>, vector<2000x96xf32> -> vector<2000x96xf32>
    %get3A_24 = arith.constant 0 : index
    %get3A_25 = arith.constant 0 : index
    %get3A_26 = vector.load %arg5[%get3A_24, %get3A_25] : memref<1x96xf32, #tpu.memory_space<vmem>>, vector<1x96xf32>
    %add3A_27 = vector.broadcast %get3A_26 : vector<1x96xf32> to vector<2000x96xf32>
    %add3A_28 = arith.addf %dot_general3A_23, %add3A_27 : vector<2000x96xf32>
    %get3A_29 = arith.constant 0 : index
    %get3A_30 = arith.constant 0 : index
    %get3A_31 = vector.load %arg4[%get3A_29, %get3A_30] : memref<32x96xf32, #tpu.memory_space<vmem>>, vector<32x96xf32>
    %dot_general3A_32 = arith.constant dense<0.000000e+00> : vector<2000x96xf32>
    %dot_general3A_33 = tpu.matmul %get3A_1, %get3A_31, %dot_general3A_32 {dimension_numbers = #tpu.dot_dimension_numbers<[1], [0], [0], [1], [0, 0, 1, 1], [], []>, transpose_lhs_hint = false} : vector<2000x32xf32>, vector<32x96xf32>, vector<2000x96xf32> -> vector<2000x96xf32>
    %get3A_34 = arith.constant 0 : index
    %get3A_35 = arith.constant 0 : index
    %get3A_36 = vector.load %arg6[%get3A_34, %get3A_35] : memref<1x96xf32, #tpu.memory_space<vmem>>, vector<1x96xf32>
    %add3A_37 = vector.broadcast %get3A_36 : vector<1x96xf32> to vector<2000x96xf32>
    %add3A_38 = arith.addf %dot_general3A_33, %add3A_37 : vector<2000x96xf32>
    %slice3A_39 = vector.extract_strided_slice %add3A_28 {offsets = [0, 0], sizes = [2000, 32], strides = [1, 1]} : vector<2000x96xf32> to vector<2000x32xf32>
    %slice3A_40 = vector.extract_strided_slice %add3A_38 {offsets = [0, 0], sizes = [2000, 32], strides = [1, 1]} : vector<2000x96xf32> to vector<2000x32xf32>
    %add3A_41 = arith.addf %slice3A_39, %slice3A_40 : vector<2000x32xf32>
    %logistic3A = arith.negf %add3A_41 : vector<2000x32xf32>
    %logistic3A_42 = math.exp %logistic3A : vector<2000x32xf32>
    %logistic3A_43 = arith.constant 1.000000e+00 : f32
    %logistic3A_44 = vector.broadcast %logistic3A_43 : f32 to vector<2000x32xf32>
    %logistic3A_45 = arith.addf %logistic3A_44, %logistic3A_42 : vector<2000x32xf32>
    %logistic3A_46 = arith.divf %logistic3A_44, %logistic3A_45 : vector<2000x32xf32>
    %slice3A_47 = vector.extract_strided_slice %add3A_28 {offsets = [0, 32], sizes = [2000, 32], strides = [1, 1]} : vector<2000x96xf32> to vector<2000x32xf32>
    %slice3A_48 = vector.extract_strided_slice %add3A_38 {offsets = [0, 32], sizes = [2000, 32], strides = [1, 1]} : vector<2000x96xf32> to vector<2000x32xf32>
    %add3A_49 = arith.addf %slice3A_47, %slice3A_48 : vector<2000x32xf32>
    %logistic3A_50 = arith.negf %add3A_49 : vector<2000x32xf32>
    %logistic3A_51 = math.exp %logistic3A_50 : vector<2000x32xf32>
    %logistic3A_52 = arith.constant 1.000000e+00 : f32
    %logistic3A_53 = vector.broadcast %logistic3A_52 : f32 to vector<2000x32xf32>
    %logistic3A_54 = arith.addf %logistic3A_53, %logistic3A_51 : vector<2000x32xf32>
    %logistic3A_55 = arith.divf %logistic3A_53, %logistic3A_54 : vector<2000x32xf32>
    %slice3A_56 = vector.extract_strided_slice %add3A_28 {offsets = [0, 64], sizes = [2000, 32], strides = [1, 1]} : vector<2000x96xf32> to vector<2000x32xf32>
    %slice3A_57 = vector.extract_strided_slice %add3A_38 {offsets = [0, 64], sizes = [2000, 32], strides = [1, 1]} : vector<2000x96xf32> to vector<2000x32xf32>
    %mul3A = arith.mulf %logistic3A_46, %slice3A_57 : vector<2000x32xf32>
    %add3A_58 = arith.addf %slice3A_56, %mul3A : vector<2000x32xf32>
    %tanh3A = math.tanh %add3A_58 : vector<2000x32xf32>
    %sub3A = arith.constant 1.000000e+00 : f32
    %sub3A_59 = vector.broadcast %sub3A : f32 to vector<2000x32xf32>
    %sub3A_60 = arith.subf %sub3A_59, %logistic3A_55 : vector<2000x32xf32>
    %mul3A_61 = arith.mulf %sub3A_60, %tanh3A : vector<2000x32xf32>
    %mul3A_62 = arith.mulf %logistic3A_55, %get3A_1 : vector<2000x32xf32>
    %add3A_63 = arith.addf %mul3A_61, %mul3A_62 : vector<2000x32xf32>
    %swap3A = arith.constant 0 : index
    %swap3A_64 = arith.constant 0 : index
    %swap3A_65 = vector.load %arg8[%swap3A, %swap3A_64] : memref<2000x128xf32, #tpu.memory_space<vmem>>, vector<2000x32xf32>
    tpu.vector_store %arg8[%swap3A, %swap3A_64], %add3A_63 {strides = array<i32>} : memref<2000x128xf32, #tpu.memory_space<vmem>>, vector<2000x32xf32>,
    %broadcast_in_dim3A = arith.constant 0.000000e+00 : f32
    %broadcast_in_dim3A_66 = vector.broadcast %broadcast_in_dim3A : f32 to vector<2000x96xf32>
    %swap3A_67 = arith.constant 0 : index
    %swap3A_68 = arith.constant 32 : index
    %swap3A_69 = vector.load %arg8[%swap3A_67, %swap3A_68] : memref<2000x128xf32, #tpu.memory_space<vmem>>, vector<2000x96xf32>
    tpu.vector_store %arg8[%swap3A_67, %swap3A_68], %broadcast_in_dim3A_66 {strides = array<i32>} : memref<2000x128xf32, #tpu.memory_space<vmem>>, vector<2000x96xf32>,
    return
  }
  func.func @transform_0(%arg0: i32) -> (i32, i32, i32) {
    %c0_i32 = arith.constant 0 : i32
    %c0_i32_0 = arith.constant 0 : i32
    %c0_i32_1 = arith.constant 0 : i32
    return %c0_i32, %arg0, %c0_i32_0 : i32, i32, i32
  }
  func.func @transform_1(%arg0: i32) -> (i32, i32) {
    %c0_i32 = arith.constant 0 : i32
    %c0_i32_0 = arith.constant 0 : i32
    return %arg0, %c0_i32 : i32, i32
  }
  func.func @transform_2(%arg0: i32) -> (i32, i32) {
    %c0_i32 = arith.constant 0 : i32
    %c0_i32_0 = arith.constant 0 : i32
    %c0_i32_1 = arith.constant 0 : i32
    return %c0_i32, %c0_i32_0 : i32, i32
  }
  func.func @transform_3(%arg0: i32) -> (i32, i32) {
    %c0_i32 = arith.constant 0 : i32
    %c0_i32_0 = arith.constant 0 : i32
    %c0_i32_1 = arith.constant 0 : i32
    return %c0_i32, %c0_i32_0 : i32, i32
  }
  func.func @transform_4(%arg0: i32) -> (i32, i32) {
    %c0_i32 = arith.constant 0 : i32
    %c0_i32_0 = arith.constant 0 : i32
    %c0_i32_1 = arith.constant 0 : i32
    return %c0_i32, %c0_i32_0 : i32, i32
  }
  func.func @transform_5(%arg0: i32) -> (i32, i32) {
    %c0_i32 = arith.constant 0 : i32
    %c0_i32_0 = arith.constant 0 : i32
    %c0_i32_1 = arith.constant 0 : i32
    return %c0_i32, %c0_i32_0 : i32, i32
  }
  func.func @transform_6(%arg0: i32) -> (i32, i32) {
    %c0_i32 = arith.constant 0 : i32
    %c0_i32_0 = arith.constant 0 : i32
    %c0_i32_1 = arith.constant 0 : i32
    return %c0_i32, %c0_i32_0 : i32, i32
  }
  func.func @transform_7(%arg0: i32) -> (i32, i32) {
    %c0_i32 = arith.constant 0 : i32
    %c0_i32_0 = arith.constant 0 : i32
    return %arg0, %c0_i32 : i32, i32
  }
}

</mosaic_0001>

<sc_bundles>
// kernel: kernel.28.cloned.1.call-start
scs
__scs_entry_jumppad:
0x0: {  	(pc) =	sbr.rel $0x88, $3  }
0x1: {  	(tag) =	ssettag $0x0;
	lr =	simm.s32 $0x1  }
0x2: {  	[smem:$0x3F93] =	sst lr;
	_ =	strace $0xD0000000  }
0x3: {  	_ = 	snop  }
0x4: {  	_ = 	snop  }
0x5: {  	_ = 	snop  }
0x6: {  	_ = 	snop  }
0x7: {  	_ = 	snop  }
__scs_overlays_trampoline_lowered:
0x8: {  	[smem:$0x3FA2] =	sst s0  }
0x9: {  	[smem:$0x3FA3] =	sst s1  }
0xa: {  	[smem:$0x3FA4] =	sst s2  }
0xb: {  	[smem:$0x3FA5] =	sst s3  }
0xc: {  	[smem:$0x3FA6] =	sst s4  }
0xd: {  	[smem:$0x3FA7] =	sst s5  }
0xe: {  	[smem:$0x3FA8] =	sst s6  }
0xf: {  	[smem:$0x3FA9] =	sst s7  }
0x10: {  	[smem:$0x3FAA] =	sst s8  }
0x11: {  	[smem:$0x3FAB] =	sst s9;
	s0 =	simm.s32 @!p0 $0x0  }
0x12: {  	s1 =	sld [smem:$0x3F91];
	s0 =	simm.s32 @p0 $0x1  }
0x13: {  	[smem:$0x3FAC] =	sst s0;
	s0 =	simm.s32 @!p1 $0x0  }
0x14: {  	s2 =	sld [smem:$0x3F90];
	s0 =	simm.s32 @p1 $0x1  }
0x15: {  	[smem:$0x3FAD] =	sst s0;
	s0 =	simm.s32 @!p2 $0x0  }
0x16: {  	s3 =	sld [smem:$0x3FDB];
	s0 =	simm.s32 @p2 $0x1  }
0x17: {  	s4 =	simm.s32 $0x1BF5;
	[smem:$0x3FAF] =	sst s0  }
0x18: {  	s0 =	sld [smem:$0x3F92];
	_ =	swait.ge [sflag:s4], $0x0  }
0x19: {  	s7 =	sld [smem:$0x3F93]  }
0x1a: {  	s8 =	sadd.s32 $0xFFFFE003, lr  }
0x1b: {  	s9 =	sadd.s32 $0xFFFFFEF7, lr;
	s5 =	simm.s32 $0xFFFFFFFF;
	p2 =	slt.u32 s8, $0xFFFFF086  }
0x1c: {  	p1 =	slt.u32 s9, $0xF7A;
	s5 =	simm.s32 @!p2 $0x0  }
0x1d: {  	s5 =	simm.s32 @p1 $0x1;
	p0 =	seq.s32 s7, s2  }
0x1e: {  	s7 =	smul.u32 @!p0 $0xF7A, s2;
	p2 =	seq.s32 @!p0 s5, $0x0  }
0x1f: {  	s9 =	smul.u32 $0xF7A, s1;
	s8 =	simm.s32 @!p0 $0x1BF5;
	p2 =	por !p2, p0  }
0x20: {  	[sflag:s8] =	ssyncset.s32 @!p0 $0xFFFFF086;
	s6 =	sadd.s32 @!p0 s3, s7;
	s7 =	simm.s32 @!p0 $0x108  }
0x21: {  	s3 =	sadd.s32 s3, s9;
	s6 =	sadd.s32 @!p0 $0x88, s6;
	s7 =	simm.s32 @p2 $0x1082  }
0x22: {  	[simem:s7], [sflag:s8] =	dma.local @!p0 [hbm:s6], $0xF7A  }
0x23: {  	s9 =	sor.u32 $0xD0000000, s2;
	s6 =	simm.s32 $0x108;
	_ =	swait.ge @!p0 [sflag:s8], $0x0  }
0x24: {  	s3 =	sadd.s32 $0x88, s3;
	s6 =	simm.s32 @!p1 $0x1082;
	[sflag:s4] =	ssyncset.s32 $0xFFFFF086  }
0x25: {  	[simem:s6], [sflag:s4] =	dma.local [hbm:s3], $0xF7A  }
0x26: {  	[smem:$0x3F93] =	sst s1;
	(tag) =	ssettag s2;
	_ =	strace s9  }
0x27: {  	s1 =	sld [smem:$0x3FA3]  }
0x28: {  	s2 =	sld [smem:$0x3FA4]  }
0x29: {  	s4 =	sld [smem:$0x3FA6]  }
0x2a: {  	p0 =	seq.s32 s5, $0x0;
	s5 =	sld [smem:$0x3FA7]  }
0x2b: {  	s6 =	sld [smem:$0x3FA8]  }
0x2c: {  	s7 =	sld [smem:$0x3FA9]  }
0x2d: {  	s3 =	simm.s32 $0x108;
	s8 =	sld [smem:$0x3FAA]  }
0x2e: {  	s3 =	simm.s32 @!p0 $0x1082;
	s9 =	sld [smem:$0x3FAB]  }
0x2f: {  	lr =	sadd.s32 s0, s3;
	s0 =	sld [smem:$0x3FA2]  }
0x30: {  	s3 =	sld [smem:$0x3FA5]  }
0x31: {  	[smem:$0x3FAE] =	sst s10  }
0x32: {  	s10 =	sld [smem:$0x3FAC];
	_ =	sdelay $0x3  }
0x33: {  	p0 =	seq.s32 s10, $0x1;
	s10 =	sld [smem:$0x3FAE];
	_ =	sdelay $0x3  }
0x34: {  	[smem:$0x3FAE] =	sst s10  }
0x35: {  	s10 =	sld [smem:$0x3FAD];
	_ =	sdelay $0x3  }
0x36: {  	p1 =	seq.s32 s10, $0x1;
	s10 =	sld [smem:$0x3FAE];
	_ =	sdelay $0x3  }
0x37: {  	[smem:$0x3FAE] =	sst s10  }
0x38: {  	s10 =	sld [smem:$0x3FAF]  }
0x39: {  	_ = 	snop;
	(pc) =	sbr.ind lr, $3  }
0x3a: {  	_ = 	snop  }
0x3b: {  	_ = 	snop  }
0x3c: {  	p2 =	seq.s32 s10, $0x1;
	s10 =	sld [smem:$0x3FAE]  }
0x3d: {  	_ =	shalt  }
0x3e: {  	_ =	shalt  }
0x3f: {  	_ =	shalt  }
0x40: {  	_ =	shalt  }
0x41: {  	_ =	shalt  }
0x42: {  	_ =	shalt  }
0x43: {  	_ =	shalt  }
0x44: {  	_ =	shalt  }
0x45: {  	_ =	shalt  }
0x46: {  	_ =	shalt  }
0x47: {  	_ =	shalt  }
0x48: {  	_ =	shalt  }
0x49: {  	_ =	shalt  }
0x4a: {  	_ =	shalt  }
0x4b: {  	_ =	shalt  }
0x4c: {  	_ =	shalt  }
0x4d: {  	_ =	shalt  }
0x4e: {  	_ =	shalt  }
0x4f: {  	_ =	shalt  }
0x50: {  	_ =	shalt  }
0x51: {  	_ =	shalt  }
0x52: {  	_ =	shalt  }
0x53: {  	_ =	shalt  }
0x54: {  	_ =	shalt  }
0x55: {  	_ =	shalt  }
0x56: {  	_ =	shalt  }
0x57: {  	_ =	shalt  }
0x58: {  	_ =	shalt  }
0x59: {  	_ =	shalt  }
0x5a: {  	_ =	shalt  }
0x5b: {  	_ =	shalt  }
0x5c: {  	_ =	shalt  }
0x5d: {  	_ =	shalt  }
0x5e: {  	_ =	shalt  }
0x5f: {  	_ =	shalt  }
0x60: {  	_ =	shalt  }
0x61: {  	_ =	shalt  }
0x62: {  	_ =	shalt  }
0x63: {  	_ =	shalt  }
0x64: {  	_ =	shalt  }
0x65: {  	_ =	shalt  }
0x66: {  	_ =	shalt  }
0x67: {  	_ =	shalt  }
0x68: {  	_ =	shalt  }
0x69: {  	_ =	shalt  }
0x6a: {  	_ =	shalt  }
0x6b: {  	_ =	shalt  }
0x6c: {  	_ =	shalt  }
0x6d: {  	_ =	shalt  }
0x6e: {  	_ =	shalt  }
0x6f: {  	_ =	shalt  }
0x70: {  	_ =	shalt  }
0x71: {  	_ =	shalt  }
0x72: {  	_ =	shalt  }
0x73: {  	_ =	shalt  }
0x74: {  	_ =	shalt  }
0x75: {  	_ =	shalt  }
0x76: {  	_ =	shalt  }
0x77: {  	_ =	shalt  }
0x78: {  	_ =	shalt  }
0x79: {  	_ =	shalt  }
0x7a: {  	_ =	shalt  }
0x7b: {  	_ =	shalt  }
0x7c: {  	_ =	shalt  }
0x7d: {  	_ =	shalt  }
0x7e: {  	_ =	shalt  }
0x7f: {  	_ =	shalt  }
0x80: {  	_ =	shalt  }
0x81: {  	_ =	shalt  }
0x82: {  	_ =	shalt  }
0x83: {  	_ =	shalt  }
0x84: {  	_ =	shalt  }
0x85: {  	_ =	shalt  }
0x86: {  	_ =	shalt  }
0x87: {  	_ =	shalt  }
.Lfunc_end0:
.L_simem_size_0:
called_computation_lowered:
.L_overlay_start_0:
0x88: {  	s2 =	sld [smem:$0x3FD9]  }
0x89: {  	s3 =	sld [smem:$0x3FFE];
	_ =	sdelay $0x1  }
0x8a: {  	s1 =	srdreg.scid  }
0x8b: {  	s0 =	sand.u32 $0x1, s1  }
0x8c: {  	s16 =	sshll.u32 s0, $0xA;
	s2 =	sadd.s32 s3, s2  }
0x8d: {  	s2 =	sadd.s32 s2, s16  }
0x8e: {  	[smem:$0x3FBA] =	sst s2  }
0x8f: {  	_ = 	snop  }
0x90: {  	(tm) =	ssettm $0x1  }
0x91: {  	s17 =	sld [smem:$0x3FFB];
	_ =	sdelay $0x3  }
0x92: {  	_ =	strace s17  }
0x93: {  	s2 =	sld [smem:$0x3FFC];
	_ =	sdelay $0x3  }
0x94: {  	_ =	strace s2  }
0x95: {  	s2 =	sld [smem:$0x3FFD];
	_ =	sdelay $0x3  }
0x96: {  	_ =	strace s2  }
0x97: {  	_ =	strace $0x8FFFFFFF  }
0x98: {  	s18 =	sld [smem:$0x3FDB];
	_ =	sdelay $0x1  }
0x99: {  	s19 =	simm.s32 $_scs_section_size  }
0x9a: {  	s4 =	simm.s32 $_size__tile_overlayer_lowered;
	s5 =	simm.s32 $_tile_overlayer_lowered  }
0x9b: {  	s22 =	simm.s32 $0x1BFF;
	s21 =	sshll.u32 s5, $0x1;
	s2 =	sadd.s32 s19, s18  }
0x9c: {  	s6 =	simm.s32 $0x0;
	s20 =	sshll.u32 s4, $0x1;
	s4 =	sadd.s32 s21, s2  }
0x9d: {  	[timem:s6], [sflag:s22] =	dma.local [hbm:s4], s20  }
0x9e: {  	_ =	swait.ge [sflag:s22], s20  }
0x9f: {  	s3 =	ssub.s32 $0x0, s20;
	[sflag:s22] =	ssyncset.done $0x0  }
0xa0: {  	[sflag:s22] =	ssyncadd.s32 s3;
	_ =	sdelay $0x1  }
0xa1: {  	s23 =	simm.s32 $0x1B8B  }
0xa2: {  	_ =	swait.ge [sflag:s23], $0x1  }
0xa3: {  	[sflag:s23] =	ssyncset.done $0x0  }
0xa4: {  	s25 =	simm.s32 $0x1B8E;
	s24 =	sld [smem:$0x3FFE];
	[sflag:s23] =	ssyncadd.s32 $0xFFFFFFFF  }
0xa5: {  	s26 =	simm.s32 $execute0_lowered;
	[smem:$0x3FD2] =	sst s25  }
0xa6: {  	s4 =	sshll.u32 s26, $0x1;
	_ =	strace $0x80000046;
	[dreg:$0x1] =	wrdreg $0xFFFFFFFF  }
0xa7: {  	s28 =	simm.s32 $_size_execute0_lowered;
	s2 =	sadd.s32 s2, s4;
	[dreg:$0x0] =	wrdreg $0x0  }
0xa8: {  	s4 =	sshll.u32 s28, $0x1;
	[dreg:$0x2] =	wrdreg s2  }
0xa9: {  	[dreg:$0x3] =	wrdreg s4  }
0xaa: {  	[dreg:$0x4] =	wrdreg $0xC0  }
0xab: {  	_ =	task [dreg:s6], $0x5FFFF  }
0xac: {  	[dreg:$0x1] =	wrdreg $0xFFFFFFFF  }
0xad: {  	[dreg:$0x0] =	wrdreg $0x60  }
0xae: {  	[dreg:$0x2] =	wrdreg s24  }
0xaf: {  	[dreg:$0x3] =	wrdreg $0x9  }
0xb0: {  	_ =	task.clear_ibuf [dreg:s6], $0x4FFFF;
	_ =	strace $0x90000046  }
0xb1: {  	s29 =	simm.s32 $0x9;
	_ =	strace $0x80000048  }
0xb2: {  	_ =	swait.ge [sflag:s29], $0x1  }
0xb3: {  	[sflag:s29] =	ssyncadd.s32 $0xFFFFFFFF  }
0xb4: {  	_ =	strace $0x90000048  }
0xb5: {  	_ =	sfence  }
0xb6: {  	s30 =	sld [smem:$0x0];
	_ =	sdelay $0x2  }
0xb7: {  	s31 =	sshll.u32 s1, $0xD;
	s1 =	sshrl.u32 s1, $0x2  }
0xb8: {  	s3 =	sand.u32 $0x4000, s31;
	s1 =	sadd.s32 s1, s30  }
0xb9: {  	s0 =	sor.u32 s3, s0;
	s1 =	sshll.u32 s1, $0x11  }
0xba: {  	s0 =	sor.u32 s1, s0  }
0xbb: {  	s0 =	sadd.s32 $0x8F2B, s0  }
0xbc: {  	[sflag:s0] =	ssyncadd.remote.s32 $0x1  }
0xbd: {  	_ =	sfence.sel $0xFFFF  }
0xbe: {  	[dreg:$0x0] =	wrdreg $0xFFFFFFFF;
	(pc) =	sbr.abs _section_cstart, $3  }
0xbf: {  	[dreg:$0x1] =	wrdreg $0xFFFFFFFF  }
0xc0: {  	_ =	task.clear_ibuf [dreg:s6], $0x2FFFF;
	_ =	strace $0x9FFFFFFF  }
0xc1: {  	(tm) =	ssettm $0x7FFFFFFF  }
tec
execute0_lowered:
.L_overlay_start_1:
0x0: {  	(tag) =	ssettag $0x1  }
0x1: {  	s4 =	rddreg [dreg:$0x0]  }
0x2: {  	s0 =	rddreg [dreg:$0x1];
	s1 =	stileid.u32  }
0x3: {  	s3 =	srdreg.scid;
	s5 =	smul.u32 $0x28000, s1  }
0x4: {  	s2 =	simm.s32 $0x0;
	s6 =	sand.u32 $0x1, s3;
	s10 =	smul.u32 $0x500, s1  }
0x5: {  	[smem:$0x7FF] =	sst s2;
	s3 =	sadd.s32 $0xF200, s4;
	s8 =	smul.u32 $0x14000, s6  }
0x6: {  	_ =	strace $0x80000047;
	s7 =	ssub.s32 $0x2, s6;
	s30 =	smul.u32 $0x280, s6  }
0x7: {  	s9 =	sshrl.u32 s7, $0x1;
	s11 =	sadd.s32 s5, s4;
	s4 =	sadd.s32 $0xA200, s4  }
0x8: {  	s29 =	ssub.s32 s7, s9;
	s31 =	sadd.s32 s8, s11;
	s7 =	sadd.s32 s30, s10  }
0x9: {  	s8 =	simm.s32 $0x2;
	s9 =	simm.s32 $0x80;
	s10 =	simm.s32 $0x1  }
0xa: {  	s11 =	simm.s32 $0x0;
	s5 =	smax.u32 s29, $0x1;
	s6 =	sadd.s32 $0x36400, s31  }
.LBB2_1:
0xb: {  	s12 =	sadd.s32 $0x0, s7;
	s13 =	sand.u32 $0x70, s2  }
0xc: {  	s12 =	sand.u32 $0xFFFFF80, s12;
	s13 =	sadd.s32 s4, s13  }
0xd: {  	s12 =	sadd.s32 s12, s13  }
0xe: {  	[tilespmem:s2], [sflag:$0x2] =	stream.linear.gather [hbm4b:s12+s2], $0x80, $0x38;
	[tilespmem:$0x4080] =	vst v63  }
0xf: {  	_ =	swait.ge [sflag:s8], $0x80  }
0x10: {  	[sflag:s8] =	ssyncset.done $0x0  }
0x11: {  	[sflag:s8] =	ssyncadd.s32 $0xFFFFFF80  }
0x12: {  	[tilespmem:s9], [sflag:$0x1] =	stream.indirect.gather [hbm4b:s3+s9], $0x80, s2, s9, $0xb8;
	[tilespmem:$0x4080] =	vst v63  }
0x13: {  	_ =	swait.ge [sflag:s10], $0x4000  }
0x14: {  	s14 =	simm.s32 $0x10;
	[sflag:s10] =	ssyncset.done $0x0  }
0x15: {  	s15 =	sadd.s32 $0x10, s7;
	s16 =	sand.u32 $0x70, s14;
	[sflag:s10] =	ssyncadd.s32 $0xFFFFC000  }
0x16: {  	[hbm4b:s6+s2] =	stream.linear.scatter [tilespmem:s9], [sflag:$0x2], $0x4000, $0x38;
	[tilespmem:$0x4080] =	vst v63  }
0x17: {  	s14 =	sand.u32 $0xFFFFF80, s15;
	s13 =	simm.s32 $0x20;
	_ =	swait.ge [sflag:s8], $0x4000  }
0x18: {  	s15 =	sadd.s32 s4, s16;
	s12 =	sadd.s32 $0x800, s6;
	[sflag:s8] =	ssyncset.done $0x0  }
.LBB2_2:
0x19: {  	s14 =	sadd.s32 s14, s15;
	[sflag:s8] =	ssyncadd.s32 $0xFFFFC000  }
0x1a: {  	s15 =	smov.u32 s13;
	s16 =	sadd.s32 $0x10, s13;
	s17 =	smov.u32 s12  }
0x1b: {  	[tilespmem:s2], [sflag:$0x2] =	stream.linear.gather [hbm4b:s14+s2], $0x80, $0x38;
	[tilespmem:$0x4080] =	vst v63  }
0x1c: {  	p0 =	sne.s32 s13, $0x270;
	_ =	swait.ge [sflag:s8], $0x80  }
0x1d: {  	[sflag:s8] =	ssyncset.done $0x0  }
0x1e: {  	[sflag:s8] =	ssyncadd.s32 $0xFFFFFF80  }
0x1f: {  	[tilespmem:s9], [sflag:$0x1] =	stream.indirect.gather [hbm4b:s3+s9], $0x80, s2, s9, $0xb8;
	[tilespmem:$0x4080] =	vst v63  }
0x20: {  	_ =	swait.ge [sflag:s10], $0x4000  }
.Ltmp0:
0x21: {  	[sflag:s10] =	ssyncset.done $0x0;
	(pc) =	sbr.rel @p0 .LBB2_2-.Ltmp0, $4  }
0x22: {  	s12 =	sadd.s32 $0x800, s12;
	s13 =	sadd.s32 s15, s7;
	[sflag:s10] =	ssyncadd.s32 $0xFFFFC000  }
0x23: {  	[hbm4b:s17+s2] =	stream.linear.scatter [tilespmem:s9], [sflag:$0x2], $0x4000, $0x38;
	[tilespmem:$0x4080] =	vst v63  }
0x24: {  	s15 =	sand.u32 $0x70, s15;
	s14 =	sand.u32 $0xFFFFF80, s13;
	_ =	swait.ge [sflag:s8], $0x4000  }
0x25: {  	s15 =	sadd.s32 s4, s15;
	s13 =	smov.u32 s16;
	[sflag:s8] =	ssyncset.done $0x0  }
0x26: {  	s13 =	sadd.s32 s14, s15;
	[sflag:s8] =	ssyncadd.s32 $0xFFFFC000  }
0x27: {  	[tilespmem:s2], [sflag:$0x2] =	stream.linear.gather [hbm4b:s13+s2], $0x80, $0x38;
	[tilespmem:$0x4080] =	vst v63  }
0x28: {  	_ =	swait.ge [sflag:s8], $0x80  }
0x29: {  	[sflag:s8] =	ssyncset.done $0x0  }
0x2a: {  	[sflag:s8] =	ssyncadd.s32 $0xFFFFFF80  }
0x2b: {  	[tilespmem:s9], [sflag:$0x1] =	stream.indirect.gather [hbm4b:s3+s9], $0x80, s2, s9, $0xb8;
	[tilespmem:$0x4080] =	vst v63  }
0x2c: {  	s11 =	sadd.s32 $0x1, s11;
	_ =	swait.ge [sflag:s10], $0x4000  }
0x2d: {  	p0 =	sne.s32 s11, s5;
	[sflag:s10] =	ssyncset.done $0x0  }
.Ltmp1:
0x2e: {  	[sflag:s10] =	ssyncadd.s32 $0xFFFFC000;
	(pc) =	sbr.rel @p0 .LBB2_1-.Ltmp1, $4  }
0x2f: {  	[hbm4b:s12+s2] =	stream.linear.scatter [tilespmem:s9], [sflag:$0x2], $0x4000, $0x38;
	[tilespmem:$0x4080] =	vst v63  }
0x30: {  	_ =	swait.ge [sflag:s8], $0x4000  }
0x31: {  	[sflag:s8] =	ssyncset.done $0x0  }
0x32: {  	[sflag:s8] =	ssyncadd.s32 $0xFFFFC000  }
0x33: {  	_ =	sfence.sel $0x180000  }
0x34: {  	[bflag:$0x0] =	sbarrier.arrive $0xFFFF  }
0x35: {  	p0 =	sne.s32 s1, $0x0;
	_ =	strace $0x90000047  }
0x36: {  	s0 =	sadd.s32 @!p0 $0x100000, s0;
	[bflag:$0x2] =	sbarrier.arrive $0xFFFF  }
0x37: {  	[sflag:s0] =	ssyncadd.tile.s32 @!p0 $0x1;
	_ =	shalt  }
.Lfunc_end2:
_tile_overlayer_lowered:
.L_overlay_start_2:
0x38: {  	(tag) =	ssettag $0x2  }
0x39: {  	s0 =	rddreg [dreg:$0x0];
	s2 =	stileid.u32  }
0x3a: {  	s1 =	rddreg [dreg:$0x1];
	p0 =	sne.s32 s2, $0x0  }
0x3b: {  	s3 =	rddreg [dreg:$0x2];
	[bflag:$0x3] =	sbarrier.arrive $0xFFFF;
	s2 =	simm.s32 @!p0 $0x1C02  }
0x3c: {  	[timem:s3], [sflag:s2] =	dma.local @!p0 [hbm:s0], s1  }
0x3d: {  	s0 =	simm.s32 @!p0 $0x2  }
0x3e: {  	_ =	swait.ge @!p0 [sflag:s0], s1  }
0x3f: {  	s1 =	ssub.s32 @!p0 $0x0, s1;
	[sflag:s0] =	ssyncset.done @!p0 $0x0  }
0x40: {  	[sflag:s0] =	ssyncadd.s32 @!p0 s1  }
0x41: {  	[bflag:$0x3] =	sbarrier.arrive $0xFFFF  }
0x42: {  	_ =	shalt  }

// kernel: kernel.31.cloned.1.call-start
scs
__scs_entry_jumppad:
0x0: {  	(pc) =	sbr.rel $0x88, $3  }
0x1: {  	(tag) =	ssettag $0x0;
	lr =	simm.s32 $0x1  }
0x2: {  	[smem:$0x3F93] =	sst lr;
	_ =	strace $0xD0000000  }
0x3: {  	_ = 	snop  }
0x4: {  	_ = 	snop  }
0x5: {  	_ = 	snop  }
0x6: {  	_ = 	snop  }
0x7: {  	_ = 	snop  }
__scs_overlays_trampoline_lowered:
0x8: {  	[smem:$0x3FA2] =	sst s0  }
0x9: {  	[smem:$0x3FA3] =	sst s1  }
0xa: {  	[smem:$0x3FA4] =	sst s2  }
0xb: {  	[smem:$0x3FA5] =	sst s3  }
0xc: {  	[smem:$0x3FA6] =	sst s4  }
0xd: {  	[smem:$0x3FA7] =	sst s5  }
0xe: {  	[smem:$0x3FA8] =	sst s6  }
0xf: {  	[smem:$0x3FA9] =	sst s7  }
0x10: {  	[smem:$0x3FAA] =	sst s8  }
0x11: {  	[smem:$0x3FAB] =	sst s9;
	s0 =	simm.s32 @!p0 $0x0  }
0x12: {  	s1 =	sld [smem:$0x3F91];
	s0 =	simm.s32 @p0 $0x1  }
0x13: {  	[smem:$0x3FAC] =	sst s0;
	s0 =	simm.s32 @!p1 $0x0  }
0x14: {  	s2 =	sld [smem:$0x3F90];
	s0 =	simm.s32 @p1 $0x1  }
0x15: {  	[smem:$0x3FAD] =	sst s0;
	s0 =	simm.s32 @!p2 $0x0  }
0x16: {  	s3 =	sld [smem:$0x3FDB];
	s0 =	simm.s32 @p2 $0x1  }
0x17: {  	s4 =	simm.s32 $0x1BF5;
	[smem:$0x3FAF] =	sst s0  }
0x18: {  	s0 =	sld [smem:$0x3F92];
	_ =	swait.ge [sflag:s4], $0x0  }
0x19: {  	s7 =	sld [smem:$0x3F93]  }
0x1a: {  	s8 =	sadd.s32 $0xFFFFE003, lr  }
0x1b: {  	s9 =	sadd.s32 $0xFFFFFEF7, lr;
	s5 =	simm.s32 $0xFFFFFFFF;
	p2 =	slt.u32 s8, $0xFFFFF086  }
0x1c: {  	p1 =	slt.u32 s9, $0xF7A;
	s5 =	simm.s32 @!p2 $0x0  }
0x1d: {  	s5 =	simm.s32 @p1 $0x1;
	p0 =	seq.s32 s7, s2  }
0x1e: {  	s7 =	smul.u32 @!p0 $0xF7A, s2;
	p2 =	seq.s32 @!p0 s5, $0x0  }
0x1f: {  	s9 =	smul.u32 $0xF7A, s1;
	s8 =	simm.s32 @!p0 $0x1BF5;
	p2 =	por !p2, p0  }
0x20: {  	[sflag:s8] =	ssyncset.s32 @!p0 $0xFFFFF086;
	s6 =	sadd.s32 @!p0 s3, s7;
	s7 =	simm.s32 @!p0 $0x108  }
0x21: {  	s3 =	sadd.s32 s3, s9;
	s6 =	sadd.s32 @!p0 $0x88, s6;
	s7 =	simm.s32 @p2 $0x1082  }
0x22: {  	[simem:s7], [sflag:s8] =	dma.local @!p0 [hbm:s6], $0xF7A  }
0x23: {  	s9 =	sor.u32 $0xD0000000, s2;
	s6 =	simm.s32 $0x108;
	_ =	swait.ge @!p0 [sflag:s8], $0x0  }
0x24: {  	s3 =	sadd.s32 $0x88, s3;
	s6 =	simm.s32 @!p1 $0x1082;
	[sflag:s4] =	ssyncset.s32 $0xFFFFF086  }
0x25: {  	[simem:s6], [sflag:s4] =	dma.local [hbm:s3], $0xF7A  }
0x26: {  	[smem:$0x3F93] =	sst s1;
	(tag) =	ssettag s2;
	_ =	strace s9  }
0x27: {  	s1 =	sld [smem:$0x3FA3]  }
0x28: {  	s2 =	sld [smem:$0x3FA4]  }
0x29: {  	s4 =	sld [smem:$0x3FA6]  }
0x2a: {  	p0 =	seq.s32 s5, $0x0;
	s5 =	sld [smem:$0x3FA7]  }
0x2b: {  	s6 =	sld [smem:$0x3FA8]  }
0x2c: {  	s7 =	sld [smem:$0x3FA9]  }
0x2d: {  	s3 =	simm.s32 $0x108;
	s8 =	sld [smem:$0x3FAA]  }
0x2e: {  	s3 =	simm.s32 @!p0 $0x1082;
	s9 =	sld [smem:$0x3FAB]  }
0x2f: {  	lr =	sadd.s32 s0, s3;
	s0 =	sld [smem:$0x3FA2]  }
0x30: {  	s3 =	sld [smem:$0x3FA5]  }
0x31: {  	[smem:$0x3FAE] =	sst s10  }
0x32: {  	s10 =	sld [smem:$0x3FAC];
	_ =	sdelay $0x3  }
0x33: {  	p0 =	seq.s32 s10, $0x1;
	s10 =	sld [smem:$0x3FAE];
	_ =	sdelay $0x3  }
0x34: {  	[smem:$0x3FAE] =	sst s10  }
0x35: {  	s10 =	sld [smem:$0x3FAD];
	_ =	sdelay $0x3  }
0x36: {  	p1 =	seq.s32 s10, $0x1;
	s10 =	sld [smem:$0x3FAE];
	_ =	sdelay $0x3  }
0x37: {  	[smem:$0x3FAE] =	sst s10  }
0x38: {  	s10 =	sld [smem:$0x3FAF]  }
0x39: {  	_ = 	snop;
	(pc) =	sbr.ind lr, $3  }
0x3a: {  	_ = 	snop  }
0x3b: {  	_ = 	snop  }
0x3c: {  	p2 =	seq.s32 s10, $0x1;
	s10 =	sld [smem:$0x3FAE]  }
0x3d: {  	_ =	shalt  }
0x3e: {  	_ =	shalt  }
0x3f: {  	_ =	shalt  }
0x40: {  	_ =	shalt  }
0x41: {  	_ =	shalt  }
0x42: {  	_ =	shalt  }
0x43: {  	_ =	shalt  }
0x44: {  	_ =	shalt  }
0x45: {  	_ =	shalt  }
0x46: {  	_ =	shalt  }
0x47: {  	_ =	shalt  }
0x48: {  	_ =	shalt  }
0x49: {  	_ =	shalt  }
0x4a: {  	_ =	shalt  }
0x4b: {  	_ =	shalt  }
0x4c: {  	_ =	shalt  }
0x4d: {  	_ =	shalt  }
0x4e: {  	_ =	shalt  }
0x4f: {  	_ =	shalt  }
0x50: {  	_ =	shalt  }
0x51: {  	_ =	shalt  }
0x52: {  	_ =	shalt  }
0x53: {  	_ =	shalt  }
0x54: {  	_ =	shalt  }
0x55: {  	_ =	shalt  }
0x56: {  	_ =	shalt  }
0x57: {  	_ =	shalt  }
0x58: {  	_ =	shalt  }
0x59: {  	_ =	shalt  }
0x5a: {  	_ =	shalt  }
0x5b: {  	_ =	shalt  }
0x5c: {  	_ =	shalt  }
0x5d: {  	_ =	shalt  }
0x5e: {  	_ =	shalt  }
0x5f: {  	_ =	shalt  }
0x60: {  	_ =	shalt  }
0x61: {  	_ =	shalt  }
0x62: {  	_ =	shalt  }
0x63: {  	_ =	shalt  }
0x64: {  	_ =	shalt  }
0x65: {  	_ =	shalt  }
0x66: {  	_ =	shalt  }
0x67: {  	_ =	shalt  }
0x68: {  	_ =	shalt  }
0x69: {  	_ =	shalt  }
0x6a: {  	_ =	shalt  }
0x6b: {  	_ =	shalt  }
0x6c: {  	_ =	shalt  }
0x6d: {  	_ =	shalt  }
0x6e: {  	_ =	shalt  }
0x6f: {  	_ =	shalt  }
0x70: {  	_ =	shalt  }
0x71: {  	_ =	shalt  }
0x72: {  	_ =	shalt  }
0x73: {  	_ =	shalt  }
0x74: {  	_ =	shalt  }
0x75: {  	_ =	shalt  }
0x76: {  	_ =	shalt  }
0x77: {  	_ =	shalt  }
0x78: {  	_ =	shalt  }
0x79: {  	_ =	shalt  }
0x7a: {  	_ =	shalt  }
0x7b: {  	_ =	shalt  }
0x7c: {  	_ =	shalt  }
0x7d: {  	_ =	shalt  }
0x7e: {  	_ =	shalt  }
0x7f: {  	_ =	shalt  }
0x80: {  	_ =	shalt  }
0x81: {  	_ =	shalt  }
0x82: {  	_ =	shalt  }
0x83: {  	_ =	shalt  }
0x84: {  	_ =	shalt  }
0x85: {  	_ =	shalt  }
0x86: {  	_ =	shalt  }
0x87: {  	_ =	shalt  }
.Lfunc_end0:
.L_simem_size_0:
called_computation.1_lowered:
.L_overlay_start_0:
0x88: {  	s2 =	sld [smem:$0x3FD9]  }
0x89: {  	s3 =	sld [smem:$0x3FFE];
	_ =	sdelay $0x1  }
0x8a: {  	s1 =	srdreg.scid  }
0x8b: {  	s0 =	sand.u32 $0x1, s1  }
0x8c: {  	s17 =	sshll.u32 s0, $0xA;
	s2 =	sadd.s32 s3, s2  }
0x8d: {  	s2 =	sadd.s32 s2, s17  }
0x8e: {  	[smem:$0x3FBA] =	sst s2  }
0x8f: {  	_ = 	snop  }
0x90: {  	s2 =	sld [smem:$0x3FD0];
	(tm) =	ssettm $0x1  }
0x91: {  	s18 =	sld [smem:$0x3FFB];
	_ =	sdelay $0x3  }
0x92: {  	_ =	strace s18  }
0x93: {  	s3 =	sld [smem:$0x3FFC];
	_ =	sdelay $0x3  }
0x94: {  	_ =	strace s3  }
0x95: {  	s3 =	sld [smem:$0x3FFD];
	_ =	sdelay $0x3  }
0x96: {  	_ =	strace s3  }
0x97: {  	_ =	strace $0x8FFFFFFF  }
0x98: {  	s19 =	sld [smem:$0x3FDB];
	_ =	sdelay $0x1  }
0x99: {  	s4 =	simm.s32 $_scs_section_size  }
0x9a: {  	s5 =	simm.s32 $_size__tile_overlayer_lowered;
	s6 =	simm.s32 $_tile_overlayer_lowered  }
0x9b: {  	s22 =	simm.s32 $0x1BFF;
	s21 =	sshll.u32 s6, $0x1;
	s3 =	sadd.s32 s4, s19  }
0x9c: {  	s7 =	simm.s32 $0x0;
	s20 =	sshll.u32 s5, $0x1;
	s5 =	sadd.s32 s21, s3  }
0x9d: {  	[timem:s7], [sflag:s22] =	dma.local [hbm:s5], s20  }
0x9e: {  	_ =	swait.ge [sflag:s22], s20  }
0x9f: {  	s4 =	ssub.s32 $0x0, s20;
	[sflag:s22] =	ssyncset.done $0x0  }
0xa0: {  	[sflag:s22] =	ssyncadd.s32 s4;
	_ =	sdelay $0x1  }
0xa1: {  	s23 =	simm.s32 $0x1B8B  }
0xa2: {  	_ =	swait.ge [sflag:s23], $0x1  }
0xa3: {  	[sflag:s23] =	ssyncset.done $0x0  }
0xa4: {  	s25 =	simm.s32 $0x1B8E;
	s24 =	sld [smem:$0x3FFE];
	[sflag:s23] =	ssyncadd.s32 $0xFFFFFFFF  }
0xa5: {  	s26 =	simm.s32 $execute0_lowered;
	[smem:$0x3FD2] =	sst s25  }
0xa6: {  	s5 =	sshll.u32 s26, $0x1;
	_ =	strace $0x80000049;
	[dreg:$0x1] =	wrdreg $0xFFFFFFFF  }
0xa7: {  	s28 =	simm.s32 $_size_execute0_lowered;
	s3 =	sadd.s32 s3, s5;
	[dreg:$0x0] =	wrdreg $0x0  }
0xa8: {  	s5 =	sshll.u32 s28, $0x1;
	[dreg:$0x2] =	wrdreg s3  }
0xa9: {  	[dreg:$0x3] =	wrdreg s5  }
0xaa: {  	[dreg:$0x4] =	wrdreg $0xC0  }
0xab: {  	_ =	task [dreg:s7], $0x5FFFF  }
0xac: {  	[dreg:$0x1] =	wrdreg $0xFFFFFFFF  }
0xad: {  	[dreg:$0x0] =	wrdreg $0x60  }
0xae: {  	[dreg:$0x2] =	wrdreg s24  }
0xaf: {  	[dreg:$0x3] =	wrdreg s2  }
0xb0: {  	[dreg:$0x4] =	wrdreg $0x40800  }
0xb1: {  	[dreg:$0x5] =	wrdreg $0x9  }
0xb2: {  	_ =	task.clear_ibuf [dreg:s7], $0x6FFFF;
	_ =	strace $0x90000049  }
0xb3: {  	s29 =	simm.s32 $0x9;
	_ =	strace $0x8000004B  }
0xb4: {  	_ =	swait.ge [sflag:s29], $0x1  }
0xb5: {  	[sflag:s29] =	ssyncadd.s32 $0xFFFFFFFF  }
0xb6: {  	_ =	strace $0x9000004B  }
0xb7: {  	_ =	sfence  }
0xb8: {  	s30 =	sld [smem:$0x0];
	_ =	sdelay $0x2  }
0xb9: {  	s31 =	sshll.u32 s1, $0xD;
	s1 =	sshrl.u32 s1, $0x2  }
0xba: {  	s3 =	sand.u32 $0x4000, s31;
	s1 =	sadd.s32 s1, s30  }
0xbb: {  	s0 =	sor.u32 s3, s0;
	s1 =	sshll.u32 s1, $0x11  }
0xbc: {  	s0 =	sor.u32 s1, s0  }
0xbd: {  	s0 =	sadd.s32 $0x8F2B, s0  }
0xbe: {  	[sflag:s0] =	ssyncadd.remote.s32 $0x1  }
0xbf: {  	_ =	sfence.sel $0xFFFF  }
0xc0: {  	[dreg:$0x0] =	wrdreg $0xFFFFFFFF;
	(pc) =	sbr.abs _section_cstart, $3  }
0xc1: {  	[dreg:$0x1] =	wrdreg $0xFFFFFFFF  }
0xc2: {  	_ =	task.clear_ibuf [dreg:s7], $0x2FFFF;
	_ =	strace $0x9FFFFFFF  }
0xc3: {  	(tm) =	ssettm $0x7FFFFFFF  }
tec
execute0_lowered:
.L_overlay_start_1:
0x0: {  	(tag) =	ssettag $0x1  }
0x1: {  	s6 =	rddreg [dreg:$0x0];
	s0 =	stileid.u32  }
0x2: {  	s2 =	rddreg [dreg:$0x1];
	s5 =	smul.u32 $0x28000, s0  }
0x3: {  	s1 =	srdreg.scid;
	s9 =	smul.u32 $0x13C00, s0  }
0x4: {  	s3 =	rddreg [dreg:$0x2];
	s4 =	simm.s32 $0x0;
	s12 =	smul.u32 $0x4F000, s0  }
0x5: {  	s7 =	sand.u32 $0x1, s1;
	s1 =	rddreg [dreg:$0x3];
	s13 =	smul.u32 $0x500, s0  }
0x6: {  	[smem:$0x7FF] =	sst s4;
	s8 =	smul.u32 $0x13C000, s7  }
0x7: {  	s29 =	sshll.u32 s0, $0x6;
	_ =	strace $0x8000004A;
	s26 =	smul.u32 $0x14000, s7  }
0x8: {  	s25 =	ssub.s32 $0x2, s7;
	s30 =	smul.u32 $0x280, s7;
	s10 =	sadd.s32 s5, s6  }
0x9: {  	s5 =	sadd.s32 $0x536400, s6;
	s11 =	sshrl.u32 s25, $0x1;
	s28 =	sshrl.u32 s12, $0x2  }
0xa: {  	s12 =	simm.s32 $0x1;
	s8 =	sadd.s32 s9, s8;
	s9 =	ssub.s32 s25, s11  }
0xb: {  	s14 =	sadd.s32 s28, s3;
	s31 =	sadd.s32 s26, s10;
	s10 =	sadd.s32 s30, s13  }
0xc: {  	s13 =	simm.s32 $0x80;
	s8 =	sshrl.u32 s8, $0x3;
	s11 =	sshrl.u32 s14, $0x3  }
0xd: {  	s14 =	simm.s32 $0x0;
	s8 =	sadd.s32 s8, s6;
	s6 =	sor.u32 $0x1C01, s29  }
0xe: {  	s7 =	sadd.s32 $0x538C00, s8;
	s8 =	smax.u32 s9, $0x1;
	s9 =	sadd.s32 $0x2B6400, s31  }
.LBB2_1:
0xf: {  	[spmem:s11], [sflag:s6] =	dma.local [hbm:s5], $0x2780  }
0x10: {  	_ =	swait.ge [sflag:s12], $0x2780  }
0x11: {  	s15 =	sadd.s32 $0x0, s10;
	s16 =	sand.u32 $0x70, s4;
	[sflag:s12] =	ssyncset.done $0x0  }
0x12: {  	s15 =	sand.u32 $0xFFFFF80, s15;
	s16 =	sadd.s32 s2, s16;
	[sflag:s12] =	ssyncadd.s32 $0xFFFFD880  }
0x13: {  	s15 =	sadd.s32 s15, s16;
	[bflag:$0x0] =	sbarrier.arrive $0xFFFF  }
0x14: {  	[tilespmem:s4], [sflag:$0x1] =	stream.linear.gather [hbm4b:s15+s4], $0x80, $0x38;
	[tilespmem:$0x17C80] =	vst v63  }
0x15: {  	_ =	swait.ge [sflag:s12], $0x80  }
0x16: {  	[sflag:s12] =	ssyncset.done $0x0  }
0x17: {  	[sflag:s12] =	ssyncadd.s32 $0xFFFFFF80  }
0x18: {  	[tilespmem:s13], [sflag:$0x1] =	stream.linear.gather [hbm4b:s9+s4], $0x4000, $0x38;
	[tilespmem:$0x17C80] =	vst v63  }
0x19: {  	_ =	swait.ge [sflag:s12], $0x4000  }
0x1a: {  	s17 =	simm.s32 $0x10;
	[sflag:s12] =	ssyncset.done $0x0  }
0x1b: {  	s18 =	sadd.s32 $0x10, s10;
	s19 =	sand.u32 $0x70, s17;
	[sflag:s12] =	ssyncadd.s32 $0xFFFFC000  }
0x1c: {  	[spmem:s3] =	stream.indirect.scatter.add.f32 [tilespmem:s13], [sflag:$0x1], $0x80, s4, s13, $0xb8;
	[tilespmem:$0x17C80] =	vst v63  }
0x1d: {  	s17 =	sand.u32 $0xFFFFF80, s18;
	s16 =	simm.s32 $0x20;
	_ =	swait.ge [sflag:s12], $0x4000  }
0x1e: {  	s18 =	sadd.s32 s2, s19;
	s15 =	sadd.s32 $0x800, s9;
	[sflag:s12] =	ssyncset.done $0x0  }
.LBB2_2:
0x1f: {  	s17 =	sadd.s32 s17, s18  }
0x20: {  	[sflag:s12] =	ssyncadd.s32 $0xFFFFC000;
	s18 =	smov.u32 s16;
	s19 =	sadd.s32 $0x10, s16  }
0x21: {  	[tilespmem:s4], [sflag:$0x1] =	stream.linear.gather [hbm4b:s17+s4], $0x80, $0x38;
	[tilespmem:$0x17C80] =	vst v63  }
0x22: {  	p0 =	sne.s32 s16, $0x270;
	_ =	swait.ge [sflag:s12], $0x80  }
0x23: {  	[sflag:s12] =	ssyncset.done $0x0  }
0x24: {  	[sflag:s12] =	ssyncadd.s32 $0xFFFFFF80  }
0x25: {  	[tilespmem:s13], [sflag:$0x1] =	stream.linear.gather [hbm4b:s15+s4], $0x4000, $0x38;
	[tilespmem:$0x17C80] =	vst v63  }
0x26: {  	_ =	swait.ge [sflag:s12], $0x4000  }
.Ltmp0:
0x27: {  	[sflag:s12] =	ssyncset.done $0x0;
	(pc) =	sbr.rel @p0 .LBB2_2-.Ltmp0, $4  }
0x28: {  	s16 =	sadd.s32 s18, s10;
	s15 =	sadd.s32 $0x800, s15;
	[sflag:s12] =	ssyncadd.s32 $0xFFFFC000  }
0x29: {  	[spmem:s3] =	stream.indirect.scatter.add.f32 [tilespmem:s13], [sflag:$0x1], $0x80, s4, s13, $0xb8;
	[tilespmem:$0x17C80] =	vst v63  }
0x2a: {  	s18 =	sand.u32 $0x70, s18;
	s17 =	sand.u32 $0xFFFFF80, s16;
	_ =	swait.ge [sflag:s12], $0x4000  }
0x2b: {  	s18 =	sadd.s32 s2, s18;
	s16 =	smov.u32 s19;
	[sflag:s12] =	ssyncset.done $0x0  }
0x2c: {  	s16 =	sadd.s32 s17, s18;
	[sflag:s12] =	ssyncadd.s32 $0xFFFFC000  }
0x2d: {  	[tilespmem:s4], [sflag:$0x1] =	stream.linear.gather [hbm4b:s16+s4], $0x80, $0x38;
	[tilespmem:$0x17C80] =	vst v63  }
0x2e: {  	_ =	swait.ge [sflag:s12], $0x80  }
0x2f: {  	[sflag:s12] =	ssyncset.done $0x0  }
0x30: {  	[sflag:s12] =	ssyncadd.s32 $0xFFFFFF80  }
0x31: {  	[tilespmem:s13], [sflag:$0x1] =	stream.linear.gather [hbm4b:s15+s4], $0x4000, $0x38;
	[tilespmem:$0x17C80] =	vst v63  }
0x32: {  	_ =	swait.ge [sflag:s12], $0x4000  }
0x33: {  	[sflag:s12] =	ssyncset.done $0x0  }
0x34: {  	[sflag:s12] =	ssyncadd.s32 $0xFFFFC000  }
0x35: {  	[spmem:s3] =	stream.indirect.scatter.add.f32 [tilespmem:s13], [sflag:$0x1], $0x80, s4, s13, $0xb8;
	[tilespmem:$0x17C80] =	vst v63  }
0x36: {  	_ =	swait.ge [sflag:s12], $0x4000  }
0x37: {  	s14 =	sadd.s32 $0x1, s14;
	[sflag:s12] =	ssyncset.done $0x0  }
0x38: {  	p0 =	sne.s32 s14, s8;
	[sflag:s12] =	ssyncadd.s32 $0xFFFFC000  }
.Ltmp1:
0x39: {  	[bflag:$0x0] =	sbarrier.arrive $0xFFFF;
	(pc) =	sbr.rel @p0 .LBB2_1-.Ltmp1, $4  }
0x3a: {  	[hbm:s7], [sflag:s6] =	dma.local [spmem:s11], $0x2780  }
0x3b: {  	_ =	swait.ge [sflag:s12], $0x2780  }
0x3c: {  	[sflag:s12] =	ssyncset.done $0x0  }
0x3d: {  	[sflag:s12] =	ssyncadd.s32 $0xFFFFD880  }
0x3e: {  	_ =	sfence.sel $0x180000  }
0x3f: {  	[bflag:$0x0] =	sbarrier.arrive $0xFFFF  }
0x40: {  	p0 =	sne.s32 s0, $0x0;
	_ =	strace $0x9000004A  }
0x41: {  	s0 =	sadd.s32 @!p0 $0x100000, s1;
	[bflag:$0x2] =	sbarrier.arrive $0xFFFF  }
0x42: {  	[sflag:s0] =	ssyncadd.tile.s32 @!p0 $0x1;
	_ =	shalt  }
.Lfunc_end2:
_tile_overlayer_lowered:
.L_overlay_start_2:
0x43: {  	(tag) =	ssettag $0x2  }
0x44: {  	s0 =	rddreg [dreg:$0x0];
	s2 =	stileid.u32  }
0x45: {  	s1 =	rddreg [dreg:$0x1];
	p0 =	sne.s32 s2, $0x0  }
0x46: {  	s3 =	rddreg [dreg:$0x2];
	[bflag:$0x3] =	sbarrier.arrive $0xFFFF;
	s2 =	simm.s32 @!p0 $0x1C01  }
0x47: {  	[timem:s3], [sflag:s2] =	dma.local @!p0 [hbm:s0], s1  }
0x48: {  	s0 =	simm.s32 @!p0 $0x1  }
0x49: {  	_ =	swait.ge @!p0 [sflag:s0], s1  }
0x4a: {  	s1 =	ssub.s32 @!p0 $0x0, s1;
	[sflag:s0] =	ssyncset.done @!p0 $0x0  }
0x4b: {  	[sflag:s0] =	ssyncadd.s32 @!p0 s1  }
0x4c: {  	[bflag:$0x3] =	sbarrier.arrive $0xFFFF  }
0x4d: {  	_ =	shalt  }

// kernel: kernel.34.cloned.1.call-start
scs
__scs_entry_jumppad:
0x0: {  	(pc) =	sbr.rel $0x88, $3  }
0x1: {  	(tag) =	ssettag $0x0;
	lr =	simm.s32 $0x1  }
0x2: {  	[smem:$0x3F93] =	sst lr;
	_ =	strace $0xD0000000  }
0x3: {  	_ = 	snop  }
0x4: {  	_ = 	snop  }
0x5: {  	_ = 	snop  }
0x6: {  	_ = 	snop  }
0x7: {  	_ = 	snop  }
__scs_overlays_trampoline_lowered:
0x8: {  	[smem:$0x3FA2] =	sst s0  }
0x9: {  	[smem:$0x3FA3] =	sst s1  }
0xa: {  	[smem:$0x3FA4] =	sst s2  }
0xb: {  	[smem:$0x3FA5] =	sst s3  }
0xc: {  	[smem:$0x3FA6] =	sst s4  }
0xd: {  	[smem:$0x3FA7] =	sst s5  }
0xe: {  	[smem:$0x3FA8] =	sst s6  }
0xf: {  	[smem:$0x3FA9] =	sst s7  }
0x10: {  	[smem:$0x3FAA] =	sst s8  }
0x11: {  	[smem:$0x3FAB] =	sst s9;
	s0 =	simm.s32 @!p0 $0x0  }
0x12: {  	s1 =	sld [smem:$0x3F91];
	s0 =	simm.s32 @p0 $0x1  }
0x13: {  	[smem:$0x3FAC] =	sst s0;
	s0 =	simm.s32 @!p1 $0x0  }
0x14: {  	s2 =	sld [smem:$0x3F90];
	s0 =	simm.s32 @p1 $0x1  }
0x15: {  	[smem:$0x3FAD] =	sst s0;
	s0 =	simm.s32 @!p2 $0x0  }
0x16: {  	s3 =	sld [smem:$0x3FDB];
	s0 =	simm.s32 @p2 $0x1  }
0x17: {  	s4 =	simm.s32 $0x1BF5;
	[smem:$0x3FAF] =	sst s0  }
0x18: {  	s0 =	sld [smem:$0x3F92];
	_ =	swait.ge [sflag:s4], $0x0  }
0x19: {  	s7 =	sld [smem:$0x3F93]  }
0x1a: {  	s8 =	sadd.s32 $0xFFFFE003, lr  }
0x1b: {  	s9 =	sadd.s32 $0xFFFFFEF7, lr;
	s5 =	simm.s32 $0xFFFFFFFF;
	p2 =	slt.u32 s8, $0xFFFFF086  }
0x1c: {  	p1 =	slt.u32 s9, $0xF7A;
	s5 =	simm.s32 @!p2 $0x0  }
0x1d: {  	s5 =	simm.s32 @p1 $0x1;
	p0 =	seq.s32 s7, s2  }
0x1e: {  	s7 =	smul.u32 @!p0 $0xF7A, s2;
	p2 =	seq.s32 @!p0 s5, $0x0  }
0x1f: {  	s9 =	smul.u32 $0xF7A, s1;
	s8 =	simm.s32 @!p0 $0x1BF5;
	p2 =	por !p2, p0  }
0x20: {  	[sflag:s8] =	ssyncset.s32 @!p0 $0xFFFFF086;
	s6 =	sadd.s32 @!p0 s3, s7;
	s7 =	simm.s32 @!p0 $0x108  }
0x21: {  	s3 =	sadd.s32 s3, s9;
	s6 =	sadd.s32 @!p0 $0x88, s6;
	s7 =	simm.s32 @p2 $0x1082  }
0x22: {  	[simem:s7], [sflag:s8] =	dma.local @!p0 [hbm:s6], $0xF7A  }
0x23: {  	s9 =	sor.u32 $0xD0000000, s2;
	s6 =	simm.s32 $0x108;
	_ =	swait.ge @!p0 [sflag:s8], $0x0  }
0x24: {  	s3 =	sadd.s32 $0x88, s3;
	s6 =	simm.s32 @!p1 $0x1082;
	[sflag:s4] =	ssyncset.s32 $0xFFFFF086  }
0x25: {  	[simem:s6], [sflag:s4] =	dma.local [hbm:s3], $0xF7A  }
0x26: {  	[smem:$0x3F93] =	sst s1;
	(tag) =	ssettag s2;
	_ =	strace s9  }
0x27: {  	s1 =	sld [smem:$0x3FA3]  }
0x28: {  	s2 =	sld [smem:$0x3FA4]  }
0x29: {  	s4 =	sld [smem:$0x3FA6]  }
0x2a: {  	p0 =	seq.s32 s5, $0x0;
	s5 =	sld [smem:$0x3FA7]  }
0x2b: {  	s6 =	sld [smem:$0x3FA8]  }
0x2c: {  	s7 =	sld [smem:$0x3FA9]  }
0x2d: {  	s3 =	simm.s32 $0x108;
	s8 =	sld [smem:$0x3FAA]  }
0x2e: {  	s3 =	simm.s32 @!p0 $0x1082;
	s9 =	sld [smem:$0x3FAB]  }
0x2f: {  	lr =	sadd.s32 s0, s3;
	s0 =	sld [smem:$0x3FA2]  }
0x30: {  	s3 =	sld [smem:$0x3FA5]  }
0x31: {  	[smem:$0x3FAE] =	sst s10  }
0x32: {  	s10 =	sld [smem:$0x3FAC];
	_ =	sdelay $0x3  }
0x33: {  	p0 =	seq.s32 s10, $0x1;
	s10 =	sld [smem:$0x3FAE];
	_ =	sdelay $0x3  }
0x34: {  	[smem:$0x3FAE] =	sst s10  }
0x35: {  	s10 =	sld [smem:$0x3FAD];
	_ =	sdelay $0x3  }
0x36: {  	p1 =	seq.s32 s10, $0x1;
	s10 =	sld [smem:$0x3FAE];
	_ =	sdelay $0x3  }
0x37: {  	[smem:$0x3FAE] =	sst s10  }
0x38: {  	s10 =	sld [smem:$0x3FAF]  }
0x39: {  	_ = 	snop;
	(pc) =	sbr.ind lr, $3  }
0x3a: {  	_ = 	snop  }
0x3b: {  	_ = 	snop  }
0x3c: {  	p2 =	seq.s32 s10, $0x1;
	s10 =	sld [smem:$0x3FAE]  }
0x3d: {  	_ =	shalt  }
0x3e: {  	_ =	shalt  }
0x3f: {  	_ =	shalt  }
0x40: {  	_ =	shalt  }
0x41: {  	_ =	shalt  }
0x42: {  	_ =	shalt  }
0x43: {  	_ =	shalt  }
0x44: {  	_ =	shalt  }
0x45: {  	_ =	shalt  }
0x46: {  	_ =	shalt  }
0x47: {  	_ =	shalt  }
0x48: {  	_ =	shalt  }
0x49: {  	_ =	shalt  }
0x4a: {  	_ =	shalt  }
0x4b: {  	_ =	shalt  }
0x4c: {  	_ =	shalt  }
0x4d: {  	_ =	shalt  }
0x4e: {  	_ =	shalt  }
0x4f: {  	_ =	shalt  }
0x50: {  	_ =	shalt  }
0x51: {  	_ =	shalt  }
0x52: {  	_ =	shalt  }
0x53: {  	_ =	shalt  }
0x54: {  	_ =	shalt  }
0x55: {  	_ =	shalt  }
0x56: {  	_ =	shalt  }
0x57: {  	_ =	shalt  }
0x58: {  	_ =	shalt  }
0x59: {  	_ =	shalt  }
0x5a: {  	_ =	shalt  }
0x5b: {  	_ =	shalt  }
0x5c: {  	_ =	shalt  }
0x5d: {  	_ =	shalt  }
0x5e: {  	_ =	shalt  }
0x5f: {  	_ =	shalt  }
0x60: {  	_ =	shalt  }
0x61: {  	_ =	shalt  }
0x62: {  	_ =	shalt  }
0x63: {  	_ =	shalt  }
0x64: {  	_ =	shalt  }
0x65: {  	_ =	shalt  }
0x66: {  	_ =	shalt  }
0x67: {  	_ =	shalt  }
0x68: {  	_ =	shalt  }
0x69: {  	_ =	shalt  }
0x6a: {  	_ =	shalt  }
0x6b: {  	_ =	shalt  }
0x6c: {  	_ =	shalt  }
0x6d: {  	_ =	shalt  }
0x6e: {  	_ =	shalt  }
0x6f: {  	_ =	shalt  }
0x70: {  	_ =	shalt  }
0x71: {  	_ =	shalt  }
0x72: {  	_ =	shalt  }
0x73: {  	_ =	shalt  }
0x74: {  	_ =	shalt  }
0x75: {  	_ =	shalt  }
0x76: {  	_ =	shalt  }
0x77: {  	_ =	shalt  }
0x78: {  	_ =	shalt  }
0x79: {  	_ =	shalt  }
0x7a: {  	_ =	shalt  }
0x7b: {  	_ =	shalt  }
0x7c: {  	_ =	shalt  }
0x7d: {  	_ =	shalt  }
0x7e: {  	_ =	shalt  }
0x7f: {  	_ =	shalt  }
0x80: {  	_ =	shalt  }
0x81: {  	_ =	shalt  }
0x82: {  	_ =	shalt  }
0x83: {  	_ =	shalt  }
0x84: {  	_ =	shalt  }
0x85: {  	_ =	shalt  }
0x86: {  	_ =	shalt  }
0x87: {  	_ =	shalt  }
.Lfunc_end0:
.L_simem_size_0:
called_computation.2_lowered:
.L_overlay_start_0:
0x88: {  	s2 =	sld [smem:$0x3FD9]  }
0x89: {  	s3 =	sld [smem:$0x3FFE];
	_ =	sdelay $0x1  }
0x8a: {  	s1 =	srdreg.scid  }
0x8b: {  	s0 =	sand.u32 $0x1, s1  }
0x8c: {  	s16 =	sshll.u32 s0, $0xA;
	s2 =	sadd.s32 s3, s2  }
0x8d: {  	s2 =	sadd.s32 s2, s16  }
0x8e: {  	[smem:$0x3FBA] =	sst s2  }
0x8f: {  	_ = 	snop  }
0x90: {  	(tm) =	ssettm $0x1  }
0x91: {  	s17 =	sld [smem:$0x3FFB];
	_ =	sdelay $0x3  }
0x92: {  	_ =	strace s17  }
0x93: {  	s2 =	sld [smem:$0x3FFC];
	_ =	sdelay $0x3  }
0x94: {  	_ =	strace s2  }
0x95: {  	s2 =	sld [smem:$0x3FFD];
	_ =	sdelay $0x3  }
0x96: {  	_ =	strace s2  }
0x97: {  	_ =	strace $0x8FFFFFFF  }
0x98: {  	s18 =	sld [smem:$0x3FDB];
	_ =	sdelay $0x1  }
0x99: {  	s19 =	simm.s32 $_scs_section_size  }
0x9a: {  	s4 =	simm.s32 $_size__tile_overlayer_lowered;
	s5 =	simm.s32 $_tile_overlayer_lowered  }
0x9b: {  	s22 =	simm.s32 $0x1BFF;
	s21 =	sshll.u32 s5, $0x1;
	s2 =	sadd.s32 s19, s18  }
0x9c: {  	s6 =	simm.s32 $0x0;
	s20 =	sshll.u32 s4, $0x1;
	s4 =	sadd.s32 s21, s2  }
0x9d: {  	[timem:s6], [sflag:s22] =	dma.local [hbm:s4], s20  }
0x9e: {  	_ =	swait.ge [sflag:s22], s20  }
0x9f: {  	s3 =	ssub.s32 $0x0, s20;
	[sflag:s22] =	ssyncset.done $0x0  }
0xa0: {  	[sflag:s22] =	ssyncadd.s32 s3;
	_ =	sdelay $0x1  }
0xa1: {  	s23 =	simm.s32 $0x1B8B  }
0xa2: {  	_ =	swait.ge [sflag:s23], $0x1  }
0xa3: {  	[sflag:s23] =	ssyncset.done $0x0  }
0xa4: {  	s25 =	simm.s32 $0x1B8E;
	s24 =	sld [smem:$0x3FFE];
	[sflag:s23] =	ssyncadd.s32 $0xFFFFFFFF  }
0xa5: {  	s26 =	simm.s32 $execute0_lowered;
	[smem:$0x3FD2] =	sst s25  }
0xa6: {  	s4 =	sshll.u32 s26, $0x1;
	_ =	strace $0x8000004C;
	[dreg:$0x1] =	wrdreg $0xFFFFFFFF  }
0xa7: {  	s28 =	simm.s32 $_size_execute0_lowered;
	s2 =	sadd.s32 s2, s4;
	[dreg:$0x0] =	wrdreg $0x0  }
0xa8: {  	s4 =	sshll.u32 s28, $0x1;
	[dreg:$0x2] =	wrdreg s2  }
0xa9: {  	[dreg:$0x3] =	wrdreg s4  }
0xaa: {  	[dreg:$0x4] =	wrdreg $0xC0  }
0xab: {  	_ =	task [dreg:s6], $0x5FFFF  }
0xac: {  	[dreg:$0x1] =	wrdreg $0xFFFFFFFF  }
0xad: {  	[dreg:$0x0] =	wrdreg $0x60  }
0xae: {  	[dreg:$0x2] =	wrdreg s24  }
0xaf: {  	[dreg:$0x3] =	wrdreg $0x9  }
0xb0: {  	_ =	task.clear_ibuf [dreg:s6], $0x4FFFF;
	_ =	strace $0x9000004C  }
0xb1: {  	s29 =	simm.s32 $0x9;
	_ =	strace $0x8000004E  }
0xb2: {  	_ =	swait.ge [sflag:s29], $0x1  }
0xb3: {  	[sflag:s29] =	ssyncadd.s32 $0xFFFFFFFF  }
0xb4: {  	_ =	strace $0x9000004E  }
0xb5: {  	_ =	sfence  }
0xb6: {  	s30 =	sld [smem:$0x0];
	_ =	sdelay $0x2  }
0xb7: {  	s31 =	sshll.u32 s1, $0xD;
	s1 =	sshrl.u32 s1, $0x2  }
0xb8: {  	s3 =	sand.u32 $0x4000, s31;
	s1 =	sadd.s32 s1, s30  }
0xb9: {  	s0 =	sor.u32 s3, s0;
	s1 =	sshll.u32 s1, $0x11  }
0xba: {  	s0 =	sor.u32 s1, s0  }
0xbb: {  	s0 =	sadd.s32 $0x8F2B, s0  }
0xbc: {  	[sflag:s0] =	ssyncadd.remote.s32 $0x1  }
0xbd: {  	_ =	sfence.sel $0xFFFF  }
0xbe: {  	[dreg:$0x0] =	wrdreg $0xFFFFFFFF;
	(pc) =	sbr.abs _section_cstart, $3  }
0xbf: {  	[dreg:$0x1] =	wrdreg $0xFFFFFFFF  }
0xc0: {  	_ =	task.clear_ibuf [dreg:s6], $0x2FFFF;
	_ =	strace $0x9FFFFFFF  }
0xc1: {  	(tm) =	ssettm $0x7FFFFFFF  }
tec
execute0_lowered:
.L_overlay_start_1:
0x0: {  	(tag) =	ssettag $0x1  }
0x1: {  	s4 =	rddreg [dreg:$0x0]  }
0x2: {  	s0 =	rddreg [dreg:$0x1];
	s1 =	stileid.u32  }
0x3: {  	s3 =	srdreg.scid;
	s5 =	smul.u32 $0x28000, s1  }
0x4: {  	s2 =	simm.s32 $0x0;
	s6 =	sand.u32 $0x1, s3;
	s10 =	smul.u32 $0x500, s1  }
0x5: {  	[smem:$0x7FF] =	sst s2;
	s3 =	sadd.s32 $0x538C00, s4;
	s8 =	smul.u32 $0x14000, s6  }
0x6: {  	_ =	strace $0x8000004D;
	s7 =	ssub.s32 $0x2, s6;
	s30 =	smul.u32 $0x280, s6  }
0x7: {  	s9 =	sshrl.u32 s7, $0x1;
	s11 =	sadd.s32 s5, s4;
	s4 =	sadd.s32 $0xA200, s4  }
0x8: {  	s29 =	ssub.s32 s7, s9;
	s31 =	sadd.s32 s8, s11;
	s7 =	sadd.s32 s30, s10  }
0x9: {  	s8 =	simm.s32 $0x2;
	s9 =	simm.s32 $0x80;
	s10 =	simm.s32 $0x1  }
0xa: {  	s11 =	simm.s32 $0x0;
	s5 =	smax.u32 s29, $0x1;
	s6 =	sadd.s32 $0xF200, s31  }
.LBB2_1:
0xb: {  	s12 =	sadd.s32 $0x0, s7;
	s13 =	sand.u32 $0x70, s2  }
0xc: {  	s12 =	sand.u32 $0xFFFFF80, s12;
	s13 =	sadd.s32 s4, s13  }
0xd: {  	s12 =	sadd.s32 s12, s13  }
0xe: {  	[tilespmem:s2], [sflag:$0x2] =	stream.linear.gather [hbm4b:s12+s2], $0x80, $0x38;
	[tilespmem:$0x4080] =	vst v63  }
0xf: {  	_ =	swait.ge [sflag:s8], $0x80  }
0x10: {  	[sflag:s8] =	ssyncset.done $0x0  }
0x11: {  	[sflag:s8] =	ssyncadd.s32 $0xFFFFFF80  }
0x12: {  	[tilespmem:s9], [sflag:$0x1] =	stream.indirect.gather [hbm4b:s3+s9], $0x80, s2, s9, $0xb8;
	[tilespmem:$0x4080] =	vst v63  }
0x13: {  	_ =	swait.ge [sflag:s10], $0x4000  }
0x14: {  	s14 =	simm.s32 $0x10;
	[sflag:s10] =	ssyncset.done $0x0  }
0x15: {  	s15 =	sadd.s32 $0x10, s7;
	s16 =	sand.u32 $0x70, s14;
	[sflag:s10] =	ssyncadd.s32 $0xFFFFC000  }
0x16: {  	[hbm4b:s6+s2] =	stream.linear.scatter [tilespmem:s9], [sflag:$0x2], $0x4000, $0x38;
	[tilespmem:$0x4080] =	vst v63  }
0x17: {  	s14 =	sand.u32 $0xFFFFF80, s15;
	s13 =	simm.s32 $0x20;
	_ =	swait.ge [sflag:s8], $0x4000  }
0x18: {  	s15 =	sadd.s32 s4, s16;
	s12 =	sadd.s32 $0x800, s6;
	[sflag:s8] =	ssyncset.done $0x0  }
.LBB2_2:
0x19: {  	s14 =	sadd.s32 s14, s15;
	[sflag:s8] =	ssyncadd.s32 $0xFFFFC000  }
0x1a: {  	s15 =	smov.u32 s13;
	s16 =	sadd.s32 $0x10, s13;
	s17 =	smov.u32 s12  }
0x1b: {  	[tilespmem:s2], [sflag:$0x2] =	stream.linear.gather [hbm4b:s14+s2], $0x80, $0x38;
	[tilespmem:$0x4080] =	vst v63  }
0x1c: {  	p0 =	sne.s32 s13, $0x270;
	_ =	swait.ge [sflag:s8], $0x80  }
0x1d: {  	[sflag:s8] =	ssyncset.done $0x0  }
0x1e: {  	[sflag:s8] =	ssyncadd.s32 $0xFFFFFF80  }
0x1f: {  	[tilespmem:s9], [sflag:$0x1] =	stream.indirect.gather [hbm4b:s3+s9], $0x80, s2, s9, $0xb8;
	[tilespmem:$0x4080] =	vst v63  }
0x20: {  	_ =	swait.ge [sflag:s10], $0x4000  }
.Ltmp0:
0x21: {  	[sflag:s10] =	ssyncset.done $0x0;
	(pc) =	sbr.rel @p0 .LBB2_2-.Ltmp0, $4  }
0x22: {  	s12 =	sadd.s32 $0x800, s12;
	s13 =	sadd.s32 s15, s7;
	[sflag:s10] =	ssyncadd.s32 $0xFFFFC000  }
0x23: {  	[hbm4b:s17+s2] =	stream.linear.scatter [tilespmem:s9], [sflag:$0x2], $0x4000, $0x38;
	[tilespmem:$0x4080] =	vst v63  }
0x24: {  	s15 =	sand.u32 $0x70, s15;
	s14 =	sand.u32 $0xFFFFF80, s13;
	_ =	swait.ge [sflag:s8], $0x4000  }
0x25: {  	s15 =	sadd.s32 s4, s15;
	s13 =	smov.u32 s16;
	[sflag:s8] =	ssyncset.done $0x0  }
0x26: {  	s13 =	sadd.s32 s14, s15;
	[sflag:s8] =	ssyncadd.s32 $0xFFFFC000  }
0x27: {  	[tilespmem:s2], [sflag:$0x2] =	stream.linear.gather [hbm4b:s13+s2], $0x80, $0x38;
	[tilespmem:$0x4080] =	vst v63  }
0x28: {  	_ =	swait.ge [sflag:s8], $0x80  }
0x29: {  	[sflag:s8] =	ssyncset.done $0x0  }
0x2a: {  	[sflag:s8] =	ssyncadd.s32 $0xFFFFFF80  }
0x2b: {  	[tilespmem:s9], [sflag:$0x1] =	stream.indirect.gather [hbm4b:s3+s9], $0x80, s2, s9, $0xb8;
	[tilespmem:$0x4080] =	vst v63  }
0x2c: {  	s11 =	sadd.s32 $0x1, s11;
	_ =	swait.ge [sflag:s10], $0x4000  }
0x2d: {  	p0 =	sne.s32 s11, s5;
	[sflag:s10] =	ssyncset.done $0x0  }
.Ltmp1:
0x2e: {  	[sflag:s10] =	ssyncadd.s32 $0xFFFFC000;
	(pc) =	sbr.rel @p0 .LBB2_1-.Ltmp1, $4  }
0x2f: {  	[hbm4b:s12+s2] =	stream.linear.scatter [tilespmem:s9], [sflag:$0x2], $0x4000, $0x38;
	[tilespmem:$0x4080] =	vst v63  }
0x30: {  	_ =	swait.ge [sflag:s8], $0x4000  }
0x31: {  	[sflag:s8] =	ssyncset.done $0x0  }
0x32: {  	[sflag:s8] =	ssyncadd.s32 $0xFFFFC000  }
0x33: {  	_ =	sfence.sel $0x180000  }
0x34: {  	[bflag:$0x0] =	sbarrier.arrive $0xFFFF  }
0x35: {  	p0 =	sne.s32 s1, $0x0;
	_ =	strace $0x9000004D  }
0x36: {  	s0 =	sadd.s32 @!p0 $0x100000, s0;
	[bflag:$0x2] =	sbarrier.arrive $0xFFFF  }
0x37: {  	[sflag:s0] =	ssyncadd.tile.s32 @!p0 $0x1;
	_ =	shalt  }
.Lfunc_end2:
_tile_overlayer_lowered:
.L_overlay_start_2:
0x38: {  	(tag) =	ssettag $0x2  }
0x39: {  	s0 =	rddreg [dreg:$0x0];
	s2 =	stileid.u32  }
0x3a: {  	s1 =	rddreg [dreg:$0x1];
	p0 =	sne.s32 s2, $0x0  }
0x3b: {  	s3 =	rddreg [dreg:$0x2];
	[bflag:$0x3] =	sbarrier.arrive $0xFFFF;
	s2 =	simm.s32 @!p0 $0x1C02  }
0x3c: {  	[timem:s3], [sflag:s2] =	dma.local @!p0 [hbm:s0], s1  }
0x3d: {  	s0 =	simm.s32 @!p0 $0x2  }
0x3e: {  	_ =	swait.ge @!p0 [sflag:s0], s1  }
0x3f: {  	s1 =	ssub.s32 @!p0 $0x0, s1;
	[sflag:s0] =	ssyncset.done @!p0 $0x0  }
0x40: {  	[sflag:s0] =	ssyncadd.s32 @!p0 s1  }
0x41: {  	[bflag:$0x3] =	sbarrier.arrive $0xFFFF  }
0x42: {  	_ =	shalt  }

// kernel: kernel.37.cloned.1.call-start
scs
__scs_entry_jumppad:
0x0: {  	(pc) =	sbr.rel $0x88, $3  }
0x1: {  	(tag) =	ssettag $0x0;
	lr =	simm.s32 $0x1  }
0x2: {  	[smem:$0x3F93] =	sst lr;
	_ =	strace $0xD0000000  }
0x3: {  	_ = 	snop  }
0x4: {  	_ = 	snop  }
0x5: {  	_ = 	snop  }
0x6: {  	_ = 	snop  }
0x7: {  	_ = 	snop  }
__scs_overlays_trampoline_lowered:
0x8: {  	[smem:$0x3FA2] =	sst s0  }
0x9: {  	[smem:$0x3FA3] =	sst s1  }
0xa: {  	[smem:$0x3FA4] =	sst s2  }
0xb: {  	[smem:$0x3FA5] =	sst s3  }
0xc: {  	[smem:$0x3FA6] =	sst s4  }
0xd: {  	[smem:$0x3FA7] =	sst s5  }
0xe: {  	[smem:$0x3FA8] =	sst s6  }
0xf: {  	[smem:$0x3FA9] =	sst s7  }
0x10: {  	[smem:$0x3FAA] =	sst s8  }
0x11: {  	[smem:$0x3FAB] =	sst s9;
	s0 =	simm.s32 @!p0 $0x0  }
0x12: {  	s1 =	sld [smem:$0x3F91];
	s0 =	simm.s32 @p0 $0x1  }
0x13: {  	[smem:$0x3FAC] =	sst s0;
	s0 =	simm.s32 @!p1 $0x0  }
0x14: {  	s2 =	sld [smem:$0x3F90];
	s0 =	simm.s32 @p1 $0x1  }
0x15: {  	[smem:$0x3FAD] =	sst s0;
	s0 =	simm.s32 @!p2 $0x0  }
0x16: {  	s3 =	sld [smem:$0x3FDB];
	s0 =	simm.s32 @p2 $0x1  }
0x17: {  	s4 =	simm.s32 $0x1BF5;
	[smem:$0x3FAF] =	sst s0  }
0x18: {  	s0 =	sld [smem:$0x3F92];
	_ =	swait.ge [sflag:s4], $0x0  }
0x19: {  	s7 =	sld [smem:$0x3F93]  }
0x1a: {  	s8 =	sadd.s32 $0xFFFFE003, lr  }
0x1b: {  	s9 =	sadd.s32 $0xFFFFFEF7, lr;
	s5 =	simm.s32 $0xFFFFFFFF;
	p2 =	slt.u32 s8, $0xFFFFF086  }
0x1c: {  	p1 =	slt.u32 s9, $0xF7A;
	s5 =	simm.s32 @!p2 $0x0  }
0x1d: {  	s5 =	simm.s32 @p1 $0x1;
	p0 =	seq.s32 s7, s2  }
0x1e: {  	s7 =	smul.u32 @!p0 $0xF7A, s2;
	p2 =	seq.s32 @!p0 s5, $0x0  }
0x1f: {  	s9 =	smul.u32 $0xF7A, s1;
	s8 =	simm.s32 @!p0 $0x1BF5;
	p2 =	por !p2, p0  }
0x20: {  	[sflag:s8] =	ssyncset.s32 @!p0 $0xFFFFF086;
	s6 =	sadd.s32 @!p0 s3, s7;
	s7 =	simm.s32 @!p0 $0x108  }
0x21: {  	s3 =	sadd.s32 s3, s9;
	s6 =	sadd.s32 @!p0 $0x88, s6;
	s7 =	simm.s32 @p2 $0x1082  }
0x22: {  	[simem:s7], [sflag:s8] =	dma.local @!p0 [hbm:s6], $0xF7A  }
0x23: {  	s9 =	sor.u32 $0xD0000000, s2;
	s6 =	simm.s32 $0x108;
	_ =	swait.ge @!p0 [sflag:s8], $0x0  }
0x24: {  	s3 =	sadd.s32 $0x88, s3;
	s6 =	simm.s32 @!p1 $0x1082;
	[sflag:s4] =	ssyncset.s32 $0xFFFFF086  }
0x25: {  	[simem:s6], [sflag:s4] =	dma.local [hbm:s3], $0xF7A  }
0x26: {  	[smem:$0x3F93] =	sst s1;
	(tag) =	ssettag s2;
	_ =	strace s9  }
0x27: {  	s1 =	sld [smem:$0x3FA3]  }
0x28: {  	s2 =	sld [smem:$0x3FA4]  }
0x29: {  	s4 =	sld [smem:$0x3FA6]  }
0x2a: {  	p0 =	seq.s32 s5, $0x0;
	s5 =	sld [smem:$0x3FA7]  }
0x2b: {  	s6 =	sld [smem:$0x3FA8]  }
0x2c: {  	s7 =	sld [smem:$0x3FA9]  }
0x2d: {  	s3 =	simm.s32 $0x108;
	s8 =	sld [smem:$0x3FAA]  }
0x2e: {  	s3 =	simm.s32 @!p0 $0x1082;
	s9 =	sld [smem:$0x3FAB]  }
0x2f: {  	lr =	sadd.s32 s0, s3;
	s0 =	sld [smem:$0x3FA2]  }
0x30: {  	s3 =	sld [smem:$0x3FA5]  }
0x31: {  	[smem:$0x3FAE] =	sst s10  }
0x32: {  	s10 =	sld [smem:$0x3FAC];
	_ =	sdelay $0x3  }
0x33: {  	p0 =	seq.s32 s10, $0x1;
	s10 =	sld [smem:$0x3FAE];
	_ =	sdelay $0x3  }
0x34: {  	[smem:$0x3FAE] =	sst s10  }
0x35: {  	s10 =	sld [smem:$0x3FAD];
	_ =	sdelay $0x3  }
0x36: {  	p1 =	seq.s32 s10, $0x1;
	s10 =	sld [smem:$0x3FAE];
	_ =	sdelay $0x3  }
0x37: {  	[smem:$0x3FAE] =	sst s10  }
0x38: {  	s10 =	sld [smem:$0x3FAF]  }
0x39: {  	_ = 	snop;
	(pc) =	sbr.ind lr, $3  }
0x3a: {  	_ = 	snop  }
0x3b: {  	_ = 	snop  }
0x3c: {  	p2 =	seq.s32 s10, $0x1;
	s10 =	sld [smem:$0x3FAE]  }
0x3d: {  	_ =	shalt  }
0x3e: {  	_ =	shalt  }
0x3f: {  	_ =	shalt  }
0x40: {  	_ =	shalt  }
0x41: {  	_ =	shalt  }
0x42: {  	_ =	shalt  }
0x43: {  	_ =	shalt  }
0x44: {  	_ =	shalt  }
0x45: {  	_ =	shalt  }
0x46: {  	_ =	shalt  }
0x47: {  	_ =	shalt  }
0x48: {  	_ =	shalt  }
0x49: {  	_ =	shalt  }
0x4a: {  	_ =	shalt  }
0x4b: {  	_ =	shalt  }
0x4c: {  	_ =	shalt  }
0x4d: {  	_ =	shalt  }
0x4e: {  	_ =	shalt  }
0x4f: {  	_ =	shalt  }
0x50: {  	_ =	shalt  }
0x51: {  	_ =	shalt  }
0x52: {  	_ =	shalt  }
0x53: {  	_ =	shalt  }
0x54: {  	_ =	shalt  }
0x55: {  	_ =	shalt  }
0x56: {  	_ =	shalt  }
0x57: {  	_ =	shalt  }
0x58: {  	_ =	shalt  }
0x59: {  	_ =	shalt  }
0x5a: {  	_ =	shalt  }
0x5b: {  	_ =	shalt  }
0x5c: {  	_ =	shalt  }
0x5d: {  	_ =	shalt  }
0x5e: {  	_ =	shalt  }
0x5f: {  	_ =	shalt  }
0x60: {  	_ =	shalt  }
0x61: {  	_ =	shalt  }
0x62: {  	_ =	shalt  }
0x63: {  	_ =	shalt  }
0x64: {  	_ =	shalt  }
0x65: {  	_ =	shalt  }
0x66: {  	_ =	shalt  }
0x67: {  	_ =	shalt  }
0x68: {  	_ =	shalt  }
0x69: {  	_ =	shalt  }
0x6a: {  	_ =	shalt  }
0x6b: {  	_ =	shalt  }
0x6c: {  	_ =	shalt  }
0x6d: {  	_ =	shalt  }
0x6e: {  	_ =	shalt  }
0x6f: {  	_ =	shalt  }
0x70: {  	_ =	shalt  }
0x71: {  	_ =	shalt  }
0x72: {  	_ =	shalt  }
0x73: {  	_ =	shalt  }
0x74: {  	_ =	shalt  }
0x75: {  	_ =	shalt  }
0x76: {  	_ =	shalt  }
0x77: {  	_ =	shalt  }
0x78: {  	_ =	shalt  }
0x79: {  	_ =	shalt  }
0x7a: {  	_ =	shalt  }
0x7b: {  	_ =	shalt  }
0x7c: {  	_ =	shalt  }
0x7d: {  	_ =	shalt  }
0x7e: {  	_ =	shalt  }
0x7f: {  	_ =	shalt  }
0x80: {  	_ =	shalt  }
0x81: {  	_ =	shalt  }
0x82: {  	_ =	shalt  }
0x83: {  	_ =	shalt  }
0x84: {  	_ =	shalt  }
0x85: {  	_ =	shalt  }
0x86: {  	_ =	shalt  }
0x87: {  	_ =	shalt  }
.Lfunc_end0:
.L_simem_size_0:
called_computation.3_lowered:
.L_overlay_start_0:
0x88: {  	s2 =	sld [smem:$0x3FD9]  }
0x89: {  	s3 =	sld [smem:$0x3FFE];
	_ =	sdelay $0x1  }
0x8a: {  	s1 =	srdreg.scid  }
0x8b: {  	s0 =	sand.u32 $0x1, s1  }
0x8c: {  	s17 =	sshll.u32 s0, $0xA;
	s2 =	sadd.s32 s3, s2  }
0x8d: {  	s2 =	sadd.s32 s2, s17  }
0x8e: {  	[smem:$0x3FBA] =	sst s2  }
0x8f: {  	_ = 	snop  }
0x90: {  	s2 =	sld [smem:$0x3FD0];
	(tm) =	ssettm $0x1  }
0x91: {  	s18 =	sld [smem:$0x3FFB];
	_ =	sdelay $0x3  }
0x92: {  	_ =	strace s18  }
0x93: {  	s3 =	sld [smem:$0x3FFC];
	_ =	sdelay $0x3  }
0x94: {  	_ =	strace s3  }
0x95: {  	s3 =	sld [smem:$0x3FFD];
	_ =	sdelay $0x3  }
0x96: {  	_ =	strace s3  }
0x97: {  	_ =	strace $0x8FFFFFFF  }
0x98: {  	s19 =	sld [smem:$0x3FDB];
	_ =	sdelay $0x1  }
0x99: {  	s4 =	simm.s32 $_scs_section_size  }
0x9a: {  	s5 =	simm.s32 $_size__tile_overlayer_lowered;
	s6 =	simm.s32 $_tile_overlayer_lowered  }
0x9b: {  	s22 =	simm.s32 $0x1BFF;
	s21 =	sshll.u32 s6, $0x1;
	s3 =	sadd.s32 s4, s19  }
0x9c: {  	s7 =	simm.s32 $0x0;
	s20 =	sshll.u32 s5, $0x1;
	s5 =	sadd.s32 s21, s3  }
0x9d: {  	[timem:s7], [sflag:s22] =	dma.local [hbm:s5], s20  }
0x9e: {  	_ =	swait.ge [sflag:s22], s20  }
0x9f: {  	s4 =	ssub.s32 $0x0, s20;
	[sflag:s22] =	ssyncset.done $0x0  }
0xa0: {  	[sflag:s22] =	ssyncadd.s32 s4;
	_ =	sdelay $0x1  }
0xa1: {  	s23 =	simm.s32 $0x1B8B  }
0xa2: {  	_ =	swait.ge [sflag:s23], $0x1  }
0xa3: {  	[sflag:s23] =	ssyncset.done $0x0  }
0xa4: {  	s25 =	simm.s32 $0x1B8E;
	s24 =	sld [smem:$0x3FFE];
	[sflag:s23] =	ssyncadd.s32 $0xFFFFFFFF  }
0xa5: {  	s26 =	simm.s32 $execute0_lowered;
	[smem:$0x3FD2] =	sst s25  }
0xa6: {  	s5 =	sshll.u32 s26, $0x1;
	_ =	strace $0x8000004F;
	[dreg:$0x1] =	wrdreg $0xFFFFFFFF  }
0xa7: {  	s28 =	simm.s32 $_size_execute0_lowered;
	s3 =	sadd.s32 s3, s5;
	[dreg:$0x0] =	wrdreg $0x0  }
0xa8: {  	s5 =	sshll.u32 s28, $0x1;
	[dreg:$0x2] =	wrdreg s3  }
0xa9: {  	[dreg:$0x3] =	wrdreg s5  }
0xaa: {  	[dreg:$0x4] =	wrdreg $0xC0  }
0xab: {  	_ =	task [dreg:s7], $0x5FFFF  }
0xac: {  	[dreg:$0x1] =	wrdreg $0xFFFFFFFF  }
0xad: {  	[dreg:$0x0] =	wrdreg $0x60  }
0xae: {  	[dreg:$0x2] =	wrdreg s24  }
0xaf: {  	[dreg:$0x3] =	wrdreg s2  }
0xb0: {  	[dreg:$0x4] =	wrdreg $0x40800  }
0xb1: {  	[dreg:$0x5] =	wrdreg $0x9  }
0xb2: {  	_ =	task.clear_ibuf [dreg:s7], $0x6FFFF;
	_ =	strace $0x9000004F  }
0xb3: {  	s29 =	simm.s32 $0x9;
	_ =	strace $0x80000051  }
0xb4: {  	_ =	swait.ge [sflag:s29], $0x1  }
0xb5: {  	[sflag:s29] =	ssyncadd.s32 $0xFFFFFFFF  }
0xb6: {  	_ =	strace $0x90000051  }
0xb7: {  	_ =	sfence  }
0xb8: {  	s30 =	sld [smem:$0x0];
	_ =	sdelay $0x2  }
0xb9: {  	s31 =	sshll.u32 s1, $0xD;
	s1 =	sshrl.u32 s1, $0x2  }
0xba: {  	s3 =	sand.u32 $0x4000, s31;
	s1 =	sadd.s32 s1, s30  }
0xbb: {  	s0 =	sor.u32 s3, s0;
	s1 =	sshll.u32 s1, $0x11  }
0xbc: {  	s0 =	sor.u32 s1, s0  }
0xbd: {  	s0 =	sadd.s32 $0x8F2B, s0  }
0xbe: {  	[sflag:s0] =	ssyncadd.remote.s32 $0x1  }
0xbf: {  	_ =	sfence.sel $0xFFFF  }
0xc0: {  	[dreg:$0x0] =	wrdreg $0xFFFFFFFF;
	(pc) =	sbr.abs _section_cstart, $3  }
0xc1: {  	[dreg:$0x1] =	wrdreg $0xFFFFFFFF  }
0xc2: {  	_ =	task.clear_ibuf [dreg:s7], $0x2FFFF;
	_ =	strace $0x9FFFFFFF  }
0xc3: {  	(tm) =	ssettm $0x7FFFFFFF  }
tec
execute0_lowered:
.L_overlay_start_1:
0x0: {  	(tag) =	ssettag $0x1  }
0x1: {  	s6 =	rddreg [dreg:$0x0];
	s0 =	stileid.u32  }
0x2: {  	s2 =	rddreg [dreg:$0x1];
	s5 =	smul.u32 $0x28000, s0  }
0x3: {  	s1 =	srdreg.scid;
	s9 =	smul.u32 $0x13C00, s0  }
0x4: {  	s3 =	rddreg [dreg:$0x2];
	s4 =	simm.s32 $0x0;
	s12 =	smul.u32 $0x4F000, s0  }
0x5: {  	s7 =	sand.u32 $0x1, s1;
	s1 =	rddreg [dreg:$0x3];
	s13 =	smul.u32 $0x500, s0  }
0x6: {  	[smem:$0x7FF] =	sst s4;
	s8 =	smul.u32 $0x13C000, s7  }
0x7: {  	s29 =	sshll.u32 s0, $0x6;
	_ =	strace $0x80000050;
	s26 =	smul.u32 $0x14000, s7  }
0x8: {  	s25 =	ssub.s32 $0x2, s7;
	s30 =	smul.u32 $0x280, s7;
	s10 =	sadd.s32 s5, s6  }
0x9: {  	s5 =	sadd.s32 $0x536400, s6;
	s11 =	sshrl.u32 s25, $0x1;
	s28 =	sshrl.u32 s12, $0x2  }
0xa: {  	s12 =	simm.s32 $0x1;
	s8 =	sadd.s32 s9, s8;
	s9 =	ssub.s32 s25, s11  }
0xb: {  	s14 =	sadd.s32 s28, s3;
	s31 =	sadd.s32 s26, s10;
	s10 =	sadd.s32 s30, s13  }
0xc: {  	s13 =	simm.s32 $0x80;
	s8 =	sshrl.u32 s8, $0x3;
	s11 =	sshrl.u32 s14, $0x3  }
0xd: {  	s14 =	simm.s32 $0x0;
	s8 =	sadd.s32 s8, s6;
	s6 =	sor.u32 $0x1C01, s29  }
0xe: {  	s7 =	sadd.s32 $0x55FE00, s8;
	s8 =	smax.u32 s9, $0x1;
	s9 =	sadd.s32 $0x28F200, s31  }
.LBB2_1:
0xf: {  	[spmem:s11], [sflag:s6] =	dma.local [hbm:s5], $0x2780  }
0x10: {  	_ =	swait.ge [sflag:s12], $0x2780  }
0x11: {  	s15 =	sadd.s32 $0x0, s10;
	s16 =	sand.u32 $0x70, s4;
	[sflag:s12] =	ssyncset.done $0x0  }
0x12: {  	s15 =	sand.u32 $0xFFFFF80, s15;
	s16 =	sadd.s32 s2, s16;
	[sflag:s12] =	ssyncadd.s32 $0xFFFFD880  }
0x13: {  	s15 =	sadd.s32 s15, s16;
	[bflag:$0x0] =	sbarrier.arrive $0xFFFF  }
0x14: {  	[tilespmem:s4], [sflag:$0x1] =	stream.linear.gather [hbm4b:s15+s4], $0x80, $0x38;
	[tilespmem:$0x17C80] =	vst v63  }
0x15: {  	_ =	swait.ge [sflag:s12], $0x80  }
0x16: {  	[sflag:s12] =	ssyncset.done $0x0  }
0x17: {  	[sflag:s12] =	ssyncadd.s32 $0xFFFFFF80  }
0x18: {  	[tilespmem:s13], [sflag:$0x1] =	stream.linear.gather [hbm4b:s9+s4], $0x4000, $0x38;
	[tilespmem:$0x17C80] =	vst v63  }
0x19: {  	_ =	swait.ge [sflag:s12], $0x4000  }
0x1a: {  	s17 =	simm.s32 $0x10;
	[sflag:s12] =	ssyncset.done $0x0  }
0x1b: {  	s18 =	sadd.s32 $0x10, s10;
	s19 =	sand.u32 $0x70, s17;
	[sflag:s12] =	ssyncadd.s32 $0xFFFFC000  }
0x1c: {  	[spmem:s3] =	stream.indirect.scatter.add.f32 [tilespmem:s13], [sflag:$0x1], $0x80, s4, s13, $0xb8;
	[tilespmem:$0x17C80] =	vst v63  }
0x1d: {  	s17 =	sand.u32 $0xFFFFF80, s18;
	s16 =	simm.s32 $0x20;
	_ =	swait.ge [sflag:s12], $0x4000  }
0x1e: {  	s18 =	sadd.s32 s2, s19;
	s15 =	sadd.s32 $0x800, s9;
	[sflag:s12] =	ssyncset.done $0x0  }
.LBB2_2:
0x1f: {  	s17 =	sadd.s32 s17, s18  }
0x20: {  	[sflag:s12] =	ssyncadd.s32 $0xFFFFC000;
	s18 =	smov.u32 s16;
	s19 =	sadd.s32 $0x10, s16  }
0x21: {  	[tilespmem:s4], [sflag:$0x1] =	stream.linear.gather [hbm4b:s17+s4], $0x80, $0x38;
	[tilespmem:$0x17C80] =	vst v63  }
0x22: {  	p0 =	sne.s32 s16, $0x270;
	_ =	swait.ge [sflag:s12], $0x80  }
0x23: {  	[sflag:s12] =	ssyncset.done $0x0  }
0x24: {  	[sflag:s12] =	ssyncadd.s32 $0xFFFFFF80  }
0x25: {  	[tilespmem:s13], [sflag:$0x1] =	stream.linear.gather [hbm4b:s15+s4], $0x4000, $0x38;
	[tilespmem:$0x17C80] =	vst v63  }
0x26: {  	_ =	swait.ge [sflag:s12], $0x4000  }
.Ltmp0:
0x27: {  	[sflag:s12] =	ssyncset.done $0x0;
	(pc) =	sbr.rel @p0 .LBB2_2-.Ltmp0, $4  }
0x28: {  	s16 =	sadd.s32 s18, s10;
	s15 =	sadd.s32 $0x800, s15;
	[sflag:s12] =	ssyncadd.s32 $0xFFFFC000  }
0x29: {  	[spmem:s3] =	stream.indirect.scatter.add.f32 [tilespmem:s13], [sflag:$0x1], $0x80, s4, s13, $0xb8;
	[tilespmem:$0x17C80] =	vst v63  }
0x2a: {  	s18 =	sand.u32 $0x70, s18;
	s17 =	sand.u32 $0xFFFFF80, s16;
	_ =	swait.ge [sflag:s12], $0x4000  }
0x2b: {  	s18 =	sadd.s32 s2, s18;
	s16 =	smov.u32 s19;
	[sflag:s12] =	ssyncset.done $0x0  }
0x2c: {  	s16 =	sadd.s32 s17, s18;
	[sflag:s12] =	ssyncadd.s32 $0xFFFFC000  }
0x2d: {  	[tilespmem:s4], [sflag:$0x1] =	stream.linear.gather [hbm4b:s16+s4], $0x80, $0x38;
	[tilespmem:$0x17C80] =	vst v63  }
0x2e: {  	_ =	swait.ge [sflag:s12], $0x80  }
0x2f: {  	[sflag:s12] =	ssyncset.done $0x0  }
0x30: {  	[sflag:s12] =	ssyncadd.s32 $0xFFFFFF80  }
0x31: {  	[tilespmem:s13], [sflag:$0x1] =	stream.linear.gather [hbm4b:s15+s4], $0x4000, $0x38;
	[tilespmem:$0x17C80] =	vst v63  }
0x32: {  	_ =	swait.ge [sflag:s12], $0x4000  }
0x33: {  	[sflag:s12] =	ssyncset.done $0x0  }
0x34: {  	[sflag:s12] =	ssyncadd.s32 $0xFFFFC000  }
0x35: {  	[spmem:s3] =	stream.indirect.scatter.add.f32 [tilespmem:s13], [sflag:$0x1], $0x80, s4, s13, $0xb8;
	[tilespmem:$0x17C80] =	vst v63  }
0x36: {  	_ =	swait.ge [sflag:s12], $0x4000  }
0x37: {  	s14 =	sadd.s32 $0x1, s14;
	[sflag:s12] =	ssyncset.done $0x0  }
0x38: {  	p0 =	sne.s32 s14, s8;
	[sflag:s12] =	ssyncadd.s32 $0xFFFFC000  }
.Ltmp1:
0x39: {  	[bflag:$0x0] =	sbarrier.arrive $0xFFFF;
	(pc) =	sbr.rel @p0 .LBB2_1-.Ltmp1, $4  }
0x3a: {  	[hbm:s7], [sflag:s6] =	dma.local [spmem:s11], $0x2780  }
0x3b: {  	_ =	swait.ge [sflag:s12], $0x2780  }
0x3c: {  	[sflag:s12] =	ssyncset.done $0x0  }
0x3d: {  	[sflag:s12] =	ssyncadd.s32 $0xFFFFD880  }
0x3e: {  	_ =	sfence.sel $0x180000  }
0x3f: {  	[bflag:$0x0] =	sbarrier.arrive $0xFFFF  }
0x40: {  	p0 =	sne.s32 s0, $0x0;
	_ =	strace $0x90000050  }
0x41: {  	s0 =	sadd.s32 @!p0 $0x100000, s1;
	[bflag:$0x2] =	sbarrier.arrive $0xFFFF  }
0x42: {  	[sflag:s0] =	ssyncadd.tile.s32 @!p0 $0x1;
	_ =	shalt  }
.Lfunc_end2:
_tile_overlayer_lowered:
.L_overlay_start_2:
0x43: {  	(tag) =	ssettag $0x2  }
0x44: {  	s0 =	rddreg [dreg:$0x0];
	s2 =	stileid.u32  }
0x45: {  	s1 =	rddreg [dreg:$0x1];
	p0 =	sne.s32 s2, $0x0  }
0x46: {  	s3 =	rddreg [dreg:$0x2];
	[bflag:$0x3] =	sbarrier.arrive $0xFFFF;
	s2 =	simm.s32 @!p0 $0x1C01  }
0x47: {  	[timem:s3], [sflag:s2] =	dma.local @!p0 [hbm:s0], s1  }
0x48: {  	s0 =	simm.s32 @!p0 $0x1  }
0x49: {  	_ =	swait.ge @!p0 [sflag:s0], s1  }
0x4a: {  	s1 =	ssub.s32 @!p0 $0x0, s1;
	[sflag:s0] =	ssyncset.done @!p0 $0x0  }
0x4b: {  	[sflag:s0] =	ssyncadd.s32 @!p0 s1  }
0x4c: {  	[bflag:$0x3] =	sbarrier.arrive $0xFFFF  }
0x4d: {  	_ =	shalt  }

// kernel: kernel.40.cloned.1.call-start
scs
__scs_entry_jumppad:
0x0: {  	(pc) =	sbr.rel $0x88, $3  }
0x1: {  	(tag) =	ssettag $0x0;
	lr =	simm.s32 $0x1  }
0x2: {  	[smem:$0x3F93] =	sst lr;
	_ =	strace $0xD0000000  }
0x3: {  	_ = 	snop  }
0x4: {  	_ = 	snop  }
0x5: {  	_ = 	snop  }
0x6: {  	_ = 	snop  }
0x7: {  	_ = 	snop  }
__scs_overlays_trampoline_lowered:
0x8: {  	[smem:$0x3FA2] =	sst s0  }
0x9: {  	[smem:$0x3FA3] =	sst s1  }
0xa: {  	[smem:$0x3FA4] =	sst s2  }
0xb: {  	[smem:$0x3FA5] =	sst s3  }
0xc: {  	[smem:$0x3FA6] =	sst s4  }
0xd: {  	[smem:$0x3FA7] =	sst s5  }
0xe: {  	[smem:$0x3FA8] =	sst s6  }
0xf: {  	[smem:$0x3FA9] =	sst s7  }
0x10: {  	[smem:$0x3FAA] =	sst s8  }
0x11: {  	[smem:$0x3FAB] =	sst s9;
	s0 =	simm.s32 @!p0 $0x0  }
0x12: {  	s1 =	sld [smem:$0x3F91];
	s0 =	simm.s32 @p0 $0x1  }
0x13: {  	[smem:$0x3FAC] =	sst s0;
	s0 =	simm.s32 @!p1 $0x0  }
0x14: {  	s2 =	sld [smem:$0x3F90];
	s0 =	simm.s32 @p1 $0x1  }
0x15: {  	[smem:$0x3FAD] =	sst s0;
	s0 =	simm.s32 @!p2 $0x0  }
0x16: {  	s3 =	sld [smem:$0x3FDB];
	s0 =	simm.s32 @p2 $0x1  }
0x17: {  	s4 =	simm.s32 $0x1BF5;
	[smem:$0x3FAF] =	sst s0  }
0x18: {  	s0 =	sld [smem:$0x3F92];
	_ =	swait.ge [sflag:s4], $0x0  }
0x19: {  	s7 =	sld [smem:$0x3F93]  }
0x1a: {  	s8 =	sadd.s32 $0xFFFFE003, lr  }
0x1b: {  	s9 =	sadd.s32 $0xFFFFFEF7, lr;
	s5 =	simm.s32 $0xFFFFFFFF;
	p2 =	slt.u32 s8, $0xFFFFF086  }
0x1c: {  	p1 =	slt.u32 s9, $0xF7A;
	s5 =	simm.s32 @!p2 $0x0  }
0x1d: {  	s5 =	simm.s32 @p1 $0x1;
	p0 =	seq.s32 s7, s2  }
0x1e: {  	s7 =	smul.u32 @!p0 $0xF7A, s2;
	p2 =	seq.s32 @!p0 s5, $0x0  }
0x1f: {  	s9 =	smul.u32 $0xF7A, s1;
	s8 =	simm.s32 @!p0 $0x1BF5;
	p2 =	por !p2, p0  }
0x20: {  	[sflag:s8] =	ssyncset.s32 @!p0 $0xFFFFF086;
	s6 =	sadd.s32 @!p0 s3, s7;
	s7 =	simm.s32 @!p0 $0x108  }
0x21: {  	s3 =	sadd.s32 s3, s9;
	s6 =	sadd.s32 @!p0 $0x88, s6;
	s7 =	simm.s32 @p2 $0x1082  }
0x22: {  	[simem:s7], [sflag:s8] =	dma.local @!p0 [hbm:s6], $0xF7A  }
0x23: {  	s9 =	sor.u32 $0xD0000000, s2;
	s6 =	simm.s32 $0x108;
	_ =	swait.ge @!p0 [sflag:s8], $0x0  }
0x24: {  	s3 =	sadd.s32 $0x88, s3;
	s6 =	simm.s32 @!p1 $0x1082;
	[sflag:s4] =	ssyncset.s32 $0xFFFFF086  }
0x25: {  	[simem:s6], [sflag:s4] =	dma.local [hbm:s3], $0xF7A  }
0x26: {  	[smem:$0x3F93] =	sst s1;
	(tag) =	ssettag s2;
	_ =	strace s9  }
0x27: {  	s1 =	sld [smem:$0x3FA3]  }
0x28: {  	s2 =	sld [smem:$0x3FA4]  }
0x29: {  	s4 =	sld [smem:$0x3FA6]  }
0x2a: {  	p0 =	seq.s32 s5, $0x0;
	s5 =	sld [smem:$0x3FA7]  }
0x2b: {  	s6 =	sld [smem:$0x3FA8]  }
0x2c: {  	s7 =	sld [smem:$0x3FA9]  }
0x2d: {  	s3 =	simm.s32 $0x108;
	s8 =	sld [smem:$0x3FAA]  }
0x2e: {  	s3 =	simm.s32 @!p0 $0x1082;
	s9 =	sld [smem:$0x3FAB]  }
0x2f: {  	lr =	sadd.s32 s0, s3;
	s0 =	sld [smem:$0x3FA2]  }
0x30: {  	s3 =	sld [smem:$0x3FA5]  }
0x31: {  	[smem:$0x3FAE] =	sst s10  }
0x32: {  	s10 =	sld [smem:$0x3FAC];
	_ =	sdelay $0x3  }
0x33: {  	p0 =	seq.s32 s10, $0x1;
	s10 =	sld [smem:$0x3FAE];
	_ =	sdelay $0x3  }
0x34: {  	[smem:$0x3FAE] =	sst s10  }
0x35: {  	s10 =	sld [smem:$0x3FAD];
	_ =	sdelay $0x3  }
0x36: {  	p1 =	seq.s32 s10, $0x1;
	s10 =	sld [smem:$0x3FAE];
	_ =	sdelay $0x3  }
0x37: {  	[smem:$0x3FAE] =	sst s10  }
0x38: {  	s10 =	sld [smem:$0x3FAF]  }
0x39: {  	_ = 	snop;
	(pc) =	sbr.ind lr, $3  }
0x3a: {  	_ = 	snop  }
0x3b: {  	_ = 	snop  }
0x3c: {  	p2 =	seq.s32 s10, $0x1;
	s10 =	sld [smem:$0x3FAE]  }
0x3d: {  	_ =	shalt  }
0x3e: {  	_ =	shalt  }
0x3f: {  	_ =	shalt  }
0x40: {  	_ =	shalt  }
0x41: {  	_ =	shalt  }
0x42: {  	_ =	shalt  }
0x43: {  	_ =	shalt  }
0x44: {  	_ =	shalt  }
0x45: {  	_ =	shalt  }
0x46: {  	_ =	shalt  }
0x47: {  	_ =	shalt  }
0x48: {  	_ =	shalt  }
0x49: {  	_ =	shalt  }
0x4a: {  	_ =	shalt  }
0x4b: {  	_ =	shalt  }
0x4c: {  	_ =	shalt  }
0x4d: {  	_ =	shalt  }
0x4e: {  	_ =	shalt  }
0x4f: {  	_ =	shalt  }
0x50: {  	_ =	shalt  }
0x51: {  	_ =	shalt  }
0x52: {  	_ =	shalt  }
0x53: {  	_ =	shalt  }
0x54: {  	_ =	shalt  }
0x55: {  	_ =	shalt  }
0x56: {  	_ =	shalt  }
0x57: {  	_ =	shalt  }
0x58: {  	_ =	shalt  }
0x59: {  	_ =	shalt  }
0x5a: {  	_ =	shalt  }
0x5b: {  	_ =	shalt  }
0x5c: {  	_ =	shalt  }
0x5d: {  	_ =	shalt  }
0x5e: {  	_ =	shalt  }
0x5f: {  	_ =	shalt  }
0x60: {  	_ =	shalt  }
0x61: {  	_ =	shalt  }
0x62: {  	_ =	shalt  }
0x63: {  	_ =	shalt  }
0x64: {  	_ =	shalt  }
0x65: {  	_ =	shalt  }
0x66: {  	_ =	shalt  }
0x67: {  	_ =	shalt  }
0x68: {  	_ =	shalt  }
0x69: {  	_ =	shalt  }
0x6a: {  	_ =	shalt  }
0x6b: {  	_ =	shalt  }
0x6c: {  	_ =	shalt  }
0x6d: {  	_ =	shalt  }
0x6e: {  	_ =	shalt  }
0x6f: {  	_ =	shalt  }
0x70: {  	_ =	shalt  }
0x71: {  	_ =	shalt  }
0x72: {  	_ =	shalt  }
0x73: {  	_ =	shalt  }
0x74: {  	_ =	shalt  }
0x75: {  	_ =	shalt  }
0x76: {  	_ =	shalt  }
0x77: {  	_ =	shalt  }
0x78: {  	_ =	shalt  }
0x79: {  	_ =	shalt  }
0x7a: {  	_ =	shalt  }
0x7b: {  	_ =	shalt  }
0x7c: {  	_ =	shalt  }
0x7d: {  	_ =	shalt  }
0x7e: {  	_ =	shalt  }
0x7f: {  	_ =	shalt  }
0x80: {  	_ =	shalt  }
0x81: {  	_ =	shalt  }
0x82: {  	_ =	shalt  }
0x83: {  	_ =	shalt  }
0x84: {  	_ =	shalt  }
0x85: {  	_ =	shalt  }
0x86: {  	_ =	shalt  }
0x87: {  	_ =	shalt  }
.Lfunc_end0:
.L_simem_size_0:
called_computation.4_lowered:
.L_overlay_start_0:
0x88: {  	s2 =	sld [smem:$0x3FD9]  }
0x89: {  	s3 =	sld [smem:$0x3FFE];
	_ =	sdelay $0x1  }
0x8a: {  	s1 =	srdreg.scid  }
0x8b: {  	s0 =	sand.u32 $0x1, s1  }
0x8c: {  	s16 =	sshll.u32 s0, $0xA;
	s2 =	sadd.s32 s3, s2  }
0x8d: {  	s2 =	sadd.s32 s2, s16  }
0x8e: {  	[smem:$0x3FBA] =	sst s2  }
0x8f: {  	_ = 	snop  }
0x90: {  	(tm) =	ssettm $0x1  }
0x91: {  	s17 =	sld [smem:$0x3FFB];
	_ =	sdelay $0x3  }
0x92: {  	_ =	strace s17  }
0x93: {  	s2 =	sld [smem:$0x3FFC];
	_ =	sdelay $0x3  }
0x94: {  	_ =	strace s2  }
0x95: {  	s2 =	sld [smem:$0x3FFD];
	_ =	sdelay $0x3  }
0x96: {  	_ =	strace s2  }
0x97: {  	_ =	strace $0x8FFFFFFF  }
0x98: {  	s18 =	sld [smem:$0x3FDB];
	_ =	sdelay $0x1  }
0x99: {  	s19 =	simm.s32 $_scs_section_size  }
0x9a: {  	s4 =	simm.s32 $_size__tile_overlayer_lowered;
	s5 =	simm.s32 $_tile_overlayer_lowered  }
0x9b: {  	s22 =	simm.s32 $0x1BFF;
	s21 =	sshll.u32 s5, $0x1;
	s2 =	sadd.s32 s19, s18  }
0x9c: {  	s6 =	simm.s32 $0x0;
	s20 =	sshll.u32 s4, $0x1;
	s4 =	sadd.s32 s21, s2  }
0x9d: {  	[timem:s6], [sflag:s22] =	dma.local [hbm:s4], s20  }
0x9e: {  	_ =	swait.ge [sflag:s22], s20  }
0x9f: {  	s3 =	ssub.s32 $0x0, s20;
	[sflag:s22] =	ssyncset.done $0x0  }
0xa0: {  	[sflag:s22] =	ssyncadd.s32 s3;
	_ =	sdelay $0x1  }
0xa1: {  	s23 =	simm.s32 $0x1B8B  }
0xa2: {  	_ =	swait.ge [sflag:s23], $0x1  }
0xa3: {  	[sflag:s23] =	ssyncset.done $0x0  }
0xa4: {  	s25 =	simm.s32 $0x1B8E;
	s24 =	sld [smem:$0x3FFE];
	[sflag:s23] =	ssyncadd.s32 $0xFFFFFFFF  }
0xa5: {  	s26 =	simm.s32 $execute0_lowered;
	[smem:$0x3FD2] =	sst s25  }
0xa6: {  	s4 =	sshll.u32 s26, $0x1;
	_ =	strace $0x80000052;
	[dreg:$0x1] =	wrdreg $0xFFFFFFFF  }
0xa7: {  	s28 =	simm.s32 $_size_execute0_lowered;
	s2 =	sadd.s32 s2, s4;
	[dreg:$0x0] =	wrdreg $0x0  }
0xa8: {  	s4 =	sshll.u32 s28, $0x1;
	[dreg:$0x2] =	wrdreg s2  }
0xa9: {  	[dreg:$0x3] =	wrdreg s4  }
0xaa: {  	[dreg:$0x4] =	wrdreg $0xC0  }
0xab: {  	_ =	task [dreg:s6], $0x5FFFF  }
0xac: {  	[dreg:$0x1] =	wrdreg $0xFFFFFFFF  }
0xad: {  	[dreg:$0x0] =	wrdreg $0x60  }
0xae: {  	[dreg:$0x2] =	wrdreg s24  }
0xaf: {  	[dreg:$0x3] =	wrdreg $0x9  }
0xb0: {  	_ =	task.clear_ibuf [dreg:s6], $0x4FFFF;
	_ =	strace $0x90000052  }
0xb1: {  	s29 =	simm.s32 $0x9;
	_ =	strace $0x80000054  }
0xb2: {  	_ =	swait.ge [sflag:s29], $0x1  }
0xb3: {  	[sflag:s29] =	ssyncadd.s32 $0xFFFFFFFF  }
0xb4: {  	_ =	strace $0x90000054  }
0xb5: {  	_ =	sfence  }
0xb6: {  	s30 =	sld [smem:$0x0];
	_ =	sdelay $0x2  }
0xb7: {  	s31 =	sshll.u32 s1, $0xD;
	s1 =	sshrl.u32 s1, $0x2  }
0xb8: {  	s3 =	sand.u32 $0x4000, s31;
	s1 =	sadd.s32 s1, s30  }
0xb9: {  	s0 =	sor.u32 s3, s0;
	s1 =	sshll.u32 s1, $0x11  }
0xba: {  	s0 =	sor.u32 s1, s0  }
0xbb: {  	s0 =	sadd.s32 $0x8F2B, s0  }
0xbc: {  	[sflag:s0] =	ssyncadd.remote.s32 $0x1  }
0xbd: {  	_ =	sfence.sel $0xFFFF  }
0xbe: {  	[dreg:$0x0] =	wrdreg $0xFFFFFFFF;
	(pc) =	sbr.abs _section_cstart, $3  }
0xbf: {  	[dreg:$0x1] =	wrdreg $0xFFFFFFFF  }
0xc0: {  	_ =	task.clear_ibuf [dreg:s6], $0x2FFFF;
	_ =	strace $0x9FFFFFFF  }
0xc1: {  	(tm) =	ssettm $0x7FFFFFFF  }
tec
execute0_lowered:
.L_overlay_start_1:
0x0: {  	(tag) =	ssettag $0x1  }
0x1: {  	s4 =	rddreg [dreg:$0x0]  }
0x2: {  	s0 =	rddreg [dreg:$0x1];
	s1 =	stileid.u32  }
0x3: {  	s3 =	srdreg.scid;
	s5 =	smul.u32 $0x28000, s1  }
0x4: {  	s2 =	simm.s32 $0x0;
	s6 =	sand.u32 $0x1, s3;
	s10 =	smul.u32 $0x500, s1  }
0x5: {  	[smem:$0x7FF] =	sst s2;
	s3 =	sadd.s32 $0x538C00, s4;
	s8 =	smul.u32 $0x14000, s6  }
0x6: {  	_ =	strace $0x80000053;
	s7 =	ssub.s32 $0x2, s6;
	s30 =	smul.u32 $0x280, s6  }
0x7: {  	s9 =	sshrl.u32 s7, $0x1;
	s11 =	sadd.s32 s5, s4;
	s4 =	sadd.s32 $0xA200, s4  }
0x8: {  	s29 =	ssub.s32 s7, s9;
	s31 =	sadd.s32 s8, s11;
	s7 =	sadd.s32 s30, s10  }
0x9: {  	s8 =	simm.s32 $0x2;
	s9 =	simm.s32 $0x80;
	s10 =	simm.s32 $0x1  }
0xa: {  	s11 =	simm.s32 $0x0;
	s5 =	smax.u32 s29, $0x1;
	s6 =	sadd.s32 $0xF200, s31  }
.LBB2_1:
0xb: {  	s12 =	sadd.s32 $0x0, s7;
	s13 =	sand.u32 $0x70, s2  }
0xc: {  	s12 =	sand.u32 $0xFFFFF80, s12;
	s13 =	sadd.s32 s4, s13  }
0xd: {  	s12 =	sadd.s32 s12, s13  }
0xe: {  	[tilespmem:s2], [sflag:$0x2] =	stream.linear.gather [hbm4b:s12+s2], $0x80, $0x38;
	[tilespmem:$0x4080] =	vst v63  }
0xf: {  	_ =	swait.ge [sflag:s8], $0x80  }
0x10: {  	[sflag:s8] =	ssyncset.done $0x0  }
0x11: {  	[sflag:s8] =	ssyncadd.s32 $0xFFFFFF80  }
0x12: {  	[tilespmem:s9], [sflag:$0x1] =	stream.indirect.gather [hbm4b:s3+s9], $0x80, s2, s9, $0xb8;
	[tilespmem:$0x4080] =	vst v63  }
0x13: {  	_ =	swait.ge [sflag:s10], $0x4000  }
0x14: {  	s14 =	simm.s32 $0x10;
	[sflag:s10] =	ssyncset.done $0x0  }
0x15: {  	s15 =	sadd.s32 $0x10, s7;
	s16 =	sand.u32 $0x70, s14;
	[sflag:s10] =	ssyncadd.s32 $0xFFFFC000  }
0x16: {  	[hbm4b:s6+s2] =	stream.linear.scatter [tilespmem:s9], [sflag:$0x2], $0x4000, $0x38;
	[tilespmem:$0x4080] =	vst v63  }
0x17: {  	s14 =	sand.u32 $0xFFFFF80, s15;
	s13 =	simm.s32 $0x20;
	_ =	swait.ge [sflag:s8], $0x4000  }
0x18: {  	s15 =	sadd.s32 s4, s16;
	s12 =	sadd.s32 $0x800, s6;
	[sflag:s8] =	ssyncset.done $0x0  }
.LBB2_2:
0x19: {  	s14 =	sadd.s32 s14, s15;
	[sflag:s8] =	ssyncadd.s32 $0xFFFFC000  }
0x1a: {  	s15 =	smov.u32 s13;
	s16 =	sadd.s32 $0x10, s13;
	s17 =	smov.u32 s12  }
0x1b: {  	[tilespmem:s2], [sflag:$0x2] =	stream.linear.gather [hbm4b:s14+s2], $0x80, $0x38;
	[tilespmem:$0x4080] =	vst v63  }
0x1c: {  	p0 =	sne.s32 s13, $0x270;
	_ =	swait.ge [sflag:s8], $0x80  }
0x1d: {  	[sflag:s8] =	ssyncset.done $0x0  }
0x1e: {  	[sflag:s8] =	ssyncadd.s32 $0xFFFFFF80  }
0x1f: {  	[tilespmem:s9], [sflag:$0x1] =	stream.indirect.gather [hbm4b:s3+s9], $0x80, s2, s9, $0xb8;
	[tilespmem:$0x4080] =	vst v63  }
0x20: {  	_ =	swait.ge [sflag:s10], $0x4000  }
.Ltmp0:
0x21: {  	[sflag:s10] =	ssyncset.done $0x0;
	(pc) =	sbr.rel @p0 .LBB2_2-.Ltmp0, $4  }
0x22: {  	s12 =	sadd.s32 $0x800, s12;
	s13 =	sadd.s32 s15, s7;
	[sflag:s10] =	ssyncadd.s32 $0xFFFFC000  }
0x23: {  	[hbm4b:s17+s2] =	stream.linear.scatter [tilespmem:s9], [sflag:$0x2], $0x4000, $0x38;
	[tilespmem:$0x4080] =	vst v63  }
0x24: {  	s15 =	sand.u32 $0x70, s15;
	s14 =	sand.u32 $0xFFFFF80, s13;
	_ =	swait.ge [sflag:s8], $0x4000  }
0x25: {  	s15 =	sadd.s32 s4, s15;
	s13 =	smov.u32 s16;
	[sflag:s8] =	ssyncset.done $0x0  }
0x26: {  	s13 =	sadd.s32 s14, s15;
	[sflag:s8] =	ssyncadd.s32 $0xFFFFC000  }
0x27: {  	[tilespmem:s2], [sflag:$0x2] =	stream.linear.gather [hbm4b:s13+s2], $0x80, $0x38;
	[tilespmem:$0x4080] =	vst v63  }
0x28: {  	_ =	swait.ge [sflag:s8], $0x80  }
0x29: {  	[sflag:s8] =	ssyncset.done $0x0  }
0x2a: {  	[sflag:s8] =	ssyncadd.s32 $0xFFFFFF80  }
0x2b: {  	[tilespmem:s9], [sflag:$0x1] =	stream.indirect.gather [hbm4b:s3+s9], $0x80, s2, s9, $0xb8;
	[tilespmem:$0x4080] =	vst v63  }
0x2c: {  	s11 =	sadd.s32 $0x1, s11;
	_ =	swait.ge [sflag:s10], $0x4000  }
0x2d: {  	p0 =	sne.s32 s11, s5;
	[sflag:s10] =	ssyncset.done $0x0  }
.Ltmp1:
0x2e: {  	[sflag:s10] =	ssyncadd.s32 $0xFFFFC000;
	(pc) =	sbr.rel @p0 .LBB2_1-.Ltmp1, $4  }
0x2f: {  	[hbm4b:s12+s2] =	stream.linear.scatter [tilespmem:s9], [sflag:$0x2], $0x4000, $0x38;
	[tilespmem:$0x4080] =	vst v63  }
0x30: {  	_ =	swait.ge [sflag:s8], $0x4000  }
0x31: {  	[sflag:s8] =	ssyncset.done $0x0  }
0x32: {  	[sflag:s8] =	ssyncadd.s32 $0xFFFFC000  }
0x33: {  	_ =	sfence.sel $0x180000  }
0x34: {  	[bflag:$0x0] =	sbarrier.arrive $0xFFFF  }
0x35: {  	p0 =	sne.s32 s1, $0x0;
	_ =	strace $0x90000053  }
0x36: {  	s0 =	sadd.s32 @!p0 $0x100000, s0;
	[bflag:$0x2] =	sbarrier.arrive $0xFFFF  }
0x37: {  	[sflag:s0] =	ssyncadd.tile.s32 @!p0 $0x1;
	_ =	shalt  }
.Lfunc_end2:
_tile_overlayer_lowered:
.L_overlay_start_2:
0x38: {  	(tag) =	ssettag $0x2  }
0x39: {  	s0 =	rddreg [dreg:$0x0];
	s2 =	stileid.u32  }
0x3a: {  	s1 =	rddreg [dreg:$0x1];
	p0 =	sne.s32 s2, $0x0  }
0x3b: {  	s3 =	rddreg [dreg:$0x2];
	[bflag:$0x3] =	sbarrier.arrive $0xFFFF;
	s2 =	simm.s32 @!p0 $0x1C02  }
0x3c: {  	[timem:s3], [sflag:s2] =	dma.local @!p0 [hbm:s0], s1  }
0x3d: {  	s0 =	simm.s32 @!p0 $0x2  }
0x3e: {  	_ =	swait.ge @!p0 [sflag:s0], s1  }
0x3f: {  	s1 =	ssub.s32 @!p0 $0x0, s1;
	[sflag:s0] =	ssyncset.done @!p0 $0x0  }
0x40: {  	[sflag:s0] =	ssyncadd.s32 @!p0 s1  }
0x41: {  	[bflag:$0x3] =	sbarrier.arrive $0xFFFF  }
0x42: {  	_ =	shalt  }

// kernel: kernel.43.cloned.1.call-start
scs
__scs_entry_jumppad:
0x0: {  	(pc) =	sbr.rel $0x88, $3  }
0x1: {  	(tag) =	ssettag $0x0;
	lr =	simm.s32 $0x1  }
0x2: {  	[smem:$0x3F93] =	sst lr;
	_ =	strace $0xD0000000  }
0x3: {  	_ = 	snop  }
0x4: {  	_ = 	snop  }
0x5: {  	_ = 	snop  }
0x6: {  	_ = 	snop  }
0x7: {  	_ = 	snop  }
__scs_overlays_trampoline_lowered:
0x8: {  	[smem:$0x3FA2] =	sst s0  }
0x9: {  	[smem:$0x3FA3] =	sst s1  }
0xa: {  	[smem:$0x3FA4] =	sst s2  }
0xb: {  	[smem:$0x3FA5] =	sst s3  }
0xc: {  	[smem:$0x3FA6] =	sst s4  }
0xd: {  	[smem:$0x3FA7] =	sst s5  }
0xe: {  	[smem:$0x3FA8] =	sst s6  }
0xf: {  	[smem:$0x3FA9] =	sst s7  }
0x10: {  	[smem:$0x3FAA] =	sst s8  }
0x11: {  	[smem:$0x3FAB] =	sst s9;
	s0 =	simm.s32 @!p0 $0x0  }
0x12: {  	s1 =	sld [smem:$0x3F91];
	s0 =	simm.s32 @p0 $0x1  }
0x13: {  	[smem:$0x3FAC] =	sst s0;
	s0 =	simm.s32 @!p1 $0x0  }
0x14: {  	s2 =	sld [smem:$0x3F90];
	s0 =	simm.s32 @p1 $0x1  }
0x15: {  	[smem:$0x3FAD] =	sst s0;
	s0 =	simm.s32 @!p2 $0x0  }
0x16: {  	s3 =	sld [smem:$0x3FDB];
	s0 =	simm.s32 @p2 $0x1  }
0x17: {  	s4 =	simm.s32 $0x1BF5;
	[smem:$0x3FAF] =	sst s0  }
0x18: {  	s0 =	sld [smem:$0x3F92];
	_ =	swait.ge [sflag:s4], $0x0  }
0x19: {  	s7 =	sld [smem:$0x3F93]  }
0x1a: {  	s8 =	sadd.s32 $0xFFFFE003, lr  }
0x1b: {  	s9 =	sadd.s32 $0xFFFFFEF7, lr;
	s5 =	simm.s32 $0xFFFFFFFF;
	p2 =	slt.u32 s8, $0xFFFFF086  }
0x1c: {  	p1 =	slt.u32 s9, $0xF7A;
	s5 =	simm.s32 @!p2 $0x0  }
0x1d: {  	s5 =	simm.s32 @p1 $0x1;
	p0 =	seq.s32 s7, s2  }
0x1e: {  	s7 =	smul.u32 @!p0 $0xF7A, s2;
	p2 =	seq.s32 @!p0 s5, $0x0  }
0x1f: {  	s9 =	smul.u32 $0xF7A, s1;
	s8 =	simm.s32 @!p0 $0x1BF5;
	p2 =	por !p2, p0  }
0x20: {  	[sflag:s8] =	ssyncset.s32 @!p0 $0xFFFFF086;
	s6 =	sadd.s32 @!p0 s3, s7;
	s7 =	simm.s32 @!p0 $0x108  }
0x21: {  	s3 =	sadd.s32 s3, s9;
	s6 =	sadd.s32 @!p0 $0x88, s6;
	s7 =	simm.s32 @p2 $0x1082  }
0x22: {  	[simem:s7], [sflag:s8] =	dma.local @!p0 [hbm:s6], $0xF7A  }
0x23: {  	s9 =	sor.u32 $0xD0000000, s2;
	s6 =	simm.s32 $0x108;
	_ =	swait.ge @!p0 [sflag:s8], $0x0  }
0x24: {  	s3 =	sadd.s32 $0x88, s3;
	s6 =	simm.s32 @!p1 $0x1082;
	[sflag:s4] =	ssyncset.s32 $0xFFFFF086  }
0x25: {  	[simem:s6], [sflag:s4] =	dma.local [hbm:s3], $0xF7A  }
0x26: {  	[smem:$0x3F93] =	sst s1;
	(tag) =	ssettag s2;
	_ =	strace s9  }
0x27: {  	s1 =	sld [smem:$0x3FA3]  }
0x28: {  	s2 =	sld [smem:$0x3FA4]  }
0x29: {  	s4 =	sld [smem:$0x3FA6]  }
0x2a: {  	p0 =	seq.s32 s5, $0x0;
	s5 =	sld [smem:$0x3FA7]  }
0x2b: {  	s6 =	sld [smem:$0x3FA8]  }
0x2c: {  	s7 =	sld [smem:$0x3FA9]  }
0x2d: {  	s3 =	simm.s32 $0x108;
	s8 =	sld [smem:$0x3FAA]  }
0x2e: {  	s3 =	simm.s32 @!p0 $0x1082;
	s9 =	sld [smem:$0x3FAB]  }
0x2f: {  	lr =	sadd.s32 s0, s3;
	s0 =	sld [smem:$0x3FA2]  }
0x30: {  	s3 =	sld [smem:$0x3FA5]  }
0x31: {  	[smem:$0x3FAE] =	sst s10  }
0x32: {  	s10 =	sld [smem:$0x3FAC];
	_ =	sdelay $0x3  }
0x33: {  	p0 =	seq.s32 s10, $0x1;
	s10 =	sld [smem:$0x3FAE];
	_ =	sdelay $0x3  }
0x34: {  	[smem:$0x3FAE] =	sst s10  }
0x35: {  	s10 =	sld [smem:$0x3FAD];
	_ =	sdelay $0x3  }
0x36: {  	p1 =	seq.s32 s10, $0x1;
	s10 =	sld [smem:$0x3FAE];
	_ =	sdelay $0x3  }
0x37: {  	[smem:$0x3FAE] =	sst s10  }
0x38: {  	s10 =	sld [smem:$0x3FAF]  }
0x39: {  	_ = 	snop;
	(pc) =	sbr.ind lr, $3  }
0x3a: {  	_ = 	snop  }
0x3b: {  	_ = 	snop  }
0x3c: {  	p2 =	seq.s32 s10, $0x1;
	s10 =	sld [smem:$0x3FAE]  }
0x3d: {  	_ =	shalt  }
0x3e: {  	_ =	shalt  }
0x3f: {  	_ =	shalt  }
0x40: {  	_ =	shalt  }
0x41: {  	_ =	shalt  }
0x42: {  	_ =	shalt  }
0x43: {  	_ =	shalt  }
0x44: {  	_ =	shalt  }
0x45: {  	_ =	shalt  }
0x46: {  	_ =	shalt  }
0x47: {  	_ =	shalt  }
0x48: {  	_ =	shalt  }
0x49: {  	_ =	shalt  }
0x4a: {  	_ =	shalt  }
0x4b: {  	_ =	shalt  }
0x4c: {  	_ =	shalt  }
0x4d: {  	_ =	shalt  }
0x4e: {  	_ =	shalt  }
0x4f: {  	_ =	shalt  }
0x50: {  	_ =	shalt  }
0x51: {  	_ =	shalt  }
0x52: {  	_ =	shalt  }
0x53: {  	_ =	shalt  }
0x54: {  	_ =	shalt  }
0x55: {  	_ =	shalt  }
0x56: {  	_ =	shalt  }
0x57: {  	_ =	shalt  }
0x58: {  	_ =	shalt  }
0x59: {  	_ =	shalt  }
0x5a: {  	_ =	shalt  }
0x5b: {  	_ =	shalt  }
0x5c: {  	_ =	shalt  }
0x5d: {  	_ =	shalt  }
0x5e: {  	_ =	shalt  }
0x5f: {  	_ =	shalt  }
0x60: {  	_ =	shalt  }
0x61: {  	_ =	shalt  }
0x62: {  	_ =	shalt  }
0x63: {  	_ =	shalt  }
0x64: {  	_ =	shalt  }
0x65: {  	_ =	shalt  }
0x66: {  	_ =	shalt  }
0x67: {  	_ =	shalt  }
0x68: {  	_ =	shalt  }
0x69: {  	_ =	shalt  }
0x6a: {  	_ =	shalt  }
0x6b: {  	_ =	shalt  }
0x6c: {  	_ =	shalt  }
0x6d: {  	_ =	shalt  }
0x6e: {  	_ =	shalt  }
0x6f: {  	_ =	shalt  }
0x70: {  	_ =	shalt  }
0x71: {  	_ =	shalt  }
0x72: {  	_ =	shalt  }
0x73: {  	_ =	shalt  }
0x74: {  	_ =	shalt  }
0x75: {  	_ =	shalt  }
0x76: {  	_ =	shalt  }
0x77: {  	_ =	shalt  }
0x78: {  	_ =	shalt  }
0x79: {  	_ =	shalt  }
0x7a: {  	_ =	shalt  }
0x7b: {  	_ =	shalt  }
0x7c: {  	_ =	shalt  }
0x7d: {  	_ =	shalt  }
0x7e: {  	_ =	shalt  }
0x7f: {  	_ =	shalt  }
0x80: {  	_ =	shalt  }
0x81: {  	_ =	shalt  }
0x82: {  	_ =	shalt  }
0x83: {  	_ =	shalt  }
0x84: {  	_ =	shalt  }
0x85: {  	_ =	shalt  }
0x86: {  	_ =	shalt  }
0x87: {  	_ =	shalt  }
.Lfunc_end0:
.L_simem_size_0:
called_computation.5_lowered:
.L_overlay_start_0:
0x88: {  	s2 =	sld [smem:$0x3FD9]  }
0x89: {  	s3 =	sld [smem:$0x3FFE];
	_ =	sdelay $0x1  }
0x8a: {  	s1 =	srdreg.scid  }
0x8b: {  	s0 =	sand.u32 $0x1, s1  }
0x8c: {  	s17 =	sshll.u32 s0, $0xA;
	s2 =	sadd.s32 s3, s2  }
0x8d: {  	s2 =	sadd.s32 s2, s17  }
0x8e: {  	[smem:$0x3FBA] =	sst s2  }
0x8f: {  	_ = 	snop  }
0x90: {  	s2 =	sld [smem:$0x3FD0];
	(tm) =	ssettm $0x1  }
0x91: {  	s18 =	sld [smem:$0x3FFB];
	_ =	sdelay $0x3  }
0x92: {  	_ =	strace s18  }
0x93: {  	s3 =	sld [smem:$0x3FFC];
	_ =	sdelay $0x3  }
0x94: {  	_ =	strace s3  }
0x95: {  	s3 =	sld [smem:$0x3FFD];
	_ =	sdelay $0x3  }
0x96: {  	_ =	strace s3  }
0x97: {  	_ =	strace $0x8FFFFFFF  }
0x98: {  	s19 =	sld [smem:$0x3FDB];
	_ =	sdelay $0x1  }
0x99: {  	s4 =	simm.s32 $_scs_section_size  }
0x9a: {  	s5 =	simm.s32 $_size__tile_overlayer_lowered;
	s6 =	simm.s32 $_tile_overlayer_lowered  }
0x9b: {  	s22 =	simm.s32 $0x1BFF;
	s21 =	sshll.u32 s6, $0x1;
	s3 =	sadd.s32 s4, s19  }
0x9c: {  	s7 =	simm.s32 $0x0;
	s20 =	sshll.u32 s5, $0x1;
	s5 =	sadd.s32 s21, s3  }
0x9d: {  	[timem:s7], [sflag:s22] =	dma.local [hbm:s5], s20  }
0x9e: {  	_ =	swait.ge [sflag:s22], s20  }
0x9f: {  	s4 =	ssub.s32 $0x0, s20;
	[sflag:s22] =	ssyncset.done $0x0  }
0xa0: {  	[sflag:s22] =	ssyncadd.s32 s4;
	_ =	sdelay $0x1  }
0xa1: {  	s23 =	simm.s32 $0x1B8B  }
0xa2: {  	_ =	swait.ge [sflag:s23], $0x1  }
0xa3: {  	[sflag:s23] =	ssyncset.done $0x0  }
0xa4: {  	s25 =	simm.s32 $0x1B8E;
	s24 =	sld [smem:$0x3FFE];
	[sflag:s23] =	ssyncadd.s32 $0xFFFFFFFF  }
0xa5: {  	s26 =	simm.s32 $execute0_lowered;
	[smem:$0x3FD2] =	sst s25  }
0xa6: {  	s5 =	sshll.u32 s26, $0x1;
	_ =	strace $0x80000055;
	[dreg:$0x1] =	wrdreg $0xFFFFFFFF  }
0xa7: {  	s28 =	simm.s32 $_size_execute0_lowered;
	s3 =	sadd.s32 s3, s5;
	[dreg:$0x0] =	wrdreg $0x0  }
0xa8: {  	s5 =	sshll.u32 s28, $0x1;
	[dreg:$0x2] =	wrdreg s3  }
0xa9: {  	[dreg:$0x3] =	wrdreg s5  }
0xaa: {  	[dreg:$0x4] =	wrdreg $0xC0  }
0xab: {  	_ =	task [dreg:s7], $0x5FFFF  }
0xac: {  	[dreg:$0x1] =	wrdreg $0xFFFFFFFF  }
0xad: {  	[dreg:$0x0] =	wrdreg $0x60  }
0xae: {  	[dreg:$0x2] =	wrdreg s24  }
0xaf: {  	[dreg:$0x3] =	wrdreg s2  }
0xb0: {  	[dreg:$0x4] =	wrdreg $0x40800  }
0xb1: {  	[dreg:$0x5] =	wrdreg $0x9  }
0xb2: {  	_ =	task.clear_ibuf [dreg:s7], $0x6FFFF;
	_ =	strace $0x90000055  }
0xb3: {  	s29 =	simm.s32 $0x9;
	_ =	strace $0x80000057  }
0xb4: {  	_ =	swait.ge [sflag:s29], $0x1  }
0xb5: {  	[sflag:s29] =	ssyncadd.s32 $0xFFFFFFFF  }
0xb6: {  	_ =	strace $0x90000057  }
0xb7: {  	_ =	sfence  }
0xb8: {  	s30 =	sld [smem:$0x0];
	_ =	sdelay $0x2  }
0xb9: {  	s31 =	sshll.u32 s1, $0xD;
	s1 =	sshrl.u32 s1, $0x2  }
0xba: {  	s3 =	sand.u32 $0x4000, s31;
	s1 =	sadd.s32 s1, s30  }
0xbb: {  	s0 =	sor.u32 s3, s0;
	s1 =	sshll.u32 s1, $0x11  }
0xbc: {  	s0 =	sor.u32 s1, s0  }
0xbd: {  	s0 =	sadd.s32 $0x8F2B, s0  }
0xbe: {  	[sflag:s0] =	ssyncadd.remote.s32 $0x1  }
0xbf: {  	_ =	sfence.sel $0xFFFF  }
0xc0: {  	[dreg:$0x0] =	wrdreg $0xFFFFFFFF;
	(pc) =	sbr.abs _section_cstart, $3  }
0xc1: {  	[dreg:$0x1] =	wrdreg $0xFFFFFFFF  }
0xc2: {  	_ =	task.clear_ibuf [dreg:s7], $0x2FFFF;
	_ =	strace $0x9FFFFFFF  }
0xc3: {  	(tm) =	ssettm $0x7FFFFFFF  }
tec
execute0_lowered:
.L_overlay_start_1:
0x0: {  	(tag) =	ssettag $0x1  }
0x1: {  	s6 =	rddreg [dreg:$0x0];
	s0 =	stileid.u32  }
0x2: {  	s2 =	rddreg [dreg:$0x1];
	s5 =	smul.u32 $0x28000, s0  }
0x3: {  	s1 =	srdreg.scid;
	s9 =	smul.u32 $0x13C00, s0  }
0x4: {  	s3 =	rddreg [dreg:$0x2];
	s4 =	simm.s32 $0x0;
	s12 =	smul.u32 $0x4F000, s0  }
0x5: {  	s7 =	sand.u32 $0x1, s1;
	s1 =	rddreg [dreg:$0x3];
	s13 =	smul.u32 $0x500, s0  }
0x6: {  	[smem:$0x7FF] =	sst s4;
	s8 =	smul.u32 $0x13C000, s7  }
0x7: {  	s29 =	sshll.u32 s0, $0x6;
	_ =	strace $0x80000056;
	s26 =	smul.u32 $0x14000, s7  }
0x8: {  	s25 =	ssub.s32 $0x2, s7;
	s30 =	smul.u32 $0x280, s7;
	s10 =	sadd.s32 s5, s6  }
0x9: {  	s5 =	sadd.s32 $0x536400, s6;
	s11 =	sshrl.u32 s25, $0x1;
	s28 =	sshrl.u32 s12, $0x2  }
0xa: {  	s12 =	simm.s32 $0x1;
	s8 =	sadd.s32 s9, s8;
	s9 =	ssub.s32 s25, s11  }
0xb: {  	s14 =	sadd.s32 s28, s3;
	s31 =	sadd.s32 s26, s10;
	s10 =	sadd.s32 s30, s13  }
0xc: {  	s13 =	simm.s32 $0x80;
	s8 =	sshrl.u32 s8, $0x3;
	s11 =	sshrl.u32 s14, $0x3  }
0xd: {  	s14 =	simm.s32 $0x0;
	s8 =	sadd.s32 s8, s6;
	s6 =	sor.u32 $0x1C01, s29  }
0xe: {  	s7 =	sadd.s32 $0x55FE00, s8;
	s8 =	smax.u32 s9, $0x1;
	s9 =	sadd.s32 $0x28F200, s31  }
.LBB2_1:
0xf: {  	[spmem:s11], [sflag:s6] =	dma.local [hbm:s5], $0x2780  }
0x10: {  	_ =	swait.ge [sflag:s12], $0x2780  }
0x11: {  	s15 =	sadd.s32 $0x0, s10;
	s16 =	sand.u32 $0x70, s4;
	[sflag:s12] =	ssyncset.done $0x0  }
0x12: {  	s15 =	sand.u32 $0xFFFFF80, s15;
	s16 =	sadd.s32 s2, s16;
	[sflag:s12] =	ssyncadd.s32 $0xFFFFD880  }
0x13: {  	s15 =	sadd.s32 s15, s16;
	[bflag:$0x0] =	sbarrier.arrive $0xFFFF  }
0x14: {  	[tilespmem:s4], [sflag:$0x1] =	stream.linear.gather [hbm4b:s15+s4], $0x80, $0x38;
	[tilespmem:$0x17C80] =	vst v63  }
0x15: {  	_ =	swait.ge [sflag:s12], $0x80  }
0x16: {  	[sflag:s12] =	ssyncset.done $0x0  }
0x17: {  	[sflag:s12] =	ssyncadd.s32 $0xFFFFFF80  }
0x18: {  	[tilespmem:s13], [sflag:$0x1] =	stream.linear.gather [hbm4b:s9+s4], $0x4000, $0x38;
	[tilespmem:$0x17C80] =	vst v63  }
0x19: {  	_ =	swait.ge [sflag:s12], $0x4000  }
0x1a: {  	s17 =	simm.s32 $0x10;
	[sflag:s12] =	ssyncset.done $0x0  }
0x1b: {  	s18 =	sadd.s32 $0x10, s10;
	s19 =	sand.u32 $0x70, s17;
	[sflag:s12] =	ssyncadd.s32 $0xFFFFC000  }
0x1c: {  	[spmem:s3] =	stream.indirect.scatter.add.f32 [tilespmem:s13], [sflag:$0x1], $0x80, s4, s13, $0xb8;
	[tilespmem:$0x17C80] =	vst v63  }
0x1d: {  	s17 =	sand.u32 $0xFFFFF80, s18;
	s16 =	simm.s32 $0x20;
	_ =	swait.ge [sflag:s12], $0x4000  }
0x1e: {  	s18 =	sadd.s32 s2, s19;
	s15 =	sadd.s32 $0x800, s9;
	[sflag:s12] =	ssyncset.done $0x0  }
.LBB2_2:
0x1f: {  	s17 =	sadd.s32 s17, s18  }
0x20: {  	[sflag:s12] =	ssyncadd.s32 $0xFFFFC000;
	s18 =	smov.u32 s16;
	s19 =	sadd.s32 $0x10, s16  }
0x21: {  	[tilespmem:s4], [sflag:$0x1] =	stream.linear.gather [hbm4b:s17+s4], $0x80, $0x38;
	[tilespmem:$0x17C80] =	vst v63  }
0x22: {  	p0 =	sne.s32 s16, $0x270;
	_ =	swait.ge [sflag:s12], $0x80  }
0x23: {  	[sflag:s12] =	ssyncset.done $0x0  }
0x24: {  	[sflag:s12] =	ssyncadd.s32 $0xFFFFFF80  }
0x25: {  	[tilespmem:s13], [sflag:$0x1] =	stream.linear.gather [hbm4b:s15+s4], $0x4000, $0x38;
	[tilespmem:$0x17C80] =	vst v63  }
0x26: {  	_ =	swait.ge [sflag:s12], $0x4000  }
.Ltmp0:
0x27: {  	[sflag:s12] =	ssyncset.done $0x0;
	(pc) =	sbr.rel @p0 .LBB2_2-.Ltmp0, $4  }
0x28: {  	s16 =	sadd.s32 s18, s10;
	s15 =	sadd.s32 $0x800, s15;
	[sflag:s12] =	ssyncadd.s32 $0xFFFFC000  }
0x29: {  	[spmem:s3] =	stream.indirect.scatter.add.f32 [tilespmem:s13], [sflag:$0x1], $0x80, s4, s13, $0xb8;
	[tilespmem:$0x17C80] =	vst v63  }
0x2a: {  	s18 =	sand.u32 $0x70, s18;
	s17 =	sand.u32 $0xFFFFF80, s16;
	_ =	swait.ge [sflag:s12], $0x4000  }
0x2b: {  	s18 =	sadd.s32 s2, s18;
	s16 =	smov.u32 s19;
	[sflag:s12] =	ssyncset.done $0x0  }
0x2c: {  	s16 =	sadd.s32 s17, s18;
	[sflag:s12] =	ssyncadd.s32 $0xFFFFC000  }
0x2d: {  	[tilespmem:s4], [sflag:$0x1] =	stream.linear.gather [hbm4b:s16+s4], $0x80, $0x38;
	[tilespmem:$0x17C80] =	vst v63  }
0x2e: {  	_ =	swait.ge [sflag:s12], $0x80  }
0x2f: {  	[sflag:s12] =	ssyncset.done $0x0  }
0x30: {  	[sflag:s12] =	ssyncadd.s32 $0xFFFFFF80  }
0x31: {  	[tilespmem:s13], [sflag:$0x1] =	stream.linear.gather [hbm4b:s15+s4], $0x4000, $0x38;
	[tilespmem:$0x17C80] =	vst v63  }
0x32: {  	_ =	swait.ge [sflag:s12], $0x4000  }
0x33: {  	[sflag:s12] =	ssyncset.done $0x0  }
0x34: {  	[sflag:s12] =	ssyncadd.s32 $0xFFFFC000  }
0x35: {  	[spmem:s3] =	stream.indirect.scatter.add.f32 [tilespmem:s13], [sflag:$0x1], $0x80, s4, s13, $0xb8;
	[tilespmem:$0x17C80] =	vst v63  }
0x36: {  	_ =	swait.ge [sflag:s12], $0x4000  }
0x37: {  	s14 =	sadd.s32 $0x1, s14;
	[sflag:s12] =	ssyncset.done $0x0  }
0x38: {  	p0 =	sne.s32 s14, s8;
	[sflag:s12] =	ssyncadd.s32 $0xFFFFC000  }
.Ltmp1:
0x39: {  	[bflag:$0x0] =	sbarrier.arrive $0xFFFF;
	(pc) =	sbr.rel @p0 .LBB2_1-.Ltmp1, $4  }
0x3a: {  	[hbm:s7], [sflag:s6] =	dma.local [spmem:s11], $0x2780  }
0x3b: {  	_ =	swait.ge [sflag:s12], $0x2780  }
0x3c: {  	[sflag:s12] =	ssyncset.done $0x0  }
0x3d: {  	[sflag:s12] =	ssyncadd.s32 $0xFFFFD880  }
0x3e: {  	_ =	sfence.sel $0x180000  }
0x3f: {  	[bflag:$0x0] =	sbarrier.arrive $0xFFFF  }
0x40: {  	p0 =	sne.s32 s0, $0x0;
	_ =	strace $0x90000056  }
0x41: {  	s0 =	sadd.s32 @!p0 $0x100000, s1;
	[bflag:$0x2] =	sbarrier.arrive $0xFFFF  }
0x42: {  	[sflag:s0] =	ssyncadd.tile.s32 @!p0 $0x1;
	_ =	shalt  }
.Lfunc_end2:
_tile_overlayer_lowered:
.L_overlay_start_2:
0x43: {  	(tag) =	ssettag $0x2  }
0x44: {  	s0 =	rddreg [dreg:$0x0];
	s2 =	stileid.u32  }
0x45: {  	s1 =	rddreg [dreg:$0x1];
	p0 =	sne.s32 s2, $0x0  }
0x46: {  	s3 =	rddreg [dreg:$0x2];
	[bflag:$0x3] =	sbarrier.arrive $0xFFFF;
	s2 =	simm.s32 @!p0 $0x1C01  }
0x47: {  	[timem:s3], [sflag:s2] =	dma.local @!p0 [hbm:s0], s1  }
0x48: {  	s0 =	simm.s32 @!p0 $0x1  }
0x49: {  	_ =	swait.ge @!p0 [sflag:s0], s1  }
0x4a: {  	s1 =	ssub.s32 @!p0 $0x0, s1;
	[sflag:s0] =	ssyncset.done @!p0 $0x0  }
0x4b: {  	[sflag:s0] =	ssyncadd.s32 @!p0 s1  }
0x4c: {  	[bflag:$0x3] =	sbarrier.arrive $0xFFFF  }
0x4d: {  	_ =	shalt  }

// kernel: kernel.46.cloned.1.call-start
scs
__scs_entry_jumppad:
0x0: {  	(pc) =	sbr.rel $0x88, $3  }
0x1: {  	(tag) =	ssettag $0x0;
	lr =	simm.s32 $0x1  }
0x2: {  	[smem:$0x3F93] =	sst lr;
	_ =	strace $0xD0000000  }
0x3: {  	_ = 	snop  }
0x4: {  	_ = 	snop  }
0x5: {  	_ = 	snop  }
0x6: {  	_ = 	snop  }
0x7: {  	_ = 	snop  }
__scs_overlays_trampoline_lowered:
0x8: {  	[smem:$0x3FA2] =	sst s0  }
0x9: {  	[smem:$0x3FA3] =	sst s1  }
0xa: {  	[smem:$0x3FA4] =	sst s2  }
0xb: {  	[smem:$0x3FA5] =	sst s3  }
0xc: {  	[smem:$0x3FA6] =	sst s4  }
0xd: {  	[smem:$0x3FA7] =	sst s5  }
0xe: {  	[smem:$0x3FA8] =	sst s6  }
0xf: {  	[smem:$0x3FA9] =	sst s7  }
0x10: {  	[smem:$0x3FAA] =	sst s8  }
0x11: {  	[smem:$0x3FAB] =	sst s9;
	s0 =	simm.s32 @!p0 $0x0  }
0x12: {  	s1 =	sld [smem:$0x3F91];
	s0 =	simm.s32 @p0 $0x1  }
0x13: {  	[smem:$0x3FAC] =	sst s0;
	s0 =	simm.s32 @!p1 $0x0  }
0x14: {  	s2 =	sld [smem:$0x3F90];
	s0 =	simm.s32 @p1 $0x1  }
0x15: {  	[smem:$0x3FAD] =	sst s0;
	s0 =	simm.s32 @!p2 $0x0  }
0x16: {  	s3 =	sld [smem:$0x3FDB];
	s0 =	simm.s32 @p2 $0x1  }
0x17: {  	s4 =	simm.s32 $0x1BF5;
	[smem:$0x3FAF] =	sst s0  }
0x18: {  	s0 =	sld [smem:$0x3F92];
	_ =	swait.ge [sflag:s4], $0x0  }
0x19: {  	s7 =	sld [smem:$0x3F93]  }
0x1a: {  	s8 =	sadd.s32 $0xFFFFE003, lr  }
0x1b: {  	s9 =	sadd.s32 $0xFFFFFEF7, lr;
	s5 =	simm.s32 $0xFFFFFFFF;
	p2 =	slt.u32 s8, $0xFFFFF086  }
0x1c: {  	p1 =	slt.u32 s9, $0xF7A;
	s5 =	simm.s32 @!p2 $0x0  }
0x1d: {  	s5 =	simm.s32 @p1 $0x1;
	p0 =	seq.s32 s7, s2  }
0x1e: {  	s7 =	smul.u32 @!p0 $0xF7A, s2;
	p2 =	seq.s32 @!p0 s5, $0x0  }
0x1f: {  	s9 =	smul.u32 $0xF7A, s1;
	s8 =	simm.s32 @!p0 $0x1BF5;
	p2 =	por !p2, p0  }
0x20: {  	[sflag:s8] =	ssyncset.s32 @!p0 $0xFFFFF086;
	s6 =	sadd.s32 @!p0 s3, s7;
	s7 =	simm.s32 @!p0 $0x108  }
0x21: {  	s3 =	sadd.s32 s3, s9;
	s6 =	sadd.s32 @!p0 $0x88, s6;
	s7 =	simm.s32 @p2 $0x1082  }
0x22: {  	[simem:s7], [sflag:s8] =	dma.local @!p0 [hbm:s6], $0xF7A  }
0x23: {  	s9 =	sor.u32 $0xD0000000, s2;
	s6 =	simm.s32 $0x108;
	_ =	swait.ge @!p0 [sflag:s8], $0x0  }
0x24: {  	s3 =	sadd.s32 $0x88, s3;
	s6 =	simm.s32 @!p1 $0x1082;
	[sflag:s4] =	ssyncset.s32 $0xFFFFF086  }
0x25: {  	[simem:s6], [sflag:s4] =	dma.local [hbm:s3], $0xF7A  }
0x26: {  	[smem:$0x3F93] =	sst s1;
	(tag) =	ssettag s2;
	_ =	strace s9  }
0x27: {  	s1 =	sld [smem:$0x3FA3]  }
0x28: {  	s2 =	sld [smem:$0x3FA4]  }
0x29: {  	s4 =	sld [smem:$0x3FA6]  }
0x2a: {  	p0 =	seq.s32 s5, $0x0;
	s5 =	sld [smem:$0x3FA7]  }
0x2b: {  	s6 =	sld [smem:$0x3FA8]  }
0x2c: {  	s7 =	sld [smem:$0x3FA9]  }
0x2d: {  	s3 =	simm.s32 $0x108;
	s8 =	sld [smem:$0x3FAA]  }
0x2e: {  	s3 =	simm.s32 @!p0 $0x1082;
	s9 =	sld [smem:$0x3FAB]  }
0x2f: {  	lr =	sadd.s32 s0, s3;
	s0 =	sld [smem:$0x3FA2]  }
0x30: {  	s3 =	sld [smem:$0x3FA5]  }
0x31: {  	[smem:$0x3FAE] =	sst s10  }
0x32: {  	s10 =	sld [smem:$0x3FAC];
	_ =	sdelay $0x3  }
0x33: {  	p0 =	seq.s32 s10, $0x1;
	s10 =	sld [smem:$0x3FAE];
	_ =	sdelay $0x3  }
0x34: {  	[smem:$0x3FAE] =	sst s10  }
0x35: {  	s10 =	sld [smem:$0x3FAD];
	_ =	sdelay $0x3  }
0x36: {  	p1 =	seq.s32 s10, $0x1;
	s10 =	sld [smem:$0x3FAE];
	_ =	sdelay $0x3  }
0x37: {  	[smem:$0x3FAE] =	sst s10  }
0x38: {  	s10 =	sld [smem:$0x3FAF]  }
0x39: {  	_ = 	snop;
	(pc) =	sbr.ind lr, $3  }
0x3a: {  	_ = 	snop  }
0x3b: {  	_ = 	snop  }
0x3c: {  	p2 =	seq.s32 s10, $0x1;
	s10 =	sld [smem:$0x3FAE]  }
0x3d: {  	_ =	shalt  }
0x3e: {  	_ =	shalt  }
0x3f: {  	_ =	shalt  }
0x40: {  	_ =	shalt  }
0x41: {  	_ =	shalt  }
0x42: {  	_ =	shalt  }
0x43: {  	_ =	shalt  }
0x44: {  	_ =	shalt  }
0x45: {  	_ =	shalt  }
0x46: {  	_ =	shalt  }
0x47: {  	_ =	shalt  }
0x48: {  	_ =	shalt  }
0x49: {  	_ =	shalt  }
0x4a: {  	_ =	shalt  }
0x4b: {  	_ =	shalt  }
0x4c: {  	_ =	shalt  }
0x4d: {  	_ =	shalt  }
0x4e: {  	_ =	shalt  }
0x4f: {  	_ =	shalt  }
0x50: {  	_ =	shalt  }
0x51: {  	_ =	shalt  }
0x52: {  	_ =	shalt  }
0x53: {  	_ =	shalt  }
0x54: {  	_ =	shalt  }
0x55: {  	_ =	shalt  }
0x56: {  	_ =	shalt  }
0x57: {  	_ =	shalt  }
0x58: {  	_ =	shalt  }
0x59: {  	_ =	shalt  }
0x5a: {  	_ =	shalt  }
0x5b: {  	_ =	shalt  }
0x5c: {  	_ =	shalt  }
0x5d: {  	_ =	shalt  }
0x5e: {  	_ =	shalt  }
0x5f: {  	_ =	shalt  }
0x60: {  	_ =	shalt  }
0x61: {  	_ =	shalt  }
0x62: {  	_ =	shalt  }
0x63: {  	_ =	shalt  }
0x64: {  	_ =	shalt  }
0x65: {  	_ =	shalt  }
0x66: {  	_ =	shalt  }
0x67: {  	_ =	shalt  }
0x68: {  	_ =	shalt  }
0x69: {  	_ =	shalt  }
0x6a: {  	_ =	shalt  }
0x6b: {  	_ =	shalt  }
0x6c: {  	_ =	shalt  }
0x6d: {  	_ =	shalt  }
0x6e: {  	_ =	shalt  }
0x6f: {  	_ =	shalt  }
0x70: {  	_ =	shalt  }
0x71: {  	_ =	shalt  }
0x72: {  	_ =	shalt  }
0x73: {  	_ =	shalt  }
0x74: {  	_ =	shalt  }
0x75: {  	_ =	shalt  }
0x76: {  	_ =	shalt  }
0x77: {  	_ =	shalt  }
0x78: {  	_ =	shalt  }
0x79: {  	_ =	shalt  }
0x7a: {  	_ =	shalt  }
0x7b: {  	_ =	shalt  }
0x7c: {  	_ =	shalt  }
0x7d: {  	_ =	shalt  }
0x7e: {  	_ =	shalt  }
0x7f: {  	_ =	shalt  }
0x80: {  	_ =	shalt  }
0x81: {  	_ =	shalt  }
0x82: {  	_ =	shalt  }
0x83: {  	_ =	shalt  }
0x84: {  	_ =	shalt  }
0x85: {  	_ =	shalt  }
0x86: {  	_ =	shalt  }
0x87: {  	_ =	shalt  }
.Lfunc_end0:
.L_simem_size_0:
called_computation.6_lowered:
.L_overlay_start_0:
0x88: {  	s2 =	sld [smem:$0x3FD9]  }
0x89: {  	s3 =	sld [smem:$0x3FFE];
	_ =	sdelay $0x1  }
0x8a: {  	s1 =	srdreg.scid  }
0x8b: {  	s0 =	sand.u32 $0x1, s1  }
0x8c: {  	s16 =	sshll.u32 s0, $0xA;
	s2 =	sadd.s32 s3, s2  }
0x8d: {  	s2 =	sadd.s32 s2, s16  }
0x8e: {  	[smem:$0x3FBA] =	sst s2  }
0x8f: {  	_ = 	snop  }
0x90: {  	(tm) =	ssettm $0x1  }
0x91: {  	s17 =	sld [smem:$0x3FFB];
	_ =	sdelay $0x3  }
0x92: {  	_ =	strace s17  }
0x93: {  	s2 =	sld [smem:$0x3FFC];
	_ =	sdelay $0x3  }
0x94: {  	_ =	strace s2  }
0x95: {  	s2 =	sld [smem:$0x3FFD];
	_ =	sdelay $0x3  }
0x96: {  	_ =	strace s2  }
0x97: {  	_ =	strace $0x8FFFFFFF  }
0x98: {  	s18 =	sld [smem:$0x3FDB];
	_ =	sdelay $0x1  }
0x99: {  	s19 =	simm.s32 $_scs_section_size  }
0x9a: {  	s4 =	simm.s32 $_size__tile_overlayer_lowered;
	s5 =	simm.s32 $_tile_overlayer_lowered  }
0x9b: {  	s22 =	simm.s32 $0x1BFF;
	s21 =	sshll.u32 s5, $0x1;
	s2 =	sadd.s32 s19, s18  }
0x9c: {  	s6 =	simm.s32 $0x0;
	s20 =	sshll.u32 s4, $0x1;
	s4 =	sadd.s32 s21, s2  }
0x9d: {  	[timem:s6], [sflag:s22] =	dma.local [hbm:s4], s20  }
0x9e: {  	_ =	swait.ge [sflag:s22], s20  }
0x9f: {  	s3 =	ssub.s32 $0x0, s20;
	[sflag:s22] =	ssyncset.done $0x0  }
0xa0: {  	[sflag:s22] =	ssyncadd.s32 s3;
	_ =	sdelay $0x1  }
0xa1: {  	s23 =	simm.s32 $0x1B8B  }
0xa2: {  	_ =	swait.ge [sflag:s23], $0x1  }
0xa3: {  	[sflag:s23] =	ssyncset.done $0x0  }
0xa4: {  	s25 =	simm.s32 $0x1B8E;
	s24 =	sld [smem:$0x3FFE];
	[sflag:s23] =	ssyncadd.s32 $0xFFFFFFFF  }
0xa5: {  	s26 =	simm.s32 $execute0_lowered;
	[smem:$0x3FD2] =	sst s25  }
0xa6: {  	s4 =	sshll.u32 s26, $0x1;
	_ =	strace $0x80000058;
	[dreg:$0x1] =	wrdreg $0xFFFFFFFF  }
0xa7: {  	s28 =	simm.s32 $_size_execute0_lowered;
	s2 =	sadd.s32 s2, s4;
	[dreg:$0x0] =	wrdreg $0x0  }
0xa8: {  	s4 =	sshll.u32 s28, $0x1;
	[dreg:$0x2] =	wrdreg s2  }
0xa9: {  	[dreg:$0x3] =	wrdreg s4  }
0xaa: {  	[dreg:$0x4] =	wrdreg $0xC0  }
0xab: {  	_ =	task [dreg:s6], $0x5FFFF  }
0xac: {  	[dreg:$0x1] =	wrdreg $0xFFFFFFFF  }
0xad: {  	[dreg:$0x0] =	wrdreg $0x60  }
0xae: {  	[dreg:$0x2] =	wrdreg s24  }
0xaf: {  	[dreg:$0x3] =	wrdreg $0x9  }
0xb0: {  	_ =	task.clear_ibuf [dreg:s6], $0x4FFFF;
	_ =	strace $0x90000058  }
0xb1: {  	s29 =	simm.s32 $0x9;
	_ =	strace $0x8000005A  }
0xb2: {  	_ =	swait.ge [sflag:s29], $0x1  }
0xb3: {  	[sflag:s29] =	ssyncadd.s32 $0xFFFFFFFF  }
0xb4: {  	_ =	strace $0x9000005A  }
0xb5: {  	_ =	sfence  }
0xb6: {  	s30 =	sld [smem:$0x0];
	_ =	sdelay $0x2  }
0xb7: {  	s31 =	sshll.u32 s1, $0xD;
	s1 =	sshrl.u32 s1, $0x2  }
0xb8: {  	s3 =	sand.u32 $0x4000, s31;
	s1 =	sadd.s32 s1, s30  }
0xb9: {  	s0 =	sor.u32 s3, s0;
	s1 =	sshll.u32 s1, $0x11  }
0xba: {  	s0 =	sor.u32 s1, s0  }
0xbb: {  	s0 =	sadd.s32 $0x8F2B, s0  }
0xbc: {  	[sflag:s0] =	ssyncadd.remote.s32 $0x1  }
0xbd: {  	_ =	sfence.sel $0xFFFF  }
0xbe: {  	[dreg:$0x0] =	wrdreg $0xFFFFFFFF;
	(pc) =	sbr.abs _section_cstart, $3  }
0xbf: {  	[dreg:$0x1] =	wrdreg $0xFFFFFFFF  }
0xc0: {  	_ =	task.clear_ibuf [dreg:s6], $0x2FFFF;
	_ =	strace $0x9FFFFFFF  }
0xc1: {  	(tm) =	ssettm $0x7FFFFFFF  }
tec
execute0_lowered:
.L_overlay_start_1:
0x0: {  	(tag) =	ssettag $0x1  }
0x1: {  	s4 =	rddreg [dreg:$0x0]  }
0x2: {  	s0 =	rddreg [dreg:$0x1];
	s1 =	stileid.u32  }
0x3: {  	s3 =	srdreg.scid;
	s5 =	smul.u32 $0x28000, s1  }
0x4: {  	s2 =	simm.s32 $0x0;
	s6 =	sand.u32 $0x1, s3;
	s10 =	smul.u32 $0x500, s1  }
0x5: {  	[smem:$0x7FF] =	sst s2;
	s3 =	sadd.s32 $0x538C00, s4;
	s8 =	smul.u32 $0x14000, s6  }
0x6: {  	_ =	strace $0x80000059;
	s7 =	ssub.s32 $0x2, s6;
	s30 =	smul.u32 $0x280, s6  }
0x7: {  	s9 =	sshrl.u32 s7, $0x1;
	s11 =	sadd.s32 s5, s4;
	s4 =	sadd.s32 $0xA200, s4  }
0x8: {  	s29 =	ssub.s32 s7, s9;
	s31 =	sadd.s32 s8, s11;
	s7 =	sadd.s32 s30, s10  }
0x9: {  	s8 =	simm.s32 $0x2;
	s9 =	simm.s32 $0x80;
	s10 =	simm.s32 $0x1  }
0xa: {  	s11 =	simm.s32 $0x0;
	s5 =	smax.u32 s29, $0x1;
	s6 =	sadd.s32 $0xF200, s31  }
.LBB2_1:
0xb: {  	s12 =	sadd.s32 $0x0, s7;
	s13 =	sand.u32 $0x70, s2  }
0xc: {  	s12 =	sand.u32 $0xFFFFF80, s12;
	s13 =	sadd.s32 s4, s13  }
0xd: {  	s12 =	sadd.s32 s12, s13  }
0xe: {  	[tilespmem:s2], [sflag:$0x2] =	stream.linear.gather [hbm4b:s12+s2], $0x80, $0x38;
	[tilespmem:$0x4080] =	vst v63  }
0xf: {  	_ =	swait.ge [sflag:s8], $0x80  }
0x10: {  	[sflag:s8] =	ssyncset.done $0x0  }
0x11: {  	[sflag:s8] =	ssyncadd.s32 $0xFFFFFF80  }
0x12: {  	[tilespmem:s9], [sflag:$0x1] =	stream.indirect.gather [hbm4b:s3+s9], $0x80, s2, s9, $0xb8;
	[tilespmem:$0x4080] =	vst v63  }
0x13: {  	_ =	swait.ge [sflag:s10], $0x4000  }
0x14: {  	s14 =	simm.s32 $0x10;
	[sflag:s10] =	ssyncset.done $0x0  }
0x15: {  	s15 =	sadd.s32 $0x10, s7;
	s16 =	sand.u32 $0x70, s14;
	[sflag:s10] =	ssyncadd.s32 $0xFFFFC000  }
0x16: {  	[hbm4b:s6+s2] =	stream.linear.scatter [tilespmem:s9], [sflag:$0x2], $0x4000, $0x38;
	[tilespmem:$0x4080] =	vst v63  }
0x17: {  	s14 =	sand.u32 $0xFFFFF80, s15;
	s13 =	simm.s32 $0x20;
	_ =	swait.ge [sflag:s8], $0x4000  }
0x18: {  	s15 =	sadd.s32 s4, s16;
	s12 =	sadd.s32 $0x800, s6;
	[sflag:s8] =	ssyncset.done $0x0  }
.LBB2_2:
0x19: {  	s14 =	sadd.s32 s14, s15;
	[sflag:s8] =	ssyncadd.s32 $0xFFFFC000  }
0x1a: {  	s15 =	smov.u32 s13;
	s16 =	sadd.s32 $0x10, s13;
	s17 =	smov.u32 s12  }
0x1b: {  	[tilespmem:s2], [sflag:$0x2] =	stream.linear.gather [hbm4b:s14+s2], $0x80, $0x38;
	[tilespmem:$0x4080] =	vst v63  }
0x1c: {  	p0 =	sne.s32 s13, $0x270;
	_ =	swait.ge [sflag:s8], $0x80  }
0x1d: {  	[sflag:s8] =	ssyncset.done $0x0  }
0x1e: {  	[sflag:s8] =	ssyncadd.s32 $0xFFFFFF80  }
0x1f: {  	[tilespmem:s9], [sflag:$0x1] =	stream.indirect.gather [hbm4b:s3+s9], $0x80, s2, s9, $0xb8;
	[tilespmem:$0x4080] =	vst v63  }
0x20: {  	_ =	swait.ge [sflag:s10], $0x4000  }
.Ltmp0:
0x21: {  	[sflag:s10] =	ssyncset.done $0x0;
	(pc) =	sbr.rel @p0 .LBB2_2-.Ltmp0, $4  }
0x22: {  	s12 =	sadd.s32 $0x800, s12;
	s13 =	sadd.s32 s15, s7;
	[sflag:s10] =	ssyncadd.s32 $0xFFFFC000  }
0x23: {  	[hbm4b:s17+s2] =	stream.linear.scatter [tilespmem:s9], [sflag:$0x2], $0x4000, $0x38;
	[tilespmem:$0x4080] =	vst v63  }
0x24: {  	s15 =	sand.u32 $0x70, s15;
	s14 =	sand.u32 $0xFFFFF80, s13;
	_ =	swait.ge [sflag:s8], $0x4000  }
0x25: {  	s15 =	sadd.s32 s4, s15;
	s13 =	smov.u32 s16;
	[sflag:s8] =	ssyncset.done $0x0  }
0x26: {  	s13 =	sadd.s32 s14, s15;
	[sflag:s8] =	ssyncadd.s32 $0xFFFFC000  }
0x27: {  	[tilespmem:s2], [sflag:$0x2] =	stream.linear.gather [hbm4b:s13+s2], $0x80, $0x38;
	[tilespmem:$0x4080] =	vst v63  }
0x28: {  	_ =	swait.ge [sflag:s8], $0x80  }
0x29: {  	[sflag:s8] =	ssyncset.done $0x0  }
0x2a: {  	[sflag:s8] =	ssyncadd.s32 $0xFFFFFF80  }
0x2b: {  	[tilespmem:s9], [sflag:$0x1] =	stream.indirect.gather [hbm4b:s3+s9], $0x80, s2, s9, $0xb8;
	[tilespmem:$0x4080] =	vst v63  }
0x2c: {  	s11 =	sadd.s32 $0x1, s11;
	_ =	swait.ge [sflag:s10], $0x4000  }
0x2d: {  	p0 =	sne.s32 s11, s5;
	[sflag:s10] =	ssyncset.done $0x0  }
.Ltmp1:
0x2e: {  	[sflag:s10] =	ssyncadd.s32 $0xFFFFC000;
	(pc) =	sbr.rel @p0 .LBB2_1-.Ltmp1, $4  }
0x2f: {  	[hbm4b:s12+s2] =	stream.linear.scatter [tilespmem:s9], [sflag:$0x2], $0x4000, $0x38;
	[tilespmem:$0x4080] =	vst v63  }
0x30: {  	_ =	swait.ge [sflag:s8], $0x4000  }
0x31: {  	[sflag:s8] =	ssyncset.done $0x0  }
0x32: {  	[sflag:s8] =	ssyncadd.s32 $0xFFFFC000  }
0x33: {  	_ =	sfence.sel $0x180000  }
0x34: {  	[bflag:$0x0] =	sbarrier.arrive $0xFFFF  }
0x35: {  	p0 =	sne.s32 s1, $0x0;
	_ =	strace $0x90000059  }
0x36: {  	s0 =	sadd.s32 @!p0 $0x100000, s0;
	[bflag:$0x2] =	sbarrier.arrive $0xFFFF  }
0x37: {  	[sflag:s0] =	ssyncadd.tile.s32 @!p0 $0x1;
	_ =	shalt  }
.Lfunc_end2:
_tile_overlayer_lowered:
.L_overlay_start_2:
0x38: {  	(tag) =	ssettag $0x2  }
0x39: {  	s0 =	rddreg [dreg:$0x0];
	s2 =	stileid.u32  }
0x3a: {  	s1 =	rddreg [dreg:$0x1];
	p0 =	sne.s32 s2, $0x0  }
0x3b: {  	s3 =	rddreg [dreg:$0x2];
	[bflag:$0x3] =	sbarrier.arrive $0xFFFF;
	s2 =	simm.s32 @!p0 $0x1C02  }
0x3c: {  	[timem:s3], [sflag:s2] =	dma.local @!p0 [hbm:s0], s1  }
0x3d: {  	s0 =	simm.s32 @!p0 $0x2  }
0x3e: {  	_ =	swait.ge @!p0 [sflag:s0], s1  }
0x3f: {  	s1 =	ssub.s32 @!p0 $0x0, s1;
	[sflag:s0] =	ssyncset.done @!p0 $0x0  }
0x40: {  	[sflag:s0] =	ssyncadd.s32 @!p0 s1  }
0x41: {  	[bflag:$0x3] =	sbarrier.arrive $0xFFFF  }
0x42: {  	_ =	shalt  }

// kernel: kernel.49.cloned.1.call-start
scs
__scs_entry_jumppad:
0x0: {  	(pc) =	sbr.rel $0x88, $3  }
0x1: {  	(tag) =	ssettag $0x0;
	lr =	simm.s32 $0x1  }
0x2: {  	[smem:$0x3F93] =	sst lr;
	_ =	strace $0xD0000000  }
0x3: {  	_ = 	snop  }
0x4: {  	_ = 	snop  }
0x5: {  	_ = 	snop  }
0x6: {  	_ = 	snop  }
0x7: {  	_ = 	snop  }
__scs_overlays_trampoline_lowered:
0x8: {  	[smem:$0x3FA2] =	sst s0  }
0x9: {  	[smem:$0x3FA3] =	sst s1  }
0xa: {  	[smem:$0x3FA4] =	sst s2  }
0xb: {  	[smem:$0x3FA5] =	sst s3  }
0xc: {  	[smem:$0x3FA6] =	sst s4  }
0xd: {  	[smem:$0x3FA7] =	sst s5  }
0xe: {  	[smem:$0x3FA8] =	sst s6  }
0xf: {  	[smem:$0x3FA9] =	sst s7  }
0x10: {  	[smem:$0x3FAA] =	sst s8  }
0x11: {  	[smem:$0x3FAB] =	sst s9;
	s0 =	simm.s32 @!p0 $0x0  }
0x12: {  	s1 =	sld [smem:$0x3F91];
	s0 =	simm.s32 @p0 $0x1  }
0x13: {  	[smem:$0x3FAC] =	sst s0;
	s0 =	simm.s32 @!p1 $0x0  }
0x14: {  	s2 =	sld [smem:$0x3F90];
	s0 =	simm.s32 @p1 $0x1  }
0x15: {  	[smem:$0x3FAD] =	sst s0;
	s0 =	simm.s32 @!p2 $0x0  }
0x16: {  	s3 =	sld [smem:$0x3FDB];
	s0 =	simm.s32 @p2 $0x1  }
0x17: {  	s4 =	simm.s32 $0x1BF5;
	[smem:$0x3FAF] =	sst s0  }
0x18: {  	s0 =	sld [smem:$0x3F92];
	_ =	swait.ge [sflag:s4], $0x0  }
0x19: {  	s7 =	sld [smem:$0x3F93]  }
0x1a: {  	s8 =	sadd.s32 $0xFFFFE003, lr  }
0x1b: {  	s9 =	sadd.s32 $0xFFFFFEF7, lr;
	s5 =	simm.s32 $0xFFFFFFFF;
	p2 =	slt.u32 s8, $0xFFFFF086  }
0x1c: {  	p1 =	slt.u32 s9, $0xF7A;
	s5 =	simm.s32 @!p2 $0x0  }
0x1d: {  	s5 =	simm.s32 @p1 $0x1;
	p0 =	seq.s32 s7, s2  }
0x1e: {  	s7 =	smul.u32 @!p0 $0xF7A, s2;
	p2 =	seq.s32 @!p0 s5, $0x0  }
0x1f: {  	s9 =	smul.u32 $0xF7A, s1;
	s8 =	simm.s32 @!p0 $0x1BF5;
	p2 =	por !p2, p0  }
0x20: {  	[sflag:s8] =	ssyncset.s32 @!p0 $0xFFFFF086;
	s6 =	sadd.s32 @!p0 s3, s7;
	s7 =	simm.s32 @!p0 $0x108  }
0x21: {  	s3 =	sadd.s32 s3, s9;
	s6 =	sadd.s32 @!p0 $0x88, s6;
	s7 =	simm.s32 @p2 $0x1082  }
0x22: {  	[simem:s7], [sflag:s8] =	dma.local @!p0 [hbm:s6], $0xF7A  }
0x23: {  	s9 =	sor.u32 $0xD0000000, s2;
	s6 =	simm.s32 $0x108;
	_ =	swait.ge @!p0 [sflag:s8], $0x0  }
0x24: {  	s3 =	sadd.s32 $0x88, s3;
	s6 =	simm.s32 @!p1 $0x1082;
	[sflag:s4] =	ssyncset.s32 $0xFFFFF086  }
0x25: {  	[simem:s6], [sflag:s4] =	dma.local [hbm:s3], $0xF7A  }
0x26: {  	[smem:$0x3F93] =	sst s1;
	(tag) =	ssettag s2;
	_ =	strace s9  }
0x27: {  	s1 =	sld [smem:$0x3FA3]  }
0x28: {  	s2 =	sld [smem:$0x3FA4]  }
0x29: {  	s4 =	sld [smem:$0x3FA6]  }
0x2a: {  	p0 =	seq.s32 s5, $0x0;
	s5 =	sld [smem:$0x3FA7]  }
0x2b: {  	s6 =	sld [smem:$0x3FA8]  }
0x2c: {  	s7 =	sld [smem:$0x3FA9]  }
0x2d: {  	s3 =	simm.s32 $0x108;
	s8 =	sld [smem:$0x3FAA]  }
0x2e: {  	s3 =	simm.s32 @!p0 $0x1082;
	s9 =	sld [smem:$0x3FAB]  }
0x2f: {  	lr =	sadd.s32 s0, s3;
	s0 =	sld [smem:$0x3FA2]  }
0x30: {  	s3 =	sld [smem:$0x3FA5]  }
0x31: {  	[smem:$0x3FAE] =	sst s10  }
0x32: {  	s10 =	sld [smem:$0x3FAC];
	_ =	sdelay $0x3  }
0x33: {  	p0 =	seq.s32 s10, $0x1;
	s10 =	sld [smem:$0x3FAE];
	_ =	sdelay $0x3  }
0x34: {  	[smem:$0x3FAE] =	sst s10  }
0x35: {  	s10 =	sld [smem:$0x3FAD];
	_ =	sdelay $0x3  }
0x36: {  	p1 =	seq.s32 s10, $0x1;
	s10 =	sld [smem:$0x3FAE];
	_ =	sdelay $0x3  }
0x37: {  	[smem:$0x3FAE] =	sst s10  }
0x38: {  	s10 =	sld [smem:$0x3FAF]  }
0x39: {  	_ = 	snop;
	(pc) =	sbr.ind lr, $3  }
0x3a: {  	_ = 	snop  }
0x3b: {  	_ = 	snop  }
0x3c: {  	p2 =	seq.s32 s10, $0x1;
	s10 =	sld [smem:$0x3FAE]  }
0x3d: {  	_ =	shalt  }
0x3e: {  	_ =	shalt  }
0x3f: {  	_ =	shalt  }
0x40: {  	_ =	shalt  }
0x41: {  	_ =	shalt  }
0x42: {  	_ =	shalt  }
0x43: {  	_ =	shalt  }
0x44: {  	_ =	shalt  }
0x45: {  	_ =	shalt  }
0x46: {  	_ =	shalt  }
0x47: {  	_ =	shalt  }
0x48: {  	_ =	shalt  }
0x49: {  	_ =	shalt  }
0x4a: {  	_ =	shalt  }
0x4b: {  	_ =	shalt  }
0x4c: {  	_ =	shalt  }
0x4d: {  	_ =	shalt  }
0x4e: {  	_ =	shalt  }
0x4f: {  	_ =	shalt  }
0x50: {  	_ =	shalt  }
0x51: {  	_ =	shalt  }
0x52: {  	_ =	shalt  }
0x53: {  	_ =	shalt  }
0x54: {  	_ =	shalt  }
0x55: {  	_ =	shalt  }
0x56: {  	_ =	shalt  }
0x57: {  	_ =	shalt  }
0x58: {  	_ =	shalt  }
0x59: {  	_ =	shalt  }
0x5a: {  	_ =	shalt  }
0x5b: {  	_ =	shalt  }
0x5c: {  	_ =	shalt  }
0x5d: {  	_ =	shalt  }
0x5e: {  	_ =	shalt  }
0x5f: {  	_ =	shalt  }
0x60: {  	_ =	shalt  }
0x61: {  	_ =	shalt  }
0x62: {  	_ =	shalt  }
0x63: {  	_ =	shalt  }
0x64: {  	_ =	shalt  }
0x65: {  	_ =	shalt  }
0x66: {  	_ =	shalt  }
0x67: {  	_ =	shalt  }
0x68: {  	_ =	shalt  }
0x69: {  	_ =	shalt  }
0x6a: {  	_ =	shalt  }
0x6b: {  	_ =	shalt  }
0x6c: {  	_ =	shalt  }
0x6d: {  	_ =	shalt  }
0x6e: {  	_ =	shalt  }
0x6f: {  	_ =	shalt  }
0x70: {  	_ =	shalt  }
0x71: {  	_ =	shalt  }
0x72: {  	_ =	shalt  }
0x73: {  	_ =	shalt  }
0x74: {  	_ =	shalt  }
0x75: {  	_ =	shalt  }
0x76: {  	_ =	shalt  }
0x77: {  	_ =	shalt  }
0x78: {  	_ =	shalt  }
0x79: {  	_ =	shalt  }
0x7a: {  	_ =	shalt  }
0x7b: {  	_ =	shalt  }
0x7c: {  	_ =	shalt  }
0x7d: {  	_ =	shalt  }
0x7e: {  	_ =	shalt  }
0x7f: {  	_ =	shalt  }
0x80: {  	_ =	shalt  }
0x81: {  	_ =	shalt  }
0x82: {  	_ =	shalt  }
0x83: {  	_ =	shalt  }
0x84: {  	_ =	shalt  }
0x85: {  	_ =	shalt  }
0x86: {  	_ =	shalt  }
0x87: {  	_ =	shalt  }
.Lfunc_end0:
.L_simem_size_0:
called_computation.7_lowered:
.L_overlay_start_0:
0x88: {  	s2 =	sld [smem:$0x3FD9]  }
0x89: {  	s3 =	sld [smem:$0x3FFE];
	_ =	sdelay $0x1  }
0x8a: {  	s1 =	srdreg.scid  }
0x8b: {  	s0 =	sand.u32 $0x1, s1  }
0x8c: {  	s17 =	sshll.u32 s0, $0xA;
	s2 =	sadd.s32 s3, s2  }
0x8d: {  	s2 =	sadd.s32 s2, s17  }
0x8e: {  	[smem:$0x3FBA] =	sst s2  }
0x8f: {  	_ = 	snop  }
0x90: {  	s2 =	sld [smem:$0x3FD0];
	(tm) =	ssettm $0x1  }
0x91: {  	s18 =	sld [smem:$0x3FFB];
	_ =	sdelay $0x3  }
0x92: {  	_ =	strace s18  }
0x93: {  	s3 =	sld [smem:$0x3FFC];
	_ =	sdelay $0x3  }
0x94: {  	_ =	strace s3  }
0x95: {  	s3 =	sld [smem:$0x3FFD];
	_ =	sdelay $0x3  }
0x96: {  	_ =	strace s3  }
0x97: {  	_ =	strace $0x8FFFFFFF  }
0x98: {  	s19 =	sld [smem:$0x3FDB];
	_ =	sdelay $0x1  }
0x99: {  	s4 =	simm.s32 $_scs_section_size  }
0x9a: {  	s5 =	simm.s32 $_size__tile_overlayer_lowered;
	s6 =	simm.s32 $_tile_overlayer_lowered  }
0x9b: {  	s22 =	simm.s32 $0x1BFF;
	s21 =	sshll.u32 s6, $0x1;
	s3 =	sadd.s32 s4, s19  }
0x9c: {  	s7 =	simm.s32 $0x0;
	s20 =	sshll.u32 s5, $0x1;
	s5 =	sadd.s32 s21, s3  }
0x9d: {  	[timem:s7], [sflag:s22] =	dma.local [hbm:s5], s20  }
0x9e: {  	_ =	swait.ge [sflag:s22], s20  }
0x9f: {  	s4 =	ssub.s32 $0x0, s20;
	[sflag:s22] =	ssyncset.done $0x0  }
0xa0: {  	[sflag:s22] =	ssyncadd.s32 s4;
	_ =	sdelay $0x1  }
0xa1: {  	s23 =	simm.s32 $0x1B8B  }
0xa2: {  	_ =	swait.ge [sflag:s23], $0x1  }
0xa3: {  	[sflag:s23] =	ssyncset.done $0x0  }
0xa4: {  	s25 =	simm.s32 $0x1B8E;
	s24 =	sld [smem:$0x3FFE];
	[sflag:s23] =	ssyncadd.s32 $0xFFFFFFFF  }
0xa5: {  	s26 =	simm.s32 $execute0_lowered;
	[smem:$0x3FD2] =	sst s25  }
0xa6: {  	s5 =	sshll.u32 s26, $0x1;
	_ =	strace $0x8000005B;
	[dreg:$0x1] =	wrdreg $0xFFFFFFFF  }
0xa7: {  	s28 =	simm.s32 $_size_execute0_lowered;
	s3 =	sadd.s32 s3, s5;
	[dreg:$0x0] =	wrdreg $0x0  }
0xa8: {  	s5 =	sshll.u32 s28, $0x1;
	[dreg:$0x2] =	wrdreg s3  }
0xa9: {  	[dreg:$0x3] =	wrdreg s5  }
0xaa: {  	[dreg:$0x4] =	wrdreg $0xC0  }
0xab: {  	_ =	task [dreg:s7], $0x5FFFF  }
0xac: {  	[dreg:$0x1] =	wrdreg $0xFFFFFFFF  }
0xad: {  	[dreg:$0x0] =	wrdreg $0x60  }
0xae: {  	[dreg:$0x2] =	wrdreg s24  }
0xaf: {  	[dreg:$0x3] =	wrdreg s2  }
0xb0: {  	[dreg:$0x4] =	wrdreg $0x40800  }
0xb1: {  	[dreg:$0x5] =	wrdreg $0x9  }
0xb2: {  	_ =	task.clear_ibuf [dreg:s7], $0x6FFFF;
	_ =	strace $0x9000005B  }
0xb3: {  	s29 =	simm.s32 $0x9;
	_ =	strace $0x8000005D  }
0xb4: {  	_ =	swait.ge [sflag:s29], $0x1  }
0xb5: {  	[sflag:s29] =	ssyncadd.s32 $0xFFFFFFFF  }
0xb6: {  	_ =	strace $0x9000005D  }
0xb7: {  	_ =	sfence  }
0xb8: {  	s30 =	sld [smem:$0x0];
	_ =	sdelay $0x2  }
0xb9: {  	s31 =	sshll.u32 s1, $0xD;
	s1 =	sshrl.u32 s1, $0x2  }
0xba: {  	s3 =	sand.u32 $0x4000, s31;
	s1 =	sadd.s32 s1, s30  }
0xbb: {  	s0 =	sor.u32 s3, s0;
	s1 =	sshll.u32 s1, $0x11  }
0xbc: {  	s0 =	sor.u32 s1, s0  }
0xbd: {  	s0 =	sadd.s32 $0x8F2B, s0  }
0xbe: {  	[sflag:s0] =	ssyncadd.remote.s32 $0x1  }
0xbf: {  	_ =	sfence.sel $0xFFFF  }
0xc0: {  	[dreg:$0x0] =	wrdreg $0xFFFFFFFF;
	(pc) =	sbr.abs _section_cstart, $3  }
0xc1: {  	[dreg:$0x1] =	wrdreg $0xFFFFFFFF  }
0xc2: {  	_ =	task.clear_ibuf [dreg:s7], $0x2FFFF;
	_ =	strace $0x9FFFFFFF  }
0xc3: {  	(tm) =	ssettm $0x7FFFFFFF  }
tec
execute0_lowered:
.L_overlay_start_1:
0x0: {  	(tag) =	ssettag $0x1  }
0x1: {  	s6 =	rddreg [dreg:$0x0];
	s0 =	stileid.u32  }
0x2: {  	s2 =	rddreg [dreg:$0x1];
	s5 =	smul.u32 $0x28000, s0  }
0x3: {  	s1 =	srdreg.scid;
	s9 =	smul.u32 $0x13C00, s0  }
0x4: {  	s3 =	rddreg [dreg:$0x2];
	s4 =	simm.s32 $0x0;
	s12 =	smul.u32 $0x4F000, s0  }
0x5: {  	s7 =	sand.u32 $0x1, s1;
	s1 =	rddreg [dreg:$0x3];
	s13 =	smul.u32 $0x500, s0  }
0x6: {  	[smem:$0x7FF] =	sst s4;
	s8 =	smul.u32 $0x13C000, s7  }
0x7: {  	s29 =	sshll.u32 s0, $0x6;
	_ =	strace $0x8000005C;
	s26 =	smul.u32 $0x14000, s7  }
0x8: {  	s25 =	ssub.s32 $0x2, s7;
	s30 =	smul.u32 $0x280, s7;
	s10 =	sadd.s32 s5, s6  }
0x9: {  	s5 =	sadd.s32 $0x536400, s6;
	s11 =	sshrl.u32 s25, $0x1;
	s28 =	sshrl.u32 s12, $0x2  }
0xa: {  	s12 =	simm.s32 $0x1;
	s8 =	sadd.s32 s9, s8;
	s9 =	ssub.s32 s25, s11  }
0xb: {  	s14 =	sadd.s32 s28, s3;
	s31 =	sadd.s32 s26, s10;
	s10 =	sadd.s32 s30, s13  }
0xc: {  	s13 =	simm.s32 $0x80;
	s8 =	sshrl.u32 s8, $0x3;
	s11 =	sshrl.u32 s14, $0x3  }
0xd: {  	s14 =	simm.s32 $0x0;
	s8 =	sadd.s32 s8, s6;
	s6 =	sor.u32 $0x1C01, s29  }
0xe: {  	s7 =	sadd.s32 $0x55FE00, s8;
	s8 =	smax.u32 s9, $0x1;
	s9 =	sadd.s32 $0x28F200, s31  }
.LBB2_1:
0xf: {  	[spmem:s11], [sflag:s6] =	dma.local [hbm:s5], $0x2780  }
0x10: {  	_ =	swait.ge [sflag:s12], $0x2780  }
0x11: {  	s15 =	sadd.s32 $0x0, s10;
	s16 =	sand.u32 $0x70, s4;
	[sflag:s12] =	ssyncset.done $0x0  }
0x12: {  	s15 =	sand.u32 $0xFFFFF80, s15;
	s16 =	sadd.s32 s2, s16;
	[sflag:s12] =	ssyncadd.s32 $0xFFFFD880  }
0x13: {  	s15 =	sadd.s32 s15, s16;
	[bflag:$0x0] =	sbarrier.arrive $0xFFFF  }
0x14: {  	[tilespmem:s4], [sflag:$0x1] =	stream.linear.gather [hbm4b:s15+s4], $0x80, $0x38;
	[tilespmem:$0x17C80] =	vst v63  }
0x15: {  	_ =	swait.ge [sflag:s12], $0x80  }
0x16: {  	[sflag:s12] =	ssyncset.done $0x0  }
0x17: {  	[sflag:s12] =	ssyncadd.s32 $0xFFFFFF80  }
0x18: {  	[tilespmem:s13], [sflag:$0x1] =	stream.linear.gather [hbm4b:s9+s4], $0x4000, $0x38;
	[tilespmem:$0x17C80] =	vst v63  }
0x19: {  	_ =	swait.ge [sflag:s12], $0x4000  }
0x1a: {  	s17 =	simm.s32 $0x10;
	[sflag:s12] =	ssyncset.done $0x0  }
0x1b: {  	s18 =	sadd.s32 $0x10, s10;
	s19 =	sand.u32 $0x70, s17;
	[sflag:s12] =	ssyncadd.s32 $0xFFFFC000  }
0x1c: {  	[spmem:s3] =	stream.indirect.scatter.add.f32 [tilespmem:s13], [sflag:$0x1], $0x80, s4, s13, $0xb8;
	[tilespmem:$0x17C80] =	vst v63  }
0x1d: {  	s17 =	sand.u32 $0xFFFFF80, s18;
	s16 =	simm.s32 $0x20;
	_ =	swait.ge [sflag:s12], $0x4000  }
0x1e: {  	s18 =	sadd.s32 s2, s19;
	s15 =	sadd.s32 $0x800, s9;
	[sflag:s12] =	ssyncset.done $0x0  }
.LBB2_2:
0x1f: {  	s17 =	sadd.s32 s17, s18  }
0x20: {  	[sflag:s12] =	ssyncadd.s32 $0xFFFFC000;
	s18 =	smov.u32 s16;
	s19 =	sadd.s32 $0x10, s16  }
0x21: {  	[tilespmem:s4], [sflag:$0x1] =	stream.linear.gather [hbm4b:s17+s4], $0x80, $0x38;
	[tilespmem:$0x17C80] =	vst v63  }
0x22: {  	p0 =	sne.s32 s16, $0x270;
	_ =	swait.ge [sflag:s12], $0x80  }
0x23: {  	[sflag:s12] =	ssyncset.done $0x0  }
0x24: {  	[sflag:s12] =	ssyncadd.s32 $0xFFFFFF80  }
0x25: {  	[tilespmem:s13], [sflag:$0x1] =	stream.linear.gather [hbm4b:s15+s4], $0x4000, $0x38;
	[tilespmem:$0x17C80] =	vst v63  }
0x26: {  	_ =	swait.ge [sflag:s12], $0x4000  }
.Ltmp0:
0x27: {  	[sflag:s12] =	ssyncset.done $0x0;
	(pc) =	sbr.rel @p0 .LBB2_2-.Ltmp0, $4  }
0x28: {  	s16 =	sadd.s32 s18, s10;
	s15 =	sadd.s32 $0x800, s15;
	[sflag:s12] =	ssyncadd.s32 $0xFFFFC000  }
0x29: {  	[spmem:s3] =	stream.indirect.scatter.add.f32 [tilespmem:s13], [sflag:$0x1], $0x80, s4, s13, $0xb8;
	[tilespmem:$0x17C80] =	vst v63  }
0x2a: {  	s18 =	sand.u32 $0x70, s18;
	s17 =	sand.u32 $0xFFFFF80, s16;
	_ =	swait.ge [sflag:s12], $0x4000  }
0x2b: {  	s18 =	sadd.s32 s2, s18;
	s16 =	smov.u32 s19;
	[sflag:s12] =	ssyncset.done $0x0  }
0x2c: {  	s16 =	sadd.s32 s17, s18;
	[sflag:s12] =	ssyncadd.s32 $0xFFFFC000  }
0x2d: {  	[tilespmem:s4], [sflag:$0x1] =	stream.linear.gather [hbm4b:s16+s4], $0x80, $0x38;
	[tilespmem:$0x17C80] =	vst v63  }
0x2e: {  	_ =	swait.ge [sflag:s12], $0x80  }
0x2f: {  	[sflag:s12] =	ssyncset.done $0x0  }
0x30: {  	[sflag:s12] =	ssyncadd.s32 $0xFFFFFF80  }
0x31: {  	[tilespmem:s13], [sflag:$0x1] =	stream.linear.gather [hbm4b:s15+s4], $0x4000, $0x38;
	[tilespmem:$0x17C80] =	vst v63  }
0x32: {  	_ =	swait.ge [sflag:s12], $0x4000  }
0x33: {  	[sflag:s12] =	ssyncset.done $0x0  }
0x34: {  	[sflag:s12] =	ssyncadd.s32 $0xFFFFC000  }
0x35: {  	[spmem:s3] =	stream.indirect.scatter.add.f32 [tilespmem:s13], [sflag:$0x1], $0x80, s4, s13, $0xb8;
	[tilespmem:$0x17C80] =	vst v63  }
0x36: {  	_ =	swait.ge [sflag:s12], $0x4000  }
0x37: {  	s14 =	sadd.s32 $0x1, s14;
	[sflag:s12] =	ssyncset.done $0x0  }
0x38: {  	p0 =	sne.s32 s14, s8;
	[sflag:s12] =	ssyncadd.s32 $0xFFFFC000  }
.Ltmp1:
0x39: {  	[bflag:$0x0] =	sbarrier.arrive $0xFFFF;
	(pc) =	sbr.rel @p0 .LBB2_1-.Ltmp1, $4  }
0x3a: {  	[hbm:s7], [sflag:s6] =	dma.local [spmem:s11], $0x2780  }
0x3b: {  	_ =	swait.ge [sflag:s12], $0x2780  }
0x3c: {  	[sflag:s12] =	ssyncset.done $0x0  }
0x3d: {  	[sflag:s12] =	ssyncadd.s32 $0xFFFFD880  }
0x3e: {  	_ =	sfence.sel $0x180000  }
0x3f: {  	[bflag:$0x0] =	sbarrier.arrive $0xFFFF  }
0x40: {  	p0 =	sne.s32 s0, $0x0;
	_ =	strace $0x9000005C  }
0x41: {  	s0 =	sadd.s32 @!p0 $0x100000, s1;
	[bflag:$0x2] =	sbarrier.arrive $0xFFFF  }
0x42: {  	[sflag:s0] =	ssyncadd.tile.s32 @!p0 $0x1;
	_ =	shalt  }
.Lfunc_end2:
_tile_overlayer_lowered:
.L_overlay_start_2:
0x43: {  	(tag) =	ssettag $0x2  }
0x44: {  	s0 =	rddreg [dreg:$0x0];
	s2 =	stileid.u32  }
0x45: {  	s1 =	rddreg [dreg:$0x1];
	p0 =	sne.s32 s2, $0x0  }
0x46: {  	s3 =	rddreg [dreg:$0x2];
	[bflag:$0x3] =	sbarrier.arrive $0xFFFF;
	s2 =	simm.s32 @!p0 $0x1C01  }
0x47: {  	[timem:s3], [sflag:s2] =	dma.local @!p0 [hbm:s0], s1  }
0x48: {  	s0 =	simm.s32 @!p0 $0x1  }
0x49: {  	_ =	swait.ge @!p0 [sflag:s0], s1  }
0x4a: {  	s1 =	ssub.s32 @!p0 $0x0, s1;
	[sflag:s0] =	ssyncset.done @!p0 $0x0  }
0x4b: {  	[sflag:s0] =	ssyncadd.s32 @!p0 s1  }
0x4c: {  	[bflag:$0x3] =	sbarrier.arrive $0xFFFF  }
0x4d: {  	_ =	shalt  }

// kernel: kernel.52.cloned.1.call-start
scs
__scs_entry_jumppad:
0x0: {  	(pc) =	sbr.rel $0x88, $3  }
0x1: {  	(tag) =	ssettag $0x0;
	lr =	simm.s32 $0x1  }
0x2: {  	[smem:$0x3F93] =	sst lr;
	_ =	strace $0xD0000000  }
0x3: {  	_ = 	snop  }
0x4: {  	_ = 	snop  }
0x5: {  	_ = 	snop  }
0x6: {  	_ = 	snop  }
0x7: {  	_ = 	snop  }
__scs_overlays_trampoline_lowered:
0x8: {  	[smem:$0x3FA2] =	sst s0  }
0x9: {  	[smem:$0x3FA3] =	sst s1  }
0xa: {  	[smem:$0x3FA4] =	sst s2  }
0xb: {  	[smem:$0x3FA5] =	sst s3  }
0xc: {  	[smem:$0x3FA6] =	sst s4  }
0xd: {  	[smem:$0x3FA7] =	sst s5  }
0xe: {  	[smem:$0x3FA8] =	sst s6  }
0xf: {  	[smem:$0x3FA9] =	sst s7  }
0x10: {  	[smem:$0x3FAA] =	sst s8  }
0x11: {  	[smem:$0x3FAB] =	sst s9;
	s0 =	simm.s32 @!p0 $0x0  }
0x12: {  	s1 =	sld [smem:$0x3F91];
	s0 =	simm.s32 @p0 $0x1  }
0x13: {  	[smem:$0x3FAC] =	sst s0;
	s0 =	simm.s32 @!p1 $0x0  }
0x14: {  	s2 =	sld [smem:$0x3F90];
	s0 =	simm.s32 @p1 $0x1  }
0x15: {  	[smem:$0x3FAD] =	sst s0;
	s0 =	simm.s32 @!p2 $0x0  }
0x16: {  	s3 =	sld [smem:$0x3FDB];
	s0 =	simm.s32 @p2 $0x1  }
0x17: {  	s4 =	simm.s32 $0x1BF5;
	[smem:$0x3FAF] =	sst s0  }
0x18: {  	s0 =	sld [smem:$0x3F92];
	_ =	swait.ge [sflag:s4], $0x0  }
0x19: {  	s7 =	sld [smem:$0x3F93]  }
0x1a: {  	s8 =	sadd.s32 $0xFFFFE003, lr  }
0x1b: {  	s9 =	sadd.s32 $0xFFFFFEF7, lr;
	s5 =	simm.s32 $0xFFFFFFFF;
	p2 =	slt.u32 s8, $0xFFFFF086  }
0x1c: {  	p1 =	slt.u32 s9, $0xF7A;
	s5 =	simm.s32 @!p2 $0x0  }
0x1d: {  	s5 =	simm.s32 @p1 $0x1;
	p0 =	seq.s32 s7, s2  }
0x1e: {  	s7 =	smul.u32 @!p0 $0xF7A, s2;
	p2 =	seq.s32 @!p0 s5, $0x0  }
0x1f: {  	s9 =	smul.u32 $0xF7A, s1;
	s8 =	simm.s32 @!p0 $0x1BF5;
	p2 =	por !p2, p0  }
0x20: {  	[sflag:s8] =	ssyncset.s32 @!p0 $0xFFFFF086;
	s6 =	sadd.s32 @!p0 s3, s7;
	s7 =	simm.s32 @!p0 $0x108  }
0x21: {  	s3 =	sadd.s32 s3, s9;
	s6 =	sadd.s32 @!p0 $0x88, s6;
	s7 =	simm.s32 @p2 $0x1082  }
0x22: {  	[simem:s7], [sflag:s8] =	dma.local @!p0 [hbm:s6], $0xF7A  }
0x23: {  	s9 =	sor.u32 $0xD0000000, s2;
	s6 =	simm.s32 $0x108;
	_ =	swait.ge @!p0 [sflag:s8], $0x0  }
0x24: {  	s3 =	sadd.s32 $0x88, s3;
	s6 =	simm.s32 @!p1 $0x1082;
	[sflag:s4] =	ssyncset.s32 $0xFFFFF086  }
0x25: {  	[simem:s6], [sflag:s4] =	dma.local [hbm:s3], $0xF7A  }
0x26: {  	[smem:$0x3F93] =	sst s1;
	(tag) =	ssettag s2;
	_ =	strace s9  }
0x27: {  	s1 =	sld [smem:$0x3FA3]  }
0x28: {  	s2 =	sld [smem:$0x3FA4]  }
0x29: {  	s4 =	sld [smem:$0x3FA6]  }
0x2a: {  	p0 =	seq.s32 s5, $0x0;
	s5 =	sld [smem:$0x3FA7]  }
0x2b: {  	s6 =	sld [smem:$0x3FA8]  }
0x2c: {  	s7 =	sld [smem:$0x3FA9]  }
0x2d: {  	s3 =	simm.s32 $0x108;
	s8 =	sld [smem:$0x3FAA]  }
0x2e: {  	s3 =	simm.s32 @!p0 $0x1082;
	s9 =	sld [smem:$0x3FAB]  }
0x2f: {  	lr =	sadd.s32 s0, s3;
	s0 =	sld [smem:$0x3FA2]  }
0x30: {  	s3 =	sld [smem:$0x3FA5]  }
0x31: {  	[smem:$0x3FAE] =	sst s10  }
0x32: {  	s10 =	sld [smem:$0x3FAC];
	_ =	sdelay $0x3  }
0x33: {  	p0 =	seq.s32 s10, $0x1;
	s10 =	sld [smem:$0x3FAE];
	_ =	sdelay $0x3  }
0x34: {  	[smem:$0x3FAE] =	sst s10  }
0x35: {  	s10 =	sld [smem:$0x3FAD];
	_ =	sdelay $0x3  }
0x36: {  	p1 =	seq.s32 s10, $0x1;
	s10 =	sld [smem:$0x3FAE];
	_ =	sdelay $0x3  }
0x37: {  	[smem:$0x3FAE] =	sst s10  }
0x38: {  	s10 =	sld [smem:$0x3FAF]  }
0x39: {  	_ = 	snop;
	(pc) =	sbr.ind lr, $3  }
0x3a: {  	_ = 	snop  }
0x3b: {  	_ = 	snop  }
0x3c: {  	p2 =	seq.s32 s10, $0x1;
	s10 =	sld [smem:$0x3FAE]  }
0x3d: {  	_ =	shalt  }
0x3e: {  	_ =	shalt  }
0x3f: {  	_ =	shalt  }
0x40: {  	_ =	shalt  }
0x41: {  	_ =	shalt  }
0x42: {  	_ =	shalt  }
0x43: {  	_ =	shalt  }
0x44: {  	_ =	shalt  }
0x45: {  	_ =	shalt  }
0x46: {  	_ =	shalt  }
0x47: {  	_ =	shalt  }
0x48: {  	_ =	shalt  }
0x49: {  	_ =	shalt  }
0x4a: {  	_ =	shalt  }
0x4b: {  	_ =	shalt  }
0x4c: {  	_ =	shalt  }
0x4d: {  	_ =	shalt  }
0x4e: {  	_ =	shalt  }
0x4f: {  	_ =	shalt  }
0x50: {  	_ =	shalt  }
0x51: {  	_ =	shalt  }
0x52: {  	_ =	shalt  }
0x53: {  	_ =	shalt  }
0x54: {  	_ =	shalt  }
0x55: {  	_ =	shalt  }
0x56: {  	_ =	shalt  }
0x57: {  	_ =	shalt  }
0x58: {  	_ =	shalt  }
0x59: {  	_ =	shalt  }
0x5a: {  	_ =	shalt  }
0x5b: {  	_ =	shalt  }
0x5c: {  	_ =	shalt  }
0x5d: {  	_ =	shalt  }
0x5e: {  	_ =	shalt  }
0x5f: {  	_ =	shalt  }
0x60: {  	_ =	shalt  }
0x61: {  	_ =	shalt  }
0x62: {  	_ =	shalt  }
0x63: {  	_ =	shalt  }
0x64: {  	_ =	shalt  }
0x65: {  	_ =	shalt  }
0x66: {  	_ =	shalt  }
0x67: {  	_ =	shalt  }
0x68: {  	_ =	shalt  }
0x69: {  	_ =	shalt  }
0x6a: {  	_ =	shalt  }
0x6b: {  	_ =	shalt  }
0x6c: {  	_ =	shalt  }
0x6d: {  	_ =	shalt  }
0x6e: {  	_ =	shalt  }
0x6f: {  	_ =	shalt  }
0x70: {  	_ =	shalt  }
0x71: {  	_ =	shalt  }
0x72: {  	_ =	shalt  }
0x73: {  	_ =	shalt  }
0x74: {  	_ =	shalt  }
0x75: {  	_ =	shalt  }
0x76: {  	_ =	shalt  }
0x77: {  	_ =	shalt  }
0x78: {  	_ =	shalt  }
0x79: {  	_ =	shalt  }
0x7a: {  	_ =	shalt  }
0x7b: {  	_ =	shalt  }
0x7c: {  	_ =	shalt  }
0x7d: {  	_ =	shalt  }
0x7e: {  	_ =	shalt  }
0x7f: {  	_ =	shalt  }
0x80: {  	_ =	shalt  }
0x81: {  	_ =	shalt  }
0x82: {  	_ =	shalt  }
0x83: {  	_ =	shalt  }
0x84: {  	_ =	shalt  }
0x85: {  	_ =	shalt  }
0x86: {  	_ =	shalt  }
0x87: {  	_ =	shalt  }
.Lfunc_end0:
.L_simem_size_0:
called_computation.8_lowered:
.L_overlay_start_0:
0x88: {  	s2 =	sld [smem:$0x3FD9]  }
0x89: {  	s3 =	sld [smem:$0x3FFE];
	_ =	sdelay $0x1  }
0x8a: {  	s1 =	srdreg.scid  }
0x8b: {  	s0 =	sand.u32 $0x1, s1  }
0x8c: {  	s16 =	sshll.u32 s0, $0xA;
	s2 =	sadd.s32 s3, s2  }
0x8d: {  	s2 =	sadd.s32 s2, s16  }
0x8e: {  	[smem:$0x3FBA] =	sst s2  }
0x8f: {  	_ = 	snop  }
0x90: {  	(tm) =	ssettm $0x1  }
0x91: {  	s17 =	sld [smem:$0x3FFB];
	_ =	sdelay $0x3  }
0x92: {  	_ =	strace s17  }
0x93: {  	s2 =	sld [smem:$0x3FFC];
	_ =	sdelay $0x3  }
0x94: {  	_ =	strace s2  }
0x95: {  	s2 =	sld [smem:$0x3FFD];
	_ =	sdelay $0x3  }
0x96: {  	_ =	strace s2  }
0x97: {  	_ =	strace $0x8FFFFFFF  }
0x98: {  	s18 =	sld [smem:$0x3FDB];
	_ =	sdelay $0x1  }
0x99: {  	s19 =	simm.s32 $_scs_section_size  }
0x9a: {  	s4 =	simm.s32 $_size__tile_overlayer_lowered;
	s5 =	simm.s32 $_tile_overlayer_lowered  }
0x9b: {  	s22 =	simm.s32 $0x1BFF;
	s21 =	sshll.u32 s5, $0x1;
	s2 =	sadd.s32 s19, s18  }
0x9c: {  	s6 =	simm.s32 $0x0;
	s20 =	sshll.u32 s4, $0x1;
	s4 =	sadd.s32 s21, s2  }
0x9d: {  	[timem:s6], [sflag:s22] =	dma.local [hbm:s4], s20  }
0x9e: {  	_ =	swait.ge [sflag:s22], s20  }
0x9f: {  	s3 =	ssub.s32 $0x0, s20;
	[sflag:s22] =	ssyncset.done $0x0  }
0xa0: {  	[sflag:s22] =	ssyncadd.s32 s3;
	_ =	sdelay $0x1  }
0xa1: {  	s23 =	simm.s32 $0x1B8B  }
0xa2: {  	_ =	swait.ge [sflag:s23], $0x1  }
0xa3: {  	[sflag:s23] =	ssyncset.done $0x0  }
0xa4: {  	s25 =	simm.s32 $0x1B8E;
	s24 =	sld [smem:$0x3FFE];
	[sflag:s23] =	ssyncadd.s32 $0xFFFFFFFF  }
0xa5: {  	s26 =	simm.s32 $execute0_lowered;
	[smem:$0x3FD2] =	sst s25  }
0xa6: {  	s4 =	sshll.u32 s26, $0x1;
	_ =	strace $0x8000005E;
	[dreg:$0x1] =	wrdreg $0xFFFFFFFF  }
0xa7: {  	s28 =	simm.s32 $_size_execute0_lowered;
	s2 =	sadd.s32 s2, s4;
	[dreg:$0x0] =	wrdreg $0x0  }
0xa8: {  	s4 =	sshll.u32 s28, $0x1;
	[dreg:$0x2] =	wrdreg s2  }
0xa9: {  	[dreg:$0x3] =	wrdreg s4  }
0xaa: {  	[dreg:$0x4] =	wrdreg $0xC0  }
0xab: {  	_ =	task [dreg:s6], $0x5FFFF  }
0xac: {  	[dreg:$0x1] =	wrdreg $0xFFFFFFFF  }
0xad: {  	[dreg:$0x0] =	wrdreg $0x60  }
0xae: {  	[dreg:$0x2] =	wrdreg s24  }
0xaf: {  	[dreg:$0x3] =	wrdreg $0x9  }
0xb0: {  	_ =	task.clear_ibuf [dreg:s6], $0x4FFFF;
	_ =	strace $0x9000005E  }
0xb1: {  	s29 =	simm.s32 $0x9;
	_ =	strace $0x80000060  }
0xb2: {  	_ =	swait.ge [sflag:s29], $0x1  }
0xb3: {  	[sflag:s29] =	ssyncadd.s32 $0xFFFFFFFF  }
0xb4: {  	_ =	strace $0x90000060  }
0xb5: {  	_ =	sfence  }
0xb6: {  	s30 =	sld [smem:$0x0];
	_ =	sdelay $0x2  }
0xb7: {  	s31 =	sshll.u32 s1, $0xD;
	s1 =	sshrl.u32 s1, $0x2  }
0xb8: {  	s3 =	sand.u32 $0x4000, s31;
	s1 =	sadd.s32 s1, s30  }
0xb9: {  	s0 =	sor.u32 s3, s0;
	s1 =	sshll.u32 s1, $0x11  }
0xba: {  	s0 =	sor.u32 s1, s0  }
0xbb: {  	s0 =	sadd.s32 $0x8F2B, s0  }
0xbc: {  	[sflag:s0] =	ssyncadd.remote.s32 $0x1  }
0xbd: {  	_ =	sfence.sel $0xFFFF  }
0xbe: {  	[dreg:$0x0] =	wrdreg $0xFFFFFFFF;
	(pc) =	sbr.abs _section_cstart, $3  }
0xbf: {  	[dreg:$0x1] =	wrdreg $0xFFFFFFFF  }
0xc0: {  	_ =	task.clear_ibuf [dreg:s6], $0x2FFFF;
	_ =	strace $0x9FFFFFFF  }
0xc1: {  	(tm) =	ssettm $0x7FFFFFFF  }
tec
execute0_lowered:
.L_overlay_start_1:
0x0: {  	(tag) =	ssettag $0x1  }
0x1: {  	s4 =	rddreg [dreg:$0x0]  }
0x2: {  	s0 =	rddreg [dreg:$0x1];
	s1 =	stileid.u32  }
0x3: {  	s3 =	srdreg.scid;
	s5 =	smul.u32 $0x28000, s1  }
0x4: {  	s2 =	simm.s32 $0x0;
	s6 =	sand.u32 $0x1, s3;
	s10 =	smul.u32 $0x500, s1  }
0x5: {  	[smem:$0x7FF] =	sst s2;
	s3 =	sadd.s32 $0x538C00, s4;
	s8 =	smul.u32 $0x14000, s6  }
0x6: {  	_ =	strace $0x8000005F;
	s7 =	ssub.s32 $0x2, s6;
	s30 =	smul.u32 $0x280, s6  }
0x7: {  	s9 =	sshrl.u32 s7, $0x1;
	s11 =	sadd.s32 s5, s4;
	s4 =	sadd.s32 $0xA200, s4  }
0x8: {  	s29 =	ssub.s32 s7, s9;
	s31 =	sadd.s32 s8, s11;
	s7 =	sadd.s32 s30, s10  }
0x9: {  	s8 =	simm.s32 $0x2;
	s9 =	simm.s32 $0x80;
	s10 =	simm.s32 $0x1  }
0xa: {  	s11 =	simm.s32 $0x0;
	s5 =	smax.u32 s29, $0x1;
	s6 =	sadd.s32 $0xF200, s31  }
.LBB2_1:
0xb: {  	s12 =	sadd.s32 $0x0, s7;
	s13 =	sand.u32 $0x70, s2  }
0xc: {  	s12 =	sand.u32 $0xFFFFF80, s12;
	s13 =	sadd.s32 s4, s13  }
0xd: {  	s12 =	sadd.s32 s12, s13  }
0xe: {  	[tilespmem:s2], [sflag:$0x2] =	stream.linear.gather [hbm4b:s12+s2], $0x80, $0x38;
	[tilespmem:$0x4080] =	vst v63  }
0xf: {  	_ =	swait.ge [sflag:s8], $0x80  }
0x10: {  	[sflag:s8] =	ssyncset.done $0x0  }
0x11: {  	[sflag:s8] =	ssyncadd.s32 $0xFFFFFF80  }
0x12: {  	[tilespmem:s9], [sflag:$0x1] =	stream.indirect.gather [hbm4b:s3+s9], $0x80, s2, s9, $0xb8;
	[tilespmem:$0x4080] =	vst v63  }
0x13: {  	_ =	swait.ge [sflag:s10], $0x4000  }
0x14: {  	s14 =	simm.s32 $0x10;
	[sflag:s10] =	ssyncset.done $0x0  }
0x15: {  	s15 =	sadd.s32 $0x10, s7;
	s16 =	sand.u32 $0x70, s14;
	[sflag:s10] =	ssyncadd.s32 $0xFFFFC000  }
0x16: {  	[hbm4b:s6+s2] =	stream.linear.scatter [tilespmem:s9], [sflag:$0x2], $0x4000, $0x38;
	[tilespmem:$0x4080] =	vst v63  }
0x17: {  	s14 =	sand.u32 $0xFFFFF80, s15;
	s13 =	simm.s32 $0x20;
	_ =	swait.ge [sflag:s8], $0x4000  }
0x18: {  	s15 =	sadd.s32 s4, s16;
	s12 =	sadd.s32 $0x800, s6;
	[sflag:s8] =	ssyncset.done $0x0  }
.LBB2_2:
0x19: {  	s14 =	sadd.s32 s14, s15;
	[sflag:s8] =	ssyncadd.s32 $0xFFFFC000  }
0x1a: {  	s15 =	smov.u32 s13;
	s16 =	sadd.s32 $0x10, s13;
	s17 =	smov.u32 s12  }
0x1b: {  	[tilespmem:s2], [sflag:$0x2] =	stream.linear.gather [hbm4b:s14+s2], $0x80, $0x38;
	[tilespmem:$0x4080] =	vst v63  }
0x1c: {  	p0 =	sne.s32 s13, $0x270;
	_ =	swait.ge [sflag:s8], $0x80  }
0x1d: {  	[sflag:s8] =	ssyncset.done $0x0  }
0x1e: {  	[sflag:s8] =	ssyncadd.s32 $0xFFFFFF80  }
0x1f: {  	[tilespmem:s9], [sflag:$0x1] =	stream.indirect.gather [hbm4b:s3+s9], $0x80, s2, s9, $0xb8;
	[tilespmem:$0x4080] =	vst v63  }
0x20: {  	_ =	swait.ge [sflag:s10], $0x4000  }
.Ltmp0:
0x21: {  	[sflag:s10] =	ssyncset.done $0x0;
	(pc) =	sbr.rel @p0 .LBB2_2-.Ltmp0, $4  }
0x22: {  	s12 =	sadd.s32 $0x800, s12;
	s13 =	sadd.s32 s15, s7;
	[sflag:s10] =	ssyncadd.s32 $0xFFFFC000  }
0x23: {  	[hbm4b:s17+s2] =	stream.linear.scatter [tilespmem:s9], [sflag:$0x2], $0x4000, $0x38;
	[tilespmem:$0x4080] =	vst v63  }
0x24: {  	s15 =	sand.u32 $0x70, s15;
	s14 =	sand.u32 $0xFFFFF80, s13;
	_ =	swait.ge [sflag:s8], $0x4000  }
0x25: {  	s15 =	sadd.s32 s4, s15;
	s13 =	smov.u32 s16;
	[sflag:s8] =	ssyncset.done $0x0  }
0x26: {  	s13 =	sadd.s32 s14, s15;
	[sflag:s8] =	ssyncadd.s32 $0xFFFFC000  }
0x27: {  	[tilespmem:s2], [sflag:$0x2] =	stream.linear.gather [hbm4b:s13+s2], $0x80, $0x38;
	[tilespmem:$0x4080] =	vst v63  }
0x28: {  	_ =	swait.ge [sflag:s8], $0x80  }
0x29: {  	[sflag:s8] =	ssyncset.done $0x0  }
0x2a: {  	[sflag:s8] =	ssyncadd.s32 $0xFFFFFF80  }
0x2b: {  	[tilespmem:s9], [sflag:$0x1] =	stream.indirect.gather [hbm4b:s3+s9], $0x80, s2, s9, $0xb8;
	[tilespmem:$0x4080] =	vst v63  }
0x2c: {  	s11 =	sadd.s32 $0x1, s11;
	_ =	swait.ge [sflag:s10], $0x4000  }
0x2d: {  	p0 =	sne.s32 s11, s5;
	[sflag:s10] =	ssyncset.done $0x0  }
.Ltmp1:
0x2e: {  	[sflag:s10] =	ssyncadd.s32 $0xFFFFC000;
	(pc) =	sbr.rel @p0 .LBB2_1-.Ltmp1, $4  }
0x2f: {  	[hbm4b:s12+s2] =	stream.linear.scatter [tilespmem:s9], [sflag:$0x2], $0x4000, $0x38;
	[tilespmem:$0x4080] =	vst v63  }
0x30: {  	_ =	swait.ge [sflag:s8], $0x4000  }
0x31: {  	[sflag:s8] =	ssyncset.done $0x0  }
0x32: {  	[sflag:s8] =	ssyncadd.s32 $0xFFFFC000  }
0x33: {  	_ =	sfence.sel $0x180000  }
0x34: {  	[bflag:$0x0] =	sbarrier.arrive $0xFFFF  }
0x35: {  	p0 =	sne.s32 s1, $0x0;
	_ =	strace $0x9000005F  }
0x36: {  	s0 =	sadd.s32 @!p0 $0x100000, s0;
	[bflag:$0x2] =	sbarrier.arrive $0xFFFF  }
0x37: {  	[sflag:s0] =	ssyncadd.tile.s32 @!p0 $0x1;
	_ =	shalt  }
.Lfunc_end2:
_tile_overlayer_lowered:
.L_overlay_start_2:
0x38: {  	(tag) =	ssettag $0x2  }
0x39: {  	s0 =	rddreg [dreg:$0x0];
	s2 =	stileid.u32  }
0x3a: {  	s1 =	rddreg [dreg:$0x1];
	p0 =	sne.s32 s2, $0x0  }
0x3b: {  	s3 =	rddreg [dreg:$0x2];
	[bflag:$0x3] =	sbarrier.arrive $0xFFFF;
	s2 =	simm.s32 @!p0 $0x1C02  }
0x3c: {  	[timem:s3], [sflag:s2] =	dma.local @!p0 [hbm:s0], s1  }
0x3d: {  	s0 =	simm.s32 @!p0 $0x2  }
0x3e: {  	_ =	swait.ge @!p0 [sflag:s0], s1  }
0x3f: {  	s1 =	ssub.s32 @!p0 $0x0, s1;
	[sflag:s0] =	ssyncset.done @!p0 $0x0  }
0x40: {  	[sflag:s0] =	ssyncadd.s32 @!p0 s1  }
0x41: {  	[bflag:$0x3] =	sbarrier.arrive $0xFFFF  }
0x42: {  	_ =	shalt  }

// kernel: kernel.55.cloned.1.call-start
scs
__scs_entry_jumppad:
0x0: {  	(pc) =	sbr.rel $0x88, $3  }
0x1: {  	(tag) =	ssettag $0x0;
	lr =	simm.s32 $0x1  }
0x2: {  	[smem:$0x3F93] =	sst lr;
	_ =	strace $0xD0000000  }
0x3: {  	_ = 	snop  }
0x4: {  	_ = 	snop  }
0x5: {  	_ = 	snop  }
0x6: {  	_ = 	snop  }
0x7: {  	_ = 	snop  }
__scs_overlays_trampoline_lowered:
0x8: {  	[smem:$0x3FA2] =	sst s0  }
0x9: {  	[smem:$0x3FA3] =	sst s1  }
0xa: {  	[smem:$0x3FA4] =	sst s2  }
0xb: {  	[smem:$0x3FA5] =	sst s3  }
0xc: {  	[smem:$0x3FA6] =	sst s4  }
0xd: {  	[smem:$0x3FA7] =	sst s5  }
0xe: {  	[smem:$0x3FA8] =	sst s6  }
0xf: {  	[smem:$0x3FA9] =	sst s7  }
0x10: {  	[smem:$0x3FAA] =	sst s8  }
0x11: {  	[smem:$0x3FAB] =	sst s9;
	s0 =	simm.s32 @!p0 $0x0  }
0x12: {  	s1 =	sld [smem:$0x3F91];
	s0 =	simm.s32 @p0 $0x1  }
0x13: {  	[smem:$0x3FAC] =	sst s0;
	s0 =	simm.s32 @!p1 $0x0  }
0x14: {  	s2 =	sld [smem:$0x3F90];
	s0 =	simm.s32 @p1 $0x1  }
0x15: {  	[smem:$0x3FAD] =	sst s0;
	s0 =	simm.s32 @!p2 $0x0  }
0x16: {  	s3 =	sld [smem:$0x3FDB];
	s0 =	simm.s32 @p2 $0x1  }
0x17: {  	s4 =	simm.s32 $0x1BF5;
	[smem:$0x3FAF] =	sst s0  }
0x18: {  	s0 =	sld [smem:$0x3F92];
	_ =	swait.ge [sflag:s4], $0x0  }
0x19: {  	s7 =	sld [smem:$0x3F93]  }
0x1a: {  	s8 =	sadd.s32 $0xFFFFE003, lr  }
0x1b: {  	s9 =	sadd.s32 $0xFFFFFEF7, lr;
	s5 =	simm.s32 $0xFFFFFFFF;
	p2 =	slt.u32 s8, $0xFFFFF086  }
0x1c: {  	p1 =	slt.u32 s9, $0xF7A;
	s5 =	simm.s32 @!p2 $0x0  }
0x1d: {  	s5 =	simm.s32 @p1 $0x1;
	p0 =	seq.s32 s7, s2  }
0x1e: {  	s7 =	smul.u32 @!p0 $0xF7A, s2;
	p2 =	seq.s32 @!p0 s5, $0x0  }
0x1f: {  	s9 =	smul.u32 $0xF7A, s1;
	s8 =	simm.s32 @!p0 $0x1BF5;
	p2 =	por !p2, p0  }
0x20: {  	[sflag:s8] =	ssyncset.s32 @!p0 $0xFFFFF086;
	s6 =	sadd.s32 @!p0 s3, s7;
	s7 =	simm.s32 @!p0 $0x108  }
0x21: {  	s3 =	sadd.s32 s3, s9;
	s6 =	sadd.s32 @!p0 $0x88, s6;
	s7 =	simm.s32 @p2 $0x1082  }
0x22: {  	[simem:s7], [sflag:s8] =	dma.local @!p0 [hbm:s6], $0xF7A  }
0x23: {  	s9 =	sor.u32 $0xD0000000, s2;
	s6 =	simm.s32 $0x108;
	_ =	swait.ge @!p0 [sflag:s8], $0x0  }
0x24: {  	s3 =	sadd.s32 $0x88, s3;
	s6 =	simm.s32 @!p1 $0x1082;
	[sflag:s4] =	ssyncset.s32 $0xFFFFF086  }
0x25: {  	[simem:s6], [sflag:s4] =	dma.local [hbm:s3], $0xF7A  }
0x26: {  	[smem:$0x3F93] =	sst s1;
	(tag) =	ssettag s2;
	_ =	strace s9  }
0x27: {  	s1 =	sld [smem:$0x3FA3]  }
0x28: {  	s2 =	sld [smem:$0x3FA4]  }
0x29: {  	s4 =	sld [smem:$0x3FA6]  }
0x2a: {  	p0 =	seq.s32 s5, $0x0;
	s5 =	sld [smem:$0x3FA7]  }
0x2b: {  	s6 =	sld [smem:$0x3FA8]  }
0x2c: {  	s7 =	sld [smem:$0x3FA9]  }
0x2d: {  	s3 =	simm.s32 $0x108;
	s8 =	sld [smem:$0x3FAA]  }
0x2e: {  	s3 =	simm.s32 @!p0 $0x1082;
	s9 =	sld [smem:$0x3FAB]  }
0x2f: {  	lr =	sadd.s32 s0, s3;
	s0 =	sld [smem:$0x3FA2]  }
0x30: {  	s3 =	sld [smem:$0x3FA5]  }
0x31: {  	[smem:$0x3FAE] =	sst s10  }
0x32: {  	s10 =	sld [smem:$0x3FAC];
	_ =	sdelay $0x3  }
0x33: {  	p0 =	seq.s32 s10, $0x1;
	s10 =	sld [smem:$0x3FAE];
	_ =	sdelay $0x3  }
0x34: {  	[smem:$0x3FAE] =	sst s10  }
0x35: {  	s10 =	sld [smem:$0x3FAD];
	_ =	sdelay $0x3  }
0x36: {  	p1 =	seq.s32 s10, $0x1;
	s10 =	sld [smem:$0x3FAE];
	_ =	sdelay $0x3  }
0x37: {  	[smem:$0x3FAE] =	sst s10  }
0x38: {  	s10 =	sld [smem:$0x3FAF]  }
0x39: {  	_ = 	snop;
	(pc) =	sbr.ind lr, $3  }
0x3a: {  	_ = 	snop  }
0x3b: {  	_ = 	snop  }
0x3c: {  	p2 =	seq.s32 s10, $0x1;
	s10 =	sld [smem:$0x3FAE]  }
0x3d: {  	_ =	shalt  }
0x3e: {  	_ =	shalt  }
0x3f: {  	_ =	shalt  }
0x40: {  	_ =	shalt  }
0x41: {  	_ =	shalt  }
0x42: {  	_ =	shalt  }
0x43: {  	_ =	shalt  }
0x44: {  	_ =	shalt  }
0x45: {  	_ =	shalt  }
0x46: {  	_ =	shalt  }
0x47: {  	_ =	shalt  }
0x48: {  	_ =	shalt  }
0x49: {  	_ =	shalt  }
0x4a: {  	_ =	shalt  }
0x4b: {  	_ =	shalt  }
0x4c: {  	_ =	shalt  }
0x4d: {  	_ =	shalt  }
0x4e: {  	_ =	shalt  }
0x4f: {  	_ =	shalt  }
0x50: {  	_ =	shalt  }
0x51: {  	_ =	shalt  }
0x52: {  	_ =	shalt  }
0x53: {  	_ =	shalt  }
0x54: {  	_ =	shalt  }
0x55: {  	_ =	shalt  }
0x56: {  	_ =	shalt  }
0x57: {  	_ =	shalt  }
0x58: {  	_ =	shalt  }
0x59: {  	_ =	shalt  }
0x5a: {  	_ =	shalt  }
0x5b: {  	_ =	shalt  }
0x5c: {  	_ =	shalt  }
0x5d: {  	_ =	shalt  }
0x5e: {  	_ =	shalt  }
0x5f: {  	_ =	shalt  }
0x60: {  	_ =	shalt  }
0x61: {  	_ =	shalt  }
0x62: {  	_ =	shalt  }
0x63: {  	_ =	shalt  }
0x64: {  	_ =	shalt  }
0x65: {  	_ =	shalt  }
0x66: {  	_ =	shalt  }
0x67: {  	_ =	shalt  }
0x68: {  	_ =	shalt  }
0x69: {  	_ =	shalt  }
0x6a: {  	_ =	shalt  }
0x6b: {  	_ =	shalt  }
0x6c: {  	_ =	shalt  }
0x6d: {  	_ =	shalt  }
0x6e: {  	_ =	shalt  }
0x6f: {  	_ =	shalt  }
0x70: {  	_ =	shalt  }
0x71: {  	_ =	shalt  }
0x72: {  	_ =	shalt  }
0x73: {  	_ =	shalt  }
0x74: {  	_ =	shalt  }
0x75: {  	_ =	shalt  }
0x76: {  	_ =	shalt  }
0x77: {  	_ =	shalt  }
0x78: {  	_ =	shalt  }
0x79: {  	_ =	shalt  }
0x7a: {  	_ =	shalt  }
0x7b: {  	_ =	shalt  }
0x7c: {  	_ =	shalt  }
0x7d: {  	_ =	shalt  }
0x7e: {  	_ =	shalt  }
0x7f: {  	_ =	shalt  }
0x80: {  	_ =	shalt  }
0x81: {  	_ =	shalt  }
0x82: {  	_ =	shalt  }
0x83: {  	_ =	shalt  }
0x84: {  	_ =	shalt  }
0x85: {  	_ =	shalt  }
0x86: {  	_ =	shalt  }
0x87: {  	_ =	shalt  }
.Lfunc_end0:
.L_simem_size_0:
called_computation.9_lowered:
.L_overlay_start_0:
0x88: {  	s2 =	sld [smem:$0x3FD9]  }
0x89: {  	s3 =	sld [smem:$0x3FFE];
	_ =	sdelay $0x1  }
0x8a: {  	s1 =	srdreg.scid  }
0x8b: {  	s0 =	sand.u32 $0x1, s1  }
0x8c: {  	s17 =	sshll.u32 s0, $0xA;
	s2 =	sadd.s32 s3, s2  }
0x8d: {  	s2 =	sadd.s32 s2, s17  }
0x8e: {  	[smem:$0x3FBA] =	sst s2  }
0x8f: {  	_ = 	snop  }
0x90: {  	s2 =	sld [smem:$0x3FD0];
	(tm) =	ssettm $0x1  }
0x91: {  	s18 =	sld [smem:$0x3FFB];
	_ =	sdelay $0x3  }
0x92: {  	_ =	strace s18  }
0x93: {  	s3 =	sld [smem:$0x3FFC];
	_ =	sdelay $0x3  }
0x94: {  	_ =	strace s3  }
0x95: {  	s3 =	sld [smem:$0x3FFD];
	_ =	sdelay $0x3  }
0x96: {  	_ =	strace s3  }
0x97: {  	_ =	strace $0x8FFFFFFF  }
0x98: {  	s19 =	sld [smem:$0x3FDB];
	_ =	sdelay $0x1  }
0x99: {  	s4 =	simm.s32 $_scs_section_size  }
0x9a: {  	s5 =	simm.s32 $_size__tile_overlayer_lowered;
	s6 =	simm.s32 $_tile_overlayer_lowered  }
0x9b: {  	s22 =	simm.s32 $0x1BFF;
	s21 =	sshll.u32 s6, $0x1;
	s3 =	sadd.s32 s4, s19  }
0x9c: {  	s7 =	simm.s32 $0x0;
	s20 =	sshll.u32 s5, $0x1;
	s5 =	sadd.s32 s21, s3  }
0x9d: {  	[timem:s7], [sflag:s22] =	dma.local [hbm:s5], s20  }
0x9e: {  	_ =	swait.ge [sflag:s22], s20  }
0x9f: {  	s4 =	ssub.s32 $0x0, s20;
	[sflag:s22] =	ssyncset.done $0x0  }
0xa0: {  	[sflag:s22] =	ssyncadd.s32 s4;
	_ =	sdelay $0x1  }
0xa1: {  	s23 =	simm.s32 $0x1B8B  }
0xa2: {  	_ =	swait.ge [sflag:s23], $0x1  }
0xa3: {  	[sflag:s23] =	ssyncset.done $0x0  }
0xa4: {  	s25 =	simm.s32 $0x1B8E;
	s24 =	sld [smem:$0x3FFE];
	[sflag:s23] =	ssyncadd.s32 $0xFFFFFFFF  }
0xa5: {  	s26 =	simm.s32 $execute0_lowered;
	[smem:$0x3FD2] =	sst s25  }
0xa6: {  	s5 =	sshll.u32 s26, $0x1;
	_ =	strace $0x80000061;
	[dreg:$0x1] =	wrdreg $0xFFFFFFFF  }
0xa7: {  	s28 =	simm.s32 $_size_execute0_lowered;
	s3 =	sadd.s32 s3, s5;
	[dreg:$0x0] =	wrdreg $0x0  }
0xa8: {  	s5 =	sshll.u32 s28, $0x1;
	[dreg:$0x2] =	wrdreg s3  }
0xa9: {  	[dreg:$0x3] =	wrdreg s5  }
0xaa: {  	[dreg:$0x4] =	wrdreg $0xC0  }
0xab: {  	_ =	task [dreg:s7], $0x5FFFF  }
0xac: {  	[dreg:$0x1] =	wrdreg $0xFFFFFFFF  }
0xad: {  	[dreg:$0x0] =	wrdreg $0x60  }
0xae: {  	[dreg:$0x2] =	wrdreg s24  }
0xaf: {  	[dreg:$0x3] =	wrdreg s2  }
0xb0: {  	[dreg:$0x4] =	wrdreg $0x40800  }
0xb1: {  	[dreg:$0x5] =	wrdreg $0x9  }
0xb2: {  	_ =	task.clear_ibuf [dreg:s7], $0x6FFFF;
	_ =	strace $0x90000061  }
0xb3: {  	s29 =	simm.s32 $0x9;
	_ =	strace $0x80000063  }
0xb4: {  	_ =	swait.ge [sflag:s29], $0x1  }
0xb5: {  	[sflag:s29] =	ssyncadd.s32 $0xFFFFFFFF  }
0xb6: {  	_ =	strace $0x90000063  }
0xb7: {  	_ =	sfence  }
0xb8: {  	s30 =	sld [smem:$0x0];
	_ =	sdelay $0x2  }
0xb9: {  	s31 =	sshll.u32 s1, $0xD;
	s1 =	sshrl.u32 s1, $0x2  }
0xba: {  	s3 =	sand.u32 $0x4000, s31;
	s1 =	sadd.s32 s1, s30  }
0xbb: {  	s0 =	sor.u32 s3, s0;
	s1 =	sshll.u32 s1, $0x11  }
0xbc: {  	s0 =	sor.u32 s1, s0  }
0xbd: {  	s0 =	sadd.s32 $0x8F2B, s0  }
0xbe: {  	[sflag:s0] =	ssyncadd.remote.s32 $0x1  }
0xbf: {  	_ =	sfence.sel $0xFFFF  }
0xc0: {  	[dreg:$0x0] =	wrdreg $0xFFFFFFFF;
	(pc) =	sbr.abs _section_cstart, $3  }
0xc1: {  	[dreg:$0x1] =	wrdreg $0xFFFFFFFF  }
0xc2: {  	_ =	task.clear_ibuf [dreg:s7], $0x2FFFF;
	_ =	strace $0x9FFFFFFF  }
0xc3: {  	(tm) =	ssettm $0x7FFFFFFF  }
tec
execute0_lowered:
.L_overlay_start_1:
0x0: {  	(tag) =	ssettag $0x1  }
0x1: {  	s6 =	rddreg [dreg:$0x0];
	s0 =	stileid.u32  }
0x2: {  	s2 =	rddreg [dreg:$0x1];
	s5 =	smul.u32 $0x28000, s0  }
0x3: {  	s1 =	srdreg.scid;
	s9 =	smul.u32 $0x13C00, s0  }
0x4: {  	s3 =	rddreg [dreg:$0x2];
	s4 =	simm.s32 $0x0;
	s12 =	smul.u32 $0x4F000, s0  }
0x5: {  	s7 =	sand.u32 $0x1, s1;
	s1 =	rddreg [dreg:$0x3];
	s13 =	smul.u32 $0x500, s0  }
0x6: {  	[smem:$0x7FF] =	sst s4;
	s8 =	smul.u32 $0x13C000, s7  }
0x7: {  	s29 =	sshll.u32 s0, $0x6;
	_ =	strace $0x80000062;
	s26 =	smul.u32 $0x14000, s7  }
0x8: {  	s25 =	ssub.s32 $0x2, s7;
	s30 =	smul.u32 $0x280, s7;
	s10 =	sadd.s32 s5, s6  }
0x9: {  	s5 =	sadd.s32 $0x536400, s6;
	s11 =	sshrl.u32 s25, $0x1;
	s28 =	sshrl.u32 s12, $0x2  }
0xa: {  	s12 =	simm.s32 $0x1;
	s8 =	sadd.s32 s9, s8;
	s9 =	ssub.s32 s25, s11  }
0xb: {  	s14 =	sadd.s32 s28, s3;
	s31 =	sadd.s32 s26, s10;
	s10 =	sadd.s32 s30, s13  }
0xc: {  	s13 =	simm.s32 $0x80;
	s8 =	sshrl.u32 s8, $0x3;
	s11 =	sshrl.u32 s14, $0x3  }
0xd: {  	s14 =	simm.s32 $0x0;
	s8 =	sadd.s32 s8, s6;
	s6 =	sor.u32 $0x1C01, s29  }
0xe: {  	s7 =	sadd.s32 $0x55FE00, s8;
	s8 =	smax.u32 s9, $0x1;
	s9 =	sadd.s32 $0x28F200, s31  }
.LBB2_1:
0xf: {  	[spmem:s11], [sflag:s6] =	dma.local [hbm:s5], $0x2780  }
0x10: {  	_ =	swait.ge [sflag:s12], $0x2780  }
0x11: {  	s15 =	sadd.s32 $0x0, s10;
	s16 =	sand.u32 $0x70, s4;
	[sflag:s12] =	ssyncset.done $0x0  }
0x12: {  	s15 =	sand.u32 $0xFFFFF80, s15;
	s16 =	sadd.s32 s2, s16;
	[sflag:s12] =	ssyncadd.s32 $0xFFFFD880  }
0x13: {  	s15 =	sadd.s32 s15, s16;
	[bflag:$0x0] =	sbarrier.arrive $0xFFFF  }
0x14: {  	[tilespmem:s4], [sflag:$0x1] =	stream.linear.gather [hbm4b:s15+s4], $0x80, $0x38;
	[tilespmem:$0x17C80] =	vst v63  }
0x15: {  	_ =	swait.ge [sflag:s12], $0x80  }
0x16: {  	[sflag:s12] =	ssyncset.done $0x0  }
0x17: {  	[sflag:s12] =	ssyncadd.s32 $0xFFFFFF80  }
0x18: {  	[tilespmem:s13], [sflag:$0x1] =	stream.linear.gather [hbm4b:s9+s4], $0x4000, $0x38;
	[tilespmem:$0x17C80] =	vst v63  }
0x19: {  	_ =	swait.ge [sflag:s12], $0x4000  }
0x1a: {  	s17 =	simm.s32 $0x10;
	[sflag:s12] =	ssyncset.done $0x0  }
0x1b: {  	s18 =	sadd.s32 $0x10, s10;
	s19 =	sand.u32 $0x70, s17;
	[sflag:s12] =	ssyncadd.s32 $0xFFFFC000  }
0x1c: {  	[spmem:s3] =	stream.indirect.scatter.add.f32 [tilespmem:s13], [sflag:$0x1], $0x80, s4, s13, $0xb8;
	[tilespmem:$0x17C80] =	vst v63  }
0x1d: {  	s17 =	sand.u32 $0xFFFFF80, s18;
	s16 =	simm.s32 $0x20;
	_ =	swait.ge [sflag:s12], $0x4000  }
0x1e: {  	s18 =	sadd.s32 s2, s19;
	s15 =	sadd.s32 $0x800, s9;
	[sflag:s12] =	ssyncset.done $0x0  }
.LBB2_2:
0x1f: {  	s17 =	sadd.s32 s17, s18  }
0x20: {  	[sflag:s12] =	ssyncadd.s32 $0xFFFFC000;
	s18 =	smov.u32 s16;
	s19 =	sadd.s32 $0x10, s16  }
0x21: {  	[tilespmem:s4], [sflag:$0x1] =	stream.linear.gather [hbm4b:s17+s4], $0x80, $0x38;
	[tilespmem:$0x17C80] =	vst v63  }
0x22: {  	p0 =	sne.s32 s16, $0x270;
	_ =	swait.ge [sflag:s12], $0x80  }
0x23: {  	[sflag:s12] =	ssyncset.done $0x0  }
0x24: {  	[sflag:s12] =	ssyncadd.s32 $0xFFFFFF80  }
0x25: {  	[tilespmem:s13], [sflag:$0x1] =	stream.linear.gather [hbm4b:s15+s4], $0x4000, $0x38;
	[tilespmem:$0x17C80] =	vst v63  }
0x26: {  	_ =	swait.ge [sflag:s12], $0x4000  }
.Ltmp0:
0x27: {  	[sflag:s12] =	ssyncset.done $0x0;
	(pc) =	sbr.rel @p0 .LBB2_2-.Ltmp0, $4  }
0x28: {  	s16 =	sadd.s32 s18, s10;
	s15 =	sadd.s32 $0x800, s15;
	[sflag:s12] =	ssyncadd.s32 $0xFFFFC000  }
0x29: {  	[spmem:s3] =	stream.indirect.scatter.add.f32 [tilespmem:s13], [sflag:$0x1], $0x80, s4, s13, $0xb8;
	[tilespmem:$0x17C80] =	vst v63  }
0x2a: {  	s18 =	sand.u32 $0x70, s18;
	s17 =	sand.u32 $0xFFFFF80, s16;
	_ =	swait.ge [sflag:s12], $0x4000  }
0x2b: {  	s18 =	sadd.s32 s2, s18;
	s16 =	smov.u32 s19;
	[sflag:s12] =	ssyncset.done $0x0  }
0x2c: {  	s16 =	sadd.s32 s17, s18;
	[sflag:s12] =	ssyncadd.s32 $0xFFFFC000  }
0x2d: {  	[tilespmem:s4], [sflag:$0x1] =	stream.linear.gather [hbm4b:s16+s4], $0x80, $0x38;
	[tilespmem:$0x17C80] =	vst v63  }
0x2e: {  	_ =	swait.ge [sflag:s12], $0x80  }
0x2f: {  	[sflag:s12] =	ssyncset.done $0x0  }
0x30: {  	[sflag:s12] =	ssyncadd.s32 $0xFFFFFF80  }
0x31: {  	[tilespmem:s13], [sflag:$0x1] =	stream.linear.gather [hbm4b:s15+s4], $0x4000, $0x38;
	[tilespmem:$0x17C80] =	vst v63  }
0x32: {  	_ =	swait.ge [sflag:s12], $0x4000  }
0x33: {  	[sflag:s12] =	ssyncset.done $0x0  }
0x34: {  	[sflag:s12] =	ssyncadd.s32 $0xFFFFC000  }
0x35: {  	[spmem:s3] =	stream.indirect.scatter.add.f32 [tilespmem:s13], [sflag:$0x1], $0x80, s4, s13, $0xb8;
	[tilespmem:$0x17C80] =	vst v63  }
0x36: {  	_ =	swait.ge [sflag:s12], $0x4000  }
0x37: {  	s14 =	sadd.s32 $0x1, s14;
	[sflag:s12] =	ssyncset.done $0x0  }
0x38: {  	p0 =	sne.s32 s14, s8;
	[sflag:s12] =	ssyncadd.s32 $0xFFFFC000  }
.Ltmp1:
0x39: {  	[bflag:$0x0] =	sbarrier.arrive $0xFFFF;
	(pc) =	sbr.rel @p0 .LBB2_1-.Ltmp1, $4  }
0x3a: {  	[hbm:s7], [sflag:s6] =	dma.local [spmem:s11], $0x2780  }
0x3b: {  	_ =	swait.ge [sflag:s12], $0x2780  }
0x3c: {  	[sflag:s12] =	ssyncset.done $0x0  }
0x3d: {  	[sflag:s12] =	ssyncadd.s32 $0xFFFFD880  }
0x3e: {  	_ =	sfence.sel $0x180000  }
0x3f: {  	[bflag:$0x0] =	sbarrier.arrive $0xFFFF  }
0x40: {  	p0 =	sne.s32 s0, $0x0;
	_ =	strace $0x90000062  }
0x41: {  	s0 =	sadd.s32 @!p0 $0x100000, s1;
	[bflag:$0x2] =	sbarrier.arrive $0xFFFF  }
0x42: {  	[sflag:s0] =	ssyncadd.tile.s32 @!p0 $0x1;
	_ =	shalt  }
.Lfunc_end2:
_tile_overlayer_lowered:
.L_overlay_start_2:
0x43: {  	(tag) =	ssettag $0x2  }
0x44: {  	s0 =	rddreg [dreg:$0x0];
	s2 =	stileid.u32  }
0x45: {  	s1 =	rddreg [dreg:$0x1];
	p0 =	sne.s32 s2, $0x0  }
0x46: {  	s3 =	rddreg [dreg:$0x2];
	[bflag:$0x3] =	sbarrier.arrive $0xFFFF;
	s2 =	simm.s32 @!p0 $0x1C01  }
0x47: {  	[timem:s3], [sflag:s2] =	dma.local @!p0 [hbm:s0], s1  }
0x48: {  	s0 =	simm.s32 @!p0 $0x1  }
0x49: {  	_ =	swait.ge @!p0 [sflag:s0], s1  }
0x4a: {  	s1 =	ssub.s32 @!p0 $0x0, s1;
	[sflag:s0] =	ssyncset.done @!p0 $0x0  }
0x4b: {  	[sflag:s0] =	ssyncadd.s32 @!p0 s1  }
0x4c: {  	[bflag:$0x3] =	sbarrier.arrive $0xFFFF  }
0x4d: {  	_ =	shalt  }

// kernel: kernel.58.cloned.1.call-start
scs
__scs_entry_jumppad:
0x0: {  	(pc) =	sbr.rel $0x88, $3  }
0x1: {  	(tag) =	ssettag $0x0;
	lr =	simm.s32 $0x1  }
0x2: {  	[smem:$0x3F93] =	sst lr;
	_ =	strace $0xD0000000  }
0x3: {  	_ = 	snop  }
0x4: {  	_ = 	snop  }
0x5: {  	_ = 	snop  }
0x6: {  	_ = 	snop  }
0x7: {  	_ = 	snop  }
__scs_overlays_trampoline_lowered:
0x8: {  	[smem:$0x3FA2] =	sst s0  }
0x9: {  	[smem:$0x3FA3] =	sst s1  }
0xa: {  	[smem:$0x3FA4] =	sst s2  }
0xb: {  	[smem:$0x3FA5] =	sst s3  }
0xc: {  	[smem:$0x3FA6] =	sst s4  }
0xd: {  	[smem:$0x3FA7] =	sst s5  }
0xe: {  	[smem:$0x3FA8] =	sst s6  }
0xf: {  	[smem:$0x3FA9] =	sst s7  }
0x10: {  	[smem:$0x3FAA] =	sst s8  }
0x11: {  	[smem:$0x3FAB] =	sst s9;
	s0 =	simm.s32 @!p0 $0x0  }
0x12: {  	s1 =	sld [smem:$0x3F91];
	s0 =	simm.s32 @p0 $0x1  }
0x13: {  	[smem:$0x3FAC] =	sst s0;
	s0 =	simm.s32 @!p1 $0x0  }
0x14: {  	s2 =	sld [smem:$0x3F90];
	s0 =	simm.s32 @p1 $0x1  }
0x15: {  	[smem:$0x3FAD] =	sst s0;
	s0 =	simm.s32 @!p2 $0x0  }
0x16: {  	s3 =	sld [smem:$0x3FDB];
	s0 =	simm.s32 @p2 $0x1  }
0x17: {  	s4 =	simm.s32 $0x1BF5;
	[smem:$0x3FAF] =	sst s0  }
0x18: {  	s0 =	sld [smem:$0x3F92];
	_ =	swait.ge [sflag:s4], $0x0  }
0x19: {  	s7 =	sld [smem:$0x3F93]  }
0x1a: {  	s8 =	sadd.s32 $0xFFFFE003, lr  }
0x1b: {  	s9 =	sadd.s32 $0xFFFFFEF7, lr;
	s5 =	simm.s32 $0xFFFFFFFF;
	p2 =	slt.u32 s8, $0xFFFFF086  }
0x1c: {  	p1 =	slt.u32 s9, $0xF7A;
	s5 =	simm.s32 @!p2 $0x0  }
0x1d: {  	s5 =	simm.s32 @p1 $0x1;
	p0 =	seq.s32 s7, s2  }
0x1e: {  	s7 =	smul.u32 @!p0 $0xF7A, s2;
	p2 =	seq.s32 @!p0 s5, $0x0  }
0x1f: {  	s9 =	smul.u32 $0xF7A, s1;
	s8 =	simm.s32 @!p0 $0x1BF5;
	p2 =	por !p2, p0  }
0x20: {  	[sflag:s8] =	ssyncset.s32 @!p0 $0xFFFFF086;
	s6 =	sadd.s32 @!p0 s3, s7;
	s7 =	simm.s32 @!p0 $0x108  }
0x21: {  	s3 =	sadd.s32 s3, s9;
	s6 =	sadd.s32 @!p0 $0x88, s6;
	s7 =	simm.s32 @p2 $0x1082  }
0x22: {  	[simem:s7], [sflag:s8] =	dma.local @!p0 [hbm:s6], $0xF7A  }
0x23: {  	s9 =	sor.u32 $0xD0000000, s2;
	s6 =	simm.s32 $0x108;
	_ =	swait.ge @!p0 [sflag:s8], $0x0  }
0x24: {  	s3 =	sadd.s32 $0x88, s3;
	s6 =	simm.s32 @!p1 $0x1082;
	[sflag:s4] =	ssyncset.s32 $0xFFFFF086  }
0x25: {  	[simem:s6], [sflag:s4] =	dma.local [hbm:s3], $0xF7A  }
0x26: {  	[smem:$0x3F93] =	sst s1;
	(tag) =	ssettag s2;
	_ =	strace s9  }
0x27: {  	s1 =	sld [smem:$0x3FA3]  }
0x28: {  	s2 =	sld [smem:$0x3FA4]  }
0x29: {  	s4 =	sld [smem:$0x3FA6]  }
0x2a: {  	p0 =	seq.s32 s5, $0x0;
	s5 =	sld [smem:$0x3FA7]  }
0x2b: {  	s6 =	sld [smem:$0x3FA8]  }
0x2c: {  	s7 =	sld [smem:$0x3FA9]  }
0x2d: {  	s3 =	simm.s32 $0x108;
	s8 =	sld [smem:$0x3FAA]  }
0x2e: {  	s3 =	simm.s32 @!p0 $0x1082;
	s9 =	sld [smem:$0x3FAB]  }
0x2f: {  	lr =	sadd.s32 s0, s3;
	s0 =	sld [smem:$0x3FA2]  }
0x30: {  	s3 =	sld [smem:$0x3FA5]  }
0x31: {  	[smem:$0x3FAE] =	sst s10  }
0x32: {  	s10 =	sld [smem:$0x3FAC];
	_ =	sdelay $0x3  }
0x33: {  	p0 =	seq.s32 s10, $0x1;
	s10 =	sld [smem:$0x3FAE];
	_ =	sdelay $0x3  }
0x34: {  	[smem:$0x3FAE] =	sst s10  }
0x35: {  	s10 =	sld [smem:$0x3FAD];
	_ =	sdelay $0x3  }
0x36: {  	p1 =	seq.s32 s10, $0x1;
	s10 =	sld [smem:$0x3FAE];
	_ =	sdelay $0x3  }
0x37: {  	[smem:$0x3FAE] =	sst s10  }
0x38: {  	s10 =	sld [smem:$0x3FAF]  }
0x39: {  	_ = 	snop;
	(pc) =	sbr.ind lr, $3  }
0x3a: {  	_ = 	snop  }
0x3b: {  	_ = 	snop  }
0x3c: {  	p2 =	seq.s32 s10, $0x1;
	s10 =	sld [smem:$0x3FAE]  }
0x3d: {  	_ =	shalt  }
0x3e: {  	_ =	shalt  }
0x3f: {  	_ =	shalt  }
0x40: {  	_ =	shalt  }
0x41: {  	_ =	shalt  }
0x42: {  	_ =	shalt  }
0x43: {  	_ =	shalt  }
0x44: {  	_ =	shalt  }
0x45: {  	_ =	shalt  }
0x46: {  	_ =	shalt  }
0x47: {  	_ =	shalt  }
0x48: {  	_ =	shalt  }
0x49: {  	_ =	shalt  }
0x4a: {  	_ =	shalt  }
0x4b: {  	_ =	shalt  }
0x4c: {  	_ =	shalt  }
0x4d: {  	_ =	shalt  }
0x4e: {  	_ =	shalt  }
0x4f: {  	_ =	shalt  }
0x50: {  	_ =	shalt  }
0x51: {  	_ =	shalt  }
0x52: {  	_ =	shalt  }
0x53: {  	_ =	shalt  }
0x54: {  	_ =	shalt  }
0x55: {  	_ =	shalt  }
0x56: {  	_ =	shalt  }
0x57: {  	_ =	shalt  }
0x58: {  	_ =	shalt  }
0x59: {  	_ =	shalt  }
0x5a: {  	_ =	shalt  }
0x5b: {  	_ =	shalt  }
0x5c: {  	_ =	shalt  }
0x5d: {  	_ =	shalt  }
0x5e: {  	_ =	shalt  }
0x5f: {  	_ =	shalt  }
0x60: {  	_ =	shalt  }
0x61: {  	_ =	shalt  }
0x62: {  	_ =	shalt  }
0x63: {  	_ =	shalt  }
0x64: {  	_ =	shalt  }
0x65: {  	_ =	shalt  }
0x66: {  	_ =	shalt  }
0x67: {  	_ =	shalt  }
0x68: {  	_ =	shalt  }
0x69: {  	_ =	shalt  }
0x6a: {  	_ =	shalt  }
0x6b: {  	_ =	shalt  }
0x6c: {  	_ =	shalt  }
0x6d: {  	_ =	shalt  }
0x6e: {  	_ =	shalt  }
0x6f: {  	_ =	shalt  }
0x70: {  	_ =	shalt  }
0x71: {  	_ =	shalt  }
0x72: {  	_ =	shalt  }
0x73: {  	_ =	shalt  }
0x74: {  	_ =	shalt  }
0x75: {  	_ =	shalt  }
0x76: {  	_ =	shalt  }
0x77: {  	_ =	shalt  }
0x78: {  	_ =	shalt  }
0x79: {  	_ =	shalt  }
0x7a: {  	_ =	shalt  }
0x7b: {  	_ =	shalt  }
0x7c: {  	_ =	shalt  }
0x7d: {  	_ =	shalt  }
0x7e: {  	_ =	shalt  }
0x7f: {  	_ =	shalt  }
0x80: {  	_ =	shalt  }
0x81: {  	_ =	shalt  }
0x82: {  	_ =	shalt  }
0x83: {  	_ =	shalt  }
0x84: {  	_ =	shalt  }
0x85: {  	_ =	shalt  }
0x86: {  	_ =	shalt  }
0x87: {  	_ =	shalt  }
.Lfunc_end0:
.L_simem_size_0:
called_computation.10_lowered:
.L_overlay_start_0:
0x88: {  	s2 =	sld [smem:$0x3FD9]  }
0x89: {  	s3 =	sld [smem:$0x3FFE];
	_ =	sdelay $0x1  }
0x8a: {  	s1 =	srdreg.scid  }
0x8b: {  	s0 =	sand.u32 $0x1, s1  }
0x8c: {  	s16 =	sshll.u32 s0, $0xA;
	s2 =	sadd.s32 s3, s2  }
0x8d: {  	s2 =	sadd.s32 s2, s16  }
0x8e: {  	[smem:$0x3FBA] =	sst s2  }
0x8f: {  	_ = 	snop  }
0x90: {  	(tm) =	ssettm $0x1  }
0x91: {  	s17 =	sld [smem:$0x3FFB];
	_ =	sdelay $0x3  }
0x92: {  	_ =	strace s17  }
0x93: {  	s2 =	sld [smem:$0x3FFC];
	_ =	sdelay $0x3  }
0x94: {  	_ =	strace s2  }
0x95: {  	s2 =	sld [smem:$0x3FFD];
	_ =	sdelay $0x3  }
0x96: {  	_ =	strace s2  }
0x97: {  	_ =	strace $0x8FFFFFFF  }
0x98: {  	s18 =	sld [smem:$0x3FDB];
	_ =	sdelay $0x1  }
0x99: {  	s19 =	simm.s32 $_scs_section_size  }
0x9a: {  	s4 =	simm.s32 $_size__tile_overlayer_lowered;
	s5 =	simm.s32 $_tile_overlayer_lowered  }
0x9b: {  	s22 =	simm.s32 $0x1BFF;
	s21 =	sshll.u32 s5, $0x1;
	s2 =	sadd.s32 s19, s18  }
0x9c: {  	s6 =	simm.s32 $0x0;
	s20 =	sshll.u32 s4, $0x1;
	s4 =	sadd.s32 s21, s2  }
0x9d: {  	[timem:s6], [sflag:s22] =	dma.local [hbm:s4], s20  }
0x9e: {  	_ =	swait.ge [sflag:s22], s20  }
0x9f: {  	s3 =	ssub.s32 $0x0, s20;
	[sflag:s22] =	ssyncset.done $0x0  }
0xa0: {  	[sflag:s22] =	ssyncadd.s32 s3;
	_ =	sdelay $0x1  }
0xa1: {  	s23 =	simm.s32 $0x1B8B  }
0xa2: {  	_ =	swait.ge [sflag:s23], $0x1  }
0xa3: {  	[sflag:s23] =	ssyncset.done $0x0  }
0xa4: {  	s25 =	simm.s32 $0x1B8E;
	s24 =	sld [smem:$0x3FFE];
	[sflag:s23] =	ssyncadd.s32 $0xFFFFFFFF  }
0xa5: {  	s26 =	simm.s32 $execute0_lowered;
	[smem:$0x3FD2] =	sst s25  }
0xa6: {  	s4 =	sshll.u32 s26, $0x1;
	_ =	strace $0x80000064;
	[dreg:$0x1] =	wrdreg $0xFFFFFFFF  }
0xa7: {  	s28 =	simm.s32 $_size_execute0_lowered;
	s2 =	sadd.s32 s2, s4;
	[dreg:$0x0] =	wrdreg $0x0  }
0xa8: {  	s4 =	sshll.u32 s28, $0x1;
	[dreg:$0x2] =	wrdreg s2  }
0xa9: {  	[dreg:$0x3] =	wrdreg s4  }
0xaa: {  	[dreg:$0x4] =	wrdreg $0xC0  }
0xab: {  	_ =	task [dreg:s6], $0x5FFFF  }
0xac: {  	[dreg:$0x1] =	wrdreg $0xFFFFFFFF  }
0xad: {  	[dreg:$0x0] =	wrdreg $0x60  }
0xae: {  	[dreg:$0x2] =	wrdreg s24  }
0xaf: {  	[dreg:$0x3] =	wrdreg $0x9  }
0xb0: {  	_ =	task.clear_ibuf [dreg:s6], $0x4FFFF;
	_ =	strace $0x90000064  }
0xb1: {  	s29 =	simm.s32 $0x9;
	_ =	strace $0x80000066  }
0xb2: {  	_ =	swait.ge [sflag:s29], $0x1  }
0xb3: {  	[sflag:s29] =	ssyncadd.s32 $0xFFFFFFFF  }
0xb4: {  	_ =	strace $0x90000066  }
0xb5: {  	_ =	sfence  }
0xb6: {  	s30 =	sld [smem:$0x0];
	_ =	sdelay $0x2  }
0xb7: {  	s31 =	sshll.u32 s1, $0xD;
	s1 =	sshrl.u32 s1, $0x2  }
0xb8: {  	s3 =	sand.u32 $0x4000, s31;
	s1 =	sadd.s32 s1, s30  }
0xb9: {  	s0 =	sor.u32 s3, s0;
	s1 =	sshll.u32 s1, $0x11  }
0xba: {  	s0 =	sor.u32 s1, s0  }
0xbb: {  	s0 =	sadd.s32 $0x8F2B, s0  }
0xbc: {  	[sflag:s0] =	ssyncadd.remote.s32 $0x1  }
0xbd: {  	_ =	sfence.sel $0xFFFF  }
0xbe: {  	[dreg:$0x0] =	wrdreg $0xFFFFFFFF;
	(pc) =	sbr.abs _section_cstart, $3  }
0xbf: {  	[dreg:$0x1] =	wrdreg $0xFFFFFFFF  }
0xc0: {  	_ =	task.clear_ibuf [dreg:s6], $0x2FFFF;
	_ =	strace $0x9FFFFFFF  }
0xc1: {  	(tm) =	ssettm $0x7FFFFFFF  }
tec
execute0_lowered:
.L_overlay_start_1:
0x0: {  	(tag) =	ssettag $0x1  }
0x1: {  	s4 =	rddreg [dreg:$0x0]  }
0x2: {  	s0 =	rddreg [dreg:$0x1];
	s1 =	stileid.u32  }
0x3: {  	s3 =	srdreg.scid;
	s5 =	smul.u32 $0x28000, s1  }
0x4: {  	s2 =	simm.s32 $0x0;
	s6 =	sand.u32 $0x1, s3;
	s10 =	smul.u32 $0x500, s1  }
0x5: {  	[smem:$0x7FF] =	sst s2;
	s3 =	sadd.s32 $0x538C00, s4;
	s8 =	smul.u32 $0x14000, s6  }
0x6: {  	_ =	strace $0x80000065;
	s7 =	ssub.s32 $0x2, s6;
	s30 =	smul.u32 $0x280, s6  }
0x7: {  	s9 =	sshrl.u32 s7, $0x1;
	s11 =	sadd.s32 s5, s4;
	s4 =	sadd.s32 $0xA200, s4  }
0x8: {  	s29 =	ssub.s32 s7, s9;
	s31 =	sadd.s32 s8, s11;
	s7 =	sadd.s32 s30, s10  }
0x9: {  	s8 =	simm.s32 $0x2;
	s9 =	simm.s32 $0x80;
	s10 =	simm.s32 $0x1  }
0xa: {  	s11 =	simm.s32 $0x0;
	s5 =	smax.u32 s29, $0x1;
	s6 =	sadd.s32 $0xF200, s31  }
.LBB2_1:
0xb: {  	s12 =	sadd.s32 $0x0, s7;
	s13 =	sand.u32 $0x70, s2  }
0xc: {  	s12 =	sand.u32 $0xFFFFF80, s12;
	s13 =	sadd.s32 s4, s13  }
0xd: {  	s12 =	sadd.s32 s12, s13  }
0xe: {  	[tilespmem:s2], [sflag:$0x2] =	stream.linear.gather [hbm4b:s12+s2], $0x80, $0x38;
	[tilespmem:$0x4080] =	vst v63  }
0xf: {  	_ =	swait.ge [sflag:s8], $0x80  }
0x10: {  	[sflag:s8] =	ssyncset.done $0x0  }
0x11: {  	[sflag:s8] =	ssyncadd.s32 $0xFFFFFF80  }
0x12: {  	[tilespmem:s9], [sflag:$0x1] =	stream.indirect.gather [hbm4b:s3+s9], $0x80, s2, s9, $0xb8;
	[tilespmem:$0x4080] =	vst v63  }
0x13: {  	_ =	swait.ge [sflag:s10], $0x4000  }
0x14: {  	s14 =	simm.s32 $0x10;
	[sflag:s10] =	ssyncset.done $0x0  }
0x15: {  	s15 =	sadd.s32 $0x10, s7;
	s16 =	sand.u32 $0x70, s14;
	[sflag:s10] =	ssyncadd.s32 $0xFFFFC000  }
0x16: {  	[hbm4b:s6+s2] =	stream.linear.scatter [tilespmem:s9], [sflag:$0x2], $0x4000, $0x38;
	[tilespmem:$0x4080] =	vst v63  }
0x17: {  	s14 =	sand.u32 $0xFFFFF80, s15;
	s13 =	simm.s32 $0x20;
	_ =	swait.ge [sflag:s8], $0x4000  }
0x18: {  	s15 =	sadd.s32 s4, s16;
	s12 =	sadd.s32 $0x800, s6;
	[sflag:s8] =	ssyncset.done $0x0  }
.LBB2_2:
0x19: {  	s14 =	sadd.s32 s14, s15;
	[sflag:s8] =	ssyncadd.s32 $0xFFFFC000  }
0x1a: {  	s15 =	smov.u32 s13;
	s16 =	sadd.s32 $0x10, s13;
	s17 =	smov.u32 s12  }
0x1b: {  	[tilespmem:s2], [sflag:$0x2] =	stream.linear.gather [hbm4b:s14+s2], $0x80, $0x38;
	[tilespmem:$0x4080] =	vst v63  }
0x1c: {  	p0 =	sne.s32 s13, $0x270;
	_ =	swait.ge [sflag:s8], $0x80  }
0x1d: {  	[sflag:s8] =	ssyncset.done $0x0  }
0x1e: {  	[sflag:s8] =	ssyncadd.s32 $0xFFFFFF80  }
0x1f: {  	[tilespmem:s9], [sflag:$0x1] =	stream.indirect.gather [hbm4b:s3+s9], $0x80, s2, s9, $0xb8;
	[tilespmem:$0x4080] =	vst v63  }
0x20: {  	_ =	swait.ge [sflag:s10], $0x4000  }
.Ltmp0:
0x21: {  	[sflag:s10] =	ssyncset.done $0x0;
	(pc) =	sbr.rel @p0 .LBB2_2-.Ltmp0, $4  }
0x22: {  	s12 =	sadd.s32 $0x800, s12;
	s13 =	sadd.s32 s15, s7;
	[sflag:s10] =	ssyncadd.s32 $0xFFFFC000  }
0x23: {  	[hbm4b:s17+s2] =	stream.linear.scatter [tilespmem:s9], [sflag:$0x2], $0x4000, $0x38;
	[tilespmem:$0x4080] =	vst v63  }
0x24: {  	s15 =	sand.u32 $0x70, s15;
	s14 =	sand.u32 $0xFFFFF80, s13;
	_ =	swait.ge [sflag:s8], $0x4000  }
0x25: {  	s15 =	sadd.s32 s4, s15;
	s13 =	smov.u32 s16;
	[sflag:s8] =	ssyncset.done $0x0  }
0x26: {  	s13 =	sadd.s32 s14, s15;
	[sflag:s8] =	ssyncadd.s32 $0xFFFFC000  }
0x27: {  	[tilespmem:s2], [sflag:$0x2] =	stream.linear.gather [hbm4b:s13+s2], $0x80, $0x38;
	[tilespmem:$0x4080] =	vst v63  }
0x28: {  	_ =	swait.ge [sflag:s8], $0x80  }
0x29: {  	[sflag:s8] =	ssyncset.done $0x0  }
0x2a: {  	[sflag:s8] =	ssyncadd.s32 $0xFFFFFF80  }
0x2b: {  	[tilespmem:s9], [sflag:$0x1] =	stream.indirect.gather [hbm4b:s3+s9], $0x80, s2, s9, $0xb8;
	[tilespmem:$0x4080] =	vst v63  }
0x2c: {  	s11 =	sadd.s32 $0x1, s11;
	_ =	swait.ge [sflag:s10], $0x4000  }
0x2d: {  	p0 =	sne.s32 s11, s5;
	[sflag:s10] =	ssyncset.done $0x0  }
.Ltmp1:
0x2e: {  	[sflag:s10] =	ssyncadd.s32 $0xFFFFC000;
	(pc) =	sbr.rel @p0 .LBB2_1-.Ltmp1, $4  }
0x2f: {  	[hbm4b:s12+s2] =	stream.linear.scatter [tilespmem:s9], [sflag:$0x2], $0x4000, $0x38;
	[tilespmem:$0x4080] =	vst v63  }
0x30: {  	_ =	swait.ge [sflag:s8], $0x4000  }
0x31: {  	[sflag:s8] =	ssyncset.done $0x0  }
0x32: {  	[sflag:s8] =	ssyncadd.s32 $0xFFFFC000  }
0x33: {  	_ =	sfence.sel $0x180000  }
0x34: {  	[bflag:$0x0] =	sbarrier.arrive $0xFFFF  }
0x35: {  	p0 =	sne.s32 s1, $0x0;
	_ =	strace $0x90000065  }
0x36: {  	s0 =	sadd.s32 @!p0 $0x100000, s0;
	[bflag:$0x2] =	sbarrier.arrive $0xFFFF  }
0x37: {  	[sflag:s0] =	ssyncadd.tile.s32 @!p0 $0x1;
	_ =	shalt  }
.Lfunc_end2:
_tile_overlayer_lowered:
.L_overlay_start_2:
0x38: {  	(tag) =	ssettag $0x2  }
0x39: {  	s0 =	rddreg [dreg:$0x0];
	s2 =	stileid.u32  }
0x3a: {  	s1 =	rddreg [dreg:$0x1];
	p0 =	sne.s32 s2, $0x0  }
0x3b: {  	s3 =	rddreg [dreg:$0x2];
	[bflag:$0x3] =	sbarrier.arrive $0xFFFF;
	s2 =	simm.s32 @!p0 $0x1C02  }
0x3c: {  	[timem:s3], [sflag:s2] =	dma.local @!p0 [hbm:s0], s1  }
0x3d: {  	s0 =	simm.s32 @!p0 $0x2  }
0x3e: {  	_ =	swait.ge @!p0 [sflag:s0], s1  }
0x3f: {  	s1 =	ssub.s32 @!p0 $0x0, s1;
	[sflag:s0] =	ssyncset.done @!p0 $0x0  }
0x40: {  	[sflag:s0] =	ssyncadd.s32 @!p0 s1  }
0x41: {  	[bflag:$0x3] =	sbarrier.arrive $0xFFFF  }
0x42: {  	_ =	shalt  }

// kernel: kernel.61.cloned.1.call-start
scs
__scs_entry_jumppad:
0x0: {  	(pc) =	sbr.rel $0x88, $3  }
0x1: {  	(tag) =	ssettag $0x0;
	lr =	simm.s32 $0x1  }
0x2: {  	[smem:$0x3F93] =	sst lr;
	_ =	strace $0xD0000000  }
0x3: {  	_ = 	snop  }
0x4: {  	_ = 	snop  }
0x5: {  	_ = 	snop  }
0x6: {  	_ = 	snop  }
0x7: {  	_ = 	snop  }
__scs_overlays_trampoline_lowered:
0x8: {  	[smem:$0x3FA2] =	sst s0  }
0x9: {  	[smem:$0x3FA3] =	sst s1  }
0xa: {  	[smem:$0x3FA4] =	sst s2  }
0xb: {  	[smem:$0x3FA5] =	sst s3  }
0xc: {  	[smem:$0x3FA6] =	sst s4  }
0xd: {  	[smem:$0x3FA7] =	sst s5  }
0xe: {  	[smem:$0x3FA8] =	sst s6  }
0xf: {  	[smem:$0x3FA9] =	sst s7  }
0x10: {  	[smem:$0x3FAA] =	sst s8  }
0x11: {  	[smem:$0x3FAB] =	sst s9;
	s0 =	simm.s32 @!p0 $0x0  }
0x12: {  	s1 =	sld [smem:$0x3F91];
	s0 =	simm.s32 @p0 $0x1  }
0x13: {  	[smem:$0x3FAC] =	sst s0;
	s0 =	simm.s32 @!p1 $0x0  }
0x14: {  	s2 =	sld [smem:$0x3F90];
	s0 =	simm.s32 @p1 $0x1  }
0x15: {  	[smem:$0x3FAD] =	sst s0;
	s0 =	simm.s32 @!p2 $0x0  }
0x16: {  	s3 =	sld [smem:$0x3FDB];
	s0 =	simm.s32 @p2 $0x1  }
0x17: {  	s4 =	simm.s32 $0x1BF5;
	[smem:$0x3FAF] =	sst s0  }
0x18: {  	s0 =	sld [smem:$0x3F92];
	_ =	swait.ge [sflag:s4], $0x0  }
0x19: {  	s7 =	sld [smem:$0x3F93]  }
0x1a: {  	s8 =	sadd.s32 $0xFFFFE003, lr  }
0x1b: {  	s9 =	sadd.s32 $0xFFFFFEF7, lr;
	s5 =	simm.s32 $0xFFFFFFFF;
	p2 =	slt.u32 s8, $0xFFFFF086  }
0x1c: {  	p1 =	slt.u32 s9, $0xF7A;
	s5 =	simm.s32 @!p2 $0x0  }
0x1d: {  	s5 =	simm.s32 @p1 $0x1;
	p0 =	seq.s32 s7, s2  }
0x1e: {  	s7 =	smul.u32 @!p0 $0xF7A, s2;
	p2 =	seq.s32 @!p0 s5, $0x0  }
0x1f: {  	s9 =	smul.u32 $0xF7A, s1;
	s8 =	simm.s32 @!p0 $0x1BF5;
	p2 =	por !p2, p0  }
0x20: {  	[sflag:s8] =	ssyncset.s32 @!p0 $0xFFFFF086;
	s6 =	sadd.s32 @!p0 s3, s7;
	s7 =	simm.s32 @!p0 $0x108  }
0x21: {  	s3 =	sadd.s32 s3, s9;
	s6 =	sadd.s32 @!p0 $0x88, s6;
	s7 =	simm.s32 @p2 $0x1082  }
0x22: {  	[simem:s7], [sflag:s8] =	dma.local @!p0 [hbm:s6], $0xF7A  }
0x23: {  	s9 =	sor.u32 $0xD0000000, s2;
	s6 =	simm.s32 $0x108;
	_ =	swait.ge @!p0 [sflag:s8], $0x0  }
0x24: {  	s3 =	sadd.s32 $0x88, s3;
	s6 =	simm.s32 @!p1 $0x1082;
	[sflag:s4] =	ssyncset.s32 $0xFFFFF086  }
0x25: {  	[simem:s6], [sflag:s4] =	dma.local [hbm:s3], $0xF7A  }
0x26: {  	[smem:$0x3F93] =	sst s1;
	(tag) =	ssettag s2;
	_ =	strace s9  }
0x27: {  	s1 =	sld [smem:$0x3FA3]  }
0x28: {  	s2 =	sld [smem:$0x3FA4]  }
0x29: {  	s4 =	sld [smem:$0x3FA6]  }
0x2a: {  	p0 =	seq.s32 s5, $0x0;
	s5 =	sld [smem:$0x3FA7]  }
0x2b: {  	s6 =	sld [smem:$0x3FA8]  }
0x2c: {  	s7 =	sld [smem:$0x3FA9]  }
0x2d: {  	s3 =	simm.s32 $0x108;
	s8 =	sld [smem:$0x3FAA]  }
0x2e: {  	s3 =	simm.s32 @!p0 $0x1082;
	s9 =	sld [smem:$0x3FAB]  }
0x2f: {  	lr =	sadd.s32 s0, s3;
	s0 =	sld [smem:$0x3FA2]  }
0x30: {  	s3 =	sld [smem:$0x3FA5]  }
0x31: {  	[smem:$0x3FAE] =	sst s10  }
0x32: {  	s10 =	sld [smem:$0x3FAC];
	_ =	sdelay $0x3  }
0x33: {  	p0 =	seq.s32 s10, $0x1;
	s10 =	sld [smem:$0x3FAE];
	_ =	sdelay $0x3  }
0x34: {  	[smem:$0x3FAE] =	sst s10  }
0x35: {  	s10 =	sld [smem:$0x3FAD];
	_ =	sdelay $0x3  }
0x36: {  	p1 =	seq.s32 s10, $0x1;
	s10 =	sld [smem:$0x3FAE];
	_ =	sdelay $0x3  }
0x37: {  	[smem:$0x3FAE] =	sst s10  }
0x38: {  	s10 =	sld [smem:$0x3FAF]  }
0x39: {  	_ = 	snop;
	(pc) =	sbr.ind lr, $3  }
0x3a: {  	_ = 	snop  }
0x3b: {  	_ = 	snop  }
0x3c: {  	p2 =	seq.s32 s10, $0x1;
	s10 =	sld [smem:$0x3FAE]  }
0x3d: {  	_ =	shalt  }
0x3e: {  	_ =	shalt  }
0x3f: {  	_ =	shalt  }
0x40: {  	_ =	shalt  }
0x41: {  	_ =	shalt  }
0x42: {  	_ =	shalt  }
0x43: {  	_ =	shalt  }
0x44: {  	_ =	shalt  }
0x45: {  	_ =	shalt  }
0x46: {  	_ =	shalt  }
0x47: {  	_ =	shalt  }
0x48: {  	_ =	shalt  }
0x49: {  	_ =	shalt  }
0x4a: {  	_ =	shalt  }
0x4b: {  	_ =	shalt  }
0x4c: {  	_ =	shalt  }
0x4d: {  	_ =	shalt  }
0x4e: {  	_ =	shalt  }
0x4f: {  	_ =	shalt  }
0x50: {  	_ =	shalt  }
0x51: {  	_ =	shalt  }
0x52: {  	_ =	shalt  }
0x53: {  	_ =	shalt  }
0x54: {  	_ =	shalt  }
0x55: {  	_ =	shalt  }
0x56: {  	_ =	shalt  }
0x57: {  	_ =	shalt  }
0x58: {  	_ =	shalt  }
0x59: {  	_ =	shalt  }
0x5a: {  	_ =	shalt  }
0x5b: {  	_ =	shalt  }
0x5c: {  	_ =	shalt  }
0x5d: {  	_ =	shalt  }
0x5e: {  	_ =	shalt  }
0x5f: {  	_ =	shalt  }
0x60: {  	_ =	shalt  }
0x61: {  	_ =	shalt  }
0x62: {  	_ =	shalt  }
0x63: {  	_ =	shalt  }
0x64: {  	_ =	shalt  }
0x65: {  	_ =	shalt  }
0x66: {  	_ =	shalt  }
0x67: {  	_ =	shalt  }
0x68: {  	_ =	shalt  }
0x69: {  	_ =	shalt  }
0x6a: {  	_ =	shalt  }
0x6b: {  	_ =	shalt  }
0x6c: {  	_ =	shalt  }
0x6d: {  	_ =	shalt  }
0x6e: {  	_ =	shalt  }
0x6f: {  	_ =	shalt  }
0x70: {  	_ =	shalt  }
0x71: {  	_ =	shalt  }
0x72: {  	_ =	shalt  }
0x73: {  	_ =	shalt  }
0x74: {  	_ =	shalt  }
0x75: {  	_ =	shalt  }
0x76: {  	_ =	shalt  }
0x77: {  	_ =	shalt  }
0x78: {  	_ =	shalt  }
0x79: {  	_ =	shalt  }
0x7a: {  	_ =	shalt  }
0x7b: {  	_ =	shalt  }
0x7c: {  	_ =	shalt  }
0x7d: {  	_ =	shalt  }
0x7e: {  	_ =	shalt  }
0x7f: {  	_ =	shalt  }
0x80: {  	_ =	shalt  }
0x81: {  	_ =	shalt  }
0x82: {  	_ =	shalt  }
0x83: {  	_ =	shalt  }
0x84: {  	_ =	shalt  }
0x85: {  	_ =	shalt  }
0x86: {  	_ =	shalt  }
0x87: {  	_ =	shalt  }
.Lfunc_end0:
.L_simem_size_0:
called_computation.11_lowered:
.L_overlay_start_0:
0x88: {  	s2 =	sld [smem:$0x3FD9]  }
0x89: {  	s3 =	sld [smem:$0x3FFE];
	_ =	sdelay $0x1  }
0x8a: {  	s1 =	srdreg.scid  }
0x8b: {  	s0 =	sand.u32 $0x1, s1  }
0x8c: {  	s17 =	sshll.u32 s0, $0xA;
	s2 =	sadd.s32 s3, s2  }
0x8d: {  	s2 =	sadd.s32 s2, s17  }
0x8e: {  	[smem:$0x3FBA] =	sst s2  }
0x8f: {  	_ = 	snop  }
0x90: {  	s2 =	sld [smem:$0x3FD0];
	(tm) =	ssettm $0x1  }
0x91: {  	s18 =	sld [smem:$0x3FFB];
	_ =	sdelay $0x3  }
0x92: {  	_ =	strace s18  }
0x93: {  	s3 =	sld [smem:$0x3FFC];
	_ =	sdelay $0x3  }
0x94: {  	_ =	strace s3  }
0x95: {  	s3 =	sld [smem:$0x3FFD];
	_ =	sdelay $0x3  }
0x96: {  	_ =	strace s3  }
0x97: {  	_ =	strace $0x8FFFFFFF  }
0x98: {  	s19 =	sld [smem:$0x3FDB];
	_ =	sdelay $0x1  }
0x99: {  	s4 =	simm.s32 $_scs_section_size  }
0x9a: {  	s5 =	simm.s32 $_size__tile_overlayer_lowered;
	s6 =	simm.s32 $_tile_overlayer_lowered  }
0x9b: {  	s22 =	simm.s32 $0x1BFF;
	s21 =	sshll.u32 s6, $0x1;
	s3 =	sadd.s32 s4, s19  }
0x9c: {  	s7 =	simm.s32 $0x0;
	s20 =	sshll.u32 s5, $0x1;
	s5 =	sadd.s32 s21, s3  }
0x9d: {  	[timem:s7], [sflag:s22] =	dma.local [hbm:s5], s20  }
0x9e: {  	_ =	swait.ge [sflag:s22], s20  }
0x9f: {  	s4 =	ssub.s32 $0x0, s20;
	[sflag:s22] =	ssyncset.done $0x0  }
0xa0: {  	[sflag:s22] =	ssyncadd.s32 s4;
	_ =	sdelay $0x1  }
0xa1: {  	s23 =	simm.s32 $0x1B8B  }
0xa2: {  	_ =	swait.ge [sflag:s23], $0x1  }
0xa3: {  	[sflag:s23] =	ssyncset.done $0x0  }
0xa4: {  	s25 =	simm.s32 $0x1B8E;
	s24 =	sld [smem:$0x3FFE];
	[sflag:s23] =	ssyncadd.s32 $0xFFFFFFFF  }
0xa5: {  	s26 =	simm.s32 $execute0_lowered;
	[smem:$0x3FD2] =	sst s25  }
0xa6: {  	s5 =	sshll.u32 s26, $0x1;
	_ =	strace $0x80000067;
	[dreg:$0x1] =	wrdreg $0xFFFFFFFF  }
0xa7: {  	s28 =	simm.s32 $_size_execute0_lowered;
	s3 =	sadd.s32 s3, s5;
	[dreg:$0x0] =	wrdreg $0x0  }
0xa8: {  	s5 =	sshll.u32 s28, $0x1;
	[dreg:$0x2] =	wrdreg s3  }
0xa9: {  	[dreg:$0x3] =	wrdreg s5  }
0xaa: {  	[dreg:$0x4] =	wrdreg $0xC0  }
0xab: {  	_ =	task [dreg:s7], $0x5FFFF  }
0xac: {  	[dreg:$0x1] =	wrdreg $0xFFFFFFFF  }
0xad: {  	[dreg:$0x0] =	wrdreg $0x60  }
0xae: {  	[dreg:$0x2] =	wrdreg s24  }
0xaf: {  	[dreg:$0x3] =	wrdreg s2  }
0xb0: {  	[dreg:$0x4] =	wrdreg $0x40800  }
0xb1: {  	[dreg:$0x5] =	wrdreg $0x9  }
0xb2: {  	_ =	task.clear_ibuf [dreg:s7], $0x6FFFF;
	_ =	strace $0x90000067  }
0xb3: {  	s29 =	simm.s32 $0x9;
	_ =	strace $0x80000069  }
0xb4: {  	_ =	swait.ge [sflag:s29], $0x1  }
0xb5: {  	[sflag:s29] =	ssyncadd.s32 $0xFFFFFFFF  }
0xb6: {  	_ =	strace $0x90000069  }
0xb7: {  	_ =	sfence  }
0xb8: {  	s30 =	sld [smem:$0x0];
	_ =	sdelay $0x2  }
0xb9: {  	s31 =	sshll.u32 s1, $0xD;
	s1 =	sshrl.u32 s1, $0x2  }
0xba: {  	s3 =	sand.u32 $0x4000, s31;
	s1 =	sadd.s32 s1, s30  }
0xbb: {  	s0 =	sor.u32 s3, s0;
	s1 =	sshll.u32 s1, $0x11  }
0xbc: {  	s0 =	sor.u32 s1, s0  }
0xbd: {  	s0 =	sadd.s32 $0x8F2B, s0  }
0xbe: {  	[sflag:s0] =	ssyncadd.remote.s32 $0x1  }
0xbf: {  	_ =	sfence.sel $0xFFFF  }
0xc0: {  	[dreg:$0x0] =	wrdreg $0xFFFFFFFF;
	(pc) =	sbr.abs _section_cstart, $3  }
0xc1: {  	[dreg:$0x1] =	wrdreg $0xFFFFFFFF  }
0xc2: {  	_ =	task.clear_ibuf [dreg:s7], $0x2FFFF;
	_ =	strace $0x9FFFFFFF  }
0xc3: {  	(tm) =	ssettm $0x7FFFFFFF  }
tec
execute0_lowered:
.L_overlay_start_1:
0x0: {  	(tag) =	ssettag $0x1  }
0x1: {  	s6 =	rddreg [dreg:$0x0];
	s0 =	stileid.u32  }
0x2: {  	s2 =	rddreg [dreg:$0x1];
	s5 =	smul.u32 $0x28000, s0  }
0x3: {  	s1 =	srdreg.scid;
	s9 =	smul.u32 $0x13C00, s0  }
0x4: {  	s3 =	rddreg [dreg:$0x2];
	s4 =	simm.s32 $0x0;
	s12 =	smul.u32 $0x4F000, s0  }
0x5: {  	s7 =	sand.u32 $0x1, s1;
	s1 =	rddreg [dreg:$0x3];
	s13 =	smul.u32 $0x500, s0  }
0x6: {  	[smem:$0x7FF] =	sst s4;
	s8 =	smul.u32 $0x13C000, s7  }
0x7: {  	s29 =	sshll.u32 s0, $0x6;
	_ =	strace $0x80000068;
	s26 =	smul.u32 $0x14000, s7  }
0x8: {  	s25 =	ssub.s32 $0x2, s7;
	s30 =	smul.u32 $0x280, s7;
	s10 =	sadd.s32 s5, s6  }
0x9: {  	s5 =	sadd.s32 $0x536400, s6;
	s11 =	sshrl.u32 s25, $0x1;
	s28 =	sshrl.u32 s12, $0x2  }
0xa: {  	s12 =	simm.s32 $0x1;
	s8 =	sadd.s32 s9, s8;
	s9 =	ssub.s32 s25, s11  }
0xb: {  	s14 =	sadd.s32 s28, s3;
	s31 =	sadd.s32 s26, s10;
	s10 =	sadd.s32 s30, s13  }
0xc: {  	s13 =	simm.s32 $0x80;
	s8 =	sshrl.u32 s8, $0x3;
	s11 =	sshrl.u32 s14, $0x3  }
0xd: {  	s14 =	simm.s32 $0x0;
	s8 =	sadd.s32 s8, s6;
	s6 =	sor.u32 $0x1C01, s29  }
0xe: {  	s7 =	sadd.s32 $0xA200, s8;
	s8 =	smax.u32 s9, $0x1;
	s9 =	sadd.s32 $0x28F200, s31  }
.LBB2_1:
0xf: {  	[spmem:s11], [sflag:s6] =	dma.local [hbm:s5], $0x2780  }
0x10: {  	_ =	swait.ge [sflag:s12], $0x2780  }
0x11: {  	s15 =	sadd.s32 $0x0, s10;
	s16 =	sand.u32 $0x70, s4;
	[sflag:s12] =	ssyncset.done $0x0  }
0x12: {  	s15 =	sand.u32 $0xFFFFF80, s15;
	s16 =	sadd.s32 s2, s16;
	[sflag:s12] =	ssyncadd.s32 $0xFFFFD880  }
0x13: {  	s15 =	sadd.s32 s15, s16;
	[bflag:$0x0] =	sbarrier.arrive $0xFFFF  }
0x14: {  	[tilespmem:s4], [sflag:$0x1] =	stream.linear.gather [hbm4b:s15+s4], $0x80, $0x38;
	[tilespmem:$0x17C80] =	vst v63  }
0x15: {  	_ =	swait.ge [sflag:s12], $0x80  }
0x16: {  	[sflag:s12] =	ssyncset.done $0x0  }
0x17: {  	[sflag:s12] =	ssyncadd.s32 $0xFFFFFF80  }
0x18: {  	[tilespmem:s13], [sflag:$0x1] =	stream.linear.gather [hbm4b:s9+s4], $0x4000, $0x38;
	[tilespmem:$0x17C80] =	vst v63  }
0x19: {  	_ =	swait.ge [sflag:s12], $0x4000  }
0x1a: {  	s17 =	simm.s32 $0x10;
	[sflag:s12] =	ssyncset.done $0x0  }
0x1b: {  	s18 =	sadd.s32 $0x10, s10;
	s19 =	sand.u32 $0x70, s17;
	[sflag:s12] =	ssyncadd.s32 $0xFFFFC000  }
0x1c: {  	[spmem:s3] =	stream.indirect.scatter.add.f32 [tilespmem:s13], [sflag:$0x1], $0x80, s4, s13, $0xb8;
	[tilespmem:$0x17C80] =	vst v63  }
0x1d: {  	s17 =	sand.u32 $0xFFFFF80, s18;
	s16 =	simm.s32 $0x20;
	_ =	swait.ge [sflag:s12], $0x4000  }
0x1e: {  	s18 =	sadd.s32 s2, s19;
	s15 =	sadd.s32 $0x800, s9;
	[sflag:s12] =	ssyncset.done $0x0  }
.LBB2_2:
0x1f: {  	s17 =	sadd.s32 s17, s18  }
0x20: {  	[sflag:s12] =	ssyncadd.s32 $0xFFFFC000;
	s18 =	smov.u32 s16;
	s19 =	sadd.s32 $0x10, s16  }
0x21: {  	[tilespmem:s4], [sflag:$0x1] =	stream.linear.gather [hbm4b:s17+s4], $0x80, $0x38;
	[tilespmem:$0x17C80] =	vst v63  }
0x22: {  	p0 =	sne.s32 s16, $0x270;
	_ =	swait.ge [sflag:s12], $0x80  }
0x23: {  	[sflag:s12] =	ssyncset.done $0x0  }
0x24: {  	[sflag:s12] =	ssyncadd.s32 $0xFFFFFF80  }
0x25: {  	[tilespmem:s13], [sflag:$0x1] =	stream.linear.gather [hbm4b:s15+s4], $0x4000, $0x38;
	[tilespmem:$0x17C80] =	vst v63  }
0x26: {  	_ =	swait.ge [sflag:s12], $0x4000  }
.Ltmp0:
0x27: {  	[sflag:s12] =	ssyncset.done $0x0;
	(pc) =	sbr.rel @p0 .LBB2_2-.Ltmp0, $4  }
0x28: {  	s16 =	sadd.s32 s18, s10;
	s15 =	sadd.s32 $0x800, s15;
	[sflag:s12] =	ssyncadd.s32 $0xFFFFC000  }
0x29: {  	[spmem:s3] =	stream.indirect.scatter.add.f32 [tilespmem:s13], [sflag:$0x1], $0x80, s4, s13, $0xb8;
	[tilespmem:$0x17C80] =	vst v63  }
0x2a: {  	s18 =	sand.u32 $0x70, s18;
	s17 =	sand.u32 $0xFFFFF80, s16;
	_ =	swait.ge [sflag:s12], $0x4000  }
0x2b: {  	s18 =	sadd.s32 s2, s18;
	s16 =	smov.u32 s19;
	[sflag:s12] =	ssyncset.done $0x0  }
0x2c: {  	s16 =	sadd.s32 s17, s18;
	[sflag:s12] =	ssyncadd.s32 $0xFFFFC000  }
0x2d: {  	[tilespmem:s4], [sflag:$0x1] =	stream.linear.gather [hbm4b:s16+s4], $0x80, $0x38;
	[tilespmem:$0x17C80] =	vst v63  }
0x2e: {  	_ =	swait.ge [sflag:s12], $0x80  }
0x2f: {  	[sflag:s12] =	ssyncset.done $0x0  }
0x30: {  	[sflag:s12] =	ssyncadd.s32 $0xFFFFFF80  }
0x31: {  	[tilespmem:s13], [sflag:$0x1] =	stream.linear.gather [hbm4b:s15+s4], $0x4000, $0x38;
	[tilespmem:$0x17C80] =	vst v63  }
0x32: {  	_ =	swait.ge [sflag:s12], $0x4000  }
0x33: {  	[sflag:s12] =	ssyncset.done $0x0  }
0x34: {  	[sflag:s12] =	ssyncadd.s32 $0xFFFFC000  }
0x35: {  	[spmem:s3] =	stream.indirect.scatter.add.f32 [tilespmem:s13], [sflag:$0x1], $0x80, s4, s13, $0xb8;
	[tilespmem:$0x17C80] =	vst v63  }
0x36: {  	_ =	swait.ge [sflag:s12], $0x4000  }
0x37: {  	s14 =	sadd.s32 $0x1, s14;
	[sflag:s12] =	ssyncset.done $0x0  }
0x38: {  	p0 =	sne.s32 s14, s8;
	[sflag:s12] =	ssyncadd.s32 $0xFFFFC000  }
.Ltmp1:
0x39: {  	[bflag:$0x0] =	sbarrier.arrive $0xFFFF;
	(pc) =	sbr.rel @p0 .LBB2_1-.Ltmp1, $4  }
0x3a: {  	[hbm:s7], [sflag:s6] =	dma.local [spmem:s11], $0x2780  }
0x3b: {  	_ =	swait.ge [sflag:s12], $0x2780  }
0x3c: {  	[sflag:s12] =	ssyncset.done $0x0  }
0x3d: {  	[sflag:s12] =	ssyncadd.s32 $0xFFFFD880  }
0x3e: {  	_ =	sfence.sel $0x180000  }
0x3f: {  	[bflag:$0x0] =	sbarrier.arrive $0xFFFF  }
0x40: {  	p0 =	sne.s32 s0, $0x0;
	_ =	strace $0x90000068  }
0x41: {  	s0 =	sadd.s32 @!p0 $0x100000, s1;
	[bflag:$0x2] =	sbarrier.arrive $0xFFFF  }
0x42: {  	[sflag:s0] =	ssyncadd.tile.s32 @!p0 $0x1;
	_ =	shalt  }
.Lfunc_end2:
_tile_overlayer_lowered:
.L_overlay_start_2:
0x43: {  	(tag) =	ssettag $0x2  }
0x44: {  	s0 =	rddreg [dreg:$0x0];
	s2 =	stileid.u32  }
0x45: {  	s1 =	rddreg [dreg:$0x1];
	p0 =	sne.s32 s2, $0x0  }
0x46: {  	s3 =	rddreg [dreg:$0x2];
	[bflag:$0x3] =	sbarrier.arrive $0xFFFF;
	s2 =	simm.s32 @!p0 $0x1C01  }
0x47: {  	[timem:s3], [sflag:s2] =	dma.local @!p0 [hbm:s0], s1  }
0x48: {  	s0 =	simm.s32 @!p0 $0x1  }
0x49: {  	_ =	swait.ge @!p0 [sflag:s0], s1  }
0x4a: {  	s1 =	ssub.s32 @!p0 $0x0, s1;
	[sflag:s0] =	ssyncset.done @!p0 $0x0  }
0x4b: {  	[sflag:s0] =	ssyncadd.s32 @!p0 s1  }
0x4c: {  	[bflag:$0x3] =	sbarrier.arrive $0xFFFF  }
0x4d: {  	_ =	shalt  }

</sc_bundles>
